<compile_context>
chip_gen: v7x
topology: tpu7x:2x2x1
jax: 0.10.2.dev20260603
libtpu: 0.0.44.dev20260713+nightly
codegen_flags: <defaults>
</compile_context>

<pallas_src>
import functools

import jax
import jax.numpy as jnp
from jax import lax
from jax.experimental import pallas as pl
from jax.experimental.pallas import tpu as pltpu
from jax.experimental.pallas import tpu_sc as plsc

K = 3
R = 1024
N = 32768
L = 16
NSEG = 16
SEGN = N // NSEG
SEGC = SEGN // L
NC = 2
NS = 16
NW = NC * NS
ROWS_PER_W = R // NW

_GATHER_DNUMS = lax.GatherDimensionNumbers(
    offset_dims=(), collapsed_slice_dims=(0,), start_index_map=(0,))


def _permute(x, pidx):
    return lax.gather(x, pidx[:, None], _GATHER_DNUMS, (1,),
                      mode=lax.GatherScatterMode.PROMISE_IN_BOUNDS)


def _make_kernel():
    mesh = plsc.VectorSubcoreMesh(core_axis_name="c", subcore_axis_name="s")

    @functools.partial(
        pl.kernel,
        mesh=mesh,
        out_type=jax.ShapeDtypeStruct((R, N), jnp.float32),
        scratch_types=[
            pltpu.VMEM((N,), jnp.float32),
            pltpu.VMEM((N,), jnp.float32),
            pltpu.VMEM((N,), jnp.float32),
            pltpu.VMEM((SEGN,), jnp.float32),
            pltpu.SemaphoreType.DMA,
            pltpu.SemaphoreType.DMA,
            pltpu.SemaphoreType.DMA,
        ],
        compiler_params=pltpu.CompilerParams(needs_layout_passes=False),
    )
    def k(x_hbm, out_hbm, in_a, in_b, stage, zbuf, sem_a, sem_b, sem_o):
        cid = lax.axis_index("c")
        sid = lax.axis_index("s")
        wid = sid * NC + cid
        base = wid * ROWS_PER_W

        neg = jnp.full((L,), -jnp.inf, dtype=jnp.float32)
        zero = jnp.zeros((L,), dtype=jnp.float32)
        one = jnp.ones((L,), dtype=jnp.float32)
        lane = lax.broadcasted_iota(jnp.int32, (L,), 0)
        perms = [jnp.bitwise_xor(lane, d) for d in (1, 2, 4, 8)]

        def allmax(x):
            for p in perms:
                x = jnp.maximum(x, _permute(x, p))
            return x

        def allsum(x):
            for p in perms:
                x = x + _permute(x, p)
            return x

        def lane_scalar(vec, t):
            return _permute(vec, jnp.full((L,), t, dtype=jnp.int32))[0]

        def seg_maxes(buf):
            def one_seg(s, segvec):
                sbase = s * SEGN

                def body(i, accs):
                    j = sbase + i * 8 * L
                    return tuple(
                        jnp.maximum(accs[u], buf[pl.ds(j + u * L, L)])
                        for u in range(8))

                a = lax.fori_loop(0, SEGC // 8, body, (neg,) * 8)
                m01 = jnp.maximum(jnp.maximum(a[0], a[1]),
                                  jnp.maximum(a[2], a[3]))
                m23 = jnp.maximum(jnp.maximum(a[4], a[5]),
                                  jnp.maximum(a[6], a[7]))
                sm = allmax(jnp.maximum(m01, m23))
                return jnp.where(lane == s, sm, segvec)

            return lax.fori_loop(0, NSEG, one_seg, neg)

        def insert3(ms, v):
            m1, m2, m3 = ms
            nm1 = jnp.maximum(m1, v)
            l1 = jnp.minimum(m1, v)
            nm2 = jnp.maximum(m2, l1)
            l2 = jnp.minimum(m2, l1)
            nm3 = jnp.maximum(m3, l2)
            return (nm1, nm2, nm3)

        def topk_threshold(buf, ids):
            def scan_seg(ms6, sbase):
                def body(i, ms):
                    ma, mb = ms
                    j = sbase + i * 2 * L
                    va = buf[pl.ds(j, L)]
                    vb = buf[pl.ds(j + L, L)]
                    return (insert3(ma, va), insert3(mb, vb))

                return lax.fori_loop(0, SEGC // 2, body, ms6)

            ms6 = ((neg, neg, neg), (neg, neg, neg))
            for t in range(K):
                ms6 = scan_seg(ms6, lane_scalar(ids, t) * SEGN)
            ma, mb = ms6
            for v in mb:
                ma = insert3(ma, v)
            m1, m2, m3 = ma

            def cnt3(val):
                c = ((m1 == val).astype(jnp.float32)
                     + (m2 == val).astype(jnp.float32)
                     + (m3 == val).astype(jnp.float32))
                return allsum(c)

            def below3(val):
                return jnp.maximum(jnp.maximum(
                    jnp.where(m1 < val, m1, neg),
                    jnp.where(m2 < val, m2, neg)),
                    jnp.where(m3 < val, m3, neg))

            M1 = allmax(m1)
            c1 = cnt3(M1)
            M2 = allmax(below3(M1))
            c2 = cnt3(M2)
            M3 = allmax(below3(M2))
            return jnp.where(c1 >= 3.0, M1, jnp.where(c1 + c2 >= 3.0, M2, M3))

        def do_row(buf, sem, row, first_out, nxt_row, do_prefetch):
            segvec = seg_maxes(buf)
            _, ids = plsc.sort_key_val(segvec, lane, descending=True)
            kth = topk_threshold(buf, ids)

            flags = (segvec >= kth).astype(jnp.float32)
            nseg = allsum(flags)[0].astype(jnp.int32)

            def seg_sum(t, acc):
                sbase = lane_scalar(ids, t) * SEGN

                def body(i, accs):
                    a0, a1, a2, a3 = accs
                    j = sbase + i * 4 * L
                    v0 = buf[pl.ds(j, L)]
                    v1 = buf[pl.ds(j + L, L)]
                    v2 = buf[pl.ds(j + 2 * L, L)]
                    v3 = buf[pl.ds(j + 3 * L, L)]
                    return (a0 + jnp.where(v0 >= kth, v0, zero),
                            a1 + jnp.where(v1 >= kth, v1, zero),
                            a2 + jnp.where(v2 >= kth, v2, zero),
                            a3 + jnp.where(v3 >= kth, v3, zero))

                s0, s1, s2, s3 = lax.fori_loop(0, SEGC // 4, body,
                                               (acc, zero, zero, zero))
                return (s0 + s1) + (s2 + s3)

            ssum = lax.fori_loop(0, nseg, seg_sum, zero)
            inv = one / allsum(ssum)

            @pl.when(jnp.logical_not(first_out))
            def _():
                for _s in range(NSEG):
                    pltpu.make_async_copy(
                        zbuf, out_hbm.at[0, pl.ds(0, SEGN)], sem_o).wait()

            def seg_write(t, c):
                sbase = lane_scalar(ids, t) * SEGN

                def body(i, c2):
                    j = sbase + i * 4 * L
                    for u in range(4):
                        v = buf[pl.ds(j + u * L, L)]
                        stage[pl.ds(j + u * L, L)] = (
                            jnp.where(v >= kth, v, zero) * inv)
                    return c2

                return lax.fori_loop(0, SEGC // 4, body, c)

            lax.fori_loop(0, nseg, seg_write, 0)

            kth0 = kth[0]
            for s in range(NSEG):
                smax = lane_scalar(segvec, s)
                sl = pl.ds(s * SEGN, SEGN)

                @pl.when(smax >= kth0)
                def _(sl=sl):
                    pltpu.async_copy(stage.at[sl], out_hbm.at[row, sl], sem_o)

                @pl.when(smax < kth0)
                def _(sl=sl):
                    pltpu.async_copy(zbuf, out_hbm.at[row, sl], sem_o)

            @pl.when(do_prefetch)
            def _():
                pltpu.async_copy(x_hbm.at[nxt_row], buf, sem)

        def zinit(i, c):
            j = i * 4 * L
            for u in range(4):
                zbuf[pl.ds(j + u * L, L)] = zero
            return c

        lax.fori_loop(0, SEGC // 4, zinit, 0)

        pltpu.async_copy(x_hbm.at[base], in_a, sem_a)
        pltpu.async_copy(x_hbm.at[base + 1], in_b, sem_b)

        def pair(j, carry):
            r0 = base + 2 * j
            r1 = r0 + 1
            pltpu.make_async_copy(x_hbm.at[0], in_a, sem_a).wait()
            do_row(in_a, sem_a, r0, j == 0, r0 + 2,
                   j < (ROWS_PER_W // 2 - 1))
            pltpu.make_async_copy(x_hbm.at[0], in_b, sem_b).wait()
            do_row(in_b, sem_b, r1, False, r1 + 2,
                   j < (ROWS_PER_W // 2 - 1))
            return carry

        lax.fori_loop(0, ROWS_PER_W // 2, pair, 0)
        for _s in range(NSEG):
            pltpu.make_async_copy(
                zbuf, out_hbm.at[0, pl.ds(0, SEGN)], sem_o).wait()

    return k


_sc_kernel = _make_kernel()


def kernel(inputs):
    x = inputs.reshape(R, N)
    out = _sc_kernel(x)
    return out.reshape(inputs.shape)

# --- scband reference (transcript-rebuilt; emitter-appended) ---
"""Pipeline reference for scband-kmax-layer-32246614458534 (READ-ONLY COPY).

The authoritative reference and input builder live on the scoring server;
editing this copy changes nothing except your own understanding.
"""

import jax, jax.numpy as jnp
import numpy as np

K_TOP = 3

def setup_inputs(seed: int = 0) -> dict:
    key = jax.random.key(seed)
    inputs = jax.random.uniform(key, (32, 32, 32768), dtype=jnp.float32)
    return {"inputs": inputs}

def reference(inputs):
    # top-k over last axis (sorted flag irrelevant: we only need the min of the top-k)
    a_top, _ = jax.lax.top_k(inputs, K_TOP)
    kth = jnp.min(a_top, axis=2, keepdims=True)
    # mask: keep entries >= kth largest value
    mask = (inputs >= kth).astype(jnp.float32)
    v = inputs * mask
    # normalize kept entries to sum to 1 along the last axis
    s = 1.0 / jnp.sum(v, axis=2, keepdims=True)
    norms = v * s
    return norms

if __name__ == "__main__":
    import jax
    _d = setup_inputs()
    print(jax.jit(kernel)(*tuple(_d.values())))

</pallas_src>

<mosaic_0001>
#map = affine_map<(d0, d1) -> (0, 0)>
module attributes {stable_mosaic.version = 14 : i64} {
  func.func @k(%arg0: i32, %arg1: i32, %arg2: memref<1024x32768xf32, #tpu.memory_space<hbm>>, %arg3: memref<1024x32768xf32, #tpu.memory_space<hbm>>, %arg4: memref<32768xf32, #tpu.memory_space<vmem>>, %arg5: memref<32768xf32, #tpu.memory_space<vmem>>, %arg6: memref<32768xf32, #tpu.memory_space<vmem>>, %arg7: memref<2048xf32, #tpu.memory_space<vmem>>, %arg8: memref<!tpu.dma_semaphore, #tpu.memory_space<semaphore_mem>>, %arg9: memref<!tpu.dma_semaphore, #tpu.memory_space<semaphore_mem>>, %arg10: memref<!tpu.dma_semaphore, #tpu.memory_space<semaphore_mem>>) attributes {dimension_semantics = [#tpu.dimension_semantics<core_parallel>, #tpu.dimension_semantics<subcore_parallel>], iteration_bounds = array<i64: 2, 16>, scalar_prefetch = 0 : i64, scratch_operands = 7 : i64, tpu.core_type = #tpu.core_type<sc_vector_subcore>, window_params = [{transform_indices = #map}, {transform_indices = #map}]} {
    %mul3A = arith.constant 2 : i32
    %mul3A_0 = arith.muli %arg1, %mul3A : i32
    %add3A = arith.addi %mul3A_0, %arg0 : i32
    %mul3A_1 = arith.constant 32 : i32
    %mul3A_2 = arith.muli %add3A, %mul3A_1 : i32
    %broadcast_in_dim3A = arith.constant 0xFF800000 : f32
    %broadcast_in_dim3A_3 = vector.broadcast %broadcast_in_dim3A : f32 to vector<16xf32>
    %broadcast_in_dim3A_4 = arith.constant 0.000000e+00 : f32
    %broadcast_in_dim3A_5 = vector.broadcast %broadcast_in_dim3A_4 : f32 to vector<16xf32>
    %broadcast_in_dim3A_6 = arith.constant 1.000000e+00 : f32
    %broadcast_in_dim3A_7 = vector.broadcast %broadcast_in_dim3A_6 : f32 to vector<16xf32>
    %iota3A = tpu.iota {dimensions = array<i32: 0>} : vector<16xi32>
    %xor3A = arith.constant 1 : i32
    %xor3A_8 = vector.broadcast %xor3A : i32 to vector<16xi32>
    %xor3A_9 = arith.xori %iota3A, %xor3A_8 : vector<16xi32>
    %xor3A_10 = arith.constant 2 : i32
    %xor3A_11 = vector.broadcast %xor3A_10 : i32 to vector<16xi32>
    %xor3A_12 = arith.xori %iota3A, %xor3A_11 : vector<16xi32>
    %xor3A_13 = arith.constant 4 : i32
    %xor3A_14 = vector.broadcast %xor3A_13 : i32 to vector<16xi32>
    %xor3A_15 = arith.xori %iota3A, %xor3A_14 : vector<16xi32>
    %xor3A_16 = arith.constant 8 : i32
    %xor3A_17 = vector.broadcast %xor3A_16 : i32 to vector<16xi32>
    %xor3A_18 = arith.xori %iota3A, %xor3A_17 : vector<16xi32>
    %scan3A = arith.constant 0 : i32
    %scan3A_19 = arith.constant 0 : i32
    %scan3A_20 = arith.constant 32 : i32
    %scan3A_21 = arith.addi %scan3A_19, %scan3A_20 : i32
    %scan3A_22 = arith.constant 1 : i32
    scf.for %scan3A_154 = %scan3A_19 to %scan3A_21 step %scan3A_22  : i32 {
      %mul3A_155 = arith.constant 4 : i32
      %mul3A_156 = arith.muli %scan3A_154, %mul3A_155 : i32
      %mul3A_157 = arith.constant 16 : i32
      %mul3A_158 = arith.muli %mul3A_156, %mul3A_157 : i32
      %add3A_159 = arith.constant 0 : i32
      %add3A_160 = arith.addi %mul3A_158, %add3A_159 : i32
      %swap3A = arith.index_cast %add3A_160 : i32 to index
      %swap3A_161 = tpu.vector_load %arg7[%swap3A] {strides = array<i32>} : memref<2048xf32, #tpu.memory_space<vmem>>, vector<16xf32>,
      tpu.vector_store %arg7[%swap3A], %broadcast_in_dim3A_5 {strides = array<i32>} : memref<2048xf32, #tpu.memory_space<vmem>>, vector<16xf32>,
      %add3A_162 = arith.constant 16 : i32
      %add3A_163 = arith.addi %mul3A_158, %add3A_162 : i32
      %swap3A_164 = arith.index_cast %add3A_163 : i32 to index
      %swap3A_165 = tpu.vector_load %arg7[%swap3A_164] {strides = array<i32>} : memref<2048xf32, #tpu.memory_space<vmem>>, vector<16xf32>,
      tpu.vector_store %arg7[%swap3A_164], %broadcast_in_dim3A_5 {strides = array<i32>} : memref<2048xf32, #tpu.memory_space<vmem>>, vector<16xf32>,
      %add3A_166 = arith.constant 32 : i32
      %add3A_167 = arith.addi %mul3A_158, %add3A_166 : i32
      %swap3A_168 = arith.index_cast %add3A_167 : i32 to index
      %swap3A_169 = tpu.vector_load %arg7[%swap3A_168] {strides = array<i32>} : memref<2048xf32, #tpu.memory_space<vmem>>, vector<16xf32>,
      tpu.vector_store %arg7[%swap3A_168], %broadcast_in_dim3A_5 {strides = array<i32>} : memref<2048xf32, #tpu.memory_space<vmem>>, vector<16xf32>,
      %add3A_170 = arith.constant 48 : i32
      %add3A_171 = arith.addi %mul3A_158, %add3A_170 : i32
      %swap3A_172 = arith.index_cast %add3A_171 : i32 to index
      %swap3A_173 = tpu.vector_load %arg7[%swap3A_172] {strides = array<i32>} : memref<2048xf32, #tpu.memory_space<vmem>>, vector<16xf32>,
      tpu.vector_store %arg7[%swap3A_172], %broadcast_in_dim3A_5 {strides = array<i32>} : memref<2048xf32, #tpu.memory_space<vmem>>, vector<16xf32>,
    }
    %scan3A_23 = arith.constant 32 : i32
    %dma_start3A = arith.constant 0 : i32
    %dma_start3A_24 = tpu.memref_slice %arg2[%mul3A_2, %dma_start3A] : memref<1024x32768xf32, #tpu.memory_space<hbm>> -> memref<1x32768xf32, #tpu.memory_space<hbm>>
    %dma_start3A_25 = tpu.memref_squeeze %dma_start3A_24 : memref<1x32768xf32, #tpu.memory_space<hbm>> -> memref<32768xf32, #tpu.memory_space<hbm>>
    %dma_start3A_26 = arith.constant 0 : i32
    %dma_start3A_27 = tpu.memref_slice %arg2[%mul3A_2, %dma_start3A_26] : memref<1024x32768xf32, #tpu.memory_space<hbm>> -> memref<1x32768xf32, #tpu.memory_space<hbm>>
    %dma_start3A_28 = tpu.memref_squeeze %dma_start3A_27 : memref<1x32768xf32, #tpu.memory_space<hbm>> -> memref<32768xf32, #tpu.memory_space<hbm>>
    tpu.enqueue_dma source(%dma_start3A_28 : memref<32768xf32, #tpu.memory_space<hbm>>) target(%arg4 : memref<32768xf32, #tpu.memory_space<vmem>>) target_semaphore(%arg8 : memref<!tpu.dma_semaphore, #tpu.memory_space<semaphore_mem>>)
    %add3A_29 = arith.constant 1 : i32
    %add3A_30 = arith.addi %mul3A_2, %add3A_29 : i32
    %dma_start3A_31 = arith.constant 0 : i32
    %dma_start3A_32 = tpu.memref_slice %arg2[%add3A_30, %dma_start3A_31] : memref<1024x32768xf32, #tpu.memory_space<hbm>> -> memref<1x32768xf32, #tpu.memory_space<hbm>>
    %dma_start3A_33 = tpu.memref_squeeze %dma_start3A_32 : memref<1x32768xf32, #tpu.memory_space<hbm>> -> memref<32768xf32, #tpu.memory_space<hbm>>
    %dma_start3A_34 = arith.constant 0 : i32
    %dma_start3A_35 = tpu.memref_slice %arg2[%add3A_30, %dma_start3A_34] : memref<1024x32768xf32, #tpu.memory_space<hbm>> -> memref<1x32768xf32, #tpu.memory_space<hbm>>
    %dma_start3A_36 = tpu.memref_squeeze %dma_start3A_35 : memref<1x32768xf32, #tpu.memory_space<hbm>> -> memref<32768xf32, #tpu.memory_space<hbm>>
    tpu.enqueue_dma source(%dma_start3A_36 : memref<32768xf32, #tpu.memory_space<hbm>>) target(%arg5 : memref<32768xf32, #tpu.memory_space<vmem>>) target_semaphore(%arg9 : memref<!tpu.dma_semaphore, #tpu.memory_space<semaphore_mem>>)
    %scan3A_37 = arith.constant 0 : i32
    %scan3A_38 = arith.constant 0 : i32
    %scan3A_39 = arith.constant 16 : i32
    %scan3A_40 = arith.addi %scan3A_38, %scan3A_39 : i32
    %scan3A_41 = arith.constant 1 : i32
    scf.for %scan3A_154 = %scan3A_38 to %scan3A_40 step %scan3A_41  : i32 {
      %mul3A_155 = arith.constant 2 : i32
      %mul3A_156 = arith.muli %mul3A_155, %scan3A_154 : i32
      %add3A_157 = arith.addi %mul3A_2, %mul3A_156 : i32
      %add3A_158 = arith.constant 1 : i32
      %add3A_159 = arith.addi %add3A_157, %add3A_158 : i32
      %dma_wait3A_160 = arith.constant 0 : i32
      %dma_wait3A_161 = arith.constant 0 : i32
      %dma_wait3A_162 = tpu.memref_slice %arg2[%dma_wait3A_160, %dma_wait3A_161] : memref<1024x32768xf32, #tpu.memory_space<hbm>> -> memref<1x32768xf32, #tpu.memory_space<hbm>>
      %dma_wait3A_163 = tpu.memref_squeeze %dma_wait3A_162 : memref<1x32768xf32, #tpu.memory_space<hbm>> -> memref<32768xf32, #tpu.memory_space<hbm>>
      %dma_wait3A_164 = arith.constant 0 : i32
      %dma_wait3A_165 = tpu.memref_slice %arg2[%dma_wait3A_160, %dma_wait3A_164] : memref<1024x32768xf32, #tpu.memory_space<hbm>> -> memref<1x32768xf32, #tpu.memory_space<hbm>>
      %dma_wait3A_166 = tpu.memref_squeeze %dma_wait3A_165 : memref<1x32768xf32, #tpu.memory_space<hbm>> -> memref<32768xf32, #tpu.memory_space<hbm>>
      tpu.wait_dma2 semaphore(%arg8 : memref<!tpu.dma_semaphore, #tpu.memory_space<semaphore_mem>>) src(%dma_wait3A_166 : memref<32768xf32, #tpu.memory_space<hbm>>) dst(%arg4 : memref<32768xf32, #tpu.memory_space<vmem>>)
      %eq3A = arith.constant 0 : i32
      %eq3A_167 = arith.cmpi eq, %scan3A_154, %eq3A : i32
      %add3A_168 = arith.constant 2 : i32
      %add3A_169 = arith.addi %add3A_157, %add3A_168 : i32
      %lt3A = arith.constant 15 : i32
      %lt3A_170 = arith.cmpi slt, %scan3A_154, %lt3A : i32
      %scan3A_171 = arith.constant 0 : i32
      %scan3A_172 = arith.constant 16 : i32
      %scan3A_173 = arith.addi %scan3A_171, %scan3A_172 : i32
      %scan3A_174 = arith.constant 1 : i32
      %scan3A_175 = scf.for %scan3A_1184 = %scan3A_171 to %scan3A_173 step %scan3A_174 iter_args(%scan3A_1185 = %broadcast_in_dim3A_3) -> (vector<16xf32>)  : i32 {
        %mul3A_1186 = arith.constant 2048 : i32
        %mul3A_1187 = arith.muli %scan3A_1184, %mul3A_1186 : i32
        %scan3A_1188 = arith.constant 0 : i32
        %scan3A_1189 = arith.constant 16 : i32
        %scan3A_1190 = arith.addi %scan3A_1188, %scan3A_1189 : i32
        %scan3A_1191 = arith.constant 1 : i32
        %scan3A_1192:8 = scf.for %scan3A_1220 = %scan3A_1188 to %scan3A_1190 step %scan3A_1191 iter_args(%scan3A_1221 = %broadcast_in_dim3A_3, %scan3A_1222 = %broadcast_in_dim3A_3, %scan3A_1223 = %broadcast_in_dim3A_3, %scan3A_1224 = %broadcast_in_dim3A_3, %scan3A_1225 = %broadcast_in_dim3A_3, %scan3A_1226 = %broadcast_in_dim3A_3, %scan3A_1227 = %broadcast_in_dim3A_3, %scan3A_1228 = %broadcast_in_dim3A_3) -> (vector<16xf32>, vector<16xf32>, vector<16xf32>, vector<16xf32>, vector<16xf32>, vector<16xf32>, vector<16xf32>, vector<16xf32>)  : i32 {
          %mul3A_1229 = arith.constant 8 : i32
          %mul3A_1230 = arith.muli %scan3A_1220, %mul3A_1229 : i32
          %mul3A_1231 = arith.constant 16 : i32
          %mul3A_1232 = arith.muli %mul3A_1230, %mul3A_1231 : i32
          %add3A_1233 = arith.addi %mul3A_1187, %mul3A_1232 : i32
          %add3A_1234 = arith.constant 0 : i32
          %add3A_1235 = arith.addi %add3A_1233, %add3A_1234 : i32
          %get3A = arith.index_cast %add3A_1235 : i32 to index
          %get3A_1236 = tpu.vector_load %arg4[%get3A] {strides = array<i32>} : memref<32768xf32, #tpu.memory_space<vmem>>, vector<16xf32>,
          %max3A_1237 = arith.maximumf %scan3A_1221, %get3A_1236 : vector<16xf32>
          %add3A_1238 = arith.constant 16 : i32
          %add3A_1239 = arith.addi %add3A_1233, %add3A_1238 : i32
          %get3A_1240 = arith.index_cast %add3A_1239 : i32 to index
          %get3A_1241 = tpu.vector_load %arg4[%get3A_1240] {strides = array<i32>} : memref<32768xf32, #tpu.memory_space<vmem>>, vector<16xf32>,
          %max3A_1242 = arith.maximumf %scan3A_1222, %get3A_1241 : vector<16xf32>
          %add3A_1243 = arith.constant 32 : i32
          %add3A_1244 = arith.addi %add3A_1233, %add3A_1243 : i32
          %get3A_1245 = arith.index_cast %add3A_1244 : i32 to index
          %get3A_1246 = tpu.vector_load %arg4[%get3A_1245] {strides = array<i32>} : memref<32768xf32, #tpu.memory_space<vmem>>, vector<16xf32>,
          %max3A_1247 = arith.maximumf %scan3A_1223, %get3A_1246 : vector<16xf32>
          %add3A_1248 = arith.constant 48 : i32
          %add3A_1249 = arith.addi %add3A_1233, %add3A_1248 : i32
          %get3A_1250 = arith.index_cast %add3A_1249 : i32 to index
          %get3A_1251 = tpu.vector_load %arg4[%get3A_1250] {strides = array<i32>} : memref<32768xf32, #tpu.memory_space<vmem>>, vector<16xf32>,
          %max3A_1252 = arith.maximumf %scan3A_1224, %get3A_1251 : vector<16xf32>
          %add3A_1253 = arith.constant 64 : i32
          %add3A_1254 = arith.addi %add3A_1233, %add3A_1253 : i32
          %get3A_1255 = arith.index_cast %add3A_1254 : i32 to index
          %get3A_1256 = tpu.vector_load %arg4[%get3A_1255] {strides = array<i32>} : memref<32768xf32, #tpu.memory_space<vmem>>, vector<16xf32>,
          %max3A_1257 = arith.maximumf %scan3A_1225, %get3A_1256 : vector<16xf32>
          %add3A_1258 = arith.constant 80 : i32
          %add3A_1259 = arith.addi %add3A_1233, %add3A_1258 : i32
          %get3A_1260 = arith.index_cast %add3A_1259 : i32 to index
          %get3A_1261 = tpu.vector_load %arg4[%get3A_1260] {strides = array<i32>} : memref<32768xf32, #tpu.memory_space<vmem>>, vector<16xf32>,
          %max3A_1262 = arith.maximumf %scan3A_1226, %get3A_1261 : vector<16xf32>
          %add3A_1263 = arith.constant 96 : i32
          %add3A_1264 = arith.addi %add3A_1233, %add3A_1263 : i32
          %get3A_1265 = arith.index_cast %add3A_1264 : i32 to index
          %get3A_1266 = tpu.vector_load %arg4[%get3A_1265] {strides = array<i32>} : memref<32768xf32, #tpu.memory_space<vmem>>, vector<16xf32>,
          %max3A_1267 = arith.maximumf %scan3A_1227, %get3A_1266 : vector<16xf32>
          %add3A_1268 = arith.constant 112 : i32
          %add3A_1269 = arith.addi %add3A_1233, %add3A_1268 : i32
          %get3A_1270 = arith.index_cast %add3A_1269 : i32 to index
          %get3A_1271 = tpu.vector_load %arg4[%get3A_1270] {strides = array<i32>} : memref<32768xf32, #tpu.memory_space<vmem>>, vector<16xf32>,
          %max3A_1272 = arith.maximumf %scan3A_1228, %get3A_1271 : vector<16xf32>
          scf.yield %max3A_1237, %max3A_1242, %max3A_1247, %max3A_1252, %max3A_1257, %max3A_1262, %max3A_1267, %max3A_1272 : vector<16xf32>, vector<16xf32>, vector<16xf32>, vector<16xf32>, vector<16xf32>, vector<16xf32>, vector<16xf32>, vector<16xf32>
        }
        %scan3A_1193 = arith.constant 16 : i32
        %max3A_1194 = arith.maximumf %scan3A_1192#0, %scan3A_1192#1 : vector<16xf32>
        %max3A_1195 = arith.maximumf %scan3A_1192#2, %scan3A_1192#3 : vector<16xf32>
        %max3A_1196 = arith.maximumf %max3A_1194, %max3A_1195 : vector<16xf32>
        %max3A_1197 = arith.maximumf %scan3A_1192#4, %scan3A_1192#5 : vector<16xf32>
        %max3A_1198 = arith.maximumf %scan3A_1192#6, %scan3A_1192#7 : vector<16xf32>
        %max3A_1199 = arith.maximumf %max3A_1197, %max3A_1198 : vector<16xf32>
        %max3A_1200 = arith.maximumf %max3A_1196, %max3A_1199 : vector<16xf32>
        %broadcast_in_dim3A_1201 = vector.shape_cast %xor3A_9 : vector<16xi32> to vector<16x1xi32>
        %gather3A_1202 = vector.shape_cast %broadcast_in_dim3A_1201 : vector<16x1xi32> to vector<16xi32>
        %gather3A_1203 = tpu.dynamic_gather %max3A_1200[%gather3A_1202] in [0] : vector<16xf32>, vector<16xi32> -> vector<16xf32>
        %max3A_1204 = arith.maximumf %max3A_1200, %gather3A_1203 : vector<16xf32>
        %broadcast_in_dim3A_1205 = vector.shape_cast %xor3A_12 : vector<16xi32> to vector<16x1xi32>
        %gather3A_1206 = vector.shape_cast %broadcast_in_dim3A_1205 : vector<16x1xi32> to vector<16xi32>
        %gather3A_1207 = tpu.dynamic_gather %max3A_1204[%gather3A_1206] in [0] : vector<16xf32>, vector<16xi32> -> vector<16xf32>
        %max3A_1208 = arith.maximumf %max3A_1204, %gather3A_1207 : vector<16xf32>
        %broadcast_in_dim3A_1209 = vector.shape_cast %xor3A_15 : vector<16xi32> to vector<16x1xi32>
        %gather3A_1210 = vector.shape_cast %broadcast_in_dim3A_1209 : vector<16x1xi32> to vector<16xi32>
        %gather3A_1211 = tpu.dynamic_gather %max3A_1208[%gather3A_1210] in [0] : vector<16xf32>, vector<16xi32> -> vector<16xf32>
        %max3A_1212 = arith.maximumf %max3A_1208, %gather3A_1211 : vector<16xf32>
        %broadcast_in_dim3A_1213 = vector.shape_cast %xor3A_18 : vector<16xi32> to vector<16x1xi32>
        %gather3A_1214 = vector.shape_cast %broadcast_in_dim3A_1213 : vector<16x1xi32> to vector<16xi32>
        %gather3A_1215 = tpu.dynamic_gather %max3A_1212[%gather3A_1214] in [0] : vector<16xf32>, vector<16xi32> -> vector<16xf32>
        %max3A_1216 = arith.maximumf %max3A_1212, %gather3A_1215 : vector<16xf32>
        %eq3A_1217 = vector.broadcast %scan3A_1184 : i32 to vector<16xi32>
        %eq3A_1218 = arith.cmpi eq, %iota3A, %eq3A_1217 : vector<16xi32>
        %select_n3A_1219 = arith.select %eq3A_1218, %max3A_1216, %scan3A_1185 : vector<16xi1>, vector<16xf32>
        scf.yield %select_n3A_1219 : vector<16xf32>
      }
      %scan3A_176 = arith.constant 16 : i32
      %masked_sort3A = arith.constant dense<true> : vector<16xi1>
      %masked_sort3A_177, %masked_sort3A_178, %masked_sort3A_179 = tpu.sort %scan3A_175, %iota3A masked %masked_sort3A {descending = true} : (vector<16xf32>, vector<16xi32>, vector<16xi1>) -> (vector<16xi1>, vector<16xf32>, vector<16xi32>)
      %broadcast_in_dim3A_180 = arith.constant 0 : i32
      %broadcast_in_dim3A_181 = vector.broadcast %broadcast_in_dim3A_180 : i32 to vector<16xi32>
      %broadcast_in_dim3A_182 = vector.shape_cast %broadcast_in_dim3A_181 : vector<16xi32> to vector<16x1xi32>
      %gather3A = vector.shape_cast %broadcast_in_dim3A_182 : vector<16x1xi32> to vector<16xi32>
      %gather3A_183 = tpu.dynamic_gather %masked_sort3A_179[%gather3A] in [0] : vector<16xi32>, vector<16xi32> -> vector<16xi32>
      %slice3A = vector.extract_strided_slice %gather3A_183 {offsets = [0], sizes = [1], strides = [1]} : vector<16xi32> to vector<1xi32>
      %squeeze3A = vector.extract %slice3A[0] : i32 from vector<1xi32>
      %mul3A_184 = arith.constant 2048 : i32
      %mul3A_185 = arith.muli %squeeze3A, %mul3A_184 : i32
      %scan3A_186 = arith.constant 0 : i32
      %scan3A_187 = arith.constant 64 : i32
      %scan3A_188 = arith.addi %scan3A_186, %scan3A_187 : i32
      %scan3A_189 = arith.constant 1 : i32
      %scan3A_190:6 = scf.for %scan3A_1184 = %scan3A_186 to %scan3A_188 step %scan3A_189 iter_args(%scan3A_1185 = %broadcast_in_dim3A_3, %scan3A_1186 = %broadcast_in_dim3A_3, %scan3A_1187 = %broadcast_in_dim3A_3, %scan3A_1188 = %broadcast_in_dim3A_3, %scan3A_1189 = %broadcast_in_dim3A_3, %scan3A_1190 = %broadcast_in_dim3A_3) -> (vector<16xf32>, vector<16xf32>, vector<16xf32>, vector<16xf32>, vector<16xf32>, vector<16xf32>)  : i32 {
        %mul3A_1191 = arith.constant 2 : i32
        %mul3A_1192 = arith.muli %scan3A_1184, %mul3A_1191 : i32
        %mul3A_1193 = arith.constant 16 : i32
        %mul3A_1194 = arith.muli %mul3A_1192, %mul3A_1193 : i32
        %add3A_1195 = arith.addi %mul3A_185, %mul3A_1194 : i32
        %get3A = arith.index_cast %add3A_1195 : i32 to index
        %get3A_1196 = tpu.vector_load %arg4[%get3A] {strides = array<i32>} : memref<32768xf32, #tpu.memory_space<vmem>>, vector<16xf32>,
        %add3A_1197 = arith.constant 16 : i32
        %add3A_1198 = arith.addi %add3A_1195, %add3A_1197 : i32
        %get3A_1199 = arith.index_cast %add3A_1198 : i32 to index
        %get3A_1200 = tpu.vector_load %arg4[%get3A_1199] {strides = array<i32>} : memref<32768xf32, #tpu.memory_space<vmem>>, vector<16xf32>,
        %max3A_1201 = arith.maximumf %scan3A_1185, %get3A_1196 : vector<16xf32>
        %min3A_1202 = arith.minimumf %scan3A_1185, %get3A_1196 : vector<16xf32>
        %max3A_1203 = arith.maximumf %scan3A_1186, %min3A_1202 : vector<16xf32>
        %min3A_1204 = arith.minimumf %scan3A_1186, %min3A_1202 : vector<16xf32>
        %max3A_1205 = arith.maximumf %scan3A_1187, %min3A_1204 : vector<16xf32>
        %max3A_1206 = arith.maximumf %scan3A_1188, %get3A_1200 : vector<16xf32>
        %min3A_1207 = arith.minimumf %scan3A_1188, %get3A_1200 : vector<16xf32>
        %max3A_1208 = arith.maximumf %scan3A_1189, %min3A_1207 : vector<16xf32>
        %min3A_1209 = arith.minimumf %scan3A_1189, %min3A_1207 : vector<16xf32>
        %max3A_1210 = arith.maximumf %scan3A_1190, %min3A_1209 : vector<16xf32>
        scf.yield %max3A_1201, %max3A_1203, %max3A_1205, %max3A_1206, %max3A_1208, %max3A_1210 : vector<16xf32>, vector<16xf32>, vector<16xf32>, vector<16xf32>, vector<16xf32>, vector<16xf32>
      }
      %scan3A_191 = arith.constant 64 : i32
      %broadcast_in_dim3A_192 = arith.constant 1 : i32
      %broadcast_in_dim3A_193 = vector.broadcast %broadcast_in_dim3A_192 : i32 to vector<16xi32>
      %broadcast_in_dim3A_194 = vector.shape_cast %broadcast_in_dim3A_193 : vector<16xi32> to vector<16x1xi32>
      %gather3A_195 = vector.shape_cast %broadcast_in_dim3A_194 : vector<16x1xi32> to vector<16xi32>
      %gather3A_196 = tpu.dynamic_gather %masked_sort3A_179[%gather3A_195] in [0] : vector<16xi32>, vector<16xi32> -> vector<16xi32>
      %slice3A_197 = vector.extract_strided_slice %gather3A_196 {offsets = [0], sizes = [1], strides = [1]} : vector<16xi32> to vector<1xi32>
      %squeeze3A_198 = vector.extract %slice3A_197[0] : i32 from vector<1xi32>
      %mul3A_199 = arith.constant 2048 : i32
      %mul3A_200 = arith.muli %squeeze3A_198, %mul3A_199 : i32
      %scan3A_201 = arith.constant 0 : i32
      %scan3A_202 = arith.constant 64 : i32
      %scan3A_203 = arith.addi %scan3A_201, %scan3A_202 : i32
      %scan3A_204 = arith.constant 1 : i32
      %scan3A_205:6 = scf.for %scan3A_1184 = %scan3A_201 to %scan3A_203 step %scan3A_204 iter_args(%scan3A_1185 = %scan3A_190#0, %scan3A_1186 = %scan3A_190#1, %scan3A_1187 = %scan3A_190#2, %scan3A_1188 = %scan3A_190#3, %scan3A_1189 = %scan3A_190#4, %scan3A_1190 = %scan3A_190#5) -> (vector<16xf32>, vector<16xf32>, vector<16xf32>, vector<16xf32>, vector<16xf32>, vector<16xf32>)  : i32 {
        %mul3A_1191 = arith.constant 2 : i32
        %mul3A_1192 = arith.muli %scan3A_1184, %mul3A_1191 : i32
        %mul3A_1193 = arith.constant 16 : i32
        %mul3A_1194 = arith.muli %mul3A_1192, %mul3A_1193 : i32
        %add3A_1195 = arith.addi %mul3A_200, %mul3A_1194 : i32
        %get3A = arith.index_cast %add3A_1195 : i32 to index
        %get3A_1196 = tpu.vector_load %arg4[%get3A] {strides = array<i32>} : memref<32768xf32, #tpu.memory_space<vmem>>, vector<16xf32>,
        %add3A_1197 = arith.constant 16 : i32
        %add3A_1198 = arith.addi %add3A_1195, %add3A_1197 : i32
        %get3A_1199 = arith.index_cast %add3A_1198 : i32 to index
        %get3A_1200 = tpu.vector_load %arg4[%get3A_1199] {strides = array<i32>} : memref<32768xf32, #tpu.memory_space<vmem>>, vector<16xf32>,
        %max3A_1201 = arith.maximumf %scan3A_1185, %get3A_1196 : vector<16xf32>
        %min3A_1202 = arith.minimumf %scan3A_1185, %get3A_1196 : vector<16xf32>
        %max3A_1203 = arith.maximumf %scan3A_1186, %min3A_1202 : vector<16xf32>
        %min3A_1204 = arith.minimumf %scan3A_1186, %min3A_1202 : vector<16xf32>
        %max3A_1205 = arith.maximumf %scan3A_1187, %min3A_1204 : vector<16xf32>
        %max3A_1206 = arith.maximumf %scan3A_1188, %get3A_1200 : vector<16xf32>
        %min3A_1207 = arith.minimumf %scan3A_1188, %get3A_1200 : vector<16xf32>
        %max3A_1208 = arith.maximumf %scan3A_1189, %min3A_1207 : vector<16xf32>
        %min3A_1209 = arith.minimumf %scan3A_1189, %min3A_1207 : vector<16xf32>
        %max3A_1210 = arith.maximumf %scan3A_1190, %min3A_1209 : vector<16xf32>
        scf.yield %max3A_1201, %max3A_1203, %max3A_1205, %max3A_1206, %max3A_1208, %max3A_1210 : vector<16xf32>, vector<16xf32>, vector<16xf32>, vector<16xf32>, vector<16xf32>, vector<16xf32>
      }
      %scan3A_206 = arith.constant 64 : i32
      %broadcast_in_dim3A_207 = arith.constant 2 : i32
      %broadcast_in_dim3A_208 = vector.broadcast %broadcast_in_dim3A_207 : i32 to vector<16xi32>
      %broadcast_in_dim3A_209 = vector.shape_cast %broadcast_in_dim3A_208 : vector<16xi32> to vector<16x1xi32>
      %gather3A_210 = vector.shape_cast %broadcast_in_dim3A_209 : vector<16x1xi32> to vector<16xi32>
      %gather3A_211 = tpu.dynamic_gather %masked_sort3A_179[%gather3A_210] in [0] : vector<16xi32>, vector<16xi32> -> vector<16xi32>
      %slice3A_212 = vector.extract_strided_slice %gather3A_211 {offsets = [0], sizes = [1], strides = [1]} : vector<16xi32> to vector<1xi32>
      %squeeze3A_213 = vector.extract %slice3A_212[0] : i32 from vector<1xi32>
      %mul3A_214 = arith.constant 2048 : i32
      %mul3A_215 = arith.muli %squeeze3A_213, %mul3A_214 : i32
      %scan3A_216 = arith.constant 0 : i32
      %scan3A_217 = arith.constant 64 : i32
      %scan3A_218 = arith.addi %scan3A_216, %scan3A_217 : i32
      %scan3A_219 = arith.constant 1 : i32
      %scan3A_220:6 = scf.for %scan3A_1184 = %scan3A_216 to %scan3A_218 step %scan3A_219 iter_args(%scan3A_1185 = %scan3A_205#0, %scan3A_1186 = %scan3A_205#1, %scan3A_1187 = %scan3A_205#2, %scan3A_1188 = %scan3A_205#3, %scan3A_1189 = %scan3A_205#4, %scan3A_1190 = %scan3A_205#5) -> (vector<16xf32>, vector<16xf32>, vector<16xf32>, vector<16xf32>, vector<16xf32>, vector<16xf32>)  : i32 {
        %mul3A_1191 = arith.constant 2 : i32
        %mul3A_1192 = arith.muli %scan3A_1184, %mul3A_1191 : i32
        %mul3A_1193 = arith.constant 16 : i32
        %mul3A_1194 = arith.muli %mul3A_1192, %mul3A_1193 : i32
        %add3A_1195 = arith.addi %mul3A_215, %mul3A_1194 : i32
        %get3A = arith.index_cast %add3A_1195 : i32 to index
        %get3A_1196 = tpu.vector_load %arg4[%get3A] {strides = array<i32>} : memref<32768xf32, #tpu.memory_space<vmem>>, vector<16xf32>,
        %add3A_1197 = arith.constant 16 : i32
        %add3A_1198 = arith.addi %add3A_1195, %add3A_1197 : i32
        %get3A_1199 = arith.index_cast %add3A_1198 : i32 to index
        %get3A_1200 = tpu.vector_load %arg4[%get3A_1199] {strides = array<i32>} : memref<32768xf32, #tpu.memory_space<vmem>>, vector<16xf32>,
        %max3A_1201 = arith.maximumf %scan3A_1185, %get3A_1196 : vector<16xf32>
        %min3A_1202 = arith.minimumf %scan3A_1185, %get3A_1196 : vector<16xf32>
        %max3A_1203 = arith.maximumf %scan3A_1186, %min3A_1202 : vector<16xf32>
        %min3A_1204 = arith.minimumf %scan3A_1186, %min3A_1202 : vector<16xf32>
        %max3A_1205 = arith.maximumf %scan3A_1187, %min3A_1204 : vector<16xf32>
        %max3A_1206 = arith.maximumf %scan3A_1188, %get3A_1200 : vector<16xf32>
        %min3A_1207 = arith.minimumf %scan3A_1188, %get3A_1200 : vector<16xf32>
        %max3A_1208 = arith.maximumf %scan3A_1189, %min3A_1207 : vector<16xf32>
        %min3A_1209 = arith.minimumf %scan3A_1189, %min3A_1207 : vector<16xf32>
        %max3A_1210 = arith.maximumf %scan3A_1190, %min3A_1209 : vector<16xf32>
        scf.yield %max3A_1201, %max3A_1203, %max3A_1205, %max3A_1206, %max3A_1208, %max3A_1210 : vector<16xf32>, vector<16xf32>, vector<16xf32>, vector<16xf32>, vector<16xf32>, vector<16xf32>
      }
      %scan3A_221 = arith.constant 64 : i32
      %max3A = arith.maximumf %scan3A_220#0, %scan3A_220#3 : vector<16xf32>
      %min3A = arith.minimumf %scan3A_220#0, %scan3A_220#3 : vector<16xf32>
      %max3A_222 = arith.maximumf %scan3A_220#1, %min3A : vector<16xf32>
      %min3A_223 = arith.minimumf %scan3A_220#1, %min3A : vector<16xf32>
      %max3A_224 = arith.maximumf %scan3A_220#2, %min3A_223 : vector<16xf32>
      %max3A_225 = arith.maximumf %max3A, %scan3A_220#4 : vector<16xf32>
      %min3A_226 = arith.minimumf %max3A, %scan3A_220#4 : vector<16xf32>
      %max3A_227 = arith.maximumf %max3A_222, %min3A_226 : vector<16xf32>
      %min3A_228 = arith.minimumf %max3A_222, %min3A_226 : vector<16xf32>
      %max3A_229 = arith.maximumf %max3A_224, %min3A_228 : vector<16xf32>
      %max3A_230 = arith.maximumf %max3A_225, %scan3A_220#5 : vector<16xf32>
      %min3A_231 = arith.minimumf %max3A_225, %scan3A_220#5 : vector<16xf32>
      %max3A_232 = arith.maximumf %max3A_227, %min3A_231 : vector<16xf32>
      %min3A_233 = arith.minimumf %max3A_227, %min3A_231 : vector<16xf32>
      %max3A_234 = arith.maximumf %max3A_229, %min3A_233 : vector<16xf32>
      %broadcast_in_dim3A_235 = vector.shape_cast %xor3A_9 : vector<16xi32> to vector<16x1xi32>
      %gather3A_236 = vector.shape_cast %broadcast_in_dim3A_235 : vector<16x1xi32> to vector<16xi32>
      %gather3A_237 = tpu.dynamic_gather %max3A_230[%gather3A_236] in [0] : vector<16xf32>, vector<16xi32> -> vector<16xf32>
      %max3A_238 = arith.maximumf %max3A_230, %gather3A_237 : vector<16xf32>
      %broadcast_in_dim3A_239 = vector.shape_cast %xor3A_12 : vector<16xi32> to vector<16x1xi32>
      %gather3A_240 = vector.shape_cast %broadcast_in_dim3A_239 : vector<16x1xi32> to vector<16xi32>
      %gather3A_241 = tpu.dynamic_gather %max3A_238[%gather3A_240] in [0] : vector<16xf32>, vector<16xi32> -> vector<16xf32>
      %max3A_242 = arith.maximumf %max3A_238, %gather3A_241 : vector<16xf32>
      %broadcast_in_dim3A_243 = vector.shape_cast %xor3A_15 : vector<16xi32> to vector<16x1xi32>
      %gather3A_244 = vector.shape_cast %broadcast_in_dim3A_243 : vector<16x1xi32> to vector<16xi32>
      %gather3A_245 = tpu.dynamic_gather %max3A_242[%gather3A_244] in [0] : vector<16xf32>, vector<16xi32> -> vector<16xf32>
      %max3A_246 = arith.maximumf %max3A_242, %gather3A_245 : vector<16xf32>
      %broadcast_in_dim3A_247 = vector.shape_cast %xor3A_18 : vector<16xi32> to vector<16x1xi32>
      %gather3A_248 = vector.shape_cast %broadcast_in_dim3A_247 : vector<16x1xi32> to vector<16xi32>
      %gather3A_249 = tpu.dynamic_gather %max3A_246[%gather3A_248] in [0] : vector<16xf32>, vector<16xi32> -> vector<16xf32>
      %max3A_250 = arith.maximumf %max3A_246, %gather3A_249 : vector<16xf32>
      %eq3A_251 = arith.cmpf oeq, %max3A_230, %max3A_250 : vector<16xf32>
      %convert_element_type3A = arith.extui %eq3A_251 : vector<16xi1> to vector<16xi32>
      %convert_element_type3A_252 = arith.sitofp %convert_element_type3A : vector<16xi32> to vector<16xf32>
      %eq3A_253 = arith.cmpf oeq, %max3A_232, %max3A_250 : vector<16xf32>
      %convert_element_type3A_254 = arith.extui %eq3A_253 : vector<16xi1> to vector<16xi32>
      %convert_element_type3A_255 = arith.sitofp %convert_element_type3A_254 : vector<16xi32> to vector<16xf32>
      %add3A_256 = arith.addf %convert_element_type3A_252, %convert_element_type3A_255 : vector<16xf32>
      %eq3A_257 = arith.cmpf oeq, %max3A_234, %max3A_250 : vector<16xf32>
      %convert_element_type3A_258 = arith.extui %eq3A_257 : vector<16xi1> to vector<16xi32>
      %convert_element_type3A_259 = arith.sitofp %convert_element_type3A_258 : vector<16xi32> to vector<16xf32>
      %add3A_260 = arith.addf %add3A_256, %convert_element_type3A_259 : vector<16xf32>
      %broadcast_in_dim3A_261 = vector.shape_cast %xor3A_9 : vector<16xi32> to vector<16x1xi32>
      %gather3A_262 = vector.shape_cast %broadcast_in_dim3A_261 : vector<16x1xi32> to vector<16xi32>
      %gather3A_263 = tpu.dynamic_gather %add3A_260[%gather3A_262] in [0] : vector<16xf32>, vector<16xi32> -> vector<16xf32>
      %add3A_264 = arith.addf %add3A_260, %gather3A_263 : vector<16xf32>
      %broadcast_in_dim3A_265 = vector.shape_cast %xor3A_12 : vector<16xi32> to vector<16x1xi32>
      %gather3A_266 = vector.shape_cast %broadcast_in_dim3A_265 : vector<16x1xi32> to vector<16xi32>
      %gather3A_267 = tpu.dynamic_gather %add3A_264[%gather3A_266] in [0] : vector<16xf32>, vector<16xi32> -> vector<16xf32>
      %add3A_268 = arith.addf %add3A_264, %gather3A_267 : vector<16xf32>
      %broadcast_in_dim3A_269 = vector.shape_cast %xor3A_15 : vector<16xi32> to vector<16x1xi32>
      %gather3A_270 = vector.shape_cast %broadcast_in_dim3A_269 : vector<16x1xi32> to vector<16xi32>
      %gather3A_271 = tpu.dynamic_gather %add3A_268[%gather3A_270] in [0] : vector<16xf32>, vector<16xi32> -> vector<16xf32>
      %add3A_272 = arith.addf %add3A_268, %gather3A_271 : vector<16xf32>
      %broadcast_in_dim3A_273 = vector.shape_cast %xor3A_18 : vector<16xi32> to vector<16x1xi32>
      %gather3A_274 = vector.shape_cast %broadcast_in_dim3A_273 : vector<16x1xi32> to vector<16xi32>
      %gather3A_275 = tpu.dynamic_gather %add3A_272[%gather3A_274] in [0] : vector<16xf32>, vector<16xi32> -> vector<16xf32>
      %add3A_276 = arith.addf %add3A_272, %gather3A_275 : vector<16xf32>
      %lt3A_277 = arith.cmpf olt, %max3A_230, %max3A_250 : vector<16xf32>
      %select_n3A = arith.select %lt3A_277, %max3A_230, %broadcast_in_dim3A_3 : vector<16xi1>, vector<16xf32>
      %lt3A_278 = arith.cmpf olt, %max3A_232, %max3A_250 : vector<16xf32>
      %select_n3A_279 = arith.select %lt3A_278, %max3A_232, %broadcast_in_dim3A_3 : vector<16xi1>, vector<16xf32>
      %max3A_280 = arith.maximumf %select_n3A, %select_n3A_279 : vector<16xf32>
      %lt3A_281 = arith.cmpf olt, %max3A_234, %max3A_250 : vector<16xf32>
      %select_n3A_282 = arith.select %lt3A_281, %max3A_234, %broadcast_in_dim3A_3 : vector<16xi1>, vector<16xf32>
      %max3A_283 = arith.maximumf %max3A_280, %select_n3A_282 : vector<16xf32>
      %broadcast_in_dim3A_284 = vector.shape_cast %xor3A_9 : vector<16xi32> to vector<16x1xi32>
      %gather3A_285 = vector.shape_cast %broadcast_in_dim3A_284 : vector<16x1xi32> to vector<16xi32>
      %gather3A_286 = tpu.dynamic_gather %max3A_283[%gather3A_285] in [0] : vector<16xf32>, vector<16xi32> -> vector<16xf32>
      %max3A_287 = arith.maximumf %max3A_283, %gather3A_286 : vector<16xf32>
      %broadcast_in_dim3A_288 = vector.shape_cast %xor3A_12 : vector<16xi32> to vector<16x1xi32>
      %gather3A_289 = vector.shape_cast %broadcast_in_dim3A_288 : vector<16x1xi32> to vector<16xi32>
      %gather3A_290 = tpu.dynamic_gather %max3A_287[%gather3A_289] in [0] : vector<16xf32>, vector<16xi32> -> vector<16xf32>
      %max3A_291 = arith.maximumf %max3A_287, %gather3A_290 : vector<16xf32>
      %broadcast_in_dim3A_292 = vector.shape_cast %xor3A_15 : vector<16xi32> to vector<16x1xi32>
      %gather3A_293 = vector.shape_cast %broadcast_in_dim3A_292 : vector<16x1xi32> to vector<16xi32>
      %gather3A_294 = tpu.dynamic_gather %max3A_291[%gather3A_293] in [0] : vector<16xf32>, vector<16xi32> -> vector<16xf32>
      %max3A_295 = arith.maximumf %max3A_291, %gather3A_294 : vector<16xf32>
      %broadcast_in_dim3A_296 = vector.shape_cast %xor3A_18 : vector<16xi32> to vector<16x1xi32>
      %gather3A_297 = vector.shape_cast %broadcast_in_dim3A_296 : vector<16x1xi32> to vector<16xi32>
      %gather3A_298 = tpu.dynamic_gather %max3A_295[%gather3A_297] in [0] : vector<16xf32>, vector<16xi32> -> vector<16xf32>
      %max3A_299 = arith.maximumf %max3A_295, %gather3A_298 : vector<16xf32>
      %eq3A_300 = arith.cmpf oeq, %max3A_230, %max3A_299 : vector<16xf32>
      %convert_element_type3A_301 = arith.extui %eq3A_300 : vector<16xi1> to vector<16xi32>
      %convert_element_type3A_302 = arith.sitofp %convert_element_type3A_301 : vector<16xi32> to vector<16xf32>
      %eq3A_303 = arith.cmpf oeq, %max3A_232, %max3A_299 : vector<16xf32>
      %convert_element_type3A_304 = arith.extui %eq3A_303 : vector<16xi1> to vector<16xi32>
      %convert_element_type3A_305 = arith.sitofp %convert_element_type3A_304 : vector<16xi32> to vector<16xf32>
      %add3A_306 = arith.addf %convert_element_type3A_302, %convert_element_type3A_305 : vector<16xf32>
      %eq3A_307 = arith.cmpf oeq, %max3A_234, %max3A_299 : vector<16xf32>
      %convert_element_type3A_308 = arith.extui %eq3A_307 : vector<16xi1> to vector<16xi32>
      %convert_element_type3A_309 = arith.sitofp %convert_element_type3A_308 : vector<16xi32> to vector<16xf32>
      %add3A_310 = arith.addf %add3A_306, %convert_element_type3A_309 : vector<16xf32>
      %broadcast_in_dim3A_311 = vector.shape_cast %xor3A_9 : vector<16xi32> to vector<16x1xi32>
      %gather3A_312 = vector.shape_cast %broadcast_in_dim3A_311 : vector<16x1xi32> to vector<16xi32>
      %gather3A_313 = tpu.dynamic_gather %add3A_310[%gather3A_312] in [0] : vector<16xf32>, vector<16xi32> -> vector<16xf32>
      %add3A_314 = arith.addf %add3A_310, %gather3A_313 : vector<16xf32>
      %broadcast_in_dim3A_315 = vector.shape_cast %xor3A_12 : vector<16xi32> to vector<16x1xi32>
      %gather3A_316 = vector.shape_cast %broadcast_in_dim3A_315 : vector<16x1xi32> to vector<16xi32>
      %gather3A_317 = tpu.dynamic_gather %add3A_314[%gather3A_316] in [0] : vector<16xf32>, vector<16xi32> -> vector<16xf32>
      %add3A_318 = arith.addf %add3A_314, %gather3A_317 : vector<16xf32>
      %broadcast_in_dim3A_319 = vector.shape_cast %xor3A_15 : vector<16xi32> to vector<16x1xi32>
      %gather3A_320 = vector.shape_cast %broadcast_in_dim3A_319 : vector<16x1xi32> to vector<16xi32>
      %gather3A_321 = tpu.dynamic_gather %add3A_318[%gather3A_320] in [0] : vector<16xf32>, vector<16xi32> -> vector<16xf32>
      %add3A_322 = arith.addf %add3A_318, %gather3A_321 : vector<16xf32>
      %broadcast_in_dim3A_323 = vector.shape_cast %xor3A_18 : vector<16xi32> to vector<16x1xi32>
      %gather3A_324 = vector.shape_cast %broadcast_in_dim3A_323 : vector<16x1xi32> to vector<16xi32>
      %gather3A_325 = tpu.dynamic_gather %add3A_322[%gather3A_324] in [0] : vector<16xf32>, vector<16xi32> -> vector<16xf32>
      %add3A_326 = arith.addf %add3A_322, %gather3A_325 : vector<16xf32>
      %lt3A_327 = arith.cmpf olt, %max3A_230, %max3A_299 : vector<16xf32>
      %select_n3A_328 = arith.select %lt3A_327, %max3A_230, %broadcast_in_dim3A_3 : vector<16xi1>, vector<16xf32>
      %lt3A_329 = arith.cmpf olt, %max3A_232, %max3A_299 : vector<16xf32>
      %select_n3A_330 = arith.select %lt3A_329, %max3A_232, %broadcast_in_dim3A_3 : vector<16xi1>, vector<16xf32>
      %max3A_331 = arith.maximumf %select_n3A_328, %select_n3A_330 : vector<16xf32>
      %lt3A_332 = arith.cmpf olt, %max3A_234, %max3A_299 : vector<16xf32>
      %select_n3A_333 = arith.select %lt3A_332, %max3A_234, %broadcast_in_dim3A_3 : vector<16xi1>, vector<16xf32>
      %max3A_334 = arith.maximumf %max3A_331, %select_n3A_333 : vector<16xf32>
      %broadcast_in_dim3A_335 = vector.shape_cast %xor3A_9 : vector<16xi32> to vector<16x1xi32>
      %gather3A_336 = vector.shape_cast %broadcast_in_dim3A_335 : vector<16x1xi32> to vector<16xi32>
      %gather3A_337 = tpu.dynamic_gather %max3A_334[%gather3A_336] in [0] : vector<16xf32>, vector<16xi32> -> vector<16xf32>
      %max3A_338 = arith.maximumf %max3A_334, %gather3A_337 : vector<16xf32>
      %broadcast_in_dim3A_339 = vector.shape_cast %xor3A_12 : vector<16xi32> to vector<16x1xi32>
      %gather3A_340 = vector.shape_cast %broadcast_in_dim3A_339 : vector<16x1xi32> to vector<16xi32>
      %gather3A_341 = tpu.dynamic_gather %max3A_338[%gather3A_340] in [0] : vector<16xf32>, vector<16xi32> -> vector<16xf32>
      %max3A_342 = arith.maximumf %max3A_338, %gather3A_341 : vector<16xf32>
      %broadcast_in_dim3A_343 = vector.shape_cast %xor3A_15 : vector<16xi32> to vector<16x1xi32>
      %gather3A_344 = vector.shape_cast %broadcast_in_dim3A_343 : vector<16x1xi32> to vector<16xi32>
      %gather3A_345 = tpu.dynamic_gather %max3A_342[%gather3A_344] in [0] : vector<16xf32>, vector<16xi32> -> vector<16xf32>
      %max3A_346 = arith.maximumf %max3A_342, %gather3A_345 : vector<16xf32>
      %broadcast_in_dim3A_347 = vector.shape_cast %xor3A_18 : vector<16xi32> to vector<16x1xi32>
      %gather3A_348 = vector.shape_cast %broadcast_in_dim3A_347 : vector<16x1xi32> to vector<16xi32>
      %gather3A_349 = tpu.dynamic_gather %max3A_346[%gather3A_348] in [0] : vector<16xf32>, vector<16xi32> -> vector<16xf32>
      %max3A_350 = arith.maximumf %max3A_346, %gather3A_349 : vector<16xf32>
      %ge3A = arith.constant 3.000000e+00 : f32
      %ge3A_351 = vector.broadcast %ge3A : f32 to vector<16xf32>
      %ge3A_352 = arith.cmpf oge, %add3A_276, %ge3A_351 : vector<16xf32>
      %add3A_353 = arith.addf %add3A_276, %add3A_326 : vector<16xf32>
      %ge3A_354 = arith.constant 3.000000e+00 : f32
      %ge3A_355 = vector.broadcast %ge3A_354 : f32 to vector<16xf32>
      %ge3A_356 = arith.cmpf oge, %add3A_353, %ge3A_355 : vector<16xf32>
      %select_n3A_357 = arith.select %ge3A_356, %max3A_299, %max3A_350 : vector<16xi1>, vector<16xf32>
      %select_n3A_358 = arith.select %ge3A_352, %max3A_250, %select_n3A_357 : vector<16xi1>, vector<16xf32>
      %ge3A_359 = arith.cmpf oge, %scan3A_175, %select_n3A_358 : vector<16xf32>
      %convert_element_type3A_360 = arith.extui %ge3A_359 : vector<16xi1> to vector<16xi32>
      %convert_element_type3A_361 = arith.sitofp %convert_element_type3A_360 : vector<16xi32> to vector<16xf32>
      %broadcast_in_dim3A_362 = vector.shape_cast %xor3A_9 : vector<16xi32> to vector<16x1xi32>
      %gather3A_363 = vector.shape_cast %broadcast_in_dim3A_362 : vector<16x1xi32> to vector<16xi32>
      %gather3A_364 = tpu.dynamic_gather %convert_element_type3A_361[%gather3A_363] in [0] : vector<16xf32>, vector<16xi32> -> vector<16xf32>
      %add3A_365 = arith.addf %convert_element_type3A_361, %gather3A_364 : vector<16xf32>
      %broadcast_in_dim3A_366 = vector.shape_cast %xor3A_12 : vector<16xi32> to vector<16x1xi32>
      %gather3A_367 = vector.shape_cast %broadcast_in_dim3A_366 : vector<16x1xi32> to vector<16xi32>
      %gather3A_368 = tpu.dynamic_gather %add3A_365[%gather3A_367] in [0] : vector<16xf32>, vector<16xi32> -> vector<16xf32>
      %add3A_369 = arith.addf %add3A_365, %gather3A_368 : vector<16xf32>
      %broadcast_in_dim3A_370 = vector.shape_cast %xor3A_15 : vector<16xi32> to vector<16x1xi32>
      %gather3A_371 = vector.shape_cast %broadcast_in_dim3A_370 : vector<16x1xi32> to vector<16xi32>
      %gather3A_372 = tpu.dynamic_gather %add3A_369[%gather3A_371] in [0] : vector<16xf32>, vector<16xi32> -> vector<16xf32>
      %add3A_373 = arith.addf %add3A_369, %gather3A_372 : vector<16xf32>
      %broadcast_in_dim3A_374 = vector.shape_cast %xor3A_18 : vector<16xi32> to vector<16x1xi32>
      %gather3A_375 = vector.shape_cast %broadcast_in_dim3A_374 : vector<16x1xi32> to vector<16xi32>
      %gather3A_376 = tpu.dynamic_gather %add3A_373[%gather3A_375] in [0] : vector<16xf32>, vector<16xi32> -> vector<16xf32>
      %add3A_377 = arith.addf %add3A_373, %gather3A_376 : vector<16xf32>
      %slice3A_378 = vector.extract_strided_slice %add3A_377 {offsets = [0], sizes = [1], strides = [1]} : vector<16xf32> to vector<1xf32>
      %squeeze3A_379 = vector.extract %slice3A_378[0] : f32 from vector<1xf32>
      %convert_element_type3A_380 = arith.fptosi %squeeze3A_379 : f32 to i32
      %while3A = arith.constant 0 : i32
      %while3A_381 = arith.subi %convert_element_type3A_380, %while3A : i32
      %while3A_382 = arith.addi %while3A, %while3A_381 : i32
      %while3A_383 = arith.constant 1 : i32
      %while3A_384 = arith.divsi %while3A_381, %while3A_383 : i32
      %while3A_385 = arith.muli %while3A_384, %while3A_383 : i32
      %while3A_386 = arith.addi %while3A, %while3A_385 : i32
      %while3A_387 = arith.constant 1 : i32
      %while3A_388 = scf.for %while3A_1184 = %while3A to %while3A_386 step %while3A_387 iter_args(%while3A_1185 = %broadcast_in_dim3A_5) -> (vector<16xf32>)  : i32 {
        %broadcast_in_dim3A_1186 = vector.broadcast %while3A_1184 : i32 to vector<16xi32>
        %broadcast_in_dim3A_1187 = vector.shape_cast %broadcast_in_dim3A_1186 : vector<16xi32> to vector<16x1xi32>
        %gather3A_1188 = vector.shape_cast %broadcast_in_dim3A_1187 : vector<16x1xi32> to vector<16xi32>
        %gather3A_1189 = tpu.dynamic_gather %masked_sort3A_179[%gather3A_1188] in [0] : vector<16xi32>, vector<16xi32> -> vector<16xi32>
        %slice3A_1190 = vector.extract_strided_slice %gather3A_1189 {offsets = [0], sizes = [1], strides = [1]} : vector<16xi32> to vector<1xi32>
        %squeeze3A_1191 = vector.extract %slice3A_1190[0] : i32 from vector<1xi32>
        %mul3A_1192 = arith.constant 2048 : i32
        %mul3A_1193 = arith.muli %squeeze3A_1191, %mul3A_1192 : i32
        %scan3A_1194 = arith.constant 0 : i32
        %scan3A_1195 = arith.constant 32 : i32
        %scan3A_1196 = arith.addi %scan3A_1194, %scan3A_1195 : i32
        %scan3A_1197 = arith.constant 1 : i32
        %scan3A_1198:4 = scf.for %scan3A_1203 = %scan3A_1194 to %scan3A_1196 step %scan3A_1197 iter_args(%scan3A_1204 = %while3A_1185, %scan3A_1205 = %broadcast_in_dim3A_5, %scan3A_1206 = %broadcast_in_dim3A_5, %scan3A_1207 = %broadcast_in_dim3A_5) -> (vector<16xf32>, vector<16xf32>, vector<16xf32>, vector<16xf32>)  : i32 {
          %mul3A_1208 = arith.constant 4 : i32
          %mul3A_1209 = arith.muli %scan3A_1203, %mul3A_1208 : i32
          %mul3A_1210 = arith.constant 16 : i32
          %mul3A_1211 = arith.muli %mul3A_1209, %mul3A_1210 : i32
          %add3A_1212 = arith.addi %mul3A_1193, %mul3A_1211 : i32
          %get3A = arith.index_cast %add3A_1212 : i32 to index
          %get3A_1213 = tpu.vector_load %arg4[%get3A] {strides = array<i32>} : memref<32768xf32, #tpu.memory_space<vmem>>, vector<16xf32>,
          %add3A_1214 = arith.constant 16 : i32
          %add3A_1215 = arith.addi %add3A_1212, %add3A_1214 : i32
          %get3A_1216 = arith.index_cast %add3A_1215 : i32 to index
          %get3A_1217 = tpu.vector_load %arg4[%get3A_1216] {strides = array<i32>} : memref<32768xf32, #tpu.memory_space<vmem>>, vector<16xf32>,
          %add3A_1218 = arith.constant 32 : i32
          %add3A_1219 = arith.addi %add3A_1212, %add3A_1218 : i32
          %get3A_1220 = arith.index_cast %add3A_1219 : i32 to index
          %get3A_1221 = tpu.vector_load %arg4[%get3A_1220] {strides = array<i32>} : memref<32768xf32, #tpu.memory_space<vmem>>, vector<16xf32>,
          %add3A_1222 = arith.constant 48 : i32
          %add3A_1223 = arith.addi %add3A_1212, %add3A_1222 : i32
          %get3A_1224 = arith.index_cast %add3A_1223 : i32 to index
          %get3A_1225 = tpu.vector_load %arg4[%get3A_1224] {strides = array<i32>} : memref<32768xf32, #tpu.memory_space<vmem>>, vector<16xf32>,
          %ge3A_1226 = arith.cmpf oge, %get3A_1213, %select_n3A_358 : vector<16xf32>
          %select_n3A_1227 = arith.select %ge3A_1226, %get3A_1213, %broadcast_in_dim3A_5 : vector<16xi1>, vector<16xf32>
          %add3A_1228 = arith.addf %scan3A_1204, %select_n3A_1227 : vector<16xf32>
          %ge3A_1229 = arith.cmpf oge, %get3A_1217, %select_n3A_358 : vector<16xf32>
          %select_n3A_1230 = arith.select %ge3A_1229, %get3A_1217, %broadcast_in_dim3A_5 : vector<16xi1>, vector<16xf32>
          %add3A_1231 = arith.addf %scan3A_1205, %select_n3A_1230 : vector<16xf32>
          %ge3A_1232 = arith.cmpf oge, %get3A_1221, %select_n3A_358 : vector<16xf32>
          %select_n3A_1233 = arith.select %ge3A_1232, %get3A_1221, %broadcast_in_dim3A_5 : vector<16xi1>, vector<16xf32>
          %add3A_1234 = arith.addf %scan3A_1206, %select_n3A_1233 : vector<16xf32>
          %ge3A_1235 = arith.cmpf oge, %get3A_1225, %select_n3A_358 : vector<16xf32>
          %select_n3A_1236 = arith.select %ge3A_1235, %get3A_1225, %broadcast_in_dim3A_5 : vector<16xi1>, vector<16xf32>
          %add3A_1237 = arith.addf %scan3A_1207, %select_n3A_1236 : vector<16xf32>
          scf.yield %add3A_1228, %add3A_1231, %add3A_1234, %add3A_1237 : vector<16xf32>, vector<16xf32>, vector<16xf32>, vector<16xf32>
        }
        %scan3A_1199 = arith.constant 32 : i32
        %add3A_1200 = arith.addf %scan3A_1198#0, %scan3A_1198#1 : vector<16xf32>
        %add3A_1201 = arith.addf %scan3A_1198#2, %scan3A_1198#3 : vector<16xf32>
        %add3A_1202 = arith.addf %add3A_1200, %add3A_1201 : vector<16xf32>
        scf.yield %add3A_1202 : vector<16xf32>
      }
      %while3A_389 = arith.constant 1 : i32
      %while3A_390 = scf.for %while3A_1184 = %while3A_386 to %while3A_382 step %while3A_389 iter_args(%while3A_1185 = %while3A_388) -> (vector<16xf32>)  : i32 {
        %broadcast_in_dim3A_1186 = vector.broadcast %while3A_1184 : i32 to vector<16xi32>
        %broadcast_in_dim3A_1187 = vector.shape_cast %broadcast_in_dim3A_1186 : vector<16xi32> to vector<16x1xi32>
        %gather3A_1188 = vector.shape_cast %broadcast_in_dim3A_1187 : vector<16x1xi32> to vector<16xi32>
        %gather3A_1189 = tpu.dynamic_gather %masked_sort3A_179[%gather3A_1188] in [0] : vector<16xi32>, vector<16xi32> -> vector<16xi32>
        %slice3A_1190 = vector.extract_strided_slice %gather3A_1189 {offsets = [0], sizes = [1], strides = [1]} : vector<16xi32> to vector<1xi32>
        %squeeze3A_1191 = vector.extract %slice3A_1190[0] : i32 from vector<1xi32>
        %mul3A_1192 = arith.constant 2048 : i32
        %mul3A_1193 = arith.muli %squeeze3A_1191, %mul3A_1192 : i32
        %scan3A_1194 = arith.constant 0 : i32
        %scan3A_1195 = arith.constant 32 : i32
        %scan3A_1196 = arith.addi %scan3A_1194, %scan3A_1195 : i32
        %scan3A_1197 = arith.constant 1 : i32
        %scan3A_1198:4 = scf.for %scan3A_1203 = %scan3A_1194 to %scan3A_1196 step %scan3A_1197 iter_args(%scan3A_1204 = %while3A_1185, %scan3A_1205 = %broadcast_in_dim3A_5, %scan3A_1206 = %broadcast_in_dim3A_5, %scan3A_1207 = %broadcast_in_dim3A_5) -> (vector<16xf32>, vector<16xf32>, vector<16xf32>, vector<16xf32>)  : i32 {
          %mul3A_1208 = arith.constant 4 : i32
          %mul3A_1209 = arith.muli %scan3A_1203, %mul3A_1208 : i32
          %mul3A_1210 = arith.constant 16 : i32
          %mul3A_1211 = arith.muli %mul3A_1209, %mul3A_1210 : i32
          %add3A_1212 = arith.addi %mul3A_1193, %mul3A_1211 : i32
          %get3A = arith.index_cast %add3A_1212 : i32 to index
          %get3A_1213 = tpu.vector_load %arg4[%get3A] {strides = array<i32>} : memref<32768xf32, #tpu.memory_space<vmem>>, vector<16xf32>,
          %add3A_1214 = arith.constant 16 : i32
          %add3A_1215 = arith.addi %add3A_1212, %add3A_1214 : i32
          %get3A_1216 = arith.index_cast %add3A_1215 : i32 to index
          %get3A_1217 = tpu.vector_load %arg4[%get3A_1216] {strides = array<i32>} : memref<32768xf32, #tpu.memory_space<vmem>>, vector<16xf32>,
          %add3A_1218 = arith.constant 32 : i32
          %add3A_1219 = arith.addi %add3A_1212, %add3A_1218 : i32
          %get3A_1220 = arith.index_cast %add3A_1219 : i32 to index
          %get3A_1221 = tpu.vector_load %arg4[%get3A_1220] {strides = array<i32>} : memref<32768xf32, #tpu.memory_space<vmem>>, vector<16xf32>,
          %add3A_1222 = arith.constant 48 : i32
          %add3A_1223 = arith.addi %add3A_1212, %add3A_1222 : i32
          %get3A_1224 = arith.index_cast %add3A_1223 : i32 to index
          %get3A_1225 = tpu.vector_load %arg4[%get3A_1224] {strides = array<i32>} : memref<32768xf32, #tpu.memory_space<vmem>>, vector<16xf32>,
          %ge3A_1226 = arith.cmpf oge, %get3A_1213, %select_n3A_358 : vector<16xf32>
          %select_n3A_1227 = arith.select %ge3A_1226, %get3A_1213, %broadcast_in_dim3A_5 : vector<16xi1>, vector<16xf32>
          %add3A_1228 = arith.addf %scan3A_1204, %select_n3A_1227 : vector<16xf32>
          %ge3A_1229 = arith.cmpf oge, %get3A_1217, %select_n3A_358 : vector<16xf32>
          %select_n3A_1230 = arith.select %ge3A_1229, %get3A_1217, %broadcast_in_dim3A_5 : vector<16xi1>, vector<16xf32>
          %add3A_1231 = arith.addf %scan3A_1205, %select_n3A_1230 : vector<16xf32>
          %ge3A_1232 = arith.cmpf oge, %get3A_1221, %select_n3A_358 : vector<16xf32>
          %select_n3A_1233 = arith.select %ge3A_1232, %get3A_1221, %broadcast_in_dim3A_5 : vector<16xi1>, vector<16xf32>
          %add3A_1234 = arith.addf %scan3A_1206, %select_n3A_1233 : vector<16xf32>
          %ge3A_1235 = arith.cmpf oge, %get3A_1225, %select_n3A_358 : vector<16xf32>
          %select_n3A_1236 = arith.select %ge3A_1235, %get3A_1225, %broadcast_in_dim3A_5 : vector<16xi1>, vector<16xf32>
          %add3A_1237 = arith.addf %scan3A_1207, %select_n3A_1236 : vector<16xf32>
          scf.yield %add3A_1228, %add3A_1231, %add3A_1234, %add3A_1237 : vector<16xf32>, vector<16xf32>, vector<16xf32>, vector<16xf32>
        }
        %scan3A_1199 = arith.constant 32 : i32
        %add3A_1200 = arith.addf %scan3A_1198#0, %scan3A_1198#1 : vector<16xf32>
        %add3A_1201 = arith.addf %scan3A_1198#2, %scan3A_1198#3 : vector<16xf32>
        %add3A_1202 = arith.addf %add3A_1200, %add3A_1201 : vector<16xf32>
        scf.yield %add3A_1202 : vector<16xf32>
      }
      %broadcast_in_dim3A_391 = vector.shape_cast %xor3A_9 : vector<16xi32> to vector<16x1xi32>
      %gather3A_392 = vector.shape_cast %broadcast_in_dim3A_391 : vector<16x1xi32> to vector<16xi32>
      %gather3A_393 = tpu.dynamic_gather %while3A_390[%gather3A_392] in [0] : vector<16xf32>, vector<16xi32> -> vector<16xf32>
      %add3A_394 = arith.addf %while3A_390, %gather3A_393 : vector<16xf32>
      %broadcast_in_dim3A_395 = vector.shape_cast %xor3A_12 : vector<16xi32> to vector<16x1xi32>
      %gather3A_396 = vector.shape_cast %broadcast_in_dim3A_395 : vector<16x1xi32> to vector<16xi32>
      %gather3A_397 = tpu.dynamic_gather %add3A_394[%gather3A_396] in [0] : vector<16xf32>, vector<16xi32> -> vector<16xf32>
      %add3A_398 = arith.addf %add3A_394, %gather3A_397 : vector<16xf32>
      %broadcast_in_dim3A_399 = vector.shape_cast %xor3A_15 : vector<16xi32> to vector<16x1xi32>
      %gather3A_400 = vector.shape_cast %broadcast_in_dim3A_399 : vector<16x1xi32> to vector<16xi32>
      %gather3A_401 = tpu.dynamic_gather %add3A_398[%gather3A_400] in [0] : vector<16xf32>, vector<16xi32> -> vector<16xf32>
      %add3A_402 = arith.addf %add3A_398, %gather3A_401 : vector<16xf32>
      %broadcast_in_dim3A_403 = vector.shape_cast %xor3A_18 : vector<16xi32> to vector<16x1xi32>
      %gather3A_404 = vector.shape_cast %broadcast_in_dim3A_403 : vector<16x1xi32> to vector<16xi32>
      %gather3A_405 = tpu.dynamic_gather %add3A_402[%gather3A_404] in [0] : vector<16xf32>, vector<16xi32> -> vector<16xf32>
      %add3A_406 = arith.addf %add3A_402, %gather3A_405 : vector<16xf32>
      %div3A = arith.divf %broadcast_in_dim3A_7, %add3A_406 : vector<16xf32>
      %not3A = arith.constant true
      %not3A_407 = arith.xori %eq3A_167, %not3A : i1
      %convert_element_type3A_408 = arith.extui %not3A_407 : i1 to i32
      %cond3A = arith.constant 0 : i32
      %cond3A_409 = arith.cmpi ne, %convert_element_type3A_408, %cond3A : i32
      scf.if %cond3A_409 {
        %dma_wait3A_1184 = arith.constant 0 : i32
        %dma_wait3A_1185 = arith.constant 0 : i32
        %dma_wait3A_1186 = tpu.memref_slice %arg3[%dma_wait3A_1184, %dma_wait3A_1185] : memref<1024x32768xf32, #tpu.memory_space<hbm>> -> memref<1x2048xf32, #tpu.memory_space<hbm>>
        %dma_wait3A_1187 = tpu.memref_squeeze %dma_wait3A_1186 : memref<1x2048xf32, #tpu.memory_space<hbm>> -> memref<2048xf32, #tpu.memory_space<hbm>>
        %dma_wait3A_1188 = arith.constant 0 : i32
        %dma_wait3A_1189 = tpu.memref_slice %arg3[%dma_wait3A_1184, %dma_wait3A_1188] : memref<1024x32768xf32, #tpu.memory_space<hbm>> -> memref<1x2048xf32, #tpu.memory_space<hbm>>
        %dma_wait3A_1190 = tpu.memref_squeeze %dma_wait3A_1189 : memref<1x2048xf32, #tpu.memory_space<hbm>> -> memref<2048xf32, #tpu.memory_space<hbm>>
        tpu.wait_dma2 semaphore(%arg10 : memref<!tpu.dma_semaphore, #tpu.memory_space<semaphore_mem>>) src(%arg7 : memref<2048xf32, #tpu.memory_space<vmem>>) dst(%dma_wait3A_1190 : memref<2048xf32, #tpu.memory_space<hbm>>)
        %dma_wait3A_1191 = arith.constant 0 : i32
        %dma_wait3A_1192 = arith.constant 0 : i32
        %dma_wait3A_1193 = tpu.memref_slice %arg3[%dma_wait3A_1191, %dma_wait3A_1192] : memref<1024x32768xf32, #tpu.memory_space<hbm>> -> memref<1x2048xf32, #tpu.memory_space<hbm>>
        %dma_wait3A_1194 = tpu.memref_squeeze %dma_wait3A_1193 : memref<1x2048xf32, #tpu.memory_space<hbm>> -> memref<2048xf32, #tpu.memory_space<hbm>>
        %dma_wait3A_1195 = arith.constant 0 : i32
        %dma_wait3A_1196 = tpu.memref_slice %arg3[%dma_wait3A_1191, %dma_wait3A_1195] : memref<1024x32768xf32, #tpu.memory_space<hbm>> -> memref<1x2048xf32, #tpu.memory_space<hbm>>
        %dma_wait3A_1197 = tpu.memref_squeeze %dma_wait3A_1196 : memref<1x2048xf32, #tpu.memory_space<hbm>> -> memref<2048xf32, #tpu.memory_space<hbm>>
        tpu.wait_dma2 semaphore(%arg10 : memref<!tpu.dma_semaphore, #tpu.memory_space<semaphore_mem>>) src(%arg7 : memref<2048xf32, #tpu.memory_space<vmem>>) dst(%dma_wait3A_1197 : memref<2048xf32, #tpu.memory_space<hbm>>)
        %dma_wait3A_1198 = arith.constant 0 : i32
        %dma_wait3A_1199 = arith.constant 0 : i32
        %dma_wait3A_1200 = tpu.memref_slice %arg3[%dma_wait3A_1198, %dma_wait3A_1199] : memref<1024x32768xf32, #tpu.memory_space<hbm>> -> memref<1x2048xf32, #tpu.memory_space<hbm>>
        %dma_wait3A_1201 = tpu.memref_squeeze %dma_wait3A_1200 : memref<1x2048xf32, #tpu.memory_space<hbm>> -> memref<2048xf32, #tpu.memory_space<hbm>>
        %dma_wait3A_1202 = arith.constant 0 : i32
        %dma_wait3A_1203 = tpu.memref_slice %arg3[%dma_wait3A_1198, %dma_wait3A_1202] : memref<1024x32768xf32, #tpu.memory_space<hbm>> -> memref<1x2048xf32, #tpu.memory_space<hbm>>
        %dma_wait3A_1204 = tpu.memref_squeeze %dma_wait3A_1203 : memref<1x2048xf32, #tpu.memory_space<hbm>> -> memref<2048xf32, #tpu.memory_space<hbm>>
        tpu.wait_dma2 semaphore(%arg10 : memref<!tpu.dma_semaphore, #tpu.memory_space<semaphore_mem>>) src(%arg7 : memref<2048xf32, #tpu.memory_space<vmem>>) dst(%dma_wait3A_1204 : memref<2048xf32, #tpu.memory_space<hbm>>)
        %dma_wait3A_1205 = arith.constant 0 : i32
        %dma_wait3A_1206 = arith.constant 0 : i32
        %dma_wait3A_1207 = tpu.memref_slice %arg3[%dma_wait3A_1205, %dma_wait3A_1206] : memref<1024x32768xf32, #tpu.memory_space<hbm>> -> memref<1x2048xf32, #tpu.memory_space<hbm>>
        %dma_wait3A_1208 = tpu.memref_squeeze %dma_wait3A_1207 : memref<1x2048xf32, #tpu.memory_space<hbm>> -> memref<2048xf32, #tpu.memory_space<hbm>>
        %dma_wait3A_1209 = arith.constant 0 : i32
        %dma_wait3A_1210 = tpu.memref_slice %arg3[%dma_wait3A_1205, %dma_wait3A_1209] : memref<1024x32768xf32, #tpu.memory_space<hbm>> -> memref<1x2048xf32, #tpu.memory_space<hbm>>
        %dma_wait3A_1211 = tpu.memref_squeeze %dma_wait3A_1210 : memref<1x2048xf32, #tpu.memory_space<hbm>> -> memref<2048xf32, #tpu.memory_space<hbm>>
        tpu.wait_dma2 semaphore(%arg10 : memref<!tpu.dma_semaphore, #tpu.memory_space<semaphore_mem>>) src(%arg7 : memref<2048xf32, #tpu.memory_space<vmem>>) dst(%dma_wait3A_1211 : memref<2048xf32, #tpu.memory_space<hbm>>)
        %dma_wait3A_1212 = arith.constant 0 : i32
        %dma_wait3A_1213 = arith.constant 0 : i32
        %dma_wait3A_1214 = tpu.memref_slice %arg3[%dma_wait3A_1212, %dma_wait3A_1213] : memref<1024x32768xf32, #tpu.memory_space<hbm>> -> memref<1x2048xf32, #tpu.memory_space<hbm>>
        %dma_wait3A_1215 = tpu.memref_squeeze %dma_wait3A_1214 : memref<1x2048xf32, #tpu.memory_space<hbm>> -> memref<2048xf32, #tpu.memory_space<hbm>>
        %dma_wait3A_1216 = arith.constant 0 : i32
        %dma_wait3A_1217 = tpu.memref_slice %arg3[%dma_wait3A_1212, %dma_wait3A_1216] : memref<1024x32768xf32, #tpu.memory_space<hbm>> -> memref<1x2048xf32, #tpu.memory_space<hbm>>
        %dma_wait3A_1218 = tpu.memref_squeeze %dma_wait3A_1217 : memref<1x2048xf32, #tpu.memory_space<hbm>> -> memref<2048xf32, #tpu.memory_space<hbm>>
        tpu.wait_dma2 semaphore(%arg10 : memref<!tpu.dma_semaphore, #tpu.memory_space<semaphore_mem>>) src(%arg7 : memref<2048xf32, #tpu.memory_space<vmem>>) dst(%dma_wait3A_1218 : memref<2048xf32, #tpu.memory_space<hbm>>)
        %dma_wait3A_1219 = arith.constant 0 : i32
        %dma_wait3A_1220 = arith.constant 0 : i32
        %dma_wait3A_1221 = tpu.memref_slice %arg3[%dma_wait3A_1219, %dma_wait3A_1220] : memref<1024x32768xf32, #tpu.memory_space<hbm>> -> memref<1x2048xf32, #tpu.memory_space<hbm>>
        %dma_wait3A_1222 = tpu.memref_squeeze %dma_wait3A_1221 : memref<1x2048xf32, #tpu.memory_space<hbm>> -> memref<2048xf32, #tpu.memory_space<hbm>>
        %dma_wait3A_1223 = arith.constant 0 : i32
        %dma_wait3A_1224 = tpu.memref_slice %arg3[%dma_wait3A_1219, %dma_wait3A_1223] : memref<1024x32768xf32, #tpu.memory_space<hbm>> -> memref<1x2048xf32, #tpu.memory_space<hbm>>
        %dma_wait3A_1225 = tpu.memref_squeeze %dma_wait3A_1224 : memref<1x2048xf32, #tpu.memory_space<hbm>> -> memref<2048xf32, #tpu.memory_space<hbm>>
        tpu.wait_dma2 semaphore(%arg10 : memref<!tpu.dma_semaphore, #tpu.memory_space<semaphore_mem>>) src(%arg7 : memref<2048xf32, #tpu.memory_space<vmem>>) dst(%dma_wait3A_1225 : memref<2048xf32, #tpu.memory_space<hbm>>)
        %dma_wait3A_1226 = arith.constant 0 : i32
        %dma_wait3A_1227 = arith.constant 0 : i32
        %dma_wait3A_1228 = tpu.memref_slice %arg3[%dma_wait3A_1226, %dma_wait3A_1227] : memref<1024x32768xf32, #tpu.memory_space<hbm>> -> memref<1x2048xf32, #tpu.memory_space<hbm>>
        %dma_wait3A_1229 = tpu.memref_squeeze %dma_wait3A_1228 : memref<1x2048xf32, #tpu.memory_space<hbm>> -> memref<2048xf32, #tpu.memory_space<hbm>>
        %dma_wait3A_1230 = arith.constant 0 : i32
        %dma_wait3A_1231 = tpu.memref_slice %arg3[%dma_wait3A_1226, %dma_wait3A_1230] : memref<1024x32768xf32, #tpu.memory_space<hbm>> -> memref<1x2048xf32, #tpu.memory_space<hbm>>
        %dma_wait3A_1232 = tpu.memref_squeeze %dma_wait3A_1231 : memref<1x2048xf32, #tpu.memory_space<hbm>> -> memref<2048xf32, #tpu.memory_space<hbm>>
        tpu.wait_dma2 semaphore(%arg10 : memref<!tpu.dma_semaphore, #tpu.memory_space<semaphore_mem>>) src(%arg7 : memref<2048xf32, #tpu.memory_space<vmem>>) dst(%dma_wait3A_1232 : memref<2048xf32, #tpu.memory_space<hbm>>)
        %dma_wait3A_1233 = arith.constant 0 : i32
        %dma_wait3A_1234 = arith.constant 0 : i32
        %dma_wait3A_1235 = tpu.memref_slice %arg3[%dma_wait3A_1233, %dma_wait3A_1234] : memref<1024x32768xf32, #tpu.memory_space<hbm>> -> memref<1x2048xf32, #tpu.memory_space<hbm>>
        %dma_wait3A_1236 = tpu.memref_squeeze %dma_wait3A_1235 : memref<1x2048xf32, #tpu.memory_space<hbm>> -> memref<2048xf32, #tpu.memory_space<hbm>>
        %dma_wait3A_1237 = arith.constant 0 : i32
        %dma_wait3A_1238 = tpu.memref_slice %arg3[%dma_wait3A_1233, %dma_wait3A_1237] : memref<1024x32768xf32, #tpu.memory_space<hbm>> -> memref<1x2048xf32, #tpu.memory_space<hbm>>
        %dma_wait3A_1239 = tpu.memref_squeeze %dma_wait3A_1238 : memref<1x2048xf32, #tpu.memory_space<hbm>> -> memref<2048xf32, #tpu.memory_space<hbm>>
        tpu.wait_dma2 semaphore(%arg10 : memref<!tpu.dma_semaphore, #tpu.memory_space<semaphore_mem>>) src(%arg7 : memref<2048xf32, #tpu.memory_space<vmem>>) dst(%dma_wait3A_1239 : memref<2048xf32, #tpu.memory_space<hbm>>)
        %dma_wait3A_1240 = arith.constant 0 : i32
        %dma_wait3A_1241 = arith.constant 0 : i32
        %dma_wait3A_1242 = tpu.memref_slice %arg3[%dma_wait3A_1240, %dma_wait3A_1241] : memref<1024x32768xf32, #tpu.memory_space<hbm>> -> memref<1x2048xf32, #tpu.memory_space<hbm>>
        %dma_wait3A_1243 = tpu.memref_squeeze %dma_wait3A_1242 : memref<1x2048xf32, #tpu.memory_space<hbm>> -> memref<2048xf32, #tpu.memory_space<hbm>>
        %dma_wait3A_1244 = arith.constant 0 : i32
        %dma_wait3A_1245 = tpu.memref_slice %arg3[%dma_wait3A_1240, %dma_wait3A_1244] : memref<1024x32768xf32, #tpu.memory_space<hbm>> -> memref<1x2048xf32, #tpu.memory_space<hbm>>
        %dma_wait3A_1246 = tpu.memref_squeeze %dma_wait3A_1245 : memref<1x2048xf32, #tpu.memory_space<hbm>> -> memref<2048xf32, #tpu.memory_space<hbm>>
        tpu.wait_dma2 semaphore(%arg10 : memref<!tpu.dma_semaphore, #tpu.memory_space<semaphore_mem>>) src(%arg7 : memref<2048xf32, #tpu.memory_space<vmem>>) dst(%dma_wait3A_1246 : memref<2048xf32, #tpu.memory_space<hbm>>)
        %dma_wait3A_1247 = arith.constant 0 : i32
        %dma_wait3A_1248 = arith.constant 0 : i32
        %dma_wait3A_1249 = tpu.memref_slice %arg3[%dma_wait3A_1247, %dma_wait3A_1248] : memref<1024x32768xf32, #tpu.memory_space<hbm>> -> memref<1x2048xf32, #tpu.memory_space<hbm>>
        %dma_wait3A_1250 = tpu.memref_squeeze %dma_wait3A_1249 : memref<1x2048xf32, #tpu.memory_space<hbm>> -> memref<2048xf32, #tpu.memory_space<hbm>>
        %dma_wait3A_1251 = arith.constant 0 : i32
        %dma_wait3A_1252 = tpu.memref_slice %arg3[%dma_wait3A_1247, %dma_wait3A_1251] : memref<1024x32768xf32, #tpu.memory_space<hbm>> -> memref<1x2048xf32, #tpu.memory_space<hbm>>
        %dma_wait3A_1253 = tpu.memref_squeeze %dma_wait3A_1252 : memref<1x2048xf32, #tpu.memory_space<hbm>> -> memref<2048xf32, #tpu.memory_space<hbm>>
        tpu.wait_dma2 semaphore(%arg10 : memref<!tpu.dma_semaphore, #tpu.memory_space<semaphore_mem>>) src(%arg7 : memref<2048xf32, #tpu.memory_space<vmem>>) dst(%dma_wait3A_1253 : memref<2048xf32, #tpu.memory_space<hbm>>)
        %dma_wait3A_1254 = arith.constant 0 : i32
        %dma_wait3A_1255 = arith.constant 0 : i32
        %dma_wait3A_1256 = tpu.memref_slice %arg3[%dma_wait3A_1254, %dma_wait3A_1255] : memref<1024x32768xf32, #tpu.memory_space<hbm>> -> memref<1x2048xf32, #tpu.memory_space<hbm>>
        %dma_wait3A_1257 = tpu.memref_squeeze %dma_wait3A_1256 : memref<1x2048xf32, #tpu.memory_space<hbm>> -> memref<2048xf32, #tpu.memory_space<hbm>>
        %dma_wait3A_1258 = arith.constant 0 : i32
        %dma_wait3A_1259 = tpu.memref_slice %arg3[%dma_wait3A_1254, %dma_wait3A_1258] : memref<1024x32768xf32, #tpu.memory_space<hbm>> -> memref<1x2048xf32, #tpu.memory_space<hbm>>
        %dma_wait3A_1260 = tpu.memref_squeeze %dma_wait3A_1259 : memref<1x2048xf32, #tpu.memory_space<hbm>> -> memref<2048xf32, #tpu.memory_space<hbm>>
        tpu.wait_dma2 semaphore(%arg10 : memref<!tpu.dma_semaphore, #tpu.memory_space<semaphore_mem>>) src(%arg7 : memref<2048xf32, #tpu.memory_space<vmem>>) dst(%dma_wait3A_1260 : memref<2048xf32, #tpu.memory_space<hbm>>)
        %dma_wait3A_1261 = arith.constant 0 : i32
        %dma_wait3A_1262 = arith.constant 0 : i32
        %dma_wait3A_1263 = tpu.memref_slice %arg3[%dma_wait3A_1261, %dma_wait3A_1262] : memref<1024x32768xf32, #tpu.memory_space<hbm>> -> memref<1x2048xf32, #tpu.memory_space<hbm>>
        %dma_wait3A_1264 = tpu.memref_squeeze %dma_wait3A_1263 : memref<1x2048xf32, #tpu.memory_space<hbm>> -> memref<2048xf32, #tpu.memory_space<hbm>>
        %dma_wait3A_1265 = arith.constant 0 : i32
        %dma_wait3A_1266 = tpu.memref_slice %arg3[%dma_wait3A_1261, %dma_wait3A_1265] : memref<1024x32768xf32, #tpu.memory_space<hbm>> -> memref<1x2048xf32, #tpu.memory_space<hbm>>
        %dma_wait3A_1267 = tpu.memref_squeeze %dma_wait3A_1266 : memref<1x2048xf32, #tpu.memory_space<hbm>> -> memref<2048xf32, #tpu.memory_space<hbm>>
        tpu.wait_dma2 semaphore(%arg10 : memref<!tpu.dma_semaphore, #tpu.memory_space<semaphore_mem>>) src(%arg7 : memref<2048xf32, #tpu.memory_space<vmem>>) dst(%dma_wait3A_1267 : memref<2048xf32, #tpu.memory_space<hbm>>)
        %dma_wait3A_1268 = arith.constant 0 : i32
        %dma_wait3A_1269 = arith.constant 0 : i32
        %dma_wait3A_1270 = tpu.memref_slice %arg3[%dma_wait3A_1268, %dma_wait3A_1269] : memref<1024x32768xf32, #tpu.memory_space<hbm>> -> memref<1x2048xf32, #tpu.memory_space<hbm>>
        %dma_wait3A_1271 = tpu.memref_squeeze %dma_wait3A_1270 : memref<1x2048xf32, #tpu.memory_space<hbm>> -> memref<2048xf32, #tpu.memory_space<hbm>>
        %dma_wait3A_1272 = arith.constant 0 : i32
        %dma_wait3A_1273 = tpu.memref_slice %arg3[%dma_wait3A_1268, %dma_wait3A_1272] : memref<1024x32768xf32, #tpu.memory_space<hbm>> -> memref<1x2048xf32, #tpu.memory_space<hbm>>
        %dma_wait3A_1274 = tpu.memref_squeeze %dma_wait3A_1273 : memref<1x2048xf32, #tpu.memory_space<hbm>> -> memref<2048xf32, #tpu.memory_space<hbm>>
        tpu.wait_dma2 semaphore(%arg10 : memref<!tpu.dma_semaphore, #tpu.memory_space<semaphore_mem>>) src(%arg7 : memref<2048xf32, #tpu.memory_space<vmem>>) dst(%dma_wait3A_1274 : memref<2048xf32, #tpu.memory_space<hbm>>)
        %dma_wait3A_1275 = arith.constant 0 : i32
        %dma_wait3A_1276 = arith.constant 0 : i32
        %dma_wait3A_1277 = tpu.memref_slice %arg3[%dma_wait3A_1275, %dma_wait3A_1276] : memref<1024x32768xf32, #tpu.memory_space<hbm>> -> memref<1x2048xf32, #tpu.memory_space<hbm>>
        %dma_wait3A_1278 = tpu.memref_squeeze %dma_wait3A_1277 : memref<1x2048xf32, #tpu.memory_space<hbm>> -> memref<2048xf32, #tpu.memory_space<hbm>>
        %dma_wait3A_1279 = arith.constant 0 : i32
        %dma_wait3A_1280 = tpu.memref_slice %arg3[%dma_wait3A_1275, %dma_wait3A_1279] : memref<1024x32768xf32, #tpu.memory_space<hbm>> -> memref<1x2048xf32, #tpu.memory_space<hbm>>
        %dma_wait3A_1281 = tpu.memref_squeeze %dma_wait3A_1280 : memref<1x2048xf32, #tpu.memory_space<hbm>> -> memref<2048xf32, #tpu.memory_space<hbm>>
        tpu.wait_dma2 semaphore(%arg10 : memref<!tpu.dma_semaphore, #tpu.memory_space<semaphore_mem>>) src(%arg7 : memref<2048xf32, #tpu.memory_space<vmem>>) dst(%dma_wait3A_1281 : memref<2048xf32, #tpu.memory_space<hbm>>)
        %dma_wait3A_1282 = arith.constant 0 : i32
        %dma_wait3A_1283 = arith.constant 0 : i32
        %dma_wait3A_1284 = tpu.memref_slice %arg3[%dma_wait3A_1282, %dma_wait3A_1283] : memref<1024x32768xf32, #tpu.memory_space<hbm>> -> memref<1x2048xf32, #tpu.memory_space<hbm>>
        %dma_wait3A_1285 = tpu.memref_squeeze %dma_wait3A_1284 : memref<1x2048xf32, #tpu.memory_space<hbm>> -> memref<2048xf32, #tpu.memory_space<hbm>>
        %dma_wait3A_1286 = arith.constant 0 : i32
        %dma_wait3A_1287 = tpu.memref_slice %arg3[%dma_wait3A_1282, %dma_wait3A_1286] : memref<1024x32768xf32, #tpu.memory_space<hbm>> -> memref<1x2048xf32, #tpu.memory_space<hbm>>
        %dma_wait3A_1288 = tpu.memref_squeeze %dma_wait3A_1287 : memref<1x2048xf32, #tpu.memory_space<hbm>> -> memref<2048xf32, #tpu.memory_space<hbm>>
        tpu.wait_dma2 semaphore(%arg10 : memref<!tpu.dma_semaphore, #tpu.memory_space<semaphore_mem>>) src(%arg7 : memref<2048xf32, #tpu.memory_space<vmem>>) dst(%dma_wait3A_1288 : memref<2048xf32, #tpu.memory_space<hbm>>)
        %dma_wait3A_1289 = arith.constant 0 : i32
        %dma_wait3A_1290 = arith.constant 0 : i32
        %dma_wait3A_1291 = tpu.memref_slice %arg3[%dma_wait3A_1289, %dma_wait3A_1290] : memref<1024x32768xf32, #tpu.memory_space<hbm>> -> memref<1x2048xf32, #tpu.memory_space<hbm>>
        %dma_wait3A_1292 = tpu.memref_squeeze %dma_wait3A_1291 : memref<1x2048xf32, #tpu.memory_space<hbm>> -> memref<2048xf32, #tpu.memory_space<hbm>>
        %dma_wait3A_1293 = arith.constant 0 : i32
        %dma_wait3A_1294 = tpu.memref_slice %arg3[%dma_wait3A_1289, %dma_wait3A_1293] : memref<1024x32768xf32, #tpu.memory_space<hbm>> -> memref<1x2048xf32, #tpu.memory_space<hbm>>
        %dma_wait3A_1295 = tpu.memref_squeeze %dma_wait3A_1294 : memref<1x2048xf32, #tpu.memory_space<hbm>> -> memref<2048xf32, #tpu.memory_space<hbm>>
        tpu.wait_dma2 semaphore(%arg10 : memref<!tpu.dma_semaphore, #tpu.memory_space<semaphore_mem>>) src(%arg7 : memref<2048xf32, #tpu.memory_space<vmem>>) dst(%dma_wait3A_1295 : memref<2048xf32, #tpu.memory_space<hbm>>)
      } else {
      }
      %while3A_410 = arith.constant 0 : i32
      %while3A_411 = arith.constant 0 : i32
      %while3A_412 = arith.subi %convert_element_type3A_380, %while3A_411 : i32
      %while3A_413 = arith.addi %while3A_411, %while3A_412 : i32
      %while3A_414 = arith.constant 1 : i32
      %while3A_415 = arith.divsi %while3A_412, %while3A_414 : i32
      %while3A_416 = arith.muli %while3A_415, %while3A_414 : i32
      %while3A_417 = arith.addi %while3A_411, %while3A_416 : i32
      %while3A_418 = arith.constant 1 : i32
      scf.for %while3A_1184 = %while3A_411 to %while3A_417 step %while3A_418  : i32 {
        %broadcast_in_dim3A_1185 = vector.broadcast %while3A_1184 : i32 to vector<16xi32>
        %broadcast_in_dim3A_1186 = vector.shape_cast %broadcast_in_dim3A_1185 : vector<16xi32> to vector<16x1xi32>
        %gather3A_1187 = vector.shape_cast %broadcast_in_dim3A_1186 : vector<16x1xi32> to vector<16xi32>
        %gather3A_1188 = tpu.dynamic_gather %masked_sort3A_179[%gather3A_1187] in [0] : vector<16xi32>, vector<16xi32> -> vector<16xi32>
        %slice3A_1189 = vector.extract_strided_slice %gather3A_1188 {offsets = [0], sizes = [1], strides = [1]} : vector<16xi32> to vector<1xi32>
        %squeeze3A_1190 = vector.extract %slice3A_1189[0] : i32 from vector<1xi32>
        %mul3A_1191 = arith.constant 2048 : i32
        %mul3A_1192 = arith.muli %squeeze3A_1190, %mul3A_1191 : i32
        %scan3A_1193 = arith.constant 0 : i32
        %scan3A_1194 = arith.constant 32 : i32
        %scan3A_1195 = arith.addi %scan3A_1193, %scan3A_1194 : i32
        %scan3A_1196 = arith.constant 1 : i32
        scf.for %scan3A_1198 = %scan3A_1193 to %scan3A_1195 step %scan3A_1196  : i32 {
          %mul3A_1199 = arith.constant 4 : i32
          %mul3A_1200 = arith.muli %scan3A_1198, %mul3A_1199 : i32
          %mul3A_1201 = arith.constant 16 : i32
          %mul3A_1202 = arith.muli %mul3A_1200, %mul3A_1201 : i32
          %add3A_1203 = arith.addi %mul3A_1192, %mul3A_1202 : i32
          %add3A_1204 = arith.constant 0 : i32
          %add3A_1205 = arith.addi %add3A_1203, %add3A_1204 : i32
          %get3A = arith.index_cast %add3A_1205 : i32 to index
          %get3A_1206 = tpu.vector_load %arg4[%get3A] {strides = array<i32>} : memref<32768xf32, #tpu.memory_space<vmem>>, vector<16xf32>,
          %ge3A_1207 = arith.cmpf oge, %get3A_1206, %select_n3A_358 : vector<16xf32>
          %select_n3A_1208 = arith.select %ge3A_1207, %get3A_1206, %broadcast_in_dim3A_5 : vector<16xi1>, vector<16xf32>
          %mul3A_1209 = arith.mulf %select_n3A_1208, %div3A : vector<16xf32>
          %add3A_1210 = arith.constant 0 : i32
          %add3A_1211 = arith.addi %add3A_1203, %add3A_1210 : i32
          %swap3A = arith.index_cast %add3A_1211 : i32 to index
          %swap3A_1212 = tpu.vector_load %arg6[%swap3A] {strides = array<i32>} : memref<32768xf32, #tpu.memory_space<vmem>>, vector<16xf32>,
          tpu.vector_store %arg6[%swap3A], %mul3A_1209 {strides = array<i32>} : memref<32768xf32, #tpu.memory_space<vmem>>, vector<16xf32>,
          %add3A_1213 = arith.constant 16 : i32
          %add3A_1214 = arith.addi %add3A_1203, %add3A_1213 : i32
          %get3A_1215 = arith.index_cast %add3A_1214 : i32 to index
          %get3A_1216 = tpu.vector_load %arg4[%get3A_1215] {strides = array<i32>} : memref<32768xf32, #tpu.memory_space<vmem>>, vector<16xf32>,
          %ge3A_1217 = arith.cmpf oge, %get3A_1216, %select_n3A_358 : vector<16xf32>
          %select_n3A_1218 = arith.select %ge3A_1217, %get3A_1216, %broadcast_in_dim3A_5 : vector<16xi1>, vector<16xf32>
          %mul3A_1219 = arith.mulf %select_n3A_1218, %div3A : vector<16xf32>
          %add3A_1220 = arith.constant 16 : i32
          %add3A_1221 = arith.addi %add3A_1203, %add3A_1220 : i32
          %swap3A_1222 = arith.index_cast %add3A_1221 : i32 to index
          %swap3A_1223 = tpu.vector_load %arg6[%swap3A_1222] {strides = array<i32>} : memref<32768xf32, #tpu.memory_space<vmem>>, vector<16xf32>,
          tpu.vector_store %arg6[%swap3A_1222], %mul3A_1219 {strides = array<i32>} : memref<32768xf32, #tpu.memory_space<vmem>>, vector<16xf32>,
          %add3A_1224 = arith.constant 32 : i32
          %add3A_1225 = arith.addi %add3A_1203, %add3A_1224 : i32
          %get3A_1226 = arith.index_cast %add3A_1225 : i32 to index
          %get3A_1227 = tpu.vector_load %arg4[%get3A_1226] {strides = array<i32>} : memref<32768xf32, #tpu.memory_space<vmem>>, vector<16xf32>,
          %ge3A_1228 = arith.cmpf oge, %get3A_1227, %select_n3A_358 : vector<16xf32>
          %select_n3A_1229 = arith.select %ge3A_1228, %get3A_1227, %broadcast_in_dim3A_5 : vector<16xi1>, vector<16xf32>
          %mul3A_1230 = arith.mulf %select_n3A_1229, %div3A : vector<16xf32>
          %add3A_1231 = arith.constant 32 : i32
          %add3A_1232 = arith.addi %add3A_1203, %add3A_1231 : i32
          %swap3A_1233 = arith.index_cast %add3A_1232 : i32 to index
          %swap3A_1234 = tpu.vector_load %arg6[%swap3A_1233] {strides = array<i32>} : memref<32768xf32, #tpu.memory_space<vmem>>, vector<16xf32>,
          tpu.vector_store %arg6[%swap3A_1233], %mul3A_1230 {strides = array<i32>} : memref<32768xf32, #tpu.memory_space<vmem>>, vector<16xf32>,
          %add3A_1235 = arith.constant 48 : i32
          %add3A_1236 = arith.addi %add3A_1203, %add3A_1235 : i32
          %get3A_1237 = arith.index_cast %add3A_1236 : i32 to index
          %get3A_1238 = tpu.vector_load %arg4[%get3A_1237] {strides = array<i32>} : memref<32768xf32, #tpu.memory_space<vmem>>, vector<16xf32>,
          %ge3A_1239 = arith.cmpf oge, %get3A_1238, %select_n3A_358 : vector<16xf32>
          %select_n3A_1240 = arith.select %ge3A_1239, %get3A_1238, %broadcast_in_dim3A_5 : vector<16xi1>, vector<16xf32>
          %mul3A_1241 = arith.mulf %select_n3A_1240, %div3A : vector<16xf32>
          %add3A_1242 = arith.constant 48 : i32
          %add3A_1243 = arith.addi %add3A_1203, %add3A_1242 : i32
          %swap3A_1244 = arith.index_cast %add3A_1243 : i32 to index
          %swap3A_1245 = tpu.vector_load %arg6[%swap3A_1244] {strides = array<i32>} : memref<32768xf32, #tpu.memory_space<vmem>>, vector<16xf32>,
          tpu.vector_store %arg6[%swap3A_1244], %mul3A_1241 {strides = array<i32>} : memref<32768xf32, #tpu.memory_space<vmem>>, vector<16xf32>,
        }
        %scan3A_1197 = arith.constant 32 : i32
      }
      %while3A_419 = arith.constant 1 : i32
      scf.for %while3A_1184 = %while3A_417 to %while3A_413 step %while3A_419  : i32 {
        %broadcast_in_dim3A_1185 = vector.broadcast %while3A_1184 : i32 to vector<16xi32>
        %broadcast_in_dim3A_1186 = vector.shape_cast %broadcast_in_dim3A_1185 : vector<16xi32> to vector<16x1xi32>
        %gather3A_1187 = vector.shape_cast %broadcast_in_dim3A_1186 : vector<16x1xi32> to vector<16xi32>
        %gather3A_1188 = tpu.dynamic_gather %masked_sort3A_179[%gather3A_1187] in [0] : vector<16xi32>, vector<16xi32> -> vector<16xi32>
        %slice3A_1189 = vector.extract_strided_slice %gather3A_1188 {offsets = [0], sizes = [1], strides = [1]} : vector<16xi32> to vector<1xi32>
        %squeeze3A_1190 = vector.extract %slice3A_1189[0] : i32 from vector<1xi32>
        %mul3A_1191 = arith.constant 2048 : i32
        %mul3A_1192 = arith.muli %squeeze3A_1190, %mul3A_1191 : i32
        %scan3A_1193 = arith.constant 0 : i32
        %scan3A_1194 = arith.constant 32 : i32
        %scan3A_1195 = arith.addi %scan3A_1193, %scan3A_1194 : i32
        %scan3A_1196 = arith.constant 1 : i32
        scf.for %scan3A_1198 = %scan3A_1193 to %scan3A_1195 step %scan3A_1196  : i32 {
          %mul3A_1199 = arith.constant 4 : i32
          %mul3A_1200 = arith.muli %scan3A_1198, %mul3A_1199 : i32
          %mul3A_1201 = arith.constant 16 : i32
          %mul3A_1202 = arith.muli %mul3A_1200, %mul3A_1201 : i32
          %add3A_1203 = arith.addi %mul3A_1192, %mul3A_1202 : i32
          %add3A_1204 = arith.constant 0 : i32
          %add3A_1205 = arith.addi %add3A_1203, %add3A_1204 : i32
          %get3A = arith.index_cast %add3A_1205 : i32 to index
          %get3A_1206 = tpu.vector_load %arg4[%get3A] {strides = array<i32>} : memref<32768xf32, #tpu.memory_space<vmem>>, vector<16xf32>,
          %ge3A_1207 = arith.cmpf oge, %get3A_1206, %select_n3A_358 : vector<16xf32>
          %select_n3A_1208 = arith.select %ge3A_1207, %get3A_1206, %broadcast_in_dim3A_5 : vector<16xi1>, vector<16xf32>
          %mul3A_1209 = arith.mulf %select_n3A_1208, %div3A : vector<16xf32>
          %add3A_1210 = arith.constant 0 : i32
          %add3A_1211 = arith.addi %add3A_1203, %add3A_1210 : i32
          %swap3A = arith.index_cast %add3A_1211 : i32 to index
          %swap3A_1212 = tpu.vector_load %arg6[%swap3A] {strides = array<i32>} : memref<32768xf32, #tpu.memory_space<vmem>>, vector<16xf32>,
          tpu.vector_store %arg6[%swap3A], %mul3A_1209 {strides = array<i32>} : memref<32768xf32, #tpu.memory_space<vmem>>, vector<16xf32>,
          %add3A_1213 = arith.constant 16 : i32
          %add3A_1214 = arith.addi %add3A_1203, %add3A_1213 : i32
          %get3A_1215 = arith.index_cast %add3A_1214 : i32 to index
          %get3A_1216 = tpu.vector_load %arg4[%get3A_1215] {strides = array<i32>} : memref<32768xf32, #tpu.memory_space<vmem>>, vector<16xf32>,
          %ge3A_1217 = arith.cmpf oge, %get3A_1216, %select_n3A_358 : vector<16xf32>
          %select_n3A_1218 = arith.select %ge3A_1217, %get3A_1216, %broadcast_in_dim3A_5 : vector<16xi1>, vector<16xf32>
          %mul3A_1219 = arith.mulf %select_n3A_1218, %div3A : vector<16xf32>
          %add3A_1220 = arith.constant 16 : i32
          %add3A_1221 = arith.addi %add3A_1203, %add3A_1220 : i32
          %swap3A_1222 = arith.index_cast %add3A_1221 : i32 to index
          %swap3A_1223 = tpu.vector_load %arg6[%swap3A_1222] {strides = array<i32>} : memref<32768xf32, #tpu.memory_space<vmem>>, vector<16xf32>,
          tpu.vector_store %arg6[%swap3A_1222], %mul3A_1219 {strides = array<i32>} : memref<32768xf32, #tpu.memory_space<vmem>>, vector<16xf32>,
          %add3A_1224 = arith.constant 32 : i32
          %add3A_1225 = arith.addi %add3A_1203, %add3A_1224 : i32
          %get3A_1226 = arith.index_cast %add3A_1225 : i32 to index
          %get3A_1227 = tpu.vector_load %arg4[%get3A_1226] {strides = array<i32>} : memref<32768xf32, #tpu.memory_space<vmem>>, vector<16xf32>,
          %ge3A_1228 = arith.cmpf oge, %get3A_1227, %select_n3A_358 : vector<16xf32>
          %select_n3A_1229 = arith.select %ge3A_1228, %get3A_1227, %broadcast_in_dim3A_5 : vector<16xi1>, vector<16xf32>
          %mul3A_1230 = arith.mulf %select_n3A_1229, %div3A : vector<16xf32>
          %add3A_1231 = arith.constant 32 : i32
          %add3A_1232 = arith.addi %add3A_1203, %add3A_1231 : i32
          %swap3A_1233 = arith.index_cast %add3A_1232 : i32 to index
          %swap3A_1234 = tpu.vector_load %arg6[%swap3A_1233] {strides = array<i32>} : memref<32768xf32, #tpu.memory_space<vmem>>, vector<16xf32>,
          tpu.vector_store %arg6[%swap3A_1233], %mul3A_1230 {strides = array<i32>} : memref<32768xf32, #tpu.memory_space<vmem>>, vector<16xf32>,
          %add3A_1235 = arith.constant 48 : i32
          %add3A_1236 = arith.addi %add3A_1203, %add3A_1235 : i32
          %get3A_1237 = arith.index_cast %add3A_1236 : i32 to index
          %get3A_1238 = tpu.vector_load %arg4[%get3A_1237] {strides = array<i32>} : memref<32768xf32, #tpu.memory_space<vmem>>, vector<16xf32>,
          %ge3A_1239 = arith.cmpf oge, %get3A_1238, %select_n3A_358 : vector<16xf32>
          %select_n3A_1240 = arith.select %ge3A_1239, %get3A_1238, %broadcast_in_dim3A_5 : vector<16xi1>, vector<16xf32>
          %mul3A_1241 = arith.mulf %select_n3A_1240, %div3A : vector<16xf32>
          %add3A_1242 = arith.constant 48 : i32
          %add3A_1243 = arith.addi %add3A_1203, %add3A_1242 : i32
          %swap3A_1244 = arith.index_cast %add3A_1243 : i32 to index
          %swap3A_1245 = tpu.vector_load %arg6[%swap3A_1244] {strides = array<i32>} : memref<32768xf32, #tpu.memory_space<vmem>>, vector<16xf32>,
          tpu.vector_store %arg6[%swap3A_1244], %mul3A_1241 {strides = array<i32>} : memref<32768xf32, #tpu.memory_space<vmem>>, vector<16xf32>,
        }
        %scan3A_1197 = arith.constant 32 : i32
      }
      %slice3A_420 = vector.extract_strided_slice %select_n3A_358 {offsets = [0], sizes = [1], strides = [1]} : vector<16xf32> to vector<1xf32>
      %squeeze3A_421 = vector.extract %slice3A_420[0] : f32 from vector<1xf32>
      %broadcast_in_dim3A_422 = arith.constant 0 : i32
      %broadcast_in_dim3A_423 = vector.broadcast %broadcast_in_dim3A_422 : i32 to vector<16xi32>
      %broadcast_in_dim3A_424 = vector.shape_cast %broadcast_in_dim3A_423 : vector<16xi32> to vector<16x1xi32>
      %gather3A_425 = vector.shape_cast %broadcast_in_dim3A_424 : vector<16x1xi32> to vector<16xi32>
      %gather3A_426 = tpu.dynamic_gather %scan3A_175[%gather3A_425] in [0] : vector<16xf32>, vector<16xi32> -> vector<16xf32>
      %slice3A_427 = vector.extract_strided_slice %gather3A_426 {offsets = [0], sizes = [1], strides = [1]} : vector<16xf32> to vector<1xf32>
      %squeeze3A_428 = vector.extract %slice3A_427[0] : f32 from vector<1xf32>
      %ge3A_429 = arith.cmpf oge, %squeeze3A_428, %squeeze3A_421 : f32
      %convert_element_type3A_430 = arith.extui %ge3A_429 : i1 to i32
      %cond3A_431 = arith.constant 0 : i32
      %cond3A_432 = arith.cmpi ne, %convert_element_type3A_430, %cond3A_431 : i32
      scf.if %cond3A_432 {
        %dma_start3A_1184 = arith.constant 0 : i32
        %dma_start3A_1185 = tpu.memref_slice %arg6[%dma_start3A_1184] : memref<32768xf32, #tpu.memory_space<vmem>> -> memref<2048xf32, #tpu.memory_space<vmem>>
        %dma_start3A_1186 = arith.constant 0 : i32
        %dma_start3A_1187 = tpu.memref_slice %arg3[%add3A_157, %dma_start3A_1186] : memref<1024x32768xf32, #tpu.memory_space<hbm>> -> memref<1x2048xf32, #tpu.memory_space<hbm>>
        %dma_start3A_1188 = tpu.memref_squeeze %dma_start3A_1187 : memref<1x2048xf32, #tpu.memory_space<hbm>> -> memref<2048xf32, #tpu.memory_space<hbm>>
        %dma_start3A_1189 = arith.constant 0 : i32
        %dma_start3A_1190 = tpu.memref_slice %arg3[%add3A_157, %dma_start3A_1189] : memref<1024x32768xf32, #tpu.memory_space<hbm>> -> memref<1x2048xf32, #tpu.memory_space<hbm>>
        %dma_start3A_1191 = tpu.memref_squeeze %dma_start3A_1190 : memref<1x2048xf32, #tpu.memory_space<hbm>> -> memref<2048xf32, #tpu.memory_space<hbm>>
        %dma_start3A_1192 = arith.constant 0 : i32
        %dma_start3A_1193 = tpu.memref_slice %arg6[%dma_start3A_1192] : memref<32768xf32, #tpu.memory_space<vmem>> -> memref<2048xf32, #tpu.memory_space<vmem>>
        tpu.enqueue_dma source(%dma_start3A_1193 : memref<2048xf32, #tpu.memory_space<vmem>>) target(%dma_start3A_1191 : memref<2048xf32, #tpu.memory_space<hbm>>) target_semaphore(%arg10 : memref<!tpu.dma_semaphore, #tpu.memory_space<semaphore_mem>>)
      } else {
      }
      %lt3A_433 = arith.cmpf olt, %squeeze3A_428, %squeeze3A_421 : f32
      %convert_element_type3A_434 = arith.extui %lt3A_433 : i1 to i32
      %cond3A_435 = arith.constant 0 : i32
      %cond3A_436 = arith.cmpi ne, %convert_element_type3A_434, %cond3A_435 : i32
      scf.if %cond3A_436 {
        %dma_start3A_1184 = arith.constant 0 : i32
        %dma_start3A_1185 = tpu.memref_slice %arg3[%add3A_157, %dma_start3A_1184] : memref<1024x32768xf32, #tpu.memory_space<hbm>> -> memref<1x2048xf32, #tpu.memory_space<hbm>>
        %dma_start3A_1186 = tpu.memref_squeeze %dma_start3A_1185 : memref<1x2048xf32, #tpu.memory_space<hbm>> -> memref<2048xf32, #tpu.memory_space<hbm>>
        %dma_start3A_1187 = arith.constant 0 : i32
        %dma_start3A_1188 = tpu.memref_slice %arg3[%add3A_157, %dma_start3A_1187] : memref<1024x32768xf32, #tpu.memory_space<hbm>> -> memref<1x2048xf32, #tpu.memory_space<hbm>>
        %dma_start3A_1189 = tpu.memref_squeeze %dma_start3A_1188 : memref<1x2048xf32, #tpu.memory_space<hbm>> -> memref<2048xf32, #tpu.memory_space<hbm>>
        tpu.enqueue_dma source(%arg7 : memref<2048xf32, #tpu.memory_space<vmem>>) target(%dma_start3A_1189 : memref<2048xf32, #tpu.memory_space<hbm>>) target_semaphore(%arg10 : memref<!tpu.dma_semaphore, #tpu.memory_space<semaphore_mem>>)
      } else {
      }
      %broadcast_in_dim3A_437 = arith.constant 1 : i32
      %broadcast_in_dim3A_438 = vector.broadcast %broadcast_in_dim3A_437 : i32 to vector<16xi32>
      %broadcast_in_dim3A_439 = vector.shape_cast %broadcast_in_dim3A_438 : vector<16xi32> to vector<16x1xi32>
      %gather3A_440 = vector.shape_cast %broadcast_in_dim3A_439 : vector<16x1xi32> to vector<16xi32>
      %gather3A_441 = tpu.dynamic_gather %scan3A_175[%gather3A_440] in [0] : vector<16xf32>, vector<16xi32> -> vector<16xf32>
      %slice3A_442 = vector.extract_strided_slice %gather3A_441 {offsets = [0], sizes = [1], strides = [1]} : vector<16xf32> to vector<1xf32>
      %squeeze3A_443 = vector.extract %slice3A_442[0] : f32 from vector<1xf32>
      %ge3A_444 = arith.cmpf oge, %squeeze3A_443, %squeeze3A_421 : f32
      %convert_element_type3A_445 = arith.extui %ge3A_444 : i1 to i32
      %cond3A_446 = arith.constant 0 : i32
      %cond3A_447 = arith.cmpi ne, %convert_element_type3A_445, %cond3A_446 : i32
      scf.if %cond3A_447 {
        %dma_start3A_1184 = arith.constant 2048 : i32
        %dma_start3A_1185 = tpu.memref_slice %arg6[%dma_start3A_1184] : memref<32768xf32, #tpu.memory_space<vmem>> -> memref<2048xf32, #tpu.memory_space<vmem>>
        %dma_start3A_1186 = arith.constant 2048 : i32
        %dma_start3A_1187 = tpu.memref_slice %arg3[%add3A_157, %dma_start3A_1186] : memref<1024x32768xf32, #tpu.memory_space<hbm>> -> memref<1x2048xf32, #tpu.memory_space<hbm>>
        %dma_start3A_1188 = tpu.memref_squeeze %dma_start3A_1187 : memref<1x2048xf32, #tpu.memory_space<hbm>> -> memref<2048xf32, #tpu.memory_space<hbm>>
        %dma_start3A_1189 = arith.constant 2048 : i32
        %dma_start3A_1190 = tpu.memref_slice %arg3[%add3A_157, %dma_start3A_1189] : memref<1024x32768xf32, #tpu.memory_space<hbm>> -> memref<1x2048xf32, #tpu.memory_space<hbm>>
        %dma_start3A_1191 = tpu.memref_squeeze %dma_start3A_1190 : memref<1x2048xf32, #tpu.memory_space<hbm>> -> memref<2048xf32, #tpu.memory_space<hbm>>
        %dma_start3A_1192 = arith.constant 2048 : i32
        %dma_start3A_1193 = tpu.memref_slice %arg6[%dma_start3A_1192] : memref<32768xf32, #tpu.memory_space<vmem>> -> memref<2048xf32, #tpu.memory_space<vmem>>
        tpu.enqueue_dma source(%dma_start3A_1193 : memref<2048xf32, #tpu.memory_space<vmem>>) target(%dma_start3A_1191 : memref<2048xf32, #tpu.memory_space<hbm>>) target_semaphore(%arg10 : memref<!tpu.dma_semaphore, #tpu.memory_space<semaphore_mem>>)
      } else {
      }
      %lt3A_448 = arith.cmpf olt, %squeeze3A_443, %squeeze3A_421 : f32
      %convert_element_type3A_449 = arith.extui %lt3A_448 : i1 to i32
      %cond3A_450 = arith.constant 0 : i32
      %cond3A_451 = arith.cmpi ne, %convert_element_type3A_449, %cond3A_450 : i32
      scf.if %cond3A_451 {
        %dma_start3A_1184 = arith.constant 2048 : i32
        %dma_start3A_1185 = tpu.memref_slice %arg3[%add3A_157, %dma_start3A_1184] : memref<1024x32768xf32, #tpu.memory_space<hbm>> -> memref<1x2048xf32, #tpu.memory_space<hbm>>
        %dma_start3A_1186 = tpu.memref_squeeze %dma_start3A_1185 : memref<1x2048xf32, #tpu.memory_space<hbm>> -> memref<2048xf32, #tpu.memory_space<hbm>>
        %dma_start3A_1187 = arith.constant 2048 : i32
        %dma_start3A_1188 = tpu.memref_slice %arg3[%add3A_157, %dma_start3A_1187] : memref<1024x32768xf32, #tpu.memory_space<hbm>> -> memref<1x2048xf32, #tpu.memory_space<hbm>>
        %dma_start3A_1189 = tpu.memref_squeeze %dma_start3A_1188 : memref<1x2048xf32, #tpu.memory_space<hbm>> -> memref<2048xf32, #tpu.memory_space<hbm>>
        tpu.enqueue_dma source(%arg7 : memref<2048xf32, #tpu.memory_space<vmem>>) target(%dma_start3A_1189 : memref<2048xf32, #tpu.memory_space<hbm>>) target_semaphore(%arg10 : memref<!tpu.dma_semaphore, #tpu.memory_space<semaphore_mem>>)
      } else {
      }
      %broadcast_in_dim3A_452 = arith.constant 2 : i32
      %broadcast_in_dim3A_453 = vector.broadcast %broadcast_in_dim3A_452 : i32 to vector<16xi32>
      %broadcast_in_dim3A_454 = vector.shape_cast %broadcast_in_dim3A_453 : vector<16xi32> to vector<16x1xi32>
      %gather3A_455 = vector.shape_cast %broadcast_in_dim3A_454 : vector<16x1xi32> to vector<16xi32>
      %gather3A_456 = tpu.dynamic_gather %scan3A_175[%gather3A_455] in [0] : vector<16xf32>, vector<16xi32> -> vector<16xf32>
      %slice3A_457 = vector.extract_strided_slice %gather3A_456 {offsets = [0], sizes = [1], strides = [1]} : vector<16xf32> to vector<1xf32>
      %squeeze3A_458 = vector.extract %slice3A_457[0] : f32 from vector<1xf32>
      %ge3A_459 = arith.cmpf oge, %squeeze3A_458, %squeeze3A_421 : f32
      %convert_element_type3A_460 = arith.extui %ge3A_459 : i1 to i32
      %cond3A_461 = arith.constant 0 : i32
      %cond3A_462 = arith.cmpi ne, %convert_element_type3A_460, %cond3A_461 : i32
      scf.if %cond3A_462 {
        %dma_start3A_1184 = arith.constant 4096 : i32
        %dma_start3A_1185 = tpu.memref_slice %arg6[%dma_start3A_1184] : memref<32768xf32, #tpu.memory_space<vmem>> -> memref<2048xf32, #tpu.memory_space<vmem>>
        %dma_start3A_1186 = arith.constant 4096 : i32
        %dma_start3A_1187 = tpu.memref_slice %arg3[%add3A_157, %dma_start3A_1186] : memref<1024x32768xf32, #tpu.memory_space<hbm>> -> memref<1x2048xf32, #tpu.memory_space<hbm>>
        %dma_start3A_1188 = tpu.memref_squeeze %dma_start3A_1187 : memref<1x2048xf32, #tpu.memory_space<hbm>> -> memref<2048xf32, #tpu.memory_space<hbm>>
        %dma_start3A_1189 = arith.constant 4096 : i32
        %dma_start3A_1190 = tpu.memref_slice %arg3[%add3A_157, %dma_start3A_1189] : memref<1024x32768xf32, #tpu.memory_space<hbm>> -> memref<1x2048xf32, #tpu.memory_space<hbm>>
        %dma_start3A_1191 = tpu.memref_squeeze %dma_start3A_1190 : memref<1x2048xf32, #tpu.memory_space<hbm>> -> memref<2048xf32, #tpu.memory_space<hbm>>
        %dma_start3A_1192 = arith.constant 4096 : i32
        %dma_start3A_1193 = tpu.memref_slice %arg6[%dma_start3A_1192] : memref<32768xf32, #tpu.memory_space<vmem>> -> memref<2048xf32, #tpu.memory_space<vmem>>
        tpu.enqueue_dma source(%dma_start3A_1193 : memref<2048xf32, #tpu.memory_space<vmem>>) target(%dma_start3A_1191 : memref<2048xf32, #tpu.memory_space<hbm>>) target_semaphore(%arg10 : memref<!tpu.dma_semaphore, #tpu.memory_space<semaphore_mem>>)
      } else {
      }
      %lt3A_463 = arith.cmpf olt, %squeeze3A_458, %squeeze3A_421 : f32
      %convert_element_type3A_464 = arith.extui %lt3A_463 : i1 to i32
      %cond3A_465 = arith.constant 0 : i32
      %cond3A_466 = arith.cmpi ne, %convert_element_type3A_464, %cond3A_465 : i32
      scf.if %cond3A_466 {
        %dma_start3A_1184 = arith.constant 4096 : i32
        %dma_start3A_1185 = tpu.memref_slice %arg3[%add3A_157, %dma_start3A_1184] : memref<1024x32768xf32, #tpu.memory_space<hbm>> -> memref<1x2048xf32, #tpu.memory_space<hbm>>
        %dma_start3A_1186 = tpu.memref_squeeze %dma_start3A_1185 : memref<1x2048xf32, #tpu.memory_space<hbm>> -> memref<2048xf32, #tpu.memory_space<hbm>>
        %dma_start3A_1187 = arith.constant 4096 : i32
        %dma_start3A_1188 = tpu.memref_slice %arg3[%add3A_157, %dma_start3A_1187] : memref<1024x32768xf32, #tpu.memory_space<hbm>> -> memref<1x2048xf32, #tpu.memory_space<hbm>>
        %dma_start3A_1189 = tpu.memref_squeeze %dma_start3A_1188 : memref<1x2048xf32, #tpu.memory_space<hbm>> -> memref<2048xf32, #tpu.memory_space<hbm>>
        tpu.enqueue_dma source(%arg7 : memref<2048xf32, #tpu.memory_space<vmem>>) target(%dma_start3A_1189 : memref<2048xf32, #tpu.memory_space<hbm>>) target_semaphore(%arg10 : memref<!tpu.dma_semaphore, #tpu.memory_space<semaphore_mem>>)
      } else {
      }
      %broadcast_in_dim3A_467 = arith.constant 3 : i32
      %broadcast_in_dim3A_468 = vector.broadcast %broadcast_in_dim3A_467 : i32 to vector<16xi32>
      %broadcast_in_dim3A_469 = vector.shape_cast %broadcast_in_dim3A_468 : vector<16xi32> to vector<16x1xi32>
      %gather3A_470 = vector.shape_cast %broadcast_in_dim3A_469 : vector<16x1xi32> to vector<16xi32>
      %gather3A_471 = tpu.dynamic_gather %scan3A_175[%gather3A_470] in [0] : vector<16xf32>, vector<16xi32> -> vector<16xf32>
      %slice3A_472 = vector.extract_strided_slice %gather3A_471 {offsets = [0], sizes = [1], strides = [1]} : vector<16xf32> to vector<1xf32>
      %squeeze3A_473 = vector.extract %slice3A_472[0] : f32 from vector<1xf32>
      %ge3A_474 = arith.cmpf oge, %squeeze3A_473, %squeeze3A_421 : f32
      %convert_element_type3A_475 = arith.extui %ge3A_474 : i1 to i32
      %cond3A_476 = arith.constant 0 : i32
      %cond3A_477 = arith.cmpi ne, %convert_element_type3A_475, %cond3A_476 : i32
      scf.if %cond3A_477 {
        %dma_start3A_1184 = arith.constant 6144 : i32
        %dma_start3A_1185 = tpu.memref_slice %arg6[%dma_start3A_1184] : memref<32768xf32, #tpu.memory_space<vmem>> -> memref<2048xf32, #tpu.memory_space<vmem>>
        %dma_start3A_1186 = arith.constant 6144 : i32
        %dma_start3A_1187 = tpu.memref_slice %arg3[%add3A_157, %dma_start3A_1186] : memref<1024x32768xf32, #tpu.memory_space<hbm>> -> memref<1x2048xf32, #tpu.memory_space<hbm>>
        %dma_start3A_1188 = tpu.memref_squeeze %dma_start3A_1187 : memref<1x2048xf32, #tpu.memory_space<hbm>> -> memref<2048xf32, #tpu.memory_space<hbm>>
        %dma_start3A_1189 = arith.constant 6144 : i32
        %dma_start3A_1190 = tpu.memref_slice %arg3[%add3A_157, %dma_start3A_1189] : memref<1024x32768xf32, #tpu.memory_space<hbm>> -> memref<1x2048xf32, #tpu.memory_space<hbm>>
        %dma_start3A_1191 = tpu.memref_squeeze %dma_start3A_1190 : memref<1x2048xf32, #tpu.memory_space<hbm>> -> memref<2048xf32, #tpu.memory_space<hbm>>
        %dma_start3A_1192 = arith.constant 6144 : i32
        %dma_start3A_1193 = tpu.memref_slice %arg6[%dma_start3A_1192] : memref<32768xf32, #tpu.memory_space<vmem>> -> memref<2048xf32, #tpu.memory_space<vmem>>
        tpu.enqueue_dma source(%dma_start3A_1193 : memref<2048xf32, #tpu.memory_space<vmem>>) target(%dma_start3A_1191 : memref<2048xf32, #tpu.memory_space<hbm>>) target_semaphore(%arg10 : memref<!tpu.dma_semaphore, #tpu.memory_space<semaphore_mem>>)
      } else {
      }
      %lt3A_478 = arith.cmpf olt, %squeeze3A_473, %squeeze3A_421 : f32
      %convert_element_type3A_479 = arith.extui %lt3A_478 : i1 to i32
      %cond3A_480 = arith.constant 0 : i32
      %cond3A_481 = arith.cmpi ne, %convert_element_type3A_479, %cond3A_480 : i32
      scf.if %cond3A_481 {
        %dma_start3A_1184 = arith.constant 6144 : i32
        %dma_start3A_1185 = tpu.memref_slice %arg3[%add3A_157, %dma_start3A_1184] : memref<1024x32768xf32, #tpu.memory_space<hbm>> -> memref<1x2048xf32, #tpu.memory_space<hbm>>
        %dma_start3A_1186 = tpu.memref_squeeze %dma_start3A_1185 : memref<1x2048xf32, #tpu.memory_space<hbm>> -> memref<2048xf32, #tpu.memory_space<hbm>>
        %dma_start3A_1187 = arith.constant 6144 : i32
        %dma_start3A_1188 = tpu.memref_slice %arg3[%add3A_157, %dma_start3A_1187] : memref<1024x32768xf32, #tpu.memory_space<hbm>> -> memref<1x2048xf32, #tpu.memory_space<hbm>>
        %dma_start3A_1189 = tpu.memref_squeeze %dma_start3A_1188 : memref<1x2048xf32, #tpu.memory_space<hbm>> -> memref<2048xf32, #tpu.memory_space<hbm>>
        tpu.enqueue_dma source(%arg7 : memref<2048xf32, #tpu.memory_space<vmem>>) target(%dma_start3A_1189 : memref<2048xf32, #tpu.memory_space<hbm>>) target_semaphore(%arg10 : memref<!tpu.dma_semaphore, #tpu.memory_space<semaphore_mem>>)
      } else {
      }
      %broadcast_in_dim3A_482 = arith.constant 4 : i32
      %broadcast_in_dim3A_483 = vector.broadcast %broadcast_in_dim3A_482 : i32 to vector<16xi32>
      %broadcast_in_dim3A_484 = vector.shape_cast %broadcast_in_dim3A_483 : vector<16xi32> to vector<16x1xi32>
      %gather3A_485 = vector.shape_cast %broadcast_in_dim3A_484 : vector<16x1xi32> to vector<16xi32>
      %gather3A_486 = tpu.dynamic_gather %scan3A_175[%gather3A_485] in [0] : vector<16xf32>, vector<16xi32> -> vector<16xf32>
      %slice3A_487 = vector.extract_strided_slice %gather3A_486 {offsets = [0], sizes = [1], strides = [1]} : vector<16xf32> to vector<1xf32>
      %squeeze3A_488 = vector.extract %slice3A_487[0] : f32 from vector<1xf32>
      %ge3A_489 = arith.cmpf oge, %squeeze3A_488, %squeeze3A_421 : f32
      %convert_element_type3A_490 = arith.extui %ge3A_489 : i1 to i32
      %cond3A_491 = arith.constant 0 : i32
      %cond3A_492 = arith.cmpi ne, %convert_element_type3A_490, %cond3A_491 : i32
      scf.if %cond3A_492 {
        %dma_start3A_1184 = arith.constant 8192 : i32
        %dma_start3A_1185 = tpu.memref_slice %arg6[%dma_start3A_1184] : memref<32768xf32, #tpu.memory_space<vmem>> -> memref<2048xf32, #tpu.memory_space<vmem>>
        %dma_start3A_1186 = arith.constant 8192 : i32
        %dma_start3A_1187 = tpu.memref_slice %arg3[%add3A_157, %dma_start3A_1186] : memref<1024x32768xf32, #tpu.memory_space<hbm>> -> memref<1x2048xf32, #tpu.memory_space<hbm>>
        %dma_start3A_1188 = tpu.memref_squeeze %dma_start3A_1187 : memref<1x2048xf32, #tpu.memory_space<hbm>> -> memref<2048xf32, #tpu.memory_space<hbm>>
        %dma_start3A_1189 = arith.constant 8192 : i32
        %dma_start3A_1190 = tpu.memref_slice %arg3[%add3A_157, %dma_start3A_1189] : memref<1024x32768xf32, #tpu.memory_space<hbm>> -> memref<1x2048xf32, #tpu.memory_space<hbm>>
        %dma_start3A_1191 = tpu.memref_squeeze %dma_start3A_1190 : memref<1x2048xf32, #tpu.memory_space<hbm>> -> memref<2048xf32, #tpu.memory_space<hbm>>
        %dma_start3A_1192 = arith.constant 8192 : i32
        %dma_start3A_1193 = tpu.memref_slice %arg6[%dma_start3A_1192] : memref<32768xf32, #tpu.memory_space<vmem>> -> memref<2048xf32, #tpu.memory_space<vmem>>
        tpu.enqueue_dma source(%dma_start3A_1193 : memref<2048xf32, #tpu.memory_space<vmem>>) target(%dma_start3A_1191 : memref<2048xf32, #tpu.memory_space<hbm>>) target_semaphore(%arg10 : memref<!tpu.dma_semaphore, #tpu.memory_space<semaphore_mem>>)
      } else {
      }
      %lt3A_493 = arith.cmpf olt, %squeeze3A_488, %squeeze3A_421 : f32
      %convert_element_type3A_494 = arith.extui %lt3A_493 : i1 to i32
      %cond3A_495 = arith.constant 0 : i32
      %cond3A_496 = arith.cmpi ne, %convert_element_type3A_494, %cond3A_495 : i32
      scf.if %cond3A_496 {
        %dma_start3A_1184 = arith.constant 8192 : i32
        %dma_start3A_1185 = tpu.memref_slice %arg3[%add3A_157, %dma_start3A_1184] : memref<1024x32768xf32, #tpu.memory_space<hbm>> -> memref<1x2048xf32, #tpu.memory_space<hbm>>
        %dma_start3A_1186 = tpu.memref_squeeze %dma_start3A_1185 : memref<1x2048xf32, #tpu.memory_space<hbm>> -> memref<2048xf32, #tpu.memory_space<hbm>>
        %dma_start3A_1187 = arith.constant 8192 : i32
        %dma_start3A_1188 = tpu.memref_slice %arg3[%add3A_157, %dma_start3A_1187] : memref<1024x32768xf32, #tpu.memory_space<hbm>> -> memref<1x2048xf32, #tpu.memory_space<hbm>>
        %dma_start3A_1189 = tpu.memref_squeeze %dma_start3A_1188 : memref<1x2048xf32, #tpu.memory_space<hbm>> -> memref<2048xf32, #tpu.memory_space<hbm>>
        tpu.enqueue_dma source(%arg7 : memref<2048xf32, #tpu.memory_space<vmem>>) target(%dma_start3A_1189 : memref<2048xf32, #tpu.memory_space<hbm>>) target_semaphore(%arg10 : memref<!tpu.dma_semaphore, #tpu.memory_space<semaphore_mem>>)
      } else {
      }
      %broadcast_in_dim3A_497 = arith.constant 5 : i32
      %broadcast_in_dim3A_498 = vector.broadcast %broadcast_in_dim3A_497 : i32 to vector<16xi32>
      %broadcast_in_dim3A_499 = vector.shape_cast %broadcast_in_dim3A_498 : vector<16xi32> to vector<16x1xi32>
      %gather3A_500 = vector.shape_cast %broadcast_in_dim3A_499 : vector<16x1xi32> to vector<16xi32>
      %gather3A_501 = tpu.dynamic_gather %scan3A_175[%gather3A_500] in [0] : vector<16xf32>, vector<16xi32> -> vector<16xf32>
      %slice3A_502 = vector.extract_strided_slice %gather3A_501 {offsets = [0], sizes = [1], strides = [1]} : vector<16xf32> to vector<1xf32>
      %squeeze3A_503 = vector.extract %slice3A_502[0] : f32 from vector<1xf32>
      %ge3A_504 = arith.cmpf oge, %squeeze3A_503, %squeeze3A_421 : f32
      %convert_element_type3A_505 = arith.extui %ge3A_504 : i1 to i32
      %cond3A_506 = arith.constant 0 : i32
      %cond3A_507 = arith.cmpi ne, %convert_element_type3A_505, %cond3A_506 : i32
      scf.if %cond3A_507 {
        %dma_start3A_1184 = arith.constant 10240 : i32
        %dma_start3A_1185 = tpu.memref_slice %arg6[%dma_start3A_1184] : memref<32768xf32, #tpu.memory_space<vmem>> -> memref<2048xf32, #tpu.memory_space<vmem>>
        %dma_start3A_1186 = arith.constant 10240 : i32
        %dma_start3A_1187 = tpu.memref_slice %arg3[%add3A_157, %dma_start3A_1186] : memref<1024x32768xf32, #tpu.memory_space<hbm>> -> memref<1x2048xf32, #tpu.memory_space<hbm>>
        %dma_start3A_1188 = tpu.memref_squeeze %dma_start3A_1187 : memref<1x2048xf32, #tpu.memory_space<hbm>> -> memref<2048xf32, #tpu.memory_space<hbm>>
        %dma_start3A_1189 = arith.constant 10240 : i32
        %dma_start3A_1190 = tpu.memref_slice %arg3[%add3A_157, %dma_start3A_1189] : memref<1024x32768xf32, #tpu.memory_space<hbm>> -> memref<1x2048xf32, #tpu.memory_space<hbm>>
        %dma_start3A_1191 = tpu.memref_squeeze %dma_start3A_1190 : memref<1x2048xf32, #tpu.memory_space<hbm>> -> memref<2048xf32, #tpu.memory_space<hbm>>
        %dma_start3A_1192 = arith.constant 10240 : i32
        %dma_start3A_1193 = tpu.memref_slice %arg6[%dma_start3A_1192] : memref<32768xf32, #tpu.memory_space<vmem>> -> memref<2048xf32, #tpu.memory_space<vmem>>
        tpu.enqueue_dma source(%dma_start3A_1193 : memref<2048xf32, #tpu.memory_space<vmem>>) target(%dma_start3A_1191 : memref<2048xf32, #tpu.memory_space<hbm>>) target_semaphore(%arg10 : memref<!tpu.dma_semaphore, #tpu.memory_space<semaphore_mem>>)
      } else {
      }
      %lt3A_508 = arith.cmpf olt, %squeeze3A_503, %squeeze3A_421 : f32
      %convert_element_type3A_509 = arith.extui %lt3A_508 : i1 to i32
      %cond3A_510 = arith.constant 0 : i32
      %cond3A_511 = arith.cmpi ne, %convert_element_type3A_509, %cond3A_510 : i32
      scf.if %cond3A_511 {
        %dma_start3A_1184 = arith.constant 10240 : i32
        %dma_start3A_1185 = tpu.memref_slice %arg3[%add3A_157, %dma_start3A_1184] : memref<1024x32768xf32, #tpu.memory_space<hbm>> -> memref<1x2048xf32, #tpu.memory_space<hbm>>
        %dma_start3A_1186 = tpu.memref_squeeze %dma_start3A_1185 : memref<1x2048xf32, #tpu.memory_space<hbm>> -> memref<2048xf32, #tpu.memory_space<hbm>>
        %dma_start3A_1187 = arith.constant 10240 : i32
        %dma_start3A_1188 = tpu.memref_slice %arg3[%add3A_157, %dma_start3A_1187] : memref<1024x32768xf32, #tpu.memory_space<hbm>> -> memref<1x2048xf32, #tpu.memory_space<hbm>>
        %dma_start3A_1189 = tpu.memref_squeeze %dma_start3A_1188 : memref<1x2048xf32, #tpu.memory_space<hbm>> -> memref<2048xf32, #tpu.memory_space<hbm>>
        tpu.enqueue_dma source(%arg7 : memref<2048xf32, #tpu.memory_space<vmem>>) target(%dma_start3A_1189 : memref<2048xf32, #tpu.memory_space<hbm>>) target_semaphore(%arg10 : memref<!tpu.dma_semaphore, #tpu.memory_space<semaphore_mem>>)
      } else {
      }
      %broadcast_in_dim3A_512 = arith.constant 6 : i32
      %broadcast_in_dim3A_513 = vector.broadcast %broadcast_in_dim3A_512 : i32 to vector<16xi32>
      %broadcast_in_dim3A_514 = vector.shape_cast %broadcast_in_dim3A_513 : vector<16xi32> to vector<16x1xi32>
      %gather3A_515 = vector.shape_cast %broadcast_in_dim3A_514 : vector<16x1xi32> to vector<16xi32>
      %gather3A_516 = tpu.dynamic_gather %scan3A_175[%gather3A_515] in [0] : vector<16xf32>, vector<16xi32> -> vector<16xf32>
      %slice3A_517 = vector.extract_strided_slice %gather3A_516 {offsets = [0], sizes = [1], strides = [1]} : vector<16xf32> to vector<1xf32>
      %squeeze3A_518 = vector.extract %slice3A_517[0] : f32 from vector<1xf32>
      %ge3A_519 = arith.cmpf oge, %squeeze3A_518, %squeeze3A_421 : f32
      %convert_element_type3A_520 = arith.extui %ge3A_519 : i1 to i32
      %cond3A_521 = arith.constant 0 : i32
      %cond3A_522 = arith.cmpi ne, %convert_element_type3A_520, %cond3A_521 : i32
      scf.if %cond3A_522 {
        %dma_start3A_1184 = arith.constant 12288 : i32
        %dma_start3A_1185 = tpu.memref_slice %arg6[%dma_start3A_1184] : memref<32768xf32, #tpu.memory_space<vmem>> -> memref<2048xf32, #tpu.memory_space<vmem>>
        %dma_start3A_1186 = arith.constant 12288 : i32
        %dma_start3A_1187 = tpu.memref_slice %arg3[%add3A_157, %dma_start3A_1186] : memref<1024x32768xf32, #tpu.memory_space<hbm>> -> memref<1x2048xf32, #tpu.memory_space<hbm>>
        %dma_start3A_1188 = tpu.memref_squeeze %dma_start3A_1187 : memref<1x2048xf32, #tpu.memory_space<hbm>> -> memref<2048xf32, #tpu.memory_space<hbm>>
        %dma_start3A_1189 = arith.constant 12288 : i32
        %dma_start3A_1190 = tpu.memref_slice %arg3[%add3A_157, %dma_start3A_1189] : memref<1024x32768xf32, #tpu.memory_space<hbm>> -> memref<1x2048xf32, #tpu.memory_space<hbm>>
        %dma_start3A_1191 = tpu.memref_squeeze %dma_start3A_1190 : memref<1x2048xf32, #tpu.memory_space<hbm>> -> memref<2048xf32, #tpu.memory_space<hbm>>
        %dma_start3A_1192 = arith.constant 12288 : i32
        %dma_start3A_1193 = tpu.memref_slice %arg6[%dma_start3A_1192] : memref<32768xf32, #tpu.memory_space<vmem>> -> memref<2048xf32, #tpu.memory_space<vmem>>
        tpu.enqueue_dma source(%dma_start3A_1193 : memref<2048xf32, #tpu.memory_space<vmem>>) target(%dma_start3A_1191 : memref<2048xf32, #tpu.memory_space<hbm>>) target_semaphore(%arg10 : memref<!tpu.dma_semaphore, #tpu.memory_space<semaphore_mem>>)
      } else {
      }
      %lt3A_523 = arith.cmpf olt, %squeeze3A_518, %squeeze3A_421 : f32
      %convert_element_type3A_524 = arith.extui %lt3A_523 : i1 to i32
      %cond3A_525 = arith.constant 0 : i32
      %cond3A_526 = arith.cmpi ne, %convert_element_type3A_524, %cond3A_525 : i32
      scf.if %cond3A_526 {
        %dma_start3A_1184 = arith.constant 12288 : i32
        %dma_start3A_1185 = tpu.memref_slice %arg3[%add3A_157, %dma_start3A_1184] : memref<1024x32768xf32, #tpu.memory_space<hbm>> -> memref<1x2048xf32, #tpu.memory_space<hbm>>
        %dma_start3A_1186 = tpu.memref_squeeze %dma_start3A_1185 : memref<1x2048xf32, #tpu.memory_space<hbm>> -> memref<2048xf32, #tpu.memory_space<hbm>>
        %dma_start3A_1187 = arith.constant 12288 : i32
        %dma_start3A_1188 = tpu.memref_slice %arg3[%add3A_157, %dma_start3A_1187] : memref<1024x32768xf32, #tpu.memory_space<hbm>> -> memref<1x2048xf32, #tpu.memory_space<hbm>>
        %dma_start3A_1189 = tpu.memref_squeeze %dma_start3A_1188 : memref<1x2048xf32, #tpu.memory_space<hbm>> -> memref<2048xf32, #tpu.memory_space<hbm>>
        tpu.enqueue_dma source(%arg7 : memref<2048xf32, #tpu.memory_space<vmem>>) target(%dma_start3A_1189 : memref<2048xf32, #tpu.memory_space<hbm>>) target_semaphore(%arg10 : memref<!tpu.dma_semaphore, #tpu.memory_space<semaphore_mem>>)
      } else {
      }
      %broadcast_in_dim3A_527 = arith.constant 7 : i32
      %broadcast_in_dim3A_528 = vector.broadcast %broadcast_in_dim3A_527 : i32 to vector<16xi32>
      %broadcast_in_dim3A_529 = vector.shape_cast %broadcast_in_dim3A_528 : vector<16xi32> to vector<16x1xi32>
      %gather3A_530 = vector.shape_cast %broadcast_in_dim3A_529 : vector<16x1xi32> to vector<16xi32>
      %gather3A_531 = tpu.dynamic_gather %scan3A_175[%gather3A_530] in [0] : vector<16xf32>, vector<16xi32> -> vector<16xf32>
      %slice3A_532 = vector.extract_strided_slice %gather3A_531 {offsets = [0], sizes = [1], strides = [1]} : vector<16xf32> to vector<1xf32>
      %squeeze3A_533 = vector.extract %slice3A_532[0] : f32 from vector<1xf32>
      %ge3A_534 = arith.cmpf oge, %squeeze3A_533, %squeeze3A_421 : f32
      %convert_element_type3A_535 = arith.extui %ge3A_534 : i1 to i32
      %cond3A_536 = arith.constant 0 : i32
      %cond3A_537 = arith.cmpi ne, %convert_element_type3A_535, %cond3A_536 : i32
      scf.if %cond3A_537 {
        %dma_start3A_1184 = arith.constant 14336 : i32
        %dma_start3A_1185 = tpu.memref_slice %arg6[%dma_start3A_1184] : memref<32768xf32, #tpu.memory_space<vmem>> -> memref<2048xf32, #tpu.memory_space<vmem>>
        %dma_start3A_1186 = arith.constant 14336 : i32
        %dma_start3A_1187 = tpu.memref_slice %arg3[%add3A_157, %dma_start3A_1186] : memref<1024x32768xf32, #tpu.memory_space<hbm>> -> memref<1x2048xf32, #tpu.memory_space<hbm>>
        %dma_start3A_1188 = tpu.memref_squeeze %dma_start3A_1187 : memref<1x2048xf32, #tpu.memory_space<hbm>> -> memref<2048xf32, #tpu.memory_space<hbm>>
        %dma_start3A_1189 = arith.constant 14336 : i32
        %dma_start3A_1190 = tpu.memref_slice %arg3[%add3A_157, %dma_start3A_1189] : memref<1024x32768xf32, #tpu.memory_space<hbm>> -> memref<1x2048xf32, #tpu.memory_space<hbm>>
        %dma_start3A_1191 = tpu.memref_squeeze %dma_start3A_1190 : memref<1x2048xf32, #tpu.memory_space<hbm>> -> memref<2048xf32, #tpu.memory_space<hbm>>
        %dma_start3A_1192 = arith.constant 14336 : i32
        %dma_start3A_1193 = tpu.memref_slice %arg6[%dma_start3A_1192] : memref<32768xf32, #tpu.memory_space<vmem>> -> memref<2048xf32, #tpu.memory_space<vmem>>
        tpu.enqueue_dma source(%dma_start3A_1193 : memref<2048xf32, #tpu.memory_space<vmem>>) target(%dma_start3A_1191 : memref<2048xf32, #tpu.memory_space<hbm>>) target_semaphore(%arg10 : memref<!tpu.dma_semaphore, #tpu.memory_space<semaphore_mem>>)
      } else {
      }
      %lt3A_538 = arith.cmpf olt, %squeeze3A_533, %squeeze3A_421 : f32
      %convert_element_type3A_539 = arith.extui %lt3A_538 : i1 to i32
      %cond3A_540 = arith.constant 0 : i32
      %cond3A_541 = arith.cmpi ne, %convert_element_type3A_539, %cond3A_540 : i32
      scf.if %cond3A_541 {
        %dma_start3A_1184 = arith.constant 14336 : i32
        %dma_start3A_1185 = tpu.memref_slice %arg3[%add3A_157, %dma_start3A_1184] : memref<1024x32768xf32, #tpu.memory_space<hbm>> -> memref<1x2048xf32, #tpu.memory_space<hbm>>
        %dma_start3A_1186 = tpu.memref_squeeze %dma_start3A_1185 : memref<1x2048xf32, #tpu.memory_space<hbm>> -> memref<2048xf32, #tpu.memory_space<hbm>>
        %dma_start3A_1187 = arith.constant 14336 : i32
        %dma_start3A_1188 = tpu.memref_slice %arg3[%add3A_157, %dma_start3A_1187] : memref<1024x32768xf32, #tpu.memory_space<hbm>> -> memref<1x2048xf32, #tpu.memory_space<hbm>>
        %dma_start3A_1189 = tpu.memref_squeeze %dma_start3A_1188 : memref<1x2048xf32, #tpu.memory_space<hbm>> -> memref<2048xf32, #tpu.memory_space<hbm>>
        tpu.enqueue_dma source(%arg7 : memref<2048xf32, #tpu.memory_space<vmem>>) target(%dma_start3A_1189 : memref<2048xf32, #tpu.memory_space<hbm>>) target_semaphore(%arg10 : memref<!tpu.dma_semaphore, #tpu.memory_space<semaphore_mem>>)
      } else {
      }
      %broadcast_in_dim3A_542 = arith.constant 8 : i32
      %broadcast_in_dim3A_543 = vector.broadcast %broadcast_in_dim3A_542 : i32 to vector<16xi32>
      %broadcast_in_dim3A_544 = vector.shape_cast %broadcast_in_dim3A_543 : vector<16xi32> to vector<16x1xi32>
      %gather3A_545 = vector.shape_cast %broadcast_in_dim3A_544 : vector<16x1xi32> to vector<16xi32>
      %gather3A_546 = tpu.dynamic_gather %scan3A_175[%gather3A_545] in [0] : vector<16xf32>, vector<16xi32> -> vector<16xf32>
      %slice3A_547 = vector.extract_strided_slice %gather3A_546 {offsets = [0], sizes = [1], strides = [1]} : vector<16xf32> to vector<1xf32>
      %squeeze3A_548 = vector.extract %slice3A_547[0] : f32 from vector<1xf32>
      %ge3A_549 = arith.cmpf oge, %squeeze3A_548, %squeeze3A_421 : f32
      %convert_element_type3A_550 = arith.extui %ge3A_549 : i1 to i32
      %cond3A_551 = arith.constant 0 : i32
      %cond3A_552 = arith.cmpi ne, %convert_element_type3A_550, %cond3A_551 : i32
      scf.if %cond3A_552 {
        %dma_start3A_1184 = arith.constant 16384 : i32
        %dma_start3A_1185 = tpu.memref_slice %arg6[%dma_start3A_1184] : memref<32768xf32, #tpu.memory_space<vmem>> -> memref<2048xf32, #tpu.memory_space<vmem>>
        %dma_start3A_1186 = arith.constant 16384 : i32
        %dma_start3A_1187 = tpu.memref_slice %arg3[%add3A_157, %dma_start3A_1186] : memref<1024x32768xf32, #tpu.memory_space<hbm>> -> memref<1x2048xf32, #tpu.memory_space<hbm>>
        %dma_start3A_1188 = tpu.memref_squeeze %dma_start3A_1187 : memref<1x2048xf32, #tpu.memory_space<hbm>> -> memref<2048xf32, #tpu.memory_space<hbm>>
        %dma_start3A_1189 = arith.constant 16384 : i32
        %dma_start3A_1190 = tpu.memref_slice %arg3[%add3A_157, %dma_start3A_1189] : memref<1024x32768xf32, #tpu.memory_space<hbm>> -> memref<1x2048xf32, #tpu.memory_space<hbm>>
        %dma_start3A_1191 = tpu.memref_squeeze %dma_start3A_1190 : memref<1x2048xf32, #tpu.memory_space<hbm>> -> memref<2048xf32, #tpu.memory_space<hbm>>
        %dma_start3A_1192 = arith.constant 16384 : i32
        %dma_start3A_1193 = tpu.memref_slice %arg6[%dma_start3A_1192] : memref<32768xf32, #tpu.memory_space<vmem>> -> memref<2048xf32, #tpu.memory_space<vmem>>
        tpu.enqueue_dma source(%dma_start3A_1193 : memref<2048xf32, #tpu.memory_space<vmem>>) target(%dma_start3A_1191 : memref<2048xf32, #tpu.memory_space<hbm>>) target_semaphore(%arg10 : memref<!tpu.dma_semaphore, #tpu.memory_space<semaphore_mem>>)
      } else {
      }
      %lt3A_553 = arith.cmpf olt, %squeeze3A_548, %squeeze3A_421 : f32
      %convert_element_type3A_554 = arith.extui %lt3A_553 : i1 to i32
      %cond3A_555 = arith.constant 0 : i32
      %cond3A_556 = arith.cmpi ne, %convert_element_type3A_554, %cond3A_555 : i32
      scf.if %cond3A_556 {
        %dma_start3A_1184 = arith.constant 16384 : i32
        %dma_start3A_1185 = tpu.memref_slice %arg3[%add3A_157, %dma_start3A_1184] : memref<1024x32768xf32, #tpu.memory_space<hbm>> -> memref<1x2048xf32, #tpu.memory_space<hbm>>
        %dma_start3A_1186 = tpu.memref_squeeze %dma_start3A_1185 : memref<1x2048xf32, #tpu.memory_space<hbm>> -> memref<2048xf32, #tpu.memory_space<hbm>>
        %dma_start3A_1187 = arith.constant 16384 : i32
        %dma_start3A_1188 = tpu.memref_slice %arg3[%add3A_157, %dma_start3A_1187] : memref<1024x32768xf32, #tpu.memory_space<hbm>> -> memref<1x2048xf32, #tpu.memory_space<hbm>>
        %dma_start3A_1189 = tpu.memref_squeeze %dma_start3A_1188 : memref<1x2048xf32, #tpu.memory_space<hbm>> -> memref<2048xf32, #tpu.memory_space<hbm>>
        tpu.enqueue_dma source(%arg7 : memref<2048xf32, #tpu.memory_space<vmem>>) target(%dma_start3A_1189 : memref<2048xf32, #tpu.memory_space<hbm>>) target_semaphore(%arg10 : memref<!tpu.dma_semaphore, #tpu.memory_space<semaphore_mem>>)
      } else {
      }
      %broadcast_in_dim3A_557 = arith.constant 9 : i32
      %broadcast_in_dim3A_558 = vector.broadcast %broadcast_in_dim3A_557 : i32 to vector<16xi32>
      %broadcast_in_dim3A_559 = vector.shape_cast %broadcast_in_dim3A_558 : vector<16xi32> to vector<16x1xi32>
      %gather3A_560 = vector.shape_cast %broadcast_in_dim3A_559 : vector<16x1xi32> to vector<16xi32>
      %gather3A_561 = tpu.dynamic_gather %scan3A_175[%gather3A_560] in [0] : vector<16xf32>, vector<16xi32> -> vector<16xf32>
      %slice3A_562 = vector.extract_strided_slice %gather3A_561 {offsets = [0], sizes = [1], strides = [1]} : vector<16xf32> to vector<1xf32>
      %squeeze3A_563 = vector.extract %slice3A_562[0] : f32 from vector<1xf32>
      %ge3A_564 = arith.cmpf oge, %squeeze3A_563, %squeeze3A_421 : f32
      %convert_element_type3A_565 = arith.extui %ge3A_564 : i1 to i32
      %cond3A_566 = arith.constant 0 : i32
      %cond3A_567 = arith.cmpi ne, %convert_element_type3A_565, %cond3A_566 : i32
      scf.if %cond3A_567 {
        %dma_start3A_1184 = arith.constant 18432 : i32
        %dma_start3A_1185 = tpu.memref_slice %arg6[%dma_start3A_1184] : memref<32768xf32, #tpu.memory_space<vmem>> -> memref<2048xf32, #tpu.memory_space<vmem>>
        %dma_start3A_1186 = arith.constant 18432 : i32
        %dma_start3A_1187 = tpu.memref_slice %arg3[%add3A_157, %dma_start3A_1186] : memref<1024x32768xf32, #tpu.memory_space<hbm>> -> memref<1x2048xf32, #tpu.memory_space<hbm>>
        %dma_start3A_1188 = tpu.memref_squeeze %dma_start3A_1187 : memref<1x2048xf32, #tpu.memory_space<hbm>> -> memref<2048xf32, #tpu.memory_space<hbm>>
        %dma_start3A_1189 = arith.constant 18432 : i32
        %dma_start3A_1190 = tpu.memref_slice %arg3[%add3A_157, %dma_start3A_1189] : memref<1024x32768xf32, #tpu.memory_space<hbm>> -> memref<1x2048xf32, #tpu.memory_space<hbm>>
        %dma_start3A_1191 = tpu.memref_squeeze %dma_start3A_1190 : memref<1x2048xf32, #tpu.memory_space<hbm>> -> memref<2048xf32, #tpu.memory_space<hbm>>
        %dma_start3A_1192 = arith.constant 18432 : i32
        %dma_start3A_1193 = tpu.memref_slice %arg6[%dma_start3A_1192] : memref<32768xf32, #tpu.memory_space<vmem>> -> memref<2048xf32, #tpu.memory_space<vmem>>
        tpu.enqueue_dma source(%dma_start3A_1193 : memref<2048xf32, #tpu.memory_space<vmem>>) target(%dma_start3A_1191 : memref<2048xf32, #tpu.memory_space<hbm>>) target_semaphore(%arg10 : memref<!tpu.dma_semaphore, #tpu.memory_space<semaphore_mem>>)
      } else {
      }
      %lt3A_568 = arith.cmpf olt, %squeeze3A_563, %squeeze3A_421 : f32
      %convert_element_type3A_569 = arith.extui %lt3A_568 : i1 to i32
      %cond3A_570 = arith.constant 0 : i32
      %cond3A_571 = arith.cmpi ne, %convert_element_type3A_569, %cond3A_570 : i32
      scf.if %cond3A_571 {
        %dma_start3A_1184 = arith.constant 18432 : i32
        %dma_start3A_1185 = tpu.memref_slice %arg3[%add3A_157, %dma_start3A_1184] : memref<1024x32768xf32, #tpu.memory_space<hbm>> -> memref<1x2048xf32, #tpu.memory_space<hbm>>
        %dma_start3A_1186 = tpu.memref_squeeze %dma_start3A_1185 : memref<1x2048xf32, #tpu.memory_space<hbm>> -> memref<2048xf32, #tpu.memory_space<hbm>>
        %dma_start3A_1187 = arith.constant 18432 : i32
        %dma_start3A_1188 = tpu.memref_slice %arg3[%add3A_157, %dma_start3A_1187] : memref<1024x32768xf32, #tpu.memory_space<hbm>> -> memref<1x2048xf32, #tpu.memory_space<hbm>>
        %dma_start3A_1189 = tpu.memref_squeeze %dma_start3A_1188 : memref<1x2048xf32, #tpu.memory_space<hbm>> -> memref<2048xf32, #tpu.memory_space<hbm>>
        tpu.enqueue_dma source(%arg7 : memref<2048xf32, #tpu.memory_space<vmem>>) target(%dma_start3A_1189 : memref<2048xf32, #tpu.memory_space<hbm>>) target_semaphore(%arg10 : memref<!tpu.dma_semaphore, #tpu.memory_space<semaphore_mem>>)
      } else {
      }
      %broadcast_in_dim3A_572 = arith.constant 10 : i32
      %broadcast_in_dim3A_573 = vector.broadcast %broadcast_in_dim3A_572 : i32 to vector<16xi32>
      %broadcast_in_dim3A_574 = vector.shape_cast %broadcast_in_dim3A_573 : vector<16xi32> to vector<16x1xi32>
      %gather3A_575 = vector.shape_cast %broadcast_in_dim3A_574 : vector<16x1xi32> to vector<16xi32>
      %gather3A_576 = tpu.dynamic_gather %scan3A_175[%gather3A_575] in [0] : vector<16xf32>, vector<16xi32> -> vector<16xf32>
      %slice3A_577 = vector.extract_strided_slice %gather3A_576 {offsets = [0], sizes = [1], strides = [1]} : vector<16xf32> to vector<1xf32>
      %squeeze3A_578 = vector.extract %slice3A_577[0] : f32 from vector<1xf32>
      %ge3A_579 = arith.cmpf oge, %squeeze3A_578, %squeeze3A_421 : f32
      %convert_element_type3A_580 = arith.extui %ge3A_579 : i1 to i32
      %cond3A_581 = arith.constant 0 : i32
      %cond3A_582 = arith.cmpi ne, %convert_element_type3A_580, %cond3A_581 : i32
      scf.if %cond3A_582 {
        %dma_start3A_1184 = arith.constant 20480 : i32
        %dma_start3A_1185 = tpu.memref_slice %arg6[%dma_start3A_1184] : memref<32768xf32, #tpu.memory_space<vmem>> -> memref<2048xf32, #tpu.memory_space<vmem>>
        %dma_start3A_1186 = arith.constant 20480 : i32
        %dma_start3A_1187 = tpu.memref_slice %arg3[%add3A_157, %dma_start3A_1186] : memref<1024x32768xf32, #tpu.memory_space<hbm>> -> memref<1x2048xf32, #tpu.memory_space<hbm>>
        %dma_start3A_1188 = tpu.memref_squeeze %dma_start3A_1187 : memref<1x2048xf32, #tpu.memory_space<hbm>> -> memref<2048xf32, #tpu.memory_space<hbm>>
        %dma_start3A_1189 = arith.constant 20480 : i32
        %dma_start3A_1190 = tpu.memref_slice %arg3[%add3A_157, %dma_start3A_1189] : memref<1024x32768xf32, #tpu.memory_space<hbm>> -> memref<1x2048xf32, #tpu.memory_space<hbm>>
        %dma_start3A_1191 = tpu.memref_squeeze %dma_start3A_1190 : memref<1x2048xf32, #tpu.memory_space<hbm>> -> memref<2048xf32, #tpu.memory_space<hbm>>
        %dma_start3A_1192 = arith.constant 20480 : i32
        %dma_start3A_1193 = tpu.memref_slice %arg6[%dma_start3A_1192] : memref<32768xf32, #tpu.memory_space<vmem>> -> memref<2048xf32, #tpu.memory_space<vmem>>
        tpu.enqueue_dma source(%dma_start3A_1193 : memref<2048xf32, #tpu.memory_space<vmem>>) target(%dma_start3A_1191 : memref<2048xf32, #tpu.memory_space<hbm>>) target_semaphore(%arg10 : memref<!tpu.dma_semaphore, #tpu.memory_space<semaphore_mem>>)
      } else {
      }
      %lt3A_583 = arith.cmpf olt, %squeeze3A_578, %squeeze3A_421 : f32
      %convert_element_type3A_584 = arith.extui %lt3A_583 : i1 to i32
      %cond3A_585 = arith.constant 0 : i32
      %cond3A_586 = arith.cmpi ne, %convert_element_type3A_584, %cond3A_585 : i32
      scf.if %cond3A_586 {
        %dma_start3A_1184 = arith.constant 20480 : i32
        %dma_start3A_1185 = tpu.memref_slice %arg3[%add3A_157, %dma_start3A_1184] : memref<1024x32768xf32, #tpu.memory_space<hbm>> -> memref<1x2048xf32, #tpu.memory_space<hbm>>
        %dma_start3A_1186 = tpu.memref_squeeze %dma_start3A_1185 : memref<1x2048xf32, #tpu.memory_space<hbm>> -> memref<2048xf32, #tpu.memory_space<hbm>>
        %dma_start3A_1187 = arith.constant 20480 : i32
        %dma_start3A_1188 = tpu.memref_slice %arg3[%add3A_157, %dma_start3A_1187] : memref<1024x32768xf32, #tpu.memory_space<hbm>> -> memref<1x2048xf32, #tpu.memory_space<hbm>>
        %dma_start3A_1189 = tpu.memref_squeeze %dma_start3A_1188 : memref<1x2048xf32, #tpu.memory_space<hbm>> -> memref<2048xf32, #tpu.memory_space<hbm>>
        tpu.enqueue_dma source(%arg7 : memref<2048xf32, #tpu.memory_space<vmem>>) target(%dma_start3A_1189 : memref<2048xf32, #tpu.memory_space<hbm>>) target_semaphore(%arg10 : memref<!tpu.dma_semaphore, #tpu.memory_space<semaphore_mem>>)
      } else {
      }
      %broadcast_in_dim3A_587 = arith.constant 11 : i32
      %broadcast_in_dim3A_588 = vector.broadcast %broadcast_in_dim3A_587 : i32 to vector<16xi32>
      %broadcast_in_dim3A_589 = vector.shape_cast %broadcast_in_dim3A_588 : vector<16xi32> to vector<16x1xi32>
      %gather3A_590 = vector.shape_cast %broadcast_in_dim3A_589 : vector<16x1xi32> to vector<16xi32>
      %gather3A_591 = tpu.dynamic_gather %scan3A_175[%gather3A_590] in [0] : vector<16xf32>, vector<16xi32> -> vector<16xf32>
      %slice3A_592 = vector.extract_strided_slice %gather3A_591 {offsets = [0], sizes = [1], strides = [1]} : vector<16xf32> to vector<1xf32>
      %squeeze3A_593 = vector.extract %slice3A_592[0] : f32 from vector<1xf32>
      %ge3A_594 = arith.cmpf oge, %squeeze3A_593, %squeeze3A_421 : f32
      %convert_element_type3A_595 = arith.extui %ge3A_594 : i1 to i32
      %cond3A_596 = arith.constant 0 : i32
      %cond3A_597 = arith.cmpi ne, %convert_element_type3A_595, %cond3A_596 : i32
      scf.if %cond3A_597 {
        %dma_start3A_1184 = arith.constant 22528 : i32
        %dma_start3A_1185 = tpu.memref_slice %arg6[%dma_start3A_1184] : memref<32768xf32, #tpu.memory_space<vmem>> -> memref<2048xf32, #tpu.memory_space<vmem>>
        %dma_start3A_1186 = arith.constant 22528 : i32
        %dma_start3A_1187 = tpu.memref_slice %arg3[%add3A_157, %dma_start3A_1186] : memref<1024x32768xf32, #tpu.memory_space<hbm>> -> memref<1x2048xf32, #tpu.memory_space<hbm>>
        %dma_start3A_1188 = tpu.memref_squeeze %dma_start3A_1187 : memref<1x2048xf32, #tpu.memory_space<hbm>> -> memref<2048xf32, #tpu.memory_space<hbm>>
        %dma_start3A_1189 = arith.constant 22528 : i32
        %dma_start3A_1190 = tpu.memref_slice %arg3[%add3A_157, %dma_start3A_1189] : memref<1024x32768xf32, #tpu.memory_space<hbm>> -> memref<1x2048xf32, #tpu.memory_space<hbm>>
        %dma_start3A_1191 = tpu.memref_squeeze %dma_start3A_1190 : memref<1x2048xf32, #tpu.memory_space<hbm>> -> memref<2048xf32, #tpu.memory_space<hbm>>
        %dma_start3A_1192 = arith.constant 22528 : i32
        %dma_start3A_1193 = tpu.memref_slice %arg6[%dma_start3A_1192] : memref<32768xf32, #tpu.memory_space<vmem>> -> memref<2048xf32, #tpu.memory_space<vmem>>
        tpu.enqueue_dma source(%dma_start3A_1193 : memref<2048xf32, #tpu.memory_space<vmem>>) target(%dma_start3A_1191 : memref<2048xf32, #tpu.memory_space<hbm>>) target_semaphore(%arg10 : memref<!tpu.dma_semaphore, #tpu.memory_space<semaphore_mem>>)
      } else {
      }
      %lt3A_598 = arith.cmpf olt, %squeeze3A_593, %squeeze3A_421 : f32
      %convert_element_type3A_599 = arith.extui %lt3A_598 : i1 to i32
      %cond3A_600 = arith.constant 0 : i32
      %cond3A_601 = arith.cmpi ne, %convert_element_type3A_599, %cond3A_600 : i32
      scf.if %cond3A_601 {
        %dma_start3A_1184 = arith.constant 22528 : i32
        %dma_start3A_1185 = tpu.memref_slice %arg3[%add3A_157, %dma_start3A_1184] : memref<1024x32768xf32, #tpu.memory_space<hbm>> -> memref<1x2048xf32, #tpu.memory_space<hbm>>
        %dma_start3A_1186 = tpu.memref_squeeze %dma_start3A_1185 : memref<1x2048xf32, #tpu.memory_space<hbm>> -> memref<2048xf32, #tpu.memory_space<hbm>>
        %dma_start3A_1187 = arith.constant 22528 : i32
        %dma_start3A_1188 = tpu.memref_slice %arg3[%add3A_157, %dma_start3A_1187] : memref<1024x32768xf32, #tpu.memory_space<hbm>> -> memref<1x2048xf32, #tpu.memory_space<hbm>>
        %dma_start3A_1189 = tpu.memref_squeeze %dma_start3A_1188 : memref<1x2048xf32, #tpu.memory_space<hbm>> -> memref<2048xf32, #tpu.memory_space<hbm>>
        tpu.enqueue_dma source(%arg7 : memref<2048xf32, #tpu.memory_space<vmem>>) target(%dma_start3A_1189 : memref<2048xf32, #tpu.memory_space<hbm>>) target_semaphore(%arg10 : memref<!tpu.dma_semaphore, #tpu.memory_space<semaphore_mem>>)
      } else {
      }
      %broadcast_in_dim3A_602 = arith.constant 12 : i32
      %broadcast_in_dim3A_603 = vector.broadcast %broadcast_in_dim3A_602 : i32 to vector<16xi32>
      %broadcast_in_dim3A_604 = vector.shape_cast %broadcast_in_dim3A_603 : vector<16xi32> to vector<16x1xi32>
      %gather3A_605 = vector.shape_cast %broadcast_in_dim3A_604 : vector<16x1xi32> to vector<16xi32>
      %gather3A_606 = tpu.dynamic_gather %scan3A_175[%gather3A_605] in [0] : vector<16xf32>, vector<16xi32> -> vector<16xf32>
      %slice3A_607 = vector.extract_strided_slice %gather3A_606 {offsets = [0], sizes = [1], strides = [1]} : vector<16xf32> to vector<1xf32>
      %squeeze3A_608 = vector.extract %slice3A_607[0] : f32 from vector<1xf32>
      %ge3A_609 = arith.cmpf oge, %squeeze3A_608, %squeeze3A_421 : f32
      %convert_element_type3A_610 = arith.extui %ge3A_609 : i1 to i32
      %cond3A_611 = arith.constant 0 : i32
      %cond3A_612 = arith.cmpi ne, %convert_element_type3A_610, %cond3A_611 : i32
      scf.if %cond3A_612 {
        %dma_start3A_1184 = arith.constant 24576 : i32
        %dma_start3A_1185 = tpu.memref_slice %arg6[%dma_start3A_1184] : memref<32768xf32, #tpu.memory_space<vmem>> -> memref<2048xf32, #tpu.memory_space<vmem>>
        %dma_start3A_1186 = arith.constant 24576 : i32
        %dma_start3A_1187 = tpu.memref_slice %arg3[%add3A_157, %dma_start3A_1186] : memref<1024x32768xf32, #tpu.memory_space<hbm>> -> memref<1x2048xf32, #tpu.memory_space<hbm>>
        %dma_start3A_1188 = tpu.memref_squeeze %dma_start3A_1187 : memref<1x2048xf32, #tpu.memory_space<hbm>> -> memref<2048xf32, #tpu.memory_space<hbm>>
        %dma_start3A_1189 = arith.constant 24576 : i32
        %dma_start3A_1190 = tpu.memref_slice %arg3[%add3A_157, %dma_start3A_1189] : memref<1024x32768xf32, #tpu.memory_space<hbm>> -> memref<1x2048xf32, #tpu.memory_space<hbm>>
        %dma_start3A_1191 = tpu.memref_squeeze %dma_start3A_1190 : memref<1x2048xf32, #tpu.memory_space<hbm>> -> memref<2048xf32, #tpu.memory_space<hbm>>
        %dma_start3A_1192 = arith.constant 24576 : i32
        %dma_start3A_1193 = tpu.memref_slice %arg6[%dma_start3A_1192] : memref<32768xf32, #tpu.memory_space<vmem>> -> memref<2048xf32, #tpu.memory_space<vmem>>
        tpu.enqueue_dma source(%dma_start3A_1193 : memref<2048xf32, #tpu.memory_space<vmem>>) target(%dma_start3A_1191 : memref<2048xf32, #tpu.memory_space<hbm>>) target_semaphore(%arg10 : memref<!tpu.dma_semaphore, #tpu.memory_space<semaphore_mem>>)
      } else {
      }
      %lt3A_613 = arith.cmpf olt, %squeeze3A_608, %squeeze3A_421 : f32
      %convert_element_type3A_614 = arith.extui %lt3A_613 : i1 to i32
      %cond3A_615 = arith.constant 0 : i32
      %cond3A_616 = arith.cmpi ne, %convert_element_type3A_614, %cond3A_615 : i32
      scf.if %cond3A_616 {
        %dma_start3A_1184 = arith.constant 24576 : i32
        %dma_start3A_1185 = tpu.memref_slice %arg3[%add3A_157, %dma_start3A_1184] : memref<1024x32768xf32, #tpu.memory_space<hbm>> -> memref<1x2048xf32, #tpu.memory_space<hbm>>
        %dma_start3A_1186 = tpu.memref_squeeze %dma_start3A_1185 : memref<1x2048xf32, #tpu.memory_space<hbm>> -> memref<2048xf32, #tpu.memory_space<hbm>>
        %dma_start3A_1187 = arith.constant 24576 : i32
        %dma_start3A_1188 = tpu.memref_slice %arg3[%add3A_157, %dma_start3A_1187] : memref<1024x32768xf32, #tpu.memory_space<hbm>> -> memref<1x2048xf32, #tpu.memory_space<hbm>>
        %dma_start3A_1189 = tpu.memref_squeeze %dma_start3A_1188 : memref<1x2048xf32, #tpu.memory_space<hbm>> -> memref<2048xf32, #tpu.memory_space<hbm>>
        tpu.enqueue_dma source(%arg7 : memref<2048xf32, #tpu.memory_space<vmem>>) target(%dma_start3A_1189 : memref<2048xf32, #tpu.memory_space<hbm>>) target_semaphore(%arg10 : memref<!tpu.dma_semaphore, #tpu.memory_space<semaphore_mem>>)
      } else {
      }
      %broadcast_in_dim3A_617 = arith.constant 13 : i32
      %broadcast_in_dim3A_618 = vector.broadcast %broadcast_in_dim3A_617 : i32 to vector<16xi32>
      %broadcast_in_dim3A_619 = vector.shape_cast %broadcast_in_dim3A_618 : vector<16xi32> to vector<16x1xi32>
      %gather3A_620 = vector.shape_cast %broadcast_in_dim3A_619 : vector<16x1xi32> to vector<16xi32>
      %gather3A_621 = tpu.dynamic_gather %scan3A_175[%gather3A_620] in [0] : vector<16xf32>, vector<16xi32> -> vector<16xf32>
      %slice3A_622 = vector.extract_strided_slice %gather3A_621 {offsets = [0], sizes = [1], strides = [1]} : vector<16xf32> to vector<1xf32>
      %squeeze3A_623 = vector.extract %slice3A_622[0] : f32 from vector<1xf32>
      %ge3A_624 = arith.cmpf oge, %squeeze3A_623, %squeeze3A_421 : f32
      %convert_element_type3A_625 = arith.extui %ge3A_624 : i1 to i32
      %cond3A_626 = arith.constant 0 : i32
      %cond3A_627 = arith.cmpi ne, %convert_element_type3A_625, %cond3A_626 : i32
      scf.if %cond3A_627 {
        %dma_start3A_1184 = arith.constant 26624 : i32
        %dma_start3A_1185 = tpu.memref_slice %arg6[%dma_start3A_1184] : memref<32768xf32, #tpu.memory_space<vmem>> -> memref<2048xf32, #tpu.memory_space<vmem>>
        %dma_start3A_1186 = arith.constant 26624 : i32
        %dma_start3A_1187 = tpu.memref_slice %arg3[%add3A_157, %dma_start3A_1186] : memref<1024x32768xf32, #tpu.memory_space<hbm>> -> memref<1x2048xf32, #tpu.memory_space<hbm>>
        %dma_start3A_1188 = tpu.memref_squeeze %dma_start3A_1187 : memref<1x2048xf32, #tpu.memory_space<hbm>> -> memref<2048xf32, #tpu.memory_space<hbm>>
        %dma_start3A_1189 = arith.constant 26624 : i32
        %dma_start3A_1190 = tpu.memref_slice %arg3[%add3A_157, %dma_start3A_1189] : memref<1024x32768xf32, #tpu.memory_space<hbm>> -> memref<1x2048xf32, #tpu.memory_space<hbm>>
        %dma_start3A_1191 = tpu.memref_squeeze %dma_start3A_1190 : memref<1x2048xf32, #tpu.memory_space<hbm>> -> memref<2048xf32, #tpu.memory_space<hbm>>
        %dma_start3A_1192 = arith.constant 26624 : i32
        %dma_start3A_1193 = tpu.memref_slice %arg6[%dma_start3A_1192] : memref<32768xf32, #tpu.memory_space<vmem>> -> memref<2048xf32, #tpu.memory_space<vmem>>
        tpu.enqueue_dma source(%dma_start3A_1193 : memref<2048xf32, #tpu.memory_space<vmem>>) target(%dma_start3A_1191 : memref<2048xf32, #tpu.memory_space<hbm>>) target_semaphore(%arg10 : memref<!tpu.dma_semaphore, #tpu.memory_space<semaphore_mem>>)
      } else {
      }
      %lt3A_628 = arith.cmpf olt, %squeeze3A_623, %squeeze3A_421 : f32
      %convert_element_type3A_629 = arith.extui %lt3A_628 : i1 to i32
      %cond3A_630 = arith.constant 0 : i32
      %cond3A_631 = arith.cmpi ne, %convert_element_type3A_629, %cond3A_630 : i32
      scf.if %cond3A_631 {
        %dma_start3A_1184 = arith.constant 26624 : i32
        %dma_start3A_1185 = tpu.memref_slice %arg3[%add3A_157, %dma_start3A_1184] : memref<1024x32768xf32, #tpu.memory_space<hbm>> -> memref<1x2048xf32, #tpu.memory_space<hbm>>
        %dma_start3A_1186 = tpu.memref_squeeze %dma_start3A_1185 : memref<1x2048xf32, #tpu.memory_space<hbm>> -> memref<2048xf32, #tpu.memory_space<hbm>>
        %dma_start3A_1187 = arith.constant 26624 : i32
        %dma_start3A_1188 = tpu.memref_slice %arg3[%add3A_157, %dma_start3A_1187] : memref<1024x32768xf32, #tpu.memory_space<hbm>> -> memref<1x2048xf32, #tpu.memory_space<hbm>>
        %dma_start3A_1189 = tpu.memref_squeeze %dma_start3A_1188 : memref<1x2048xf32, #tpu.memory_space<hbm>> -> memref<2048xf32, #tpu.memory_space<hbm>>
        tpu.enqueue_dma source(%arg7 : memref<2048xf32, #tpu.memory_space<vmem>>) target(%dma_start3A_1189 : memref<2048xf32, #tpu.memory_space<hbm>>) target_semaphore(%arg10 : memref<!tpu.dma_semaphore, #tpu.memory_space<semaphore_mem>>)
      } else {
      }
      %broadcast_in_dim3A_632 = arith.constant 14 : i32
      %broadcast_in_dim3A_633 = vector.broadcast %broadcast_in_dim3A_632 : i32 to vector<16xi32>
      %broadcast_in_dim3A_634 = vector.shape_cast %broadcast_in_dim3A_633 : vector<16xi32> to vector<16x1xi32>
      %gather3A_635 = vector.shape_cast %broadcast_in_dim3A_634 : vector<16x1xi32> to vector<16xi32>
      %gather3A_636 = tpu.dynamic_gather %scan3A_175[%gather3A_635] in [0] : vector<16xf32>, vector<16xi32> -> vector<16xf32>
      %slice3A_637 = vector.extract_strided_slice %gather3A_636 {offsets = [0], sizes = [1], strides = [1]} : vector<16xf32> to vector<1xf32>
      %squeeze3A_638 = vector.extract %slice3A_637[0] : f32 from vector<1xf32>
      %ge3A_639 = arith.cmpf oge, %squeeze3A_638, %squeeze3A_421 : f32
      %convert_element_type3A_640 = arith.extui %ge3A_639 : i1 to i32
      %cond3A_641 = arith.constant 0 : i32
      %cond3A_642 = arith.cmpi ne, %convert_element_type3A_640, %cond3A_641 : i32
      scf.if %cond3A_642 {
        %dma_start3A_1184 = arith.constant 28672 : i32
        %dma_start3A_1185 = tpu.memref_slice %arg6[%dma_start3A_1184] : memref<32768xf32, #tpu.memory_space<vmem>> -> memref<2048xf32, #tpu.memory_space<vmem>>
        %dma_start3A_1186 = arith.constant 28672 : i32
        %dma_start3A_1187 = tpu.memref_slice %arg3[%add3A_157, %dma_start3A_1186] : memref<1024x32768xf32, #tpu.memory_space<hbm>> -> memref<1x2048xf32, #tpu.memory_space<hbm>>
        %dma_start3A_1188 = tpu.memref_squeeze %dma_start3A_1187 : memref<1x2048xf32, #tpu.memory_space<hbm>> -> memref<2048xf32, #tpu.memory_space<hbm>>
        %dma_start3A_1189 = arith.constant 28672 : i32
        %dma_start3A_1190 = tpu.memref_slice %arg3[%add3A_157, %dma_start3A_1189] : memref<1024x32768xf32, #tpu.memory_space<hbm>> -> memref<1x2048xf32, #tpu.memory_space<hbm>>
        %dma_start3A_1191 = tpu.memref_squeeze %dma_start3A_1190 : memref<1x2048xf32, #tpu.memory_space<hbm>> -> memref<2048xf32, #tpu.memory_space<hbm>>
        %dma_start3A_1192 = arith.constant 28672 : i32
        %dma_start3A_1193 = tpu.memref_slice %arg6[%dma_start3A_1192] : memref<32768xf32, #tpu.memory_space<vmem>> -> memref<2048xf32, #tpu.memory_space<vmem>>
        tpu.enqueue_dma source(%dma_start3A_1193 : memref<2048xf32, #tpu.memory_space<vmem>>) target(%dma_start3A_1191 : memref<2048xf32, #tpu.memory_space<hbm>>) target_semaphore(%arg10 : memref<!tpu.dma_semaphore, #tpu.memory_space<semaphore_mem>>)
      } else {
      }
      %lt3A_643 = arith.cmpf olt, %squeeze3A_638, %squeeze3A_421 : f32
      %convert_element_type3A_644 = arith.extui %lt3A_643 : i1 to i32
      %cond3A_645 = arith.constant 0 : i32
      %cond3A_646 = arith.cmpi ne, %convert_element_type3A_644, %cond3A_645 : i32
      scf.if %cond3A_646 {
        %dma_start3A_1184 = arith.constant 28672 : i32
        %dma_start3A_1185 = tpu.memref_slice %arg3[%add3A_157, %dma_start3A_1184] : memref<1024x32768xf32, #tpu.memory_space<hbm>> -> memref<1x2048xf32, #tpu.memory_space<hbm>>
        %dma_start3A_1186 = tpu.memref_squeeze %dma_start3A_1185 : memref<1x2048xf32, #tpu.memory_space<hbm>> -> memref<2048xf32, #tpu.memory_space<hbm>>
        %dma_start3A_1187 = arith.constant 28672 : i32
        %dma_start3A_1188 = tpu.memref_slice %arg3[%add3A_157, %dma_start3A_1187] : memref<1024x32768xf32, #tpu.memory_space<hbm>> -> memref<1x2048xf32, #tpu.memory_space<hbm>>
        %dma_start3A_1189 = tpu.memref_squeeze %dma_start3A_1188 : memref<1x2048xf32, #tpu.memory_space<hbm>> -> memref<2048xf32, #tpu.memory_space<hbm>>
        tpu.enqueue_dma source(%arg7 : memref<2048xf32, #tpu.memory_space<vmem>>) target(%dma_start3A_1189 : memref<2048xf32, #tpu.memory_space<hbm>>) target_semaphore(%arg10 : memref<!tpu.dma_semaphore, #tpu.memory_space<semaphore_mem>>)
      } else {
      }
      %broadcast_in_dim3A_647 = arith.constant 15 : i32
      %broadcast_in_dim3A_648 = vector.broadcast %broadcast_in_dim3A_647 : i32 to vector<16xi32>
      %broadcast_in_dim3A_649 = vector.shape_cast %broadcast_in_dim3A_648 : vector<16xi32> to vector<16x1xi32>
      %gather3A_650 = vector.shape_cast %broadcast_in_dim3A_649 : vector<16x1xi32> to vector<16xi32>
      %gather3A_651 = tpu.dynamic_gather %scan3A_175[%gather3A_650] in [0] : vector<16xf32>, vector<16xi32> -> vector<16xf32>
      %slice3A_652 = vector.extract_strided_slice %gather3A_651 {offsets = [0], sizes = [1], strides = [1]} : vector<16xf32> to vector<1xf32>
      %squeeze3A_653 = vector.extract %slice3A_652[0] : f32 from vector<1xf32>
      %ge3A_654 = arith.cmpf oge, %squeeze3A_653, %squeeze3A_421 : f32
      %convert_element_type3A_655 = arith.extui %ge3A_654 : i1 to i32
      %cond3A_656 = arith.constant 0 : i32
      %cond3A_657 = arith.cmpi ne, %convert_element_type3A_655, %cond3A_656 : i32
      scf.if %cond3A_657 {
        %dma_start3A_1184 = arith.constant 30720 : i32
        %dma_start3A_1185 = tpu.memref_slice %arg6[%dma_start3A_1184] : memref<32768xf32, #tpu.memory_space<vmem>> -> memref<2048xf32, #tpu.memory_space<vmem>>
        %dma_start3A_1186 = arith.constant 30720 : i32
        %dma_start3A_1187 = tpu.memref_slice %arg3[%add3A_157, %dma_start3A_1186] : memref<1024x32768xf32, #tpu.memory_space<hbm>> -> memref<1x2048xf32, #tpu.memory_space<hbm>>
        %dma_start3A_1188 = tpu.memref_squeeze %dma_start3A_1187 : memref<1x2048xf32, #tpu.memory_space<hbm>> -> memref<2048xf32, #tpu.memory_space<hbm>>
        %dma_start3A_1189 = arith.constant 30720 : i32
        %dma_start3A_1190 = tpu.memref_slice %arg3[%add3A_157, %dma_start3A_1189] : memref<1024x32768xf32, #tpu.memory_space<hbm>> -> memref<1x2048xf32, #tpu.memory_space<hbm>>
        %dma_start3A_1191 = tpu.memref_squeeze %dma_start3A_1190 : memref<1x2048xf32, #tpu.memory_space<hbm>> -> memref<2048xf32, #tpu.memory_space<hbm>>
        %dma_start3A_1192 = arith.constant 30720 : i32
        %dma_start3A_1193 = tpu.memref_slice %arg6[%dma_start3A_1192] : memref<32768xf32, #tpu.memory_space<vmem>> -> memref<2048xf32, #tpu.memory_space<vmem>>
        tpu.enqueue_dma source(%dma_start3A_1193 : memref<2048xf32, #tpu.memory_space<vmem>>) target(%dma_start3A_1191 : memref<2048xf32, #tpu.memory_space<hbm>>) target_semaphore(%arg10 : memref<!tpu.dma_semaphore, #tpu.memory_space<semaphore_mem>>)
      } else {
      }
      %lt3A_658 = arith.cmpf olt, %squeeze3A_653, %squeeze3A_421 : f32
      %convert_element_type3A_659 = arith.extui %lt3A_658 : i1 to i32
      %cond3A_660 = arith.constant 0 : i32
      %cond3A_661 = arith.cmpi ne, %convert_element_type3A_659, %cond3A_660 : i32
      scf.if %cond3A_661 {
        %dma_start3A_1184 = arith.constant 30720 : i32
        %dma_start3A_1185 = tpu.memref_slice %arg3[%add3A_157, %dma_start3A_1184] : memref<1024x32768xf32, #tpu.memory_space<hbm>> -> memref<1x2048xf32, #tpu.memory_space<hbm>>
        %dma_start3A_1186 = tpu.memref_squeeze %dma_start3A_1185 : memref<1x2048xf32, #tpu.memory_space<hbm>> -> memref<2048xf32, #tpu.memory_space<hbm>>
        %dma_start3A_1187 = arith.constant 30720 : i32
        %dma_start3A_1188 = tpu.memref_slice %arg3[%add3A_157, %dma_start3A_1187] : memref<1024x32768xf32, #tpu.memory_space<hbm>> -> memref<1x2048xf32, #tpu.memory_space<hbm>>
        %dma_start3A_1189 = tpu.memref_squeeze %dma_start3A_1188 : memref<1x2048xf32, #tpu.memory_space<hbm>> -> memref<2048xf32, #tpu.memory_space<hbm>>
        tpu.enqueue_dma source(%arg7 : memref<2048xf32, #tpu.memory_space<vmem>>) target(%dma_start3A_1189 : memref<2048xf32, #tpu.memory_space<hbm>>) target_semaphore(%arg10 : memref<!tpu.dma_semaphore, #tpu.memory_space<semaphore_mem>>)
      } else {
      }
      %convert_element_type3A_662 = arith.extui %lt3A_170 : i1 to i32
      %cond3A_663 = arith.constant 0 : i32
      %cond3A_664 = arith.cmpi ne, %convert_element_type3A_662, %cond3A_663 : i32
      scf.if %cond3A_664 {
        %dma_start3A_1184 = arith.constant 0 : i32
        %dma_start3A_1185 = tpu.memref_slice %arg2[%add3A_169, %dma_start3A_1184] : memref<1024x32768xf32, #tpu.memory_space<hbm>> -> memref<1x32768xf32, #tpu.memory_space<hbm>>
        %dma_start3A_1186 = tpu.memref_squeeze %dma_start3A_1185 : memref<1x32768xf32, #tpu.memory_space<hbm>> -> memref<32768xf32, #tpu.memory_space<hbm>>
        %dma_start3A_1187 = arith.constant 0 : i32
        %dma_start3A_1188 = tpu.memref_slice %arg2[%add3A_169, %dma_start3A_1187] : memref<1024x32768xf32, #tpu.memory_space<hbm>> -> memref<1x32768xf32, #tpu.memory_space<hbm>>
        %dma_start3A_1189 = tpu.memref_squeeze %dma_start3A_1188 : memref<1x32768xf32, #tpu.memory_space<hbm>> -> memref<32768xf32, #tpu.memory_space<hbm>>
        tpu.enqueue_dma source(%dma_start3A_1189 : memref<32768xf32, #tpu.memory_space<hbm>>) target(%arg4 : memref<32768xf32, #tpu.memory_space<vmem>>) target_semaphore(%arg8 : memref<!tpu.dma_semaphore, #tpu.memory_space<semaphore_mem>>)
      } else {
      }
      %dma_wait3A_665 = arith.constant 0 : i32
      %dma_wait3A_666 = arith.constant 0 : i32
      %dma_wait3A_667 = tpu.memref_slice %arg2[%dma_wait3A_665, %dma_wait3A_666] : memref<1024x32768xf32, #tpu.memory_space<hbm>> -> memref<1x32768xf32, #tpu.memory_space<hbm>>
      %dma_wait3A_668 = tpu.memref_squeeze %dma_wait3A_667 : memref<1x32768xf32, #tpu.memory_space<hbm>> -> memref<32768xf32, #tpu.memory_space<hbm>>
      %dma_wait3A_669 = arith.constant 0 : i32
      %dma_wait3A_670 = tpu.memref_slice %arg2[%dma_wait3A_665, %dma_wait3A_669] : memref<1024x32768xf32, #tpu.memory_space<hbm>> -> memref<1x32768xf32, #tpu.memory_space<hbm>>
      %dma_wait3A_671 = tpu.memref_squeeze %dma_wait3A_670 : memref<1x32768xf32, #tpu.memory_space<hbm>> -> memref<32768xf32, #tpu.memory_space<hbm>>
      tpu.wait_dma2 semaphore(%arg9 : memref<!tpu.dma_semaphore, #tpu.memory_space<semaphore_mem>>) src(%dma_wait3A_671 : memref<32768xf32, #tpu.memory_space<hbm>>) dst(%arg5 : memref<32768xf32, #tpu.memory_space<vmem>>)
      %add3A_672 = arith.constant 2 : i32
      %add3A_673 = arith.addi %add3A_159, %add3A_672 : i32
      %lt3A_674 = arith.constant 15 : i32
      %lt3A_675 = arith.cmpi slt, %scan3A_154, %lt3A_674 : i32
      %scan3A_676 = arith.constant 0 : i32
      %scan3A_677 = arith.constant 16 : i32
      %scan3A_678 = arith.addi %scan3A_676, %scan3A_677 : i32
      %scan3A_679 = arith.constant 1 : i32
      %scan3A_680 = scf.for %scan3A_1184 = %scan3A_676 to %scan3A_678 step %scan3A_679 iter_args(%scan3A_1185 = %broadcast_in_dim3A_3) -> (vector<16xf32>)  : i32 {
        %mul3A_1186 = arith.constant 2048 : i32
        %mul3A_1187 = arith.muli %scan3A_1184, %mul3A_1186 : i32
        %scan3A_1188 = arith.constant 0 : i32
        %scan3A_1189 = arith.constant 16 : i32
        %scan3A_1190 = arith.addi %scan3A_1188, %scan3A_1189 : i32
        %scan3A_1191 = arith.constant 1 : i32
        %scan3A_1192:8 = scf.for %scan3A_1220 = %scan3A_1188 to %scan3A_1190 step %scan3A_1191 iter_args(%scan3A_1221 = %broadcast_in_dim3A_3, %scan3A_1222 = %broadcast_in_dim3A_3, %scan3A_1223 = %broadcast_in_dim3A_3, %scan3A_1224 = %broadcast_in_dim3A_3, %scan3A_1225 = %broadcast_in_dim3A_3, %scan3A_1226 = %broadcast_in_dim3A_3, %scan3A_1227 = %broadcast_in_dim3A_3, %scan3A_1228 = %broadcast_in_dim3A_3) -> (vector<16xf32>, vector<16xf32>, vector<16xf32>, vector<16xf32>, vector<16xf32>, vector<16xf32>, vector<16xf32>, vector<16xf32>)  : i32 {
          %mul3A_1229 = arith.constant 8 : i32
          %mul3A_1230 = arith.muli %scan3A_1220, %mul3A_1229 : i32
          %mul3A_1231 = arith.constant 16 : i32
          %mul3A_1232 = arith.muli %mul3A_1230, %mul3A_1231 : i32
          %add3A_1233 = arith.addi %mul3A_1187, %mul3A_1232 : i32
          %add3A_1234 = arith.constant 0 : i32
          %add3A_1235 = arith.addi %add3A_1233, %add3A_1234 : i32
          %get3A = arith.index_cast %add3A_1235 : i32 to index
          %get3A_1236 = tpu.vector_load %arg5[%get3A] {strides = array<i32>} : memref<32768xf32, #tpu.memory_space<vmem>>, vector<16xf32>,
          %max3A_1237 = arith.maximumf %scan3A_1221, %get3A_1236 : vector<16xf32>
          %add3A_1238 = arith.constant 16 : i32
          %add3A_1239 = arith.addi %add3A_1233, %add3A_1238 : i32
          %get3A_1240 = arith.index_cast %add3A_1239 : i32 to index
          %get3A_1241 = tpu.vector_load %arg5[%get3A_1240] {strides = array<i32>} : memref<32768xf32, #tpu.memory_space<vmem>>, vector<16xf32>,
          %max3A_1242 = arith.maximumf %scan3A_1222, %get3A_1241 : vector<16xf32>
          %add3A_1243 = arith.constant 32 : i32
          %add3A_1244 = arith.addi %add3A_1233, %add3A_1243 : i32
          %get3A_1245 = arith.index_cast %add3A_1244 : i32 to index
          %get3A_1246 = tpu.vector_load %arg5[%get3A_1245] {strides = array<i32>} : memref<32768xf32, #tpu.memory_space<vmem>>, vector<16xf32>,
          %max3A_1247 = arith.maximumf %scan3A_1223, %get3A_1246 : vector<16xf32>
          %add3A_1248 = arith.constant 48 : i32
          %add3A_1249 = arith.addi %add3A_1233, %add3A_1248 : i32
          %get3A_1250 = arith.index_cast %add3A_1249 : i32 to index
          %get3A_1251 = tpu.vector_load %arg5[%get3A_1250] {strides = array<i32>} : memref<32768xf32, #tpu.memory_space<vmem>>, vector<16xf32>,
          %max3A_1252 = arith.maximumf %scan3A_1224, %get3A_1251 : vector<16xf32>
          %add3A_1253 = arith.constant 64 : i32
          %add3A_1254 = arith.addi %add3A_1233, %add3A_1253 : i32
          %get3A_1255 = arith.index_cast %add3A_1254 : i32 to index
          %get3A_1256 = tpu.vector_load %arg5[%get3A_1255] {strides = array<i32>} : memref<32768xf32, #tpu.memory_space<vmem>>, vector<16xf32>,
          %max3A_1257 = arith.maximumf %scan3A_1225, %get3A_1256 : vector<16xf32>
          %add3A_1258 = arith.constant 80 : i32
          %add3A_1259 = arith.addi %add3A_1233, %add3A_1258 : i32
          %get3A_1260 = arith.index_cast %add3A_1259 : i32 to index
          %get3A_1261 = tpu.vector_load %arg5[%get3A_1260] {strides = array<i32>} : memref<32768xf32, #tpu.memory_space<vmem>>, vector<16xf32>,
          %max3A_1262 = arith.maximumf %scan3A_1226, %get3A_1261 : vector<16xf32>
          %add3A_1263 = arith.constant 96 : i32
          %add3A_1264 = arith.addi %add3A_1233, %add3A_1263 : i32
          %get3A_1265 = arith.index_cast %add3A_1264 : i32 to index
          %get3A_1266 = tpu.vector_load %arg5[%get3A_1265] {strides = array<i32>} : memref<32768xf32, #tpu.memory_space<vmem>>, vector<16xf32>,
          %max3A_1267 = arith.maximumf %scan3A_1227, %get3A_1266 : vector<16xf32>
          %add3A_1268 = arith.constant 112 : i32
          %add3A_1269 = arith.addi %add3A_1233, %add3A_1268 : i32
          %get3A_1270 = arith.index_cast %add3A_1269 : i32 to index
          %get3A_1271 = tpu.vector_load %arg5[%get3A_1270] {strides = array<i32>} : memref<32768xf32, #tpu.memory_space<vmem>>, vector<16xf32>,
          %max3A_1272 = arith.maximumf %scan3A_1228, %get3A_1271 : vector<16xf32>
          scf.yield %max3A_1237, %max3A_1242, %max3A_1247, %max3A_1252, %max3A_1257, %max3A_1262, %max3A_1267, %max3A_1272 : vector<16xf32>, vector<16xf32>, vector<16xf32>, vector<16xf32>, vector<16xf32>, vector<16xf32>, vector<16xf32>, vector<16xf32>
        }
        %scan3A_1193 = arith.constant 16 : i32
        %max3A_1194 = arith.maximumf %scan3A_1192#0, %scan3A_1192#1 : vector<16xf32>
        %max3A_1195 = arith.maximumf %scan3A_1192#2, %scan3A_1192#3 : vector<16xf32>
        %max3A_1196 = arith.maximumf %max3A_1194, %max3A_1195 : vector<16xf32>
        %max3A_1197 = arith.maximumf %scan3A_1192#4, %scan3A_1192#5 : vector<16xf32>
        %max3A_1198 = arith.maximumf %scan3A_1192#6, %scan3A_1192#7 : vector<16xf32>
        %max3A_1199 = arith.maximumf %max3A_1197, %max3A_1198 : vector<16xf32>
        %max3A_1200 = arith.maximumf %max3A_1196, %max3A_1199 : vector<16xf32>
        %broadcast_in_dim3A_1201 = vector.shape_cast %xor3A_9 : vector<16xi32> to vector<16x1xi32>
        %gather3A_1202 = vector.shape_cast %broadcast_in_dim3A_1201 : vector<16x1xi32> to vector<16xi32>
        %gather3A_1203 = tpu.dynamic_gather %max3A_1200[%gather3A_1202] in [0] : vector<16xf32>, vector<16xi32> -> vector<16xf32>
        %max3A_1204 = arith.maximumf %max3A_1200, %gather3A_1203 : vector<16xf32>
        %broadcast_in_dim3A_1205 = vector.shape_cast %xor3A_12 : vector<16xi32> to vector<16x1xi32>
        %gather3A_1206 = vector.shape_cast %broadcast_in_dim3A_1205 : vector<16x1xi32> to vector<16xi32>
        %gather3A_1207 = tpu.dynamic_gather %max3A_1204[%gather3A_1206] in [0] : vector<16xf32>, vector<16xi32> -> vector<16xf32>
        %max3A_1208 = arith.maximumf %max3A_1204, %gather3A_1207 : vector<16xf32>
        %broadcast_in_dim3A_1209 = vector.shape_cast %xor3A_15 : vector<16xi32> to vector<16x1xi32>
        %gather3A_1210 = vector.shape_cast %broadcast_in_dim3A_1209 : vector<16x1xi32> to vector<16xi32>
        %gather3A_1211 = tpu.dynamic_gather %max3A_1208[%gather3A_1210] in [0] : vector<16xf32>, vector<16xi32> -> vector<16xf32>
        %max3A_1212 = arith.maximumf %max3A_1208, %gather3A_1211 : vector<16xf32>
        %broadcast_in_dim3A_1213 = vector.shape_cast %xor3A_18 : vector<16xi32> to vector<16x1xi32>
        %gather3A_1214 = vector.shape_cast %broadcast_in_dim3A_1213 : vector<16x1xi32> to vector<16xi32>
        %gather3A_1215 = tpu.dynamic_gather %max3A_1212[%gather3A_1214] in [0] : vector<16xf32>, vector<16xi32> -> vector<16xf32>
        %max3A_1216 = arith.maximumf %max3A_1212, %gather3A_1215 : vector<16xf32>
        %eq3A_1217 = vector.broadcast %scan3A_1184 : i32 to vector<16xi32>
        %eq3A_1218 = arith.cmpi eq, %iota3A, %eq3A_1217 : vector<16xi32>
        %select_n3A_1219 = arith.select %eq3A_1218, %max3A_1216, %scan3A_1185 : vector<16xi1>, vector<16xf32>
        scf.yield %select_n3A_1219 : vector<16xf32>
      }
      %scan3A_681 = arith.constant 16 : i32
      %masked_sort3A_682 = arith.constant dense<true> : vector<16xi1>
      %masked_sort3A_683, %masked_sort3A_684, %masked_sort3A_685 = tpu.sort %scan3A_680, %iota3A masked %masked_sort3A_682 {descending = true} : (vector<16xf32>, vector<16xi32>, vector<16xi1>) -> (vector<16xi1>, vector<16xf32>, vector<16xi32>)
      %broadcast_in_dim3A_686 = arith.constant 0 : i32
      %broadcast_in_dim3A_687 = vector.broadcast %broadcast_in_dim3A_686 : i32 to vector<16xi32>
      %broadcast_in_dim3A_688 = vector.shape_cast %broadcast_in_dim3A_687 : vector<16xi32> to vector<16x1xi32>
      %gather3A_689 = vector.shape_cast %broadcast_in_dim3A_688 : vector<16x1xi32> to vector<16xi32>
      %gather3A_690 = tpu.dynamic_gather %masked_sort3A_685[%gather3A_689] in [0] : vector<16xi32>, vector<16xi32> -> vector<16xi32>
      %slice3A_691 = vector.extract_strided_slice %gather3A_690 {offsets = [0], sizes = [1], strides = [1]} : vector<16xi32> to vector<1xi32>
      %squeeze3A_692 = vector.extract %slice3A_691[0] : i32 from vector<1xi32>
      %mul3A_693 = arith.constant 2048 : i32
      %mul3A_694 = arith.muli %squeeze3A_692, %mul3A_693 : i32
      %scan3A_695 = arith.constant 0 : i32
      %scan3A_696 = arith.constant 64 : i32
      %scan3A_697 = arith.addi %scan3A_695, %scan3A_696 : i32
      %scan3A_698 = arith.constant 1 : i32
      %scan3A_699:6 = scf.for %scan3A_1184 = %scan3A_695 to %scan3A_697 step %scan3A_698 iter_args(%scan3A_1185 = %broadcast_in_dim3A_3, %scan3A_1186 = %broadcast_in_dim3A_3, %scan3A_1187 = %broadcast_in_dim3A_3, %scan3A_1188 = %broadcast_in_dim3A_3, %scan3A_1189 = %broadcast_in_dim3A_3, %scan3A_1190 = %broadcast_in_dim3A_3) -> (vector<16xf32>, vector<16xf32>, vector<16xf32>, vector<16xf32>, vector<16xf32>, vector<16xf32>)  : i32 {
        %mul3A_1191 = arith.constant 2 : i32
        %mul3A_1192 = arith.muli %scan3A_1184, %mul3A_1191 : i32
        %mul3A_1193 = arith.constant 16 : i32
        %mul3A_1194 = arith.muli %mul3A_1192, %mul3A_1193 : i32
        %add3A_1195 = arith.addi %mul3A_694, %mul3A_1194 : i32
        %get3A = arith.index_cast %add3A_1195 : i32 to index
        %get3A_1196 = tpu.vector_load %arg5[%get3A] {strides = array<i32>} : memref<32768xf32, #tpu.memory_space<vmem>>, vector<16xf32>,
        %add3A_1197 = arith.constant 16 : i32
        %add3A_1198 = arith.addi %add3A_1195, %add3A_1197 : i32
        %get3A_1199 = arith.index_cast %add3A_1198 : i32 to index
        %get3A_1200 = tpu.vector_load %arg5[%get3A_1199] {strides = array<i32>} : memref<32768xf32, #tpu.memory_space<vmem>>, vector<16xf32>,
        %max3A_1201 = arith.maximumf %scan3A_1185, %get3A_1196 : vector<16xf32>
        %min3A_1202 = arith.minimumf %scan3A_1185, %get3A_1196 : vector<16xf32>
        %max3A_1203 = arith.maximumf %scan3A_1186, %min3A_1202 : vector<16xf32>
        %min3A_1204 = arith.minimumf %scan3A_1186, %min3A_1202 : vector<16xf32>
        %max3A_1205 = arith.maximumf %scan3A_1187, %min3A_1204 : vector<16xf32>
        %max3A_1206 = arith.maximumf %scan3A_1188, %get3A_1200 : vector<16xf32>
        %min3A_1207 = arith.minimumf %scan3A_1188, %get3A_1200 : vector<16xf32>
        %max3A_1208 = arith.maximumf %scan3A_1189, %min3A_1207 : vector<16xf32>
        %min3A_1209 = arith.minimumf %scan3A_1189, %min3A_1207 : vector<16xf32>
        %max3A_1210 = arith.maximumf %scan3A_1190, %min3A_1209 : vector<16xf32>
        scf.yield %max3A_1201, %max3A_1203, %max3A_1205, %max3A_1206, %max3A_1208, %max3A_1210 : vector<16xf32>, vector<16xf32>, vector<16xf32>, vector<16xf32>, vector<16xf32>, vector<16xf32>
      }
      %scan3A_700 = arith.constant 64 : i32
      %broadcast_in_dim3A_701 = arith.constant 1 : i32
      %broadcast_in_dim3A_702 = vector.broadcast %broadcast_in_dim3A_701 : i32 to vector<16xi32>
      %broadcast_in_dim3A_703 = vector.shape_cast %broadcast_in_dim3A_702 : vector<16xi32> to vector<16x1xi32>
      %gather3A_704 = vector.shape_cast %broadcast_in_dim3A_703 : vector<16x1xi32> to vector<16xi32>
      %gather3A_705 = tpu.dynamic_gather %masked_sort3A_685[%gather3A_704] in [0] : vector<16xi32>, vector<16xi32> -> vector<16xi32>
      %slice3A_706 = vector.extract_strided_slice %gather3A_705 {offsets = [0], sizes = [1], strides = [1]} : vector<16xi32> to vector<1xi32>
      %squeeze3A_707 = vector.extract %slice3A_706[0] : i32 from vector<1xi32>
      %mul3A_708 = arith.constant 2048 : i32
      %mul3A_709 = arith.muli %squeeze3A_707, %mul3A_708 : i32
      %scan3A_710 = arith.constant 0 : i32
      %scan3A_711 = arith.constant 64 : i32
      %scan3A_712 = arith.addi %scan3A_710, %scan3A_711 : i32
      %scan3A_713 = arith.constant 1 : i32
      %scan3A_714:6 = scf.for %scan3A_1184 = %scan3A_710 to %scan3A_712 step %scan3A_713 iter_args(%scan3A_1185 = %scan3A_699#0, %scan3A_1186 = %scan3A_699#1, %scan3A_1187 = %scan3A_699#2, %scan3A_1188 = %scan3A_699#3, %scan3A_1189 = %scan3A_699#4, %scan3A_1190 = %scan3A_699#5) -> (vector<16xf32>, vector<16xf32>, vector<16xf32>, vector<16xf32>, vector<16xf32>, vector<16xf32>)  : i32 {
        %mul3A_1191 = arith.constant 2 : i32
        %mul3A_1192 = arith.muli %scan3A_1184, %mul3A_1191 : i32
        %mul3A_1193 = arith.constant 16 : i32
        %mul3A_1194 = arith.muli %mul3A_1192, %mul3A_1193 : i32
        %add3A_1195 = arith.addi %mul3A_709, %mul3A_1194 : i32
        %get3A = arith.index_cast %add3A_1195 : i32 to index
        %get3A_1196 = tpu.vector_load %arg5[%get3A] {strides = array<i32>} : memref<32768xf32, #tpu.memory_space<vmem>>, vector<16xf32>,
        %add3A_1197 = arith.constant 16 : i32
        %add3A_1198 = arith.addi %add3A_1195, %add3A_1197 : i32
        %get3A_1199 = arith.index_cast %add3A_1198 : i32 to index
        %get3A_1200 = tpu.vector_load %arg5[%get3A_1199] {strides = array<i32>} : memref<32768xf32, #tpu.memory_space<vmem>>, vector<16xf32>,
        %max3A_1201 = arith.maximumf %scan3A_1185, %get3A_1196 : vector<16xf32>
        %min3A_1202 = arith.minimumf %scan3A_1185, %get3A_1196 : vector<16xf32>
        %max3A_1203 = arith.maximumf %scan3A_1186, %min3A_1202 : vector<16xf32>
        %min3A_1204 = arith.minimumf %scan3A_1186, %min3A_1202 : vector<16xf32>
        %max3A_1205 = arith.maximumf %scan3A_1187, %min3A_1204 : vector<16xf32>
        %max3A_1206 = arith.maximumf %scan3A_1188, %get3A_1200 : vector<16xf32>
        %min3A_1207 = arith.minimumf %scan3A_1188, %get3A_1200 : vector<16xf32>
        %max3A_1208 = arith.maximumf %scan3A_1189, %min3A_1207 : vector<16xf32>
        %min3A_1209 = arith.minimumf %scan3A_1189, %min3A_1207 : vector<16xf32>
        %max3A_1210 = arith.maximumf %scan3A_1190, %min3A_1209 : vector<16xf32>
        scf.yield %max3A_1201, %max3A_1203, %max3A_1205, %max3A_1206, %max3A_1208, %max3A_1210 : vector<16xf32>, vector<16xf32>, vector<16xf32>, vector<16xf32>, vector<16xf32>, vector<16xf32>
      }
      %scan3A_715 = arith.constant 64 : i32
      %broadcast_in_dim3A_716 = arith.constant 2 : i32
      %broadcast_in_dim3A_717 = vector.broadcast %broadcast_in_dim3A_716 : i32 to vector<16xi32>
      %broadcast_in_dim3A_718 = vector.shape_cast %broadcast_in_dim3A_717 : vector<16xi32> to vector<16x1xi32>
      %gather3A_719 = vector.shape_cast %broadcast_in_dim3A_718 : vector<16x1xi32> to vector<16xi32>
      %gather3A_720 = tpu.dynamic_gather %masked_sort3A_685[%gather3A_719] in [0] : vector<16xi32>, vector<16xi32> -> vector<16xi32>
      %slice3A_721 = vector.extract_strided_slice %gather3A_720 {offsets = [0], sizes = [1], strides = [1]} : vector<16xi32> to vector<1xi32>
      %squeeze3A_722 = vector.extract %slice3A_721[0] : i32 from vector<1xi32>
      %mul3A_723 = arith.constant 2048 : i32
      %mul3A_724 = arith.muli %squeeze3A_722, %mul3A_723 : i32
      %scan3A_725 = arith.constant 0 : i32
      %scan3A_726 = arith.constant 64 : i32
      %scan3A_727 = arith.addi %scan3A_725, %scan3A_726 : i32
      %scan3A_728 = arith.constant 1 : i32
      %scan3A_729:6 = scf.for %scan3A_1184 = %scan3A_725 to %scan3A_727 step %scan3A_728 iter_args(%scan3A_1185 = %scan3A_714#0, %scan3A_1186 = %scan3A_714#1, %scan3A_1187 = %scan3A_714#2, %scan3A_1188 = %scan3A_714#3, %scan3A_1189 = %scan3A_714#4, %scan3A_1190 = %scan3A_714#5) -> (vector<16xf32>, vector<16xf32>, vector<16xf32>, vector<16xf32>, vector<16xf32>, vector<16xf32>)  : i32 {
        %mul3A_1191 = arith.constant 2 : i32
        %mul3A_1192 = arith.muli %scan3A_1184, %mul3A_1191 : i32
        %mul3A_1193 = arith.constant 16 : i32
        %mul3A_1194 = arith.muli %mul3A_1192, %mul3A_1193 : i32
        %add3A_1195 = arith.addi %mul3A_724, %mul3A_1194 : i32
        %get3A = arith.index_cast %add3A_1195 : i32 to index
        %get3A_1196 = tpu.vector_load %arg5[%get3A] {strides = array<i32>} : memref<32768xf32, #tpu.memory_space<vmem>>, vector<16xf32>,
        %add3A_1197 = arith.constant 16 : i32
        %add3A_1198 = arith.addi %add3A_1195, %add3A_1197 : i32
        %get3A_1199 = arith.index_cast %add3A_1198 : i32 to index
        %get3A_1200 = tpu.vector_load %arg5[%get3A_1199] {strides = array<i32>} : memref<32768xf32, #tpu.memory_space<vmem>>, vector<16xf32>,
        %max3A_1201 = arith.maximumf %scan3A_1185, %get3A_1196 : vector<16xf32>
        %min3A_1202 = arith.minimumf %scan3A_1185, %get3A_1196 : vector<16xf32>
        %max3A_1203 = arith.maximumf %scan3A_1186, %min3A_1202 : vector<16xf32>
        %min3A_1204 = arith.minimumf %scan3A_1186, %min3A_1202 : vector<16xf32>
        %max3A_1205 = arith.maximumf %scan3A_1187, %min3A_1204 : vector<16xf32>
        %max3A_1206 = arith.maximumf %scan3A_1188, %get3A_1200 : vector<16xf32>
        %min3A_1207 = arith.minimumf %scan3A_1188, %get3A_1200 : vector<16xf32>
        %max3A_1208 = arith.maximumf %scan3A_1189, %min3A_1207 : vector<16xf32>
        %min3A_1209 = arith.minimumf %scan3A_1189, %min3A_1207 : vector<16xf32>
        %max3A_1210 = arith.maximumf %scan3A_1190, %min3A_1209 : vector<16xf32>
        scf.yield %max3A_1201, %max3A_1203, %max3A_1205, %max3A_1206, %max3A_1208, %max3A_1210 : vector<16xf32>, vector<16xf32>, vector<16xf32>, vector<16xf32>, vector<16xf32>, vector<16xf32>
      }
      %scan3A_730 = arith.constant 64 : i32
      %max3A_731 = arith.maximumf %scan3A_729#0, %scan3A_729#3 : vector<16xf32>
      %min3A_732 = arith.minimumf %scan3A_729#0, %scan3A_729#3 : vector<16xf32>
      %max3A_733 = arith.maximumf %scan3A_729#1, %min3A_732 : vector<16xf32>
      %min3A_734 = arith.minimumf %scan3A_729#1, %min3A_732 : vector<16xf32>
      %max3A_735 = arith.maximumf %scan3A_729#2, %min3A_734 : vector<16xf32>
      %max3A_736 = arith.maximumf %max3A_731, %scan3A_729#4 : vector<16xf32>
      %min3A_737 = arith.minimumf %max3A_731, %scan3A_729#4 : vector<16xf32>
      %max3A_738 = arith.maximumf %max3A_733, %min3A_737 : vector<16xf32>
      %min3A_739 = arith.minimumf %max3A_733, %min3A_737 : vector<16xf32>
      %max3A_740 = arith.maximumf %max3A_735, %min3A_739 : vector<16xf32>
      %max3A_741 = arith.maximumf %max3A_736, %scan3A_729#5 : vector<16xf32>
      %min3A_742 = arith.minimumf %max3A_736, %scan3A_729#5 : vector<16xf32>
      %max3A_743 = arith.maximumf %max3A_738, %min3A_742 : vector<16xf32>
      %min3A_744 = arith.minimumf %max3A_738, %min3A_742 : vector<16xf32>
      %max3A_745 = arith.maximumf %max3A_740, %min3A_744 : vector<16xf32>
      %broadcast_in_dim3A_746 = vector.shape_cast %xor3A_9 : vector<16xi32> to vector<16x1xi32>
      %gather3A_747 = vector.shape_cast %broadcast_in_dim3A_746 : vector<16x1xi32> to vector<16xi32>
      %gather3A_748 = tpu.dynamic_gather %max3A_741[%gather3A_747] in [0] : vector<16xf32>, vector<16xi32> -> vector<16xf32>
      %max3A_749 = arith.maximumf %max3A_741, %gather3A_748 : vector<16xf32>
      %broadcast_in_dim3A_750 = vector.shape_cast %xor3A_12 : vector<16xi32> to vector<16x1xi32>
      %gather3A_751 = vector.shape_cast %broadcast_in_dim3A_750 : vector<16x1xi32> to vector<16xi32>
      %gather3A_752 = tpu.dynamic_gather %max3A_749[%gather3A_751] in [0] : vector<16xf32>, vector<16xi32> -> vector<16xf32>
      %max3A_753 = arith.maximumf %max3A_749, %gather3A_752 : vector<16xf32>
      %broadcast_in_dim3A_754 = vector.shape_cast %xor3A_15 : vector<16xi32> to vector<16x1xi32>
      %gather3A_755 = vector.shape_cast %broadcast_in_dim3A_754 : vector<16x1xi32> to vector<16xi32>
      %gather3A_756 = tpu.dynamic_gather %max3A_753[%gather3A_755] in [0] : vector<16xf32>, vector<16xi32> -> vector<16xf32>
      %max3A_757 = arith.maximumf %max3A_753, %gather3A_756 : vector<16xf32>
      %broadcast_in_dim3A_758 = vector.shape_cast %xor3A_18 : vector<16xi32> to vector<16x1xi32>
      %gather3A_759 = vector.shape_cast %broadcast_in_dim3A_758 : vector<16x1xi32> to vector<16xi32>
      %gather3A_760 = tpu.dynamic_gather %max3A_757[%gather3A_759] in [0] : vector<16xf32>, vector<16xi32> -> vector<16xf32>
      %max3A_761 = arith.maximumf %max3A_757, %gather3A_760 : vector<16xf32>
      %eq3A_762 = arith.cmpf oeq, %max3A_741, %max3A_761 : vector<16xf32>
      %convert_element_type3A_763 = arith.extui %eq3A_762 : vector<16xi1> to vector<16xi32>
      %convert_element_type3A_764 = arith.sitofp %convert_element_type3A_763 : vector<16xi32> to vector<16xf32>
      %eq3A_765 = arith.cmpf oeq, %max3A_743, %max3A_761 : vector<16xf32>
      %convert_element_type3A_766 = arith.extui %eq3A_765 : vector<16xi1> to vector<16xi32>
      %convert_element_type3A_767 = arith.sitofp %convert_element_type3A_766 : vector<16xi32> to vector<16xf32>
      %add3A_768 = arith.addf %convert_element_type3A_764, %convert_element_type3A_767 : vector<16xf32>
      %eq3A_769 = arith.cmpf oeq, %max3A_745, %max3A_761 : vector<16xf32>
      %convert_element_type3A_770 = arith.extui %eq3A_769 : vector<16xi1> to vector<16xi32>
      %convert_element_type3A_771 = arith.sitofp %convert_element_type3A_770 : vector<16xi32> to vector<16xf32>
      %add3A_772 = arith.addf %add3A_768, %convert_element_type3A_771 : vector<16xf32>
      %broadcast_in_dim3A_773 = vector.shape_cast %xor3A_9 : vector<16xi32> to vector<16x1xi32>
      %gather3A_774 = vector.shape_cast %broadcast_in_dim3A_773 : vector<16x1xi32> to vector<16xi32>
      %gather3A_775 = tpu.dynamic_gather %add3A_772[%gather3A_774] in [0] : vector<16xf32>, vector<16xi32> -> vector<16xf32>
      %add3A_776 = arith.addf %add3A_772, %gather3A_775 : vector<16xf32>
      %broadcast_in_dim3A_777 = vector.shape_cast %xor3A_12 : vector<16xi32> to vector<16x1xi32>
      %gather3A_778 = vector.shape_cast %broadcast_in_dim3A_777 : vector<16x1xi32> to vector<16xi32>
      %gather3A_779 = tpu.dynamic_gather %add3A_776[%gather3A_778] in [0] : vector<16xf32>, vector<16xi32> -> vector<16xf32>
      %add3A_780 = arith.addf %add3A_776, %gather3A_779 : vector<16xf32>
      %broadcast_in_dim3A_781 = vector.shape_cast %xor3A_15 : vector<16xi32> to vector<16x1xi32>
      %gather3A_782 = vector.shape_cast %broadcast_in_dim3A_781 : vector<16x1xi32> to vector<16xi32>
      %gather3A_783 = tpu.dynamic_gather %add3A_780[%gather3A_782] in [0] : vector<16xf32>, vector<16xi32> -> vector<16xf32>
      %add3A_784 = arith.addf %add3A_780, %gather3A_783 : vector<16xf32>
      %broadcast_in_dim3A_785 = vector.shape_cast %xor3A_18 : vector<16xi32> to vector<16x1xi32>
      %gather3A_786 = vector.shape_cast %broadcast_in_dim3A_785 : vector<16x1xi32> to vector<16xi32>
      %gather3A_787 = tpu.dynamic_gather %add3A_784[%gather3A_786] in [0] : vector<16xf32>, vector<16xi32> -> vector<16xf32>
      %add3A_788 = arith.addf %add3A_784, %gather3A_787 : vector<16xf32>
      %lt3A_789 = arith.cmpf olt, %max3A_741, %max3A_761 : vector<16xf32>
      %select_n3A_790 = arith.select %lt3A_789, %max3A_741, %broadcast_in_dim3A_3 : vector<16xi1>, vector<16xf32>
      %lt3A_791 = arith.cmpf olt, %max3A_743, %max3A_761 : vector<16xf32>
      %select_n3A_792 = arith.select %lt3A_791, %max3A_743, %broadcast_in_dim3A_3 : vector<16xi1>, vector<16xf32>
      %max3A_793 = arith.maximumf %select_n3A_790, %select_n3A_792 : vector<16xf32>
      %lt3A_794 = arith.cmpf olt, %max3A_745, %max3A_761 : vector<16xf32>
      %select_n3A_795 = arith.select %lt3A_794, %max3A_745, %broadcast_in_dim3A_3 : vector<16xi1>, vector<16xf32>
      %max3A_796 = arith.maximumf %max3A_793, %select_n3A_795 : vector<16xf32>
      %broadcast_in_dim3A_797 = vector.shape_cast %xor3A_9 : vector<16xi32> to vector<16x1xi32>
      %gather3A_798 = vector.shape_cast %broadcast_in_dim3A_797 : vector<16x1xi32> to vector<16xi32>
      %gather3A_799 = tpu.dynamic_gather %max3A_796[%gather3A_798] in [0] : vector<16xf32>, vector<16xi32> -> vector<16xf32>
      %max3A_800 = arith.maximumf %max3A_796, %gather3A_799 : vector<16xf32>
      %broadcast_in_dim3A_801 = vector.shape_cast %xor3A_12 : vector<16xi32> to vector<16x1xi32>
      %gather3A_802 = vector.shape_cast %broadcast_in_dim3A_801 : vector<16x1xi32> to vector<16xi32>
      %gather3A_803 = tpu.dynamic_gather %max3A_800[%gather3A_802] in [0] : vector<16xf32>, vector<16xi32> -> vector<16xf32>
      %max3A_804 = arith.maximumf %max3A_800, %gather3A_803 : vector<16xf32>
      %broadcast_in_dim3A_805 = vector.shape_cast %xor3A_15 : vector<16xi32> to vector<16x1xi32>
      %gather3A_806 = vector.shape_cast %broadcast_in_dim3A_805 : vector<16x1xi32> to vector<16xi32>
      %gather3A_807 = tpu.dynamic_gather %max3A_804[%gather3A_806] in [0] : vector<16xf32>, vector<16xi32> -> vector<16xf32>
      %max3A_808 = arith.maximumf %max3A_804, %gather3A_807 : vector<16xf32>
      %broadcast_in_dim3A_809 = vector.shape_cast %xor3A_18 : vector<16xi32> to vector<16x1xi32>
      %gather3A_810 = vector.shape_cast %broadcast_in_dim3A_809 : vector<16x1xi32> to vector<16xi32>
      %gather3A_811 = tpu.dynamic_gather %max3A_808[%gather3A_810] in [0] : vector<16xf32>, vector<16xi32> -> vector<16xf32>
      %max3A_812 = arith.maximumf %max3A_808, %gather3A_811 : vector<16xf32>
      %eq3A_813 = arith.cmpf oeq, %max3A_741, %max3A_812 : vector<16xf32>
      %convert_element_type3A_814 = arith.extui %eq3A_813 : vector<16xi1> to vector<16xi32>
      %convert_element_type3A_815 = arith.sitofp %convert_element_type3A_814 : vector<16xi32> to vector<16xf32>
      %eq3A_816 = arith.cmpf oeq, %max3A_743, %max3A_812 : vector<16xf32>
      %convert_element_type3A_817 = arith.extui %eq3A_816 : vector<16xi1> to vector<16xi32>
      %convert_element_type3A_818 = arith.sitofp %convert_element_type3A_817 : vector<16xi32> to vector<16xf32>
      %add3A_819 = arith.addf %convert_element_type3A_815, %convert_element_type3A_818 : vector<16xf32>
      %eq3A_820 = arith.cmpf oeq, %max3A_745, %max3A_812 : vector<16xf32>
      %convert_element_type3A_821 = arith.extui %eq3A_820 : vector<16xi1> to vector<16xi32>
      %convert_element_type3A_822 = arith.sitofp %convert_element_type3A_821 : vector<16xi32> to vector<16xf32>
      %add3A_823 = arith.addf %add3A_819, %convert_element_type3A_822 : vector<16xf32>
      %broadcast_in_dim3A_824 = vector.shape_cast %xor3A_9 : vector<16xi32> to vector<16x1xi32>
      %gather3A_825 = vector.shape_cast %broadcast_in_dim3A_824 : vector<16x1xi32> to vector<16xi32>
      %gather3A_826 = tpu.dynamic_gather %add3A_823[%gather3A_825] in [0] : vector<16xf32>, vector<16xi32> -> vector<16xf32>
      %add3A_827 = arith.addf %add3A_823, %gather3A_826 : vector<16xf32>
      %broadcast_in_dim3A_828 = vector.shape_cast %xor3A_12 : vector<16xi32> to vector<16x1xi32>
      %gather3A_829 = vector.shape_cast %broadcast_in_dim3A_828 : vector<16x1xi32> to vector<16xi32>
      %gather3A_830 = tpu.dynamic_gather %add3A_827[%gather3A_829] in [0] : vector<16xf32>, vector<16xi32> -> vector<16xf32>
      %add3A_831 = arith.addf %add3A_827, %gather3A_830 : vector<16xf32>
      %broadcast_in_dim3A_832 = vector.shape_cast %xor3A_15 : vector<16xi32> to vector<16x1xi32>
      %gather3A_833 = vector.shape_cast %broadcast_in_dim3A_832 : vector<16x1xi32> to vector<16xi32>
      %gather3A_834 = tpu.dynamic_gather %add3A_831[%gather3A_833] in [0] : vector<16xf32>, vector<16xi32> -> vector<16xf32>
      %add3A_835 = arith.addf %add3A_831, %gather3A_834 : vector<16xf32>
      %broadcast_in_dim3A_836 = vector.shape_cast %xor3A_18 : vector<16xi32> to vector<16x1xi32>
      %gather3A_837 = vector.shape_cast %broadcast_in_dim3A_836 : vector<16x1xi32> to vector<16xi32>
      %gather3A_838 = tpu.dynamic_gather %add3A_835[%gather3A_837] in [0] : vector<16xf32>, vector<16xi32> -> vector<16xf32>
      %add3A_839 = arith.addf %add3A_835, %gather3A_838 : vector<16xf32>
      %lt3A_840 = arith.cmpf olt, %max3A_741, %max3A_812 : vector<16xf32>
      %select_n3A_841 = arith.select %lt3A_840, %max3A_741, %broadcast_in_dim3A_3 : vector<16xi1>, vector<16xf32>
      %lt3A_842 = arith.cmpf olt, %max3A_743, %max3A_812 : vector<16xf32>
      %select_n3A_843 = arith.select %lt3A_842, %max3A_743, %broadcast_in_dim3A_3 : vector<16xi1>, vector<16xf32>
      %max3A_844 = arith.maximumf %select_n3A_841, %select_n3A_843 : vector<16xf32>
      %lt3A_845 = arith.cmpf olt, %max3A_745, %max3A_812 : vector<16xf32>
      %select_n3A_846 = arith.select %lt3A_845, %max3A_745, %broadcast_in_dim3A_3 : vector<16xi1>, vector<16xf32>
      %max3A_847 = arith.maximumf %max3A_844, %select_n3A_846 : vector<16xf32>
      %broadcast_in_dim3A_848 = vector.shape_cast %xor3A_9 : vector<16xi32> to vector<16x1xi32>
      %gather3A_849 = vector.shape_cast %broadcast_in_dim3A_848 : vector<16x1xi32> to vector<16xi32>
      %gather3A_850 = tpu.dynamic_gather %max3A_847[%gather3A_849] in [0] : vector<16xf32>, vector<16xi32> -> vector<16xf32>
      %max3A_851 = arith.maximumf %max3A_847, %gather3A_850 : vector<16xf32>
      %broadcast_in_dim3A_852 = vector.shape_cast %xor3A_12 : vector<16xi32> to vector<16x1xi32>
      %gather3A_853 = vector.shape_cast %broadcast_in_dim3A_852 : vector<16x1xi32> to vector<16xi32>
      %gather3A_854 = tpu.dynamic_gather %max3A_851[%gather3A_853] in [0] : vector<16xf32>, vector<16xi32> -> vector<16xf32>
      %max3A_855 = arith.maximumf %max3A_851, %gather3A_854 : vector<16xf32>
      %broadcast_in_dim3A_856 = vector.shape_cast %xor3A_15 : vector<16xi32> to vector<16x1xi32>
      %gather3A_857 = vector.shape_cast %broadcast_in_dim3A_856 : vector<16x1xi32> to vector<16xi32>
      %gather3A_858 = tpu.dynamic_gather %max3A_855[%gather3A_857] in [0] : vector<16xf32>, vector<16xi32> -> vector<16xf32>
      %max3A_859 = arith.maximumf %max3A_855, %gather3A_858 : vector<16xf32>
      %broadcast_in_dim3A_860 = vector.shape_cast %xor3A_18 : vector<16xi32> to vector<16x1xi32>
      %gather3A_861 = vector.shape_cast %broadcast_in_dim3A_860 : vector<16x1xi32> to vector<16xi32>
      %gather3A_862 = tpu.dynamic_gather %max3A_859[%gather3A_861] in [0] : vector<16xf32>, vector<16xi32> -> vector<16xf32>
      %max3A_863 = arith.maximumf %max3A_859, %gather3A_862 : vector<16xf32>
      %ge3A_864 = arith.constant 3.000000e+00 : f32
      %ge3A_865 = vector.broadcast %ge3A_864 : f32 to vector<16xf32>
      %ge3A_866 = arith.cmpf oge, %add3A_788, %ge3A_865 : vector<16xf32>
      %add3A_867 = arith.addf %add3A_788, %add3A_839 : vector<16xf32>
      %ge3A_868 = arith.constant 3.000000e+00 : f32
      %ge3A_869 = vector.broadcast %ge3A_868 : f32 to vector<16xf32>
      %ge3A_870 = arith.cmpf oge, %add3A_867, %ge3A_869 : vector<16xf32>
      %select_n3A_871 = arith.select %ge3A_870, %max3A_812, %max3A_863 : vector<16xi1>, vector<16xf32>
      %select_n3A_872 = arith.select %ge3A_866, %max3A_761, %select_n3A_871 : vector<16xi1>, vector<16xf32>
      %ge3A_873 = arith.cmpf oge, %scan3A_680, %select_n3A_872 : vector<16xf32>
      %convert_element_type3A_874 = arith.extui %ge3A_873 : vector<16xi1> to vector<16xi32>
      %convert_element_type3A_875 = arith.sitofp %convert_element_type3A_874 : vector<16xi32> to vector<16xf32>
      %broadcast_in_dim3A_876 = vector.shape_cast %xor3A_9 : vector<16xi32> to vector<16x1xi32>
      %gather3A_877 = vector.shape_cast %broadcast_in_dim3A_876 : vector<16x1xi32> to vector<16xi32>
      %gather3A_878 = tpu.dynamic_gather %convert_element_type3A_875[%gather3A_877] in [0] : vector<16xf32>, vector<16xi32> -> vector<16xf32>
      %add3A_879 = arith.addf %convert_element_type3A_875, %gather3A_878 : vector<16xf32>
      %broadcast_in_dim3A_880 = vector.shape_cast %xor3A_12 : vector<16xi32> to vector<16x1xi32>
      %gather3A_881 = vector.shape_cast %broadcast_in_dim3A_880 : vector<16x1xi32> to vector<16xi32>
      %gather3A_882 = tpu.dynamic_gather %add3A_879[%gather3A_881] in [0] : vector<16xf32>, vector<16xi32> -> vector<16xf32>
      %add3A_883 = arith.addf %add3A_879, %gather3A_882 : vector<16xf32>
      %broadcast_in_dim3A_884 = vector.shape_cast %xor3A_15 : vector<16xi32> to vector<16x1xi32>
      %gather3A_885 = vector.shape_cast %broadcast_in_dim3A_884 : vector<16x1xi32> to vector<16xi32>
      %gather3A_886 = tpu.dynamic_gather %add3A_883[%gather3A_885] in [0] : vector<16xf32>, vector<16xi32> -> vector<16xf32>
      %add3A_887 = arith.addf %add3A_883, %gather3A_886 : vector<16xf32>
      %broadcast_in_dim3A_888 = vector.shape_cast %xor3A_18 : vector<16xi32> to vector<16x1xi32>
      %gather3A_889 = vector.shape_cast %broadcast_in_dim3A_888 : vector<16x1xi32> to vector<16xi32>
      %gather3A_890 = tpu.dynamic_gather %add3A_887[%gather3A_889] in [0] : vector<16xf32>, vector<16xi32> -> vector<16xf32>
      %add3A_891 = arith.addf %add3A_887, %gather3A_890 : vector<16xf32>
      %slice3A_892 = vector.extract_strided_slice %add3A_891 {offsets = [0], sizes = [1], strides = [1]} : vector<16xf32> to vector<1xf32>
      %squeeze3A_893 = vector.extract %slice3A_892[0] : f32 from vector<1xf32>
      %convert_element_type3A_894 = arith.fptosi %squeeze3A_893 : f32 to i32
      %while3A_895 = arith.constant 0 : i32
      %while3A_896 = arith.subi %convert_element_type3A_894, %while3A_895 : i32
      %while3A_897 = arith.addi %while3A_895, %while3A_896 : i32
      %while3A_898 = arith.constant 1 : i32
      %while3A_899 = arith.divsi %while3A_896, %while3A_898 : i32
      %while3A_900 = arith.muli %while3A_899, %while3A_898 : i32
      %while3A_901 = arith.addi %while3A_895, %while3A_900 : i32
      %while3A_902 = arith.constant 1 : i32
      %while3A_903 = scf.for %while3A_1184 = %while3A_895 to %while3A_901 step %while3A_902 iter_args(%while3A_1185 = %broadcast_in_dim3A_5) -> (vector<16xf32>)  : i32 {
        %broadcast_in_dim3A_1186 = vector.broadcast %while3A_1184 : i32 to vector<16xi32>
        %broadcast_in_dim3A_1187 = vector.shape_cast %broadcast_in_dim3A_1186 : vector<16xi32> to vector<16x1xi32>
        %gather3A_1188 = vector.shape_cast %broadcast_in_dim3A_1187 : vector<16x1xi32> to vector<16xi32>
        %gather3A_1189 = tpu.dynamic_gather %masked_sort3A_685[%gather3A_1188] in [0] : vector<16xi32>, vector<16xi32> -> vector<16xi32>
        %slice3A_1190 = vector.extract_strided_slice %gather3A_1189 {offsets = [0], sizes = [1], strides = [1]} : vector<16xi32> to vector<1xi32>
        %squeeze3A_1191 = vector.extract %slice3A_1190[0] : i32 from vector<1xi32>
        %mul3A_1192 = arith.constant 2048 : i32
        %mul3A_1193 = arith.muli %squeeze3A_1191, %mul3A_1192 : i32
        %scan3A_1194 = arith.constant 0 : i32
        %scan3A_1195 = arith.constant 32 : i32
        %scan3A_1196 = arith.addi %scan3A_1194, %scan3A_1195 : i32
        %scan3A_1197 = arith.constant 1 : i32
        %scan3A_1198:4 = scf.for %scan3A_1203 = %scan3A_1194 to %scan3A_1196 step %scan3A_1197 iter_args(%scan3A_1204 = %while3A_1185, %scan3A_1205 = %broadcast_in_dim3A_5, %scan3A_1206 = %broadcast_in_dim3A_5, %scan3A_1207 = %broadcast_in_dim3A_5) -> (vector<16xf32>, vector<16xf32>, vector<16xf32>, vector<16xf32>)  : i32 {
          %mul3A_1208 = arith.constant 4 : i32
          %mul3A_1209 = arith.muli %scan3A_1203, %mul3A_1208 : i32
          %mul3A_1210 = arith.constant 16 : i32
          %mul3A_1211 = arith.muli %mul3A_1209, %mul3A_1210 : i32
          %add3A_1212 = arith.addi %mul3A_1193, %mul3A_1211 : i32
          %get3A = arith.index_cast %add3A_1212 : i32 to index
          %get3A_1213 = tpu.vector_load %arg5[%get3A] {strides = array<i32>} : memref<32768xf32, #tpu.memory_space<vmem>>, vector<16xf32>,
          %add3A_1214 = arith.constant 16 : i32
          %add3A_1215 = arith.addi %add3A_1212, %add3A_1214 : i32
          %get3A_1216 = arith.index_cast %add3A_1215 : i32 to index
          %get3A_1217 = tpu.vector_load %arg5[%get3A_1216] {strides = array<i32>} : memref<32768xf32, #tpu.memory_space<vmem>>, vector<16xf32>,
          %add3A_1218 = arith.constant 32 : i32
          %add3A_1219 = arith.addi %add3A_1212, %add3A_1218 : i32
          %get3A_1220 = arith.index_cast %add3A_1219 : i32 to index
          %get3A_1221 = tpu.vector_load %arg5[%get3A_1220] {strides = array<i32>} : memref<32768xf32, #tpu.memory_space<vmem>>, vector<16xf32>,
          %add3A_1222 = arith.constant 48 : i32
          %add3A_1223 = arith.addi %add3A_1212, %add3A_1222 : i32
          %get3A_1224 = arith.index_cast %add3A_1223 : i32 to index
          %get3A_1225 = tpu.vector_load %arg5[%get3A_1224] {strides = array<i32>} : memref<32768xf32, #tpu.memory_space<vmem>>, vector<16xf32>,
          %ge3A_1226 = arith.cmpf oge, %get3A_1213, %select_n3A_872 : vector<16xf32>
          %select_n3A_1227 = arith.select %ge3A_1226, %get3A_1213, %broadcast_in_dim3A_5 : vector<16xi1>, vector<16xf32>
          %add3A_1228 = arith.addf %scan3A_1204, %select_n3A_1227 : vector<16xf32>
          %ge3A_1229 = arith.cmpf oge, %get3A_1217, %select_n3A_872 : vector<16xf32>
          %select_n3A_1230 = arith.select %ge3A_1229, %get3A_1217, %broadcast_in_dim3A_5 : vector<16xi1>, vector<16xf32>
          %add3A_1231 = arith.addf %scan3A_1205, %select_n3A_1230 : vector<16xf32>
          %ge3A_1232 = arith.cmpf oge, %get3A_1221, %select_n3A_872 : vector<16xf32>
          %select_n3A_1233 = arith.select %ge3A_1232, %get3A_1221, %broadcast_in_dim3A_5 : vector<16xi1>, vector<16xf32>
          %add3A_1234 = arith.addf %scan3A_1206, %select_n3A_1233 : vector<16xf32>
          %ge3A_1235 = arith.cmpf oge, %get3A_1225, %select_n3A_872 : vector<16xf32>
          %select_n3A_1236 = arith.select %ge3A_1235, %get3A_1225, %broadcast_in_dim3A_5 : vector<16xi1>, vector<16xf32>
          %add3A_1237 = arith.addf %scan3A_1207, %select_n3A_1236 : vector<16xf32>
          scf.yield %add3A_1228, %add3A_1231, %add3A_1234, %add3A_1237 : vector<16xf32>, vector<16xf32>, vector<16xf32>, vector<16xf32>
        }
        %scan3A_1199 = arith.constant 32 : i32
        %add3A_1200 = arith.addf %scan3A_1198#0, %scan3A_1198#1 : vector<16xf32>
        %add3A_1201 = arith.addf %scan3A_1198#2, %scan3A_1198#3 : vector<16xf32>
        %add3A_1202 = arith.addf %add3A_1200, %add3A_1201 : vector<16xf32>
        scf.yield %add3A_1202 : vector<16xf32>
      }
      %while3A_904 = arith.constant 1 : i32
      %while3A_905 = scf.for %while3A_1184 = %while3A_901 to %while3A_897 step %while3A_904 iter_args(%while3A_1185 = %while3A_903) -> (vector<16xf32>)  : i32 {
        %broadcast_in_dim3A_1186 = vector.broadcast %while3A_1184 : i32 to vector<16xi32>
        %broadcast_in_dim3A_1187 = vector.shape_cast %broadcast_in_dim3A_1186 : vector<16xi32> to vector<16x1xi32>
        %gather3A_1188 = vector.shape_cast %broadcast_in_dim3A_1187 : vector<16x1xi32> to vector<16xi32>
        %gather3A_1189 = tpu.dynamic_gather %masked_sort3A_685[%gather3A_1188] in [0] : vector<16xi32>, vector<16xi32> -> vector<16xi32>
        %slice3A_1190 = vector.extract_strided_slice %gather3A_1189 {offsets = [0], sizes = [1], strides = [1]} : vector<16xi32> to vector<1xi32>
        %squeeze3A_1191 = vector.extract %slice3A_1190[0] : i32 from vector<1xi32>
        %mul3A_1192 = arith.constant 2048 : i32
        %mul3A_1193 = arith.muli %squeeze3A_1191, %mul3A_1192 : i32
        %scan3A_1194 = arith.constant 0 : i32
        %scan3A_1195 = arith.constant 32 : i32
        %scan3A_1196 = arith.addi %scan3A_1194, %scan3A_1195 : i32
        %scan3A_1197 = arith.constant 1 : i32
        %scan3A_1198:4 = scf.for %scan3A_1203 = %scan3A_1194 to %scan3A_1196 step %scan3A_1197 iter_args(%scan3A_1204 = %while3A_1185, %scan3A_1205 = %broadcast_in_dim3A_5, %scan3A_1206 = %broadcast_in_dim3A_5, %scan3A_1207 = %broadcast_in_dim3A_5) -> (vector<16xf32>, vector<16xf32>, vector<16xf32>, vector<16xf32>)  : i32 {
          %mul3A_1208 = arith.constant 4 : i32
          %mul3A_1209 = arith.muli %scan3A_1203, %mul3A_1208 : i32
          %mul3A_1210 = arith.constant 16 : i32
          %mul3A_1211 = arith.muli %mul3A_1209, %mul3A_1210 : i32
          %add3A_1212 = arith.addi %mul3A_1193, %mul3A_1211 : i32
          %get3A = arith.index_cast %add3A_1212 : i32 to index
          %get3A_1213 = tpu.vector_load %arg5[%get3A] {strides = array<i32>} : memref<32768xf32, #tpu.memory_space<vmem>>, vector<16xf32>,
          %add3A_1214 = arith.constant 16 : i32
          %add3A_1215 = arith.addi %add3A_1212, %add3A_1214 : i32
          %get3A_1216 = arith.index_cast %add3A_1215 : i32 to index
          %get3A_1217 = tpu.vector_load %arg5[%get3A_1216] {strides = array<i32>} : memref<32768xf32, #tpu.memory_space<vmem>>, vector<16xf32>,
          %add3A_1218 = arith.constant 32 : i32
          %add3A_1219 = arith.addi %add3A_1212, %add3A_1218 : i32
          %get3A_1220 = arith.index_cast %add3A_1219 : i32 to index
          %get3A_1221 = tpu.vector_load %arg5[%get3A_1220] {strides = array<i32>} : memref<32768xf32, #tpu.memory_space<vmem>>, vector<16xf32>,
          %add3A_1222 = arith.constant 48 : i32
          %add3A_1223 = arith.addi %add3A_1212, %add3A_1222 : i32
          %get3A_1224 = arith.index_cast %add3A_1223 : i32 to index
          %get3A_1225 = tpu.vector_load %arg5[%get3A_1224] {strides = array<i32>} : memref<32768xf32, #tpu.memory_space<vmem>>, vector<16xf32>,
          %ge3A_1226 = arith.cmpf oge, %get3A_1213, %select_n3A_872 : vector<16xf32>
          %select_n3A_1227 = arith.select %ge3A_1226, %get3A_1213, %broadcast_in_dim3A_5 : vector<16xi1>, vector<16xf32>
          %add3A_1228 = arith.addf %scan3A_1204, %select_n3A_1227 : vector<16xf32>
          %ge3A_1229 = arith.cmpf oge, %get3A_1217, %select_n3A_872 : vector<16xf32>
          %select_n3A_1230 = arith.select %ge3A_1229, %get3A_1217, %broadcast_in_dim3A_5 : vector<16xi1>, vector<16xf32>
          %add3A_1231 = arith.addf %scan3A_1205, %select_n3A_1230 : vector<16xf32>
          %ge3A_1232 = arith.cmpf oge, %get3A_1221, %select_n3A_872 : vector<16xf32>
          %select_n3A_1233 = arith.select %ge3A_1232, %get3A_1221, %broadcast_in_dim3A_5 : vector<16xi1>, vector<16xf32>
          %add3A_1234 = arith.addf %scan3A_1206, %select_n3A_1233 : vector<16xf32>
          %ge3A_1235 = arith.cmpf oge, %get3A_1225, %select_n3A_872 : vector<16xf32>
          %select_n3A_1236 = arith.select %ge3A_1235, %get3A_1225, %broadcast_in_dim3A_5 : vector<16xi1>, vector<16xf32>
          %add3A_1237 = arith.addf %scan3A_1207, %select_n3A_1236 : vector<16xf32>
          scf.yield %add3A_1228, %add3A_1231, %add3A_1234, %add3A_1237 : vector<16xf32>, vector<16xf32>, vector<16xf32>, vector<16xf32>
        }
        %scan3A_1199 = arith.constant 32 : i32
        %add3A_1200 = arith.addf %scan3A_1198#0, %scan3A_1198#1 : vector<16xf32>
        %add3A_1201 = arith.addf %scan3A_1198#2, %scan3A_1198#3 : vector<16xf32>
        %add3A_1202 = arith.addf %add3A_1200, %add3A_1201 : vector<16xf32>
        scf.yield %add3A_1202 : vector<16xf32>
      }
      %broadcast_in_dim3A_906 = vector.shape_cast %xor3A_9 : vector<16xi32> to vector<16x1xi32>
      %gather3A_907 = vector.shape_cast %broadcast_in_dim3A_906 : vector<16x1xi32> to vector<16xi32>
      %gather3A_908 = tpu.dynamic_gather %while3A_905[%gather3A_907] in [0] : vector<16xf32>, vector<16xi32> -> vector<16xf32>
      %add3A_909 = arith.addf %while3A_905, %gather3A_908 : vector<16xf32>
      %broadcast_in_dim3A_910 = vector.shape_cast %xor3A_12 : vector<16xi32> to vector<16x1xi32>
      %gather3A_911 = vector.shape_cast %broadcast_in_dim3A_910 : vector<16x1xi32> to vector<16xi32>
      %gather3A_912 = tpu.dynamic_gather %add3A_909[%gather3A_911] in [0] : vector<16xf32>, vector<16xi32> -> vector<16xf32>
      %add3A_913 = arith.addf %add3A_909, %gather3A_912 : vector<16xf32>
      %broadcast_in_dim3A_914 = vector.shape_cast %xor3A_15 : vector<16xi32> to vector<16x1xi32>
      %gather3A_915 = vector.shape_cast %broadcast_in_dim3A_914 : vector<16x1xi32> to vector<16xi32>
      %gather3A_916 = tpu.dynamic_gather %add3A_913[%gather3A_915] in [0] : vector<16xf32>, vector<16xi32> -> vector<16xf32>
      %add3A_917 = arith.addf %add3A_913, %gather3A_916 : vector<16xf32>
      %broadcast_in_dim3A_918 = vector.shape_cast %xor3A_18 : vector<16xi32> to vector<16x1xi32>
      %gather3A_919 = vector.shape_cast %broadcast_in_dim3A_918 : vector<16x1xi32> to vector<16xi32>
      %gather3A_920 = tpu.dynamic_gather %add3A_917[%gather3A_919] in [0] : vector<16xf32>, vector<16xi32> -> vector<16xf32>
      %add3A_921 = arith.addf %add3A_917, %gather3A_920 : vector<16xf32>
      %div3A_922 = arith.divf %broadcast_in_dim3A_7, %add3A_921 : vector<16xf32>
      %not3A_923 = arith.constant false
      %not3A_924 = arith.constant true
      %not3A_925 = arith.xori %not3A_923, %not3A_924 : i1
      %convert_element_type3A_926 = arith.extui %not3A_925 : i1 to i32
      %cond3A_927 = arith.constant 0 : i32
      %cond3A_928 = arith.cmpi ne, %convert_element_type3A_926, %cond3A_927 : i32
      scf.if %cond3A_928 {
        %dma_wait3A_1184 = arith.constant 0 : i32
        %dma_wait3A_1185 = arith.constant 0 : i32
        %dma_wait3A_1186 = tpu.memref_slice %arg3[%dma_wait3A_1184, %dma_wait3A_1185] : memref<1024x32768xf32, #tpu.memory_space<hbm>> -> memref<1x2048xf32, #tpu.memory_space<hbm>>
        %dma_wait3A_1187 = tpu.memref_squeeze %dma_wait3A_1186 : memref<1x2048xf32, #tpu.memory_space<hbm>> -> memref<2048xf32, #tpu.memory_space<hbm>>
        %dma_wait3A_1188 = arith.constant 0 : i32
        %dma_wait3A_1189 = tpu.memref_slice %arg3[%dma_wait3A_1184, %dma_wait3A_1188] : memref<1024x32768xf32, #tpu.memory_space<hbm>> -> memref<1x2048xf32, #tpu.memory_space<hbm>>
        %dma_wait3A_1190 = tpu.memref_squeeze %dma_wait3A_1189 : memref<1x2048xf32, #tpu.memory_space<hbm>> -> memref<2048xf32, #tpu.memory_space<hbm>>
        tpu.wait_dma2 semaphore(%arg10 : memref<!tpu.dma_semaphore, #tpu.memory_space<semaphore_mem>>) src(%arg7 : memref<2048xf32, #tpu.memory_space<vmem>>) dst(%dma_wait3A_1190 : memref<2048xf32, #tpu.memory_space<hbm>>)
        %dma_wait3A_1191 = arith.constant 0 : i32
        %dma_wait3A_1192 = arith.constant 0 : i32
        %dma_wait3A_1193 = tpu.memref_slice %arg3[%dma_wait3A_1191, %dma_wait3A_1192] : memref<1024x32768xf32, #tpu.memory_space<hbm>> -> memref<1x2048xf32, #tpu.memory_space<hbm>>
        %dma_wait3A_1194 = tpu.memref_squeeze %dma_wait3A_1193 : memref<1x2048xf32, #tpu.memory_space<hbm>> -> memref<2048xf32, #tpu.memory_space<hbm>>
        %dma_wait3A_1195 = arith.constant 0 : i32
        %dma_wait3A_1196 = tpu.memref_slice %arg3[%dma_wait3A_1191, %dma_wait3A_1195] : memref<1024x32768xf32, #tpu.memory_space<hbm>> -> memref<1x2048xf32, #tpu.memory_space<hbm>>
        %dma_wait3A_1197 = tpu.memref_squeeze %dma_wait3A_1196 : memref<1x2048xf32, #tpu.memory_space<hbm>> -> memref<2048xf32, #tpu.memory_space<hbm>>
        tpu.wait_dma2 semaphore(%arg10 : memref<!tpu.dma_semaphore, #tpu.memory_space<semaphore_mem>>) src(%arg7 : memref<2048xf32, #tpu.memory_space<vmem>>) dst(%dma_wait3A_1197 : memref<2048xf32, #tpu.memory_space<hbm>>)
        %dma_wait3A_1198 = arith.constant 0 : i32
        %dma_wait3A_1199 = arith.constant 0 : i32
        %dma_wait3A_1200 = tpu.memref_slice %arg3[%dma_wait3A_1198, %dma_wait3A_1199] : memref<1024x32768xf32, #tpu.memory_space<hbm>> -> memref<1x2048xf32, #tpu.memory_space<hbm>>
        %dma_wait3A_1201 = tpu.memref_squeeze %dma_wait3A_1200 : memref<1x2048xf32, #tpu.memory_space<hbm>> -> memref<2048xf32, #tpu.memory_space<hbm>>
        %dma_wait3A_1202 = arith.constant 0 : i32
        %dma_wait3A_1203 = tpu.memref_slice %arg3[%dma_wait3A_1198, %dma_wait3A_1202] : memref<1024x32768xf32, #tpu.memory_space<hbm>> -> memref<1x2048xf32, #tpu.memory_space<hbm>>
        %dma_wait3A_1204 = tpu.memref_squeeze %dma_wait3A_1203 : memref<1x2048xf32, #tpu.memory_space<hbm>> -> memref<2048xf32, #tpu.memory_space<hbm>>
        tpu.wait_dma2 semaphore(%arg10 : memref<!tpu.dma_semaphore, #tpu.memory_space<semaphore_mem>>) src(%arg7 : memref<2048xf32, #tpu.memory_space<vmem>>) dst(%dma_wait3A_1204 : memref<2048xf32, #tpu.memory_space<hbm>>)
        %dma_wait3A_1205 = arith.constant 0 : i32
        %dma_wait3A_1206 = arith.constant 0 : i32
        %dma_wait3A_1207 = tpu.memref_slice %arg3[%dma_wait3A_1205, %dma_wait3A_1206] : memref<1024x32768xf32, #tpu.memory_space<hbm>> -> memref<1x2048xf32, #tpu.memory_space<hbm>>
        %dma_wait3A_1208 = tpu.memref_squeeze %dma_wait3A_1207 : memref<1x2048xf32, #tpu.memory_space<hbm>> -> memref<2048xf32, #tpu.memory_space<hbm>>
        %dma_wait3A_1209 = arith.constant 0 : i32
        %dma_wait3A_1210 = tpu.memref_slice %arg3[%dma_wait3A_1205, %dma_wait3A_1209] : memref<1024x32768xf32, #tpu.memory_space<hbm>> -> memref<1x2048xf32, #tpu.memory_space<hbm>>
        %dma_wait3A_1211 = tpu.memref_squeeze %dma_wait3A_1210 : memref<1x2048xf32, #tpu.memory_space<hbm>> -> memref<2048xf32, #tpu.memory_space<hbm>>
        tpu.wait_dma2 semaphore(%arg10 : memref<!tpu.dma_semaphore, #tpu.memory_space<semaphore_mem>>) src(%arg7 : memref<2048xf32, #tpu.memory_space<vmem>>) dst(%dma_wait3A_1211 : memref<2048xf32, #tpu.memory_space<hbm>>)
        %dma_wait3A_1212 = arith.constant 0 : i32
        %dma_wait3A_1213 = arith.constant 0 : i32
        %dma_wait3A_1214 = tpu.memref_slice %arg3[%dma_wait3A_1212, %dma_wait3A_1213] : memref<1024x32768xf32, #tpu.memory_space<hbm>> -> memref<1x2048xf32, #tpu.memory_space<hbm>>
        %dma_wait3A_1215 = tpu.memref_squeeze %dma_wait3A_1214 : memref<1x2048xf32, #tpu.memory_space<hbm>> -> memref<2048xf32, #tpu.memory_space<hbm>>
        %dma_wait3A_1216 = arith.constant 0 : i32
        %dma_wait3A_1217 = tpu.memref_slice %arg3[%dma_wait3A_1212, %dma_wait3A_1216] : memref<1024x32768xf32, #tpu.memory_space<hbm>> -> memref<1x2048xf32, #tpu.memory_space<hbm>>
        %dma_wait3A_1218 = tpu.memref_squeeze %dma_wait3A_1217 : memref<1x2048xf32, #tpu.memory_space<hbm>> -> memref<2048xf32, #tpu.memory_space<hbm>>
        tpu.wait_dma2 semaphore(%arg10 : memref<!tpu.dma_semaphore, #tpu.memory_space<semaphore_mem>>) src(%arg7 : memref<2048xf32, #tpu.memory_space<vmem>>) dst(%dma_wait3A_1218 : memref<2048xf32, #tpu.memory_space<hbm>>)
        %dma_wait3A_1219 = arith.constant 0 : i32
        %dma_wait3A_1220 = arith.constant 0 : i32
        %dma_wait3A_1221 = tpu.memref_slice %arg3[%dma_wait3A_1219, %dma_wait3A_1220] : memref<1024x32768xf32, #tpu.memory_space<hbm>> -> memref<1x2048xf32, #tpu.memory_space<hbm>>
        %dma_wait3A_1222 = tpu.memref_squeeze %dma_wait3A_1221 : memref<1x2048xf32, #tpu.memory_space<hbm>> -> memref<2048xf32, #tpu.memory_space<hbm>>
        %dma_wait3A_1223 = arith.constant 0 : i32
        %dma_wait3A_1224 = tpu.memref_slice %arg3[%dma_wait3A_1219, %dma_wait3A_1223] : memref<1024x32768xf32, #tpu.memory_space<hbm>> -> memref<1x2048xf32, #tpu.memory_space<hbm>>
        %dma_wait3A_1225 = tpu.memref_squeeze %dma_wait3A_1224 : memref<1x2048xf32, #tpu.memory_space<hbm>> -> memref<2048xf32, #tpu.memory_space<hbm>>
        tpu.wait_dma2 semaphore(%arg10 : memref<!tpu.dma_semaphore, #tpu.memory_space<semaphore_mem>>) src(%arg7 : memref<2048xf32, #tpu.memory_space<vmem>>) dst(%dma_wait3A_1225 : memref<2048xf32, #tpu.memory_space<hbm>>)
        %dma_wait3A_1226 = arith.constant 0 : i32
        %dma_wait3A_1227 = arith.constant 0 : i32
        %dma_wait3A_1228 = tpu.memref_slice %arg3[%dma_wait3A_1226, %dma_wait3A_1227] : memref<1024x32768xf32, #tpu.memory_space<hbm>> -> memref<1x2048xf32, #tpu.memory_space<hbm>>
        %dma_wait3A_1229 = tpu.memref_squeeze %dma_wait3A_1228 : memref<1x2048xf32, #tpu.memory_space<hbm>> -> memref<2048xf32, #tpu.memory_space<hbm>>
        %dma_wait3A_1230 = arith.constant 0 : i32
        %dma_wait3A_1231 = tpu.memref_slice %arg3[%dma_wait3A_1226, %dma_wait3A_1230] : memref<1024x32768xf32, #tpu.memory_space<hbm>> -> memref<1x2048xf32, #tpu.memory_space<hbm>>
        %dma_wait3A_1232 = tpu.memref_squeeze %dma_wait3A_1231 : memref<1x2048xf32, #tpu.memory_space<hbm>> -> memref<2048xf32, #tpu.memory_space<hbm>>
        tpu.wait_dma2 semaphore(%arg10 : memref<!tpu.dma_semaphore, #tpu.memory_space<semaphore_mem>>) src(%arg7 : memref<2048xf32, #tpu.memory_space<vmem>>) dst(%dma_wait3A_1232 : memref<2048xf32, #tpu.memory_space<hbm>>)
        %dma_wait3A_1233 = arith.constant 0 : i32
        %dma_wait3A_1234 = arith.constant 0 : i32
        %dma_wait3A_1235 = tpu.memref_slice %arg3[%dma_wait3A_1233, %dma_wait3A_1234] : memref<1024x32768xf32, #tpu.memory_space<hbm>> -> memref<1x2048xf32, #tpu.memory_space<hbm>>
        %dma_wait3A_1236 = tpu.memref_squeeze %dma_wait3A_1235 : memref<1x2048xf32, #tpu.memory_space<hbm>> -> memref<2048xf32, #tpu.memory_space<hbm>>
        %dma_wait3A_1237 = arith.constant 0 : i32
        %dma_wait3A_1238 = tpu.memref_slice %arg3[%dma_wait3A_1233, %dma_wait3A_1237] : memref<1024x32768xf32, #tpu.memory_space<hbm>> -> memref<1x2048xf32, #tpu.memory_space<hbm>>
        %dma_wait3A_1239 = tpu.memref_squeeze %dma_wait3A_1238 : memref<1x2048xf32, #tpu.memory_space<hbm>> -> memref<2048xf32, #tpu.memory_space<hbm>>
        tpu.wait_dma2 semaphore(%arg10 : memref<!tpu.dma_semaphore, #tpu.memory_space<semaphore_mem>>) src(%arg7 : memref<2048xf32, #tpu.memory_space<vmem>>) dst(%dma_wait3A_1239 : memref<2048xf32, #tpu.memory_space<hbm>>)
        %dma_wait3A_1240 = arith.constant 0 : i32
        %dma_wait3A_1241 = arith.constant 0 : i32
        %dma_wait3A_1242 = tpu.memref_slice %arg3[%dma_wait3A_1240, %dma_wait3A_1241] : memref<1024x32768xf32, #tpu.memory_space<hbm>> -> memref<1x2048xf32, #tpu.memory_space<hbm>>
        %dma_wait3A_1243 = tpu.memref_squeeze %dma_wait3A_1242 : memref<1x2048xf32, #tpu.memory_space<hbm>> -> memref<2048xf32, #tpu.memory_space<hbm>>
        %dma_wait3A_1244 = arith.constant 0 : i32
        %dma_wait3A_1245 = tpu.memref_slice %arg3[%dma_wait3A_1240, %dma_wait3A_1244] : memref<1024x32768xf32, #tpu.memory_space<hbm>> -> memref<1x2048xf32, #tpu.memory_space<hbm>>
        %dma_wait3A_1246 = tpu.memref_squeeze %dma_wait3A_1245 : memref<1x2048xf32, #tpu.memory_space<hbm>> -> memref<2048xf32, #tpu.memory_space<hbm>>
        tpu.wait_dma2 semaphore(%arg10 : memref<!tpu.dma_semaphore, #tpu.memory_space<semaphore_mem>>) src(%arg7 : memref<2048xf32, #tpu.memory_space<vmem>>) dst(%dma_wait3A_1246 : memref<2048xf32, #tpu.memory_space<hbm>>)
        %dma_wait3A_1247 = arith.constant 0 : i32
        %dma_wait3A_1248 = arith.constant 0 : i32
        %dma_wait3A_1249 = tpu.memref_slice %arg3[%dma_wait3A_1247, %dma_wait3A_1248] : memref<1024x32768xf32, #tpu.memory_space<hbm>> -> memref<1x2048xf32, #tpu.memory_space<hbm>>
        %dma_wait3A_1250 = tpu.memref_squeeze %dma_wait3A_1249 : memref<1x2048xf32, #tpu.memory_space<hbm>> -> memref<2048xf32, #tpu.memory_space<hbm>>
        %dma_wait3A_1251 = arith.constant 0 : i32
        %dma_wait3A_1252 = tpu.memref_slice %arg3[%dma_wait3A_1247, %dma_wait3A_1251] : memref<1024x32768xf32, #tpu.memory_space<hbm>> -> memref<1x2048xf32, #tpu.memory_space<hbm>>
        %dma_wait3A_1253 = tpu.memref_squeeze %dma_wait3A_1252 : memref<1x2048xf32, #tpu.memory_space<hbm>> -> memref<2048xf32, #tpu.memory_space<hbm>>
        tpu.wait_dma2 semaphore(%arg10 : memref<!tpu.dma_semaphore, #tpu.memory_space<semaphore_mem>>) src(%arg7 : memref<2048xf32, #tpu.memory_space<vmem>>) dst(%dma_wait3A_1253 : memref<2048xf32, #tpu.memory_space<hbm>>)
        %dma_wait3A_1254 = arith.constant 0 : i32
        %dma_wait3A_1255 = arith.constant 0 : i32
        %dma_wait3A_1256 = tpu.memref_slice %arg3[%dma_wait3A_1254, %dma_wait3A_1255] : memref<1024x32768xf32, #tpu.memory_space<hbm>> -> memref<1x2048xf32, #tpu.memory_space<hbm>>
        %dma_wait3A_1257 = tpu.memref_squeeze %dma_wait3A_1256 : memref<1x2048xf32, #tpu.memory_space<hbm>> -> memref<2048xf32, #tpu.memory_space<hbm>>
        %dma_wait3A_1258 = arith.constant 0 : i32
        %dma_wait3A_1259 = tpu.memref_slice %arg3[%dma_wait3A_1254, %dma_wait3A_1258] : memref<1024x32768xf32, #tpu.memory_space<hbm>> -> memref<1x2048xf32, #tpu.memory_space<hbm>>
        %dma_wait3A_1260 = tpu.memref_squeeze %dma_wait3A_1259 : memref<1x2048xf32, #tpu.memory_space<hbm>> -> memref<2048xf32, #tpu.memory_space<hbm>>
        tpu.wait_dma2 semaphore(%arg10 : memref<!tpu.dma_semaphore, #tpu.memory_space<semaphore_mem>>) src(%arg7 : memref<2048xf32, #tpu.memory_space<vmem>>) dst(%dma_wait3A_1260 : memref<2048xf32, #tpu.memory_space<hbm>>)
        %dma_wait3A_1261 = arith.constant 0 : i32
        %dma_wait3A_1262 = arith.constant 0 : i32
        %dma_wait3A_1263 = tpu.memref_slice %arg3[%dma_wait3A_1261, %dma_wait3A_1262] : memref<1024x32768xf32, #tpu.memory_space<hbm>> -> memref<1x2048xf32, #tpu.memory_space<hbm>>
        %dma_wait3A_1264 = tpu.memref_squeeze %dma_wait3A_1263 : memref<1x2048xf32, #tpu.memory_space<hbm>> -> memref<2048xf32, #tpu.memory_space<hbm>>
        %dma_wait3A_1265 = arith.constant 0 : i32
        %dma_wait3A_1266 = tpu.memref_slice %arg3[%dma_wait3A_1261, %dma_wait3A_1265] : memref<1024x32768xf32, #tpu.memory_space<hbm>> -> memref<1x2048xf32, #tpu.memory_space<hbm>>
        %dma_wait3A_1267 = tpu.memref_squeeze %dma_wait3A_1266 : memref<1x2048xf32, #tpu.memory_space<hbm>> -> memref<2048xf32, #tpu.memory_space<hbm>>
        tpu.wait_dma2 semaphore(%arg10 : memref<!tpu.dma_semaphore, #tpu.memory_space<semaphore_mem>>) src(%arg7 : memref<2048xf32, #tpu.memory_space<vmem>>) dst(%dma_wait3A_1267 : memref<2048xf32, #tpu.memory_space<hbm>>)
        %dma_wait3A_1268 = arith.constant 0 : i32
        %dma_wait3A_1269 = arith.constant 0 : i32
        %dma_wait3A_1270 = tpu.memref_slice %arg3[%dma_wait3A_1268, %dma_wait3A_1269] : memref<1024x32768xf32, #tpu.memory_space<hbm>> -> memref<1x2048xf32, #tpu.memory_space<hbm>>
        %dma_wait3A_1271 = tpu.memref_squeeze %dma_wait3A_1270 : memref<1x2048xf32, #tpu.memory_space<hbm>> -> memref<2048xf32, #tpu.memory_space<hbm>>
        %dma_wait3A_1272 = arith.constant 0 : i32
        %dma_wait3A_1273 = tpu.memref_slice %arg3[%dma_wait3A_1268, %dma_wait3A_1272] : memref<1024x32768xf32, #tpu.memory_space<hbm>> -> memref<1x2048xf32, #tpu.memory_space<hbm>>
        %dma_wait3A_1274 = tpu.memref_squeeze %dma_wait3A_1273 : memref<1x2048xf32, #tpu.memory_space<hbm>> -> memref<2048xf32, #tpu.memory_space<hbm>>
        tpu.wait_dma2 semaphore(%arg10 : memref<!tpu.dma_semaphore, #tpu.memory_space<semaphore_mem>>) src(%arg7 : memref<2048xf32, #tpu.memory_space<vmem>>) dst(%dma_wait3A_1274 : memref<2048xf32, #tpu.memory_space<hbm>>)
        %dma_wait3A_1275 = arith.constant 0 : i32
        %dma_wait3A_1276 = arith.constant 0 : i32
        %dma_wait3A_1277 = tpu.memref_slice %arg3[%dma_wait3A_1275, %dma_wait3A_1276] : memref<1024x32768xf32, #tpu.memory_space<hbm>> -> memref<1x2048xf32, #tpu.memory_space<hbm>>
        %dma_wait3A_1278 = tpu.memref_squeeze %dma_wait3A_1277 : memref<1x2048xf32, #tpu.memory_space<hbm>> -> memref<2048xf32, #tpu.memory_space<hbm>>
        %dma_wait3A_1279 = arith.constant 0 : i32
        %dma_wait3A_1280 = tpu.memref_slice %arg3[%dma_wait3A_1275, %dma_wait3A_1279] : memref<1024x32768xf32, #tpu.memory_space<hbm>> -> memref<1x2048xf32, #tpu.memory_space<hbm>>
        %dma_wait3A_1281 = tpu.memref_squeeze %dma_wait3A_1280 : memref<1x2048xf32, #tpu.memory_space<hbm>> -> memref<2048xf32, #tpu.memory_space<hbm>>
        tpu.wait_dma2 semaphore(%arg10 : memref<!tpu.dma_semaphore, #tpu.memory_space<semaphore_mem>>) src(%arg7 : memref<2048xf32, #tpu.memory_space<vmem>>) dst(%dma_wait3A_1281 : memref<2048xf32, #tpu.memory_space<hbm>>)
        %dma_wait3A_1282 = arith.constant 0 : i32
        %dma_wait3A_1283 = arith.constant 0 : i32
        %dma_wait3A_1284 = tpu.memref_slice %arg3[%dma_wait3A_1282, %dma_wait3A_1283] : memref<1024x32768xf32, #tpu.memory_space<hbm>> -> memref<1x2048xf32, #tpu.memory_space<hbm>>
        %dma_wait3A_1285 = tpu.memref_squeeze %dma_wait3A_1284 : memref<1x2048xf32, #tpu.memory_space<hbm>> -> memref<2048xf32, #tpu.memory_space<hbm>>
        %dma_wait3A_1286 = arith.constant 0 : i32
        %dma_wait3A_1287 = tpu.memref_slice %arg3[%dma_wait3A_1282, %dma_wait3A_1286] : memref<1024x32768xf32, #tpu.memory_space<hbm>> -> memref<1x2048xf32, #tpu.memory_space<hbm>>
        %dma_wait3A_1288 = tpu.memref_squeeze %dma_wait3A_1287 : memref<1x2048xf32, #tpu.memory_space<hbm>> -> memref<2048xf32, #tpu.memory_space<hbm>>
        tpu.wait_dma2 semaphore(%arg10 : memref<!tpu.dma_semaphore, #tpu.memory_space<semaphore_mem>>) src(%arg7 : memref<2048xf32, #tpu.memory_space<vmem>>) dst(%dma_wait3A_1288 : memref<2048xf32, #tpu.memory_space<hbm>>)
        %dma_wait3A_1289 = arith.constant 0 : i32
        %dma_wait3A_1290 = arith.constant 0 : i32
        %dma_wait3A_1291 = tpu.memref_slice %arg3[%dma_wait3A_1289, %dma_wait3A_1290] : memref<1024x32768xf32, #tpu.memory_space<hbm>> -> memref<1x2048xf32, #tpu.memory_space<hbm>>
        %dma_wait3A_1292 = tpu.memref_squeeze %dma_wait3A_1291 : memref<1x2048xf32, #tpu.memory_space<hbm>> -> memref<2048xf32, #tpu.memory_space<hbm>>
        %dma_wait3A_1293 = arith.constant 0 : i32
        %dma_wait3A_1294 = tpu.memref_slice %arg3[%dma_wait3A_1289, %dma_wait3A_1293] : memref<1024x32768xf32, #tpu.memory_space<hbm>> -> memref<1x2048xf32, #tpu.memory_space<hbm>>
        %dma_wait3A_1295 = tpu.memref_squeeze %dma_wait3A_1294 : memref<1x2048xf32, #tpu.memory_space<hbm>> -> memref<2048xf32, #tpu.memory_space<hbm>>
        tpu.wait_dma2 semaphore(%arg10 : memref<!tpu.dma_semaphore, #tpu.memory_space<semaphore_mem>>) src(%arg7 : memref<2048xf32, #tpu.memory_space<vmem>>) dst(%dma_wait3A_1295 : memref<2048xf32, #tpu.memory_space<hbm>>)
      } else {
      }
      %while3A_929 = arith.constant 0 : i32
      %while3A_930 = arith.constant 0 : i32
      %while3A_931 = arith.subi %convert_element_type3A_894, %while3A_930 : i32
      %while3A_932 = arith.addi %while3A_930, %while3A_931 : i32
      %while3A_933 = arith.constant 1 : i32
      %while3A_934 = arith.divsi %while3A_931, %while3A_933 : i32
      %while3A_935 = arith.muli %while3A_934, %while3A_933 : i32
      %while3A_936 = arith.addi %while3A_930, %while3A_935 : i32
      %while3A_937 = arith.constant 1 : i32
      scf.for %while3A_1184 = %while3A_930 to %while3A_936 step %while3A_937  : i32 {
        %broadcast_in_dim3A_1185 = vector.broadcast %while3A_1184 : i32 to vector<16xi32>
        %broadcast_in_dim3A_1186 = vector.shape_cast %broadcast_in_dim3A_1185 : vector<16xi32> to vector<16x1xi32>
        %gather3A_1187 = vector.shape_cast %broadcast_in_dim3A_1186 : vector<16x1xi32> to vector<16xi32>
        %gather3A_1188 = tpu.dynamic_gather %masked_sort3A_685[%gather3A_1187] in [0] : vector<16xi32>, vector<16xi32> -> vector<16xi32>
        %slice3A_1189 = vector.extract_strided_slice %gather3A_1188 {offsets = [0], sizes = [1], strides = [1]} : vector<16xi32> to vector<1xi32>
        %squeeze3A_1190 = vector.extract %slice3A_1189[0] : i32 from vector<1xi32>
        %mul3A_1191 = arith.constant 2048 : i32
        %mul3A_1192 = arith.muli %squeeze3A_1190, %mul3A_1191 : i32
        %scan3A_1193 = arith.constant 0 : i32
        %scan3A_1194 = arith.constant 32 : i32
        %scan3A_1195 = arith.addi %scan3A_1193, %scan3A_1194 : i32
        %scan3A_1196 = arith.constant 1 : i32
        scf.for %scan3A_1198 = %scan3A_1193 to %scan3A_1195 step %scan3A_1196  : i32 {
          %mul3A_1199 = arith.constant 4 : i32
          %mul3A_1200 = arith.muli %scan3A_1198, %mul3A_1199 : i32
          %mul3A_1201 = arith.constant 16 : i32
          %mul3A_1202 = arith.muli %mul3A_1200, %mul3A_1201 : i32
          %add3A_1203 = arith.addi %mul3A_1192, %mul3A_1202 : i32
          %add3A_1204 = arith.constant 0 : i32
          %add3A_1205 = arith.addi %add3A_1203, %add3A_1204 : i32
          %get3A = arith.index_cast %add3A_1205 : i32 to index
          %get3A_1206 = tpu.vector_load %arg5[%get3A] {strides = array<i32>} : memref<32768xf32, #tpu.memory_space<vmem>>, vector<16xf32>,
          %ge3A_1207 = arith.cmpf oge, %get3A_1206, %select_n3A_872 : vector<16xf32>
          %select_n3A_1208 = arith.select %ge3A_1207, %get3A_1206, %broadcast_in_dim3A_5 : vector<16xi1>, vector<16xf32>
          %mul3A_1209 = arith.mulf %select_n3A_1208, %div3A_922 : vector<16xf32>
          %add3A_1210 = arith.constant 0 : i32
          %add3A_1211 = arith.addi %add3A_1203, %add3A_1210 : i32
          %swap3A = arith.index_cast %add3A_1211 : i32 to index
          %swap3A_1212 = tpu.vector_load %arg6[%swap3A] {strides = array<i32>} : memref<32768xf32, #tpu.memory_space<vmem>>, vector<16xf32>,
          tpu.vector_store %arg6[%swap3A], %mul3A_1209 {strides = array<i32>} : memref<32768xf32, #tpu.memory_space<vmem>>, vector<16xf32>,
          %add3A_1213 = arith.constant 16 : i32
          %add3A_1214 = arith.addi %add3A_1203, %add3A_1213 : i32
          %get3A_1215 = arith.index_cast %add3A_1214 : i32 to index
          %get3A_1216 = tpu.vector_load %arg5[%get3A_1215] {strides = array<i32>} : memref<32768xf32, #tpu.memory_space<vmem>>, vector<16xf32>,
          %ge3A_1217 = arith.cmpf oge, %get3A_1216, %select_n3A_872 : vector<16xf32>
          %select_n3A_1218 = arith.select %ge3A_1217, %get3A_1216, %broadcast_in_dim3A_5 : vector<16xi1>, vector<16xf32>
          %mul3A_1219 = arith.mulf %select_n3A_1218, %div3A_922 : vector<16xf32>
          %add3A_1220 = arith.constant 16 : i32
          %add3A_1221 = arith.addi %add3A_1203, %add3A_1220 : i32
          %swap3A_1222 = arith.index_cast %add3A_1221 : i32 to index
          %swap3A_1223 = tpu.vector_load %arg6[%swap3A_1222] {strides = array<i32>} : memref<32768xf32, #tpu.memory_space<vmem>>, vector<16xf32>,
          tpu.vector_store %arg6[%swap3A_1222], %mul3A_1219 {strides = array<i32>} : memref<32768xf32, #tpu.memory_space<vmem>>, vector<16xf32>,
          %add3A_1224 = arith.constant 32 : i32
          %add3A_1225 = arith.addi %add3A_1203, %add3A_1224 : i32
          %get3A_1226 = arith.index_cast %add3A_1225 : i32 to index
          %get3A_1227 = tpu.vector_load %arg5[%get3A_1226] {strides = array<i32>} : memref<32768xf32, #tpu.memory_space<vmem>>, vector<16xf32>,
          %ge3A_1228 = arith.cmpf oge, %get3A_1227, %select_n3A_872 : vector<16xf32>
          %select_n3A_1229 = arith.select %ge3A_1228, %get3A_1227, %broadcast_in_dim3A_5 : vector<16xi1>, vector<16xf32>
          %mul3A_1230 = arith.mulf %select_n3A_1229, %div3A_922 : vector<16xf32>
          %add3A_1231 = arith.constant 32 : i32
          %add3A_1232 = arith.addi %add3A_1203, %add3A_1231 : i32
          %swap3A_1233 = arith.index_cast %add3A_1232 : i32 to index
          %swap3A_1234 = tpu.vector_load %arg6[%swap3A_1233] {strides = array<i32>} : memref<32768xf32, #tpu.memory_space<vmem>>, vector<16xf32>,
          tpu.vector_store %arg6[%swap3A_1233], %mul3A_1230 {strides = array<i32>} : memref<32768xf32, #tpu.memory_space<vmem>>, vector<16xf32>,
          %add3A_1235 = arith.constant 48 : i32
          %add3A_1236 = arith.addi %add3A_1203, %add3A_1235 : i32
          %get3A_1237 = arith.index_cast %add3A_1236 : i32 to index
          %get3A_1238 = tpu.vector_load %arg5[%get3A_1237] {strides = array<i32>} : memref<32768xf32, #tpu.memory_space<vmem>>, vector<16xf32>,
          %ge3A_1239 = arith.cmpf oge, %get3A_1238, %select_n3A_872 : vector<16xf32>
          %select_n3A_1240 = arith.select %ge3A_1239, %get3A_1238, %broadcast_in_dim3A_5 : vector<16xi1>, vector<16xf32>
          %mul3A_1241 = arith.mulf %select_n3A_1240, %div3A_922 : vector<16xf32>
          %add3A_1242 = arith.constant 48 : i32
          %add3A_1243 = arith.addi %add3A_1203, %add3A_1242 : i32
          %swap3A_1244 = arith.index_cast %add3A_1243 : i32 to index
          %swap3A_1245 = tpu.vector_load %arg6[%swap3A_1244] {strides = array<i32>} : memref<32768xf32, #tpu.memory_space<vmem>>, vector<16xf32>,
          tpu.vector_store %arg6[%swap3A_1244], %mul3A_1241 {strides = array<i32>} : memref<32768xf32, #tpu.memory_space<vmem>>, vector<16xf32>,
        }
        %scan3A_1197 = arith.constant 32 : i32
      }
      %while3A_938 = arith.constant 1 : i32
      scf.for %while3A_1184 = %while3A_936 to %while3A_932 step %while3A_938  : i32 {
        %broadcast_in_dim3A_1185 = vector.broadcast %while3A_1184 : i32 to vector<16xi32>
        %broadcast_in_dim3A_1186 = vector.shape_cast %broadcast_in_dim3A_1185 : vector<16xi32> to vector<16x1xi32>
        %gather3A_1187 = vector.shape_cast %broadcast_in_dim3A_1186 : vector<16x1xi32> to vector<16xi32>
        %gather3A_1188 = tpu.dynamic_gather %masked_sort3A_685[%gather3A_1187] in [0] : vector<16xi32>, vector<16xi32> -> vector<16xi32>
        %slice3A_1189 = vector.extract_strided_slice %gather3A_1188 {offsets = [0], sizes = [1], strides = [1]} : vector<16xi32> to vector<1xi32>
        %squeeze3A_1190 = vector.extract %slice3A_1189[0] : i32 from vector<1xi32>
        %mul3A_1191 = arith.constant 2048 : i32
        %mul3A_1192 = arith.muli %squeeze3A_1190, %mul3A_1191 : i32
        %scan3A_1193 = arith.constant 0 : i32
        %scan3A_1194 = arith.constant 32 : i32
        %scan3A_1195 = arith.addi %scan3A_1193, %scan3A_1194 : i32
        %scan3A_1196 = arith.constant 1 : i32
        scf.for %scan3A_1198 = %scan3A_1193 to %scan3A_1195 step %scan3A_1196  : i32 {
          %mul3A_1199 = arith.constant 4 : i32
          %mul3A_1200 = arith.muli %scan3A_1198, %mul3A_1199 : i32
          %mul3A_1201 = arith.constant 16 : i32
          %mul3A_1202 = arith.muli %mul3A_1200, %mul3A_1201 : i32
          %add3A_1203 = arith.addi %mul3A_1192, %mul3A_1202 : i32
          %add3A_1204 = arith.constant 0 : i32
          %add3A_1205 = arith.addi %add3A_1203, %add3A_1204 : i32
          %get3A = arith.index_cast %add3A_1205 : i32 to index
          %get3A_1206 = tpu.vector_load %arg5[%get3A] {strides = array<i32>} : memref<32768xf32, #tpu.memory_space<vmem>>, vector<16xf32>,
          %ge3A_1207 = arith.cmpf oge, %get3A_1206, %select_n3A_872 : vector<16xf32>
          %select_n3A_1208 = arith.select %ge3A_1207, %get3A_1206, %broadcast_in_dim3A_5 : vector<16xi1>, vector<16xf32>
          %mul3A_1209 = arith.mulf %select_n3A_1208, %div3A_922 : vector<16xf32>
          %add3A_1210 = arith.constant 0 : i32
          %add3A_1211 = arith.addi %add3A_1203, %add3A_1210 : i32
          %swap3A = arith.index_cast %add3A_1211 : i32 to index
          %swap3A_1212 = tpu.vector_load %arg6[%swap3A] {strides = array<i32>} : memref<32768xf32, #tpu.memory_space<vmem>>, vector<16xf32>,
          tpu.vector_store %arg6[%swap3A], %mul3A_1209 {strides = array<i32>} : memref<32768xf32, #tpu.memory_space<vmem>>, vector<16xf32>,
          %add3A_1213 = arith.constant 16 : i32
          %add3A_1214 = arith.addi %add3A_1203, %add3A_1213 : i32
          %get3A_1215 = arith.index_cast %add3A_1214 : i32 to index
          %get3A_1216 = tpu.vector_load %arg5[%get3A_1215] {strides = array<i32>} : memref<32768xf32, #tpu.memory_space<vmem>>, vector<16xf32>,
          %ge3A_1217 = arith.cmpf oge, %get3A_1216, %select_n3A_872 : vector<16xf32>
          %select_n3A_1218 = arith.select %ge3A_1217, %get3A_1216, %broadcast_in_dim3A_5 : vector<16xi1>, vector<16xf32>
          %mul3A_1219 = arith.mulf %select_n3A_1218, %div3A_922 : vector<16xf32>
          %add3A_1220 = arith.constant 16 : i32
          %add3A_1221 = arith.addi %add3A_1203, %add3A_1220 : i32
          %swap3A_1222 = arith.index_cast %add3A_1221 : i32 to index
          %swap3A_1223 = tpu.vector_load %arg6[%swap3A_1222] {strides = array<i32>} : memref<32768xf32, #tpu.memory_space<vmem>>, vector<16xf32>,
          tpu.vector_store %arg6[%swap3A_1222], %mul3A_1219 {strides = array<i32>} : memref<32768xf32, #tpu.memory_space<vmem>>, vector<16xf32>,
          %add3A_1224 = arith.constant 32 : i32
          %add3A_1225 = arith.addi %add3A_1203, %add3A_1224 : i32
          %get3A_1226 = arith.index_cast %add3A_1225 : i32 to index
          %get3A_1227 = tpu.vector_load %arg5[%get3A_1226] {strides = array<i32>} : memref<32768xf32, #tpu.memory_space<vmem>>, vector<16xf32>,
          %ge3A_1228 = arith.cmpf oge, %get3A_1227, %select_n3A_872 : vector<16xf32>
          %select_n3A_1229 = arith.select %ge3A_1228, %get3A_1227, %broadcast_in_dim3A_5 : vector<16xi1>, vector<16xf32>
          %mul3A_1230 = arith.mulf %select_n3A_1229, %div3A_922 : vector<16xf32>
          %add3A_1231 = arith.constant 32 : i32
          %add3A_1232 = arith.addi %add3A_1203, %add3A_1231 : i32
          %swap3A_1233 = arith.index_cast %add3A_1232 : i32 to index
          %swap3A_1234 = tpu.vector_load %arg6[%swap3A_1233] {strides = array<i32>} : memref<32768xf32, #tpu.memory_space<vmem>>, vector<16xf32>,
          tpu.vector_store %arg6[%swap3A_1233], %mul3A_1230 {strides = array<i32>} : memref<32768xf32, #tpu.memory_space<vmem>>, vector<16xf32>,
          %add3A_1235 = arith.constant 48 : i32
          %add3A_1236 = arith.addi %add3A_1203, %add3A_1235 : i32
          %get3A_1237 = arith.index_cast %add3A_1236 : i32 to index
          %get3A_1238 = tpu.vector_load %arg5[%get3A_1237] {strides = array<i32>} : memref<32768xf32, #tpu.memory_space<vmem>>, vector<16xf32>,
          %ge3A_1239 = arith.cmpf oge, %get3A_1238, %select_n3A_872 : vector<16xf32>
          %select_n3A_1240 = arith.select %ge3A_1239, %get3A_1238, %broadcast_in_dim3A_5 : vector<16xi1>, vector<16xf32>
          %mul3A_1241 = arith.mulf %select_n3A_1240, %div3A_922 : vector<16xf32>
          %add3A_1242 = arith.constant 48 : i32
          %add3A_1243 = arith.addi %add3A_1203, %add3A_1242 : i32
          %swap3A_1244 = arith.index_cast %add3A_1243 : i32 to index
          %swap3A_1245 = tpu.vector_load %arg6[%swap3A_1244] {strides = array<i32>} : memref<32768xf32, #tpu.memory_space<vmem>>, vector<16xf32>,
          tpu.vector_store %arg6[%swap3A_1244], %mul3A_1241 {strides = array<i32>} : memref<32768xf32, #tpu.memory_space<vmem>>, vector<16xf32>,
        }
        %scan3A_1197 = arith.constant 32 : i32
      }
      %slice3A_939 = vector.extract_strided_slice %select_n3A_872 {offsets = [0], sizes = [1], strides = [1]} : vector<16xf32> to vector<1xf32>
      %squeeze3A_940 = vector.extract %slice3A_939[0] : f32 from vector<1xf32>
      %broadcast_in_dim3A_941 = arith.constant 0 : i32
      %broadcast_in_dim3A_942 = vector.broadcast %broadcast_in_dim3A_941 : i32 to vector<16xi32>
      %broadcast_in_dim3A_943 = vector.shape_cast %broadcast_in_dim3A_942 : vector<16xi32> to vector<16x1xi32>
      %gather3A_944 = vector.shape_cast %broadcast_in_dim3A_943 : vector<16x1xi32> to vector<16xi32>
      %gather3A_945 = tpu.dynamic_gather %scan3A_680[%gather3A_944] in [0] : vector<16xf32>, vector<16xi32> -> vector<16xf32>
      %slice3A_946 = vector.extract_strided_slice %gather3A_945 {offsets = [0], sizes = [1], strides = [1]} : vector<16xf32> to vector<1xf32>
      %squeeze3A_947 = vector.extract %slice3A_946[0] : f32 from vector<1xf32>
      %ge3A_948 = arith.cmpf oge, %squeeze3A_947, %squeeze3A_940 : f32
      %convert_element_type3A_949 = arith.extui %ge3A_948 : i1 to i32
      %cond3A_950 = arith.constant 0 : i32
      %cond3A_951 = arith.cmpi ne, %convert_element_type3A_949, %cond3A_950 : i32
      scf.if %cond3A_951 {
        %dma_start3A_1184 = arith.constant 0 : i32
        %dma_start3A_1185 = tpu.memref_slice %arg6[%dma_start3A_1184] : memref<32768xf32, #tpu.memory_space<vmem>> -> memref<2048xf32, #tpu.memory_space<vmem>>
        %dma_start3A_1186 = arith.constant 0 : i32
        %dma_start3A_1187 = tpu.memref_slice %arg3[%add3A_159, %dma_start3A_1186] : memref<1024x32768xf32, #tpu.memory_space<hbm>> -> memref<1x2048xf32, #tpu.memory_space<hbm>>
        %dma_start3A_1188 = tpu.memref_squeeze %dma_start3A_1187 : memref<1x2048xf32, #tpu.memory_space<hbm>> -> memref<2048xf32, #tpu.memory_space<hbm>>
        %dma_start3A_1189 = arith.constant 0 : i32
        %dma_start3A_1190 = tpu.memref_slice %arg3[%add3A_159, %dma_start3A_1189] : memref<1024x32768xf32, #tpu.memory_space<hbm>> -> memref<1x2048xf32, #tpu.memory_space<hbm>>
        %dma_start3A_1191 = tpu.memref_squeeze %dma_start3A_1190 : memref<1x2048xf32, #tpu.memory_space<hbm>> -> memref<2048xf32, #tpu.memory_space<hbm>>
        %dma_start3A_1192 = arith.constant 0 : i32
        %dma_start3A_1193 = tpu.memref_slice %arg6[%dma_start3A_1192] : memref<32768xf32, #tpu.memory_space<vmem>> -> memref<2048xf32, #tpu.memory_space<vmem>>
        tpu.enqueue_dma source(%dma_start3A_1193 : memref<2048xf32, #tpu.memory_space<vmem>>) target(%dma_start3A_1191 : memref<2048xf32, #tpu.memory_space<hbm>>) target_semaphore(%arg10 : memref<!tpu.dma_semaphore, #tpu.memory_space<semaphore_mem>>)
      } else {
      }
      %lt3A_952 = arith.cmpf olt, %squeeze3A_947, %squeeze3A_940 : f32
      %convert_element_type3A_953 = arith.extui %lt3A_952 : i1 to i32
      %cond3A_954 = arith.constant 0 : i32
      %cond3A_955 = arith.cmpi ne, %convert_element_type3A_953, %cond3A_954 : i32
      scf.if %cond3A_955 {
        %dma_start3A_1184 = arith.constant 0 : i32
        %dma_start3A_1185 = tpu.memref_slice %arg3[%add3A_159, %dma_start3A_1184] : memref<1024x32768xf32, #tpu.memory_space<hbm>> -> memref<1x2048xf32, #tpu.memory_space<hbm>>
        %dma_start3A_1186 = tpu.memref_squeeze %dma_start3A_1185 : memref<1x2048xf32, #tpu.memory_space<hbm>> -> memref<2048xf32, #tpu.memory_space<hbm>>
        %dma_start3A_1187 = arith.constant 0 : i32
        %dma_start3A_1188 = tpu.memref_slice %arg3[%add3A_159, %dma_start3A_1187] : memref<1024x32768xf32, #tpu.memory_space<hbm>> -> memref<1x2048xf32, #tpu.memory_space<hbm>>
        %dma_start3A_1189 = tpu.memref_squeeze %dma_start3A_1188 : memref<1x2048xf32, #tpu.memory_space<hbm>> -> memref<2048xf32, #tpu.memory_space<hbm>>
        tpu.enqueue_dma source(%arg7 : memref<2048xf32, #tpu.memory_space<vmem>>) target(%dma_start3A_1189 : memref<2048xf32, #tpu.memory_space<hbm>>) target_semaphore(%arg10 : memref<!tpu.dma_semaphore, #tpu.memory_space<semaphore_mem>>)
      } else {
      }
      %broadcast_in_dim3A_956 = arith.constant 1 : i32
      %broadcast_in_dim3A_957 = vector.broadcast %broadcast_in_dim3A_956 : i32 to vector<16xi32>
      %broadcast_in_dim3A_958 = vector.shape_cast %broadcast_in_dim3A_957 : vector<16xi32> to vector<16x1xi32>
      %gather3A_959 = vector.shape_cast %broadcast_in_dim3A_958 : vector<16x1xi32> to vector<16xi32>
      %gather3A_960 = tpu.dynamic_gather %scan3A_680[%gather3A_959] in [0] : vector<16xf32>, vector<16xi32> -> vector<16xf32>
      %slice3A_961 = vector.extract_strided_slice %gather3A_960 {offsets = [0], sizes = [1], strides = [1]} : vector<16xf32> to vector<1xf32>
      %squeeze3A_962 = vector.extract %slice3A_961[0] : f32 from vector<1xf32>
      %ge3A_963 = arith.cmpf oge, %squeeze3A_962, %squeeze3A_940 : f32
      %convert_element_type3A_964 = arith.extui %ge3A_963 : i1 to i32
      %cond3A_965 = arith.constant 0 : i32
      %cond3A_966 = arith.cmpi ne, %convert_element_type3A_964, %cond3A_965 : i32
      scf.if %cond3A_966 {
        %dma_start3A_1184 = arith.constant 2048 : i32
        %dma_start3A_1185 = tpu.memref_slice %arg6[%dma_start3A_1184] : memref<32768xf32, #tpu.memory_space<vmem>> -> memref<2048xf32, #tpu.memory_space<vmem>>
        %dma_start3A_1186 = arith.constant 2048 : i32
        %dma_start3A_1187 = tpu.memref_slice %arg3[%add3A_159, %dma_start3A_1186] : memref<1024x32768xf32, #tpu.memory_space<hbm>> -> memref<1x2048xf32, #tpu.memory_space<hbm>>
        %dma_start3A_1188 = tpu.memref_squeeze %dma_start3A_1187 : memref<1x2048xf32, #tpu.memory_space<hbm>> -> memref<2048xf32, #tpu.memory_space<hbm>>
        %dma_start3A_1189 = arith.constant 2048 : i32
        %dma_start3A_1190 = tpu.memref_slice %arg3[%add3A_159, %dma_start3A_1189] : memref<1024x32768xf32, #tpu.memory_space<hbm>> -> memref<1x2048xf32, #tpu.memory_space<hbm>>
        %dma_start3A_1191 = tpu.memref_squeeze %dma_start3A_1190 : memref<1x2048xf32, #tpu.memory_space<hbm>> -> memref<2048xf32, #tpu.memory_space<hbm>>
        %dma_start3A_1192 = arith.constant 2048 : i32
        %dma_start3A_1193 = tpu.memref_slice %arg6[%dma_start3A_1192] : memref<32768xf32, #tpu.memory_space<vmem>> -> memref<2048xf32, #tpu.memory_space<vmem>>
        tpu.enqueue_dma source(%dma_start3A_1193 : memref<2048xf32, #tpu.memory_space<vmem>>) target(%dma_start3A_1191 : memref<2048xf32, #tpu.memory_space<hbm>>) target_semaphore(%arg10 : memref<!tpu.dma_semaphore, #tpu.memory_space<semaphore_mem>>)
      } else {
      }
      %lt3A_967 = arith.cmpf olt, %squeeze3A_962, %squeeze3A_940 : f32
      %convert_element_type3A_968 = arith.extui %lt3A_967 : i1 to i32
      %cond3A_969 = arith.constant 0 : i32
      %cond3A_970 = arith.cmpi ne, %convert_element_type3A_968, %cond3A_969 : i32
      scf.if %cond3A_970 {
        %dma_start3A_1184 = arith.constant 2048 : i32
        %dma_start3A_1185 = tpu.memref_slice %arg3[%add3A_159, %dma_start3A_1184] : memref<1024x32768xf32, #tpu.memory_space<hbm>> -> memref<1x2048xf32, #tpu.memory_space<hbm>>
        %dma_start3A_1186 = tpu.memref_squeeze %dma_start3A_1185 : memref<1x2048xf32, #tpu.memory_space<hbm>> -> memref<2048xf32, #tpu.memory_space<hbm>>
        %dma_start3A_1187 = arith.constant 2048 : i32
        %dma_start3A_1188 = tpu.memref_slice %arg3[%add3A_159, %dma_start3A_1187] : memref<1024x32768xf32, #tpu.memory_space<hbm>> -> memref<1x2048xf32, #tpu.memory_space<hbm>>
        %dma_start3A_1189 = tpu.memref_squeeze %dma_start3A_1188 : memref<1x2048xf32, #tpu.memory_space<hbm>> -> memref<2048xf32, #tpu.memory_space<hbm>>
        tpu.enqueue_dma source(%arg7 : memref<2048xf32, #tpu.memory_space<vmem>>) target(%dma_start3A_1189 : memref<2048xf32, #tpu.memory_space<hbm>>) target_semaphore(%arg10 : memref<!tpu.dma_semaphore, #tpu.memory_space<semaphore_mem>>)
      } else {
      }
      %broadcast_in_dim3A_971 = arith.constant 2 : i32
      %broadcast_in_dim3A_972 = vector.broadcast %broadcast_in_dim3A_971 : i32 to vector<16xi32>
      %broadcast_in_dim3A_973 = vector.shape_cast %broadcast_in_dim3A_972 : vector<16xi32> to vector<16x1xi32>
      %gather3A_974 = vector.shape_cast %broadcast_in_dim3A_973 : vector<16x1xi32> to vector<16xi32>
      %gather3A_975 = tpu.dynamic_gather %scan3A_680[%gather3A_974] in [0] : vector<16xf32>, vector<16xi32> -> vector<16xf32>
      %slice3A_976 = vector.extract_strided_slice %gather3A_975 {offsets = [0], sizes = [1], strides = [1]} : vector<16xf32> to vector<1xf32>
      %squeeze3A_977 = vector.extract %slice3A_976[0] : f32 from vector<1xf32>
      %ge3A_978 = arith.cmpf oge, %squeeze3A_977, %squeeze3A_940 : f32
      %convert_element_type3A_979 = arith.extui %ge3A_978 : i1 to i32
      %cond3A_980 = arith.constant 0 : i32
      %cond3A_981 = arith.cmpi ne, %convert_element_type3A_979, %cond3A_980 : i32
      scf.if %cond3A_981 {
        %dma_start3A_1184 = arith.constant 4096 : i32
        %dma_start3A_1185 = tpu.memref_slice %arg6[%dma_start3A_1184] : memref<32768xf32, #tpu.memory_space<vmem>> -> memref<2048xf32, #tpu.memory_space<vmem>>
        %dma_start3A_1186 = arith.constant 4096 : i32
        %dma_start3A_1187 = tpu.memref_slice %arg3[%add3A_159, %dma_start3A_1186] : memref<1024x32768xf32, #tpu.memory_space<hbm>> -> memref<1x2048xf32, #tpu.memory_space<hbm>>
        %dma_start3A_1188 = tpu.memref_squeeze %dma_start3A_1187 : memref<1x2048xf32, #tpu.memory_space<hbm>> -> memref<2048xf32, #tpu.memory_space<hbm>>
        %dma_start3A_1189 = arith.constant 4096 : i32
        %dma_start3A_1190 = tpu.memref_slice %arg3[%add3A_159, %dma_start3A_1189] : memref<1024x32768xf32, #tpu.memory_space<hbm>> -> memref<1x2048xf32, #tpu.memory_space<hbm>>
        %dma_start3A_1191 = tpu.memref_squeeze %dma_start3A_1190 : memref<1x2048xf32, #tpu.memory_space<hbm>> -> memref<2048xf32, #tpu.memory_space<hbm>>
        %dma_start3A_1192 = arith.constant 4096 : i32
        %dma_start3A_1193 = tpu.memref_slice %arg6[%dma_start3A_1192] : memref<32768xf32, #tpu.memory_space<vmem>> -> memref<2048xf32, #tpu.memory_space<vmem>>
        tpu.enqueue_dma source(%dma_start3A_1193 : memref<2048xf32, #tpu.memory_space<vmem>>) target(%dma_start3A_1191 : memref<2048xf32, #tpu.memory_space<hbm>>) target_semaphore(%arg10 : memref<!tpu.dma_semaphore, #tpu.memory_space<semaphore_mem>>)
      } else {
      }
      %lt3A_982 = arith.cmpf olt, %squeeze3A_977, %squeeze3A_940 : f32
      %convert_element_type3A_983 = arith.extui %lt3A_982 : i1 to i32
      %cond3A_984 = arith.constant 0 : i32
      %cond3A_985 = arith.cmpi ne, %convert_element_type3A_983, %cond3A_984 : i32
      scf.if %cond3A_985 {
        %dma_start3A_1184 = arith.constant 4096 : i32
        %dma_start3A_1185 = tpu.memref_slice %arg3[%add3A_159, %dma_start3A_1184] : memref<1024x32768xf32, #tpu.memory_space<hbm>> -> memref<1x2048xf32, #tpu.memory_space<hbm>>
        %dma_start3A_1186 = tpu.memref_squeeze %dma_start3A_1185 : memref<1x2048xf32, #tpu.memory_space<hbm>> -> memref<2048xf32, #tpu.memory_space<hbm>>
        %dma_start3A_1187 = arith.constant 4096 : i32
        %dma_start3A_1188 = tpu.memref_slice %arg3[%add3A_159, %dma_start3A_1187] : memref<1024x32768xf32, #tpu.memory_space<hbm>> -> memref<1x2048xf32, #tpu.memory_space<hbm>>
        %dma_start3A_1189 = tpu.memref_squeeze %dma_start3A_1188 : memref<1x2048xf32, #tpu.memory_space<hbm>> -> memref<2048xf32, #tpu.memory_space<hbm>>
        tpu.enqueue_dma source(%arg7 : memref<2048xf32, #tpu.memory_space<vmem>>) target(%dma_start3A_1189 : memref<2048xf32, #tpu.memory_space<hbm>>) target_semaphore(%arg10 : memref<!tpu.dma_semaphore, #tpu.memory_space<semaphore_mem>>)
      } else {
      }
      %broadcast_in_dim3A_986 = arith.constant 3 : i32
      %broadcast_in_dim3A_987 = vector.broadcast %broadcast_in_dim3A_986 : i32 to vector<16xi32>
      %broadcast_in_dim3A_988 = vector.shape_cast %broadcast_in_dim3A_987 : vector<16xi32> to vector<16x1xi32>
      %gather3A_989 = vector.shape_cast %broadcast_in_dim3A_988 : vector<16x1xi32> to vector<16xi32>
      %gather3A_990 = tpu.dynamic_gather %scan3A_680[%gather3A_989] in [0] : vector<16xf32>, vector<16xi32> -> vector<16xf32>
      %slice3A_991 = vector.extract_strided_slice %gather3A_990 {offsets = [0], sizes = [1], strides = [1]} : vector<16xf32> to vector<1xf32>
      %squeeze3A_992 = vector.extract %slice3A_991[0] : f32 from vector<1xf32>
      %ge3A_993 = arith.cmpf oge, %squeeze3A_992, %squeeze3A_940 : f32
      %convert_element_type3A_994 = arith.extui %ge3A_993 : i1 to i32
      %cond3A_995 = arith.constant 0 : i32
      %cond3A_996 = arith.cmpi ne, %convert_element_type3A_994, %cond3A_995 : i32
      scf.if %cond3A_996 {
        %dma_start3A_1184 = arith.constant 6144 : i32
        %dma_start3A_1185 = tpu.memref_slice %arg6[%dma_start3A_1184] : memref<32768xf32, #tpu.memory_space<vmem>> -> memref<2048xf32, #tpu.memory_space<vmem>>
        %dma_start3A_1186 = arith.constant 6144 : i32
        %dma_start3A_1187 = tpu.memref_slice %arg3[%add3A_159, %dma_start3A_1186] : memref<1024x32768xf32, #tpu.memory_space<hbm>> -> memref<1x2048xf32, #tpu.memory_space<hbm>>
        %dma_start3A_1188 = tpu.memref_squeeze %dma_start3A_1187 : memref<1x2048xf32, #tpu.memory_space<hbm>> -> memref<2048xf32, #tpu.memory_space<hbm>>
        %dma_start3A_1189 = arith.constant 6144 : i32
        %dma_start3A_1190 = tpu.memref_slice %arg3[%add3A_159, %dma_start3A_1189] : memref<1024x32768xf32, #tpu.memory_space<hbm>> -> memref<1x2048xf32, #tpu.memory_space<hbm>>
        %dma_start3A_1191 = tpu.memref_squeeze %dma_start3A_1190 : memref<1x2048xf32, #tpu.memory_space<hbm>> -> memref<2048xf32, #tpu.memory_space<hbm>>
        %dma_start3A_1192 = arith.constant 6144 : i32
        %dma_start3A_1193 = tpu.memref_slice %arg6[%dma_start3A_1192] : memref<32768xf32, #tpu.memory_space<vmem>> -> memref<2048xf32, #tpu.memory_space<vmem>>
        tpu.enqueue_dma source(%dma_start3A_1193 : memref<2048xf32, #tpu.memory_space<vmem>>) target(%dma_start3A_1191 : memref<2048xf32, #tpu.memory_space<hbm>>) target_semaphore(%arg10 : memref<!tpu.dma_semaphore, #tpu.memory_space<semaphore_mem>>)
      } else {
      }
      %lt3A_997 = arith.cmpf olt, %squeeze3A_992, %squeeze3A_940 : f32
      %convert_element_type3A_998 = arith.extui %lt3A_997 : i1 to i32
      %cond3A_999 = arith.constant 0 : i32
      %cond3A_1000 = arith.cmpi ne, %convert_element_type3A_998, %cond3A_999 : i32
      scf.if %cond3A_1000 {
        %dma_start3A_1184 = arith.constant 6144 : i32
        %dma_start3A_1185 = tpu.memref_slice %arg3[%add3A_159, %dma_start3A_1184] : memref<1024x32768xf32, #tpu.memory_space<hbm>> -> memref<1x2048xf32, #tpu.memory_space<hbm>>
        %dma_start3A_1186 = tpu.memref_squeeze %dma_start3A_1185 : memref<1x2048xf32, #tpu.memory_space<hbm>> -> memref<2048xf32, #tpu.memory_space<hbm>>
        %dma_start3A_1187 = arith.constant 6144 : i32
        %dma_start3A_1188 = tpu.memref_slice %arg3[%add3A_159, %dma_start3A_1187] : memref<1024x32768xf32, #tpu.memory_space<hbm>> -> memref<1x2048xf32, #tpu.memory_space<hbm>>
        %dma_start3A_1189 = tpu.memref_squeeze %dma_start3A_1188 : memref<1x2048xf32, #tpu.memory_space<hbm>> -> memref<2048xf32, #tpu.memory_space<hbm>>
        tpu.enqueue_dma source(%arg7 : memref<2048xf32, #tpu.memory_space<vmem>>) target(%dma_start3A_1189 : memref<2048xf32, #tpu.memory_space<hbm>>) target_semaphore(%arg10 : memref<!tpu.dma_semaphore, #tpu.memory_space<semaphore_mem>>)
      } else {
      }
      %broadcast_in_dim3A_1001 = arith.constant 4 : i32
      %broadcast_in_dim3A_1002 = vector.broadcast %broadcast_in_dim3A_1001 : i32 to vector<16xi32>
      %broadcast_in_dim3A_1003 = vector.shape_cast %broadcast_in_dim3A_1002 : vector<16xi32> to vector<16x1xi32>
      %gather3A_1004 = vector.shape_cast %broadcast_in_dim3A_1003 : vector<16x1xi32> to vector<16xi32>
      %gather3A_1005 = tpu.dynamic_gather %scan3A_680[%gather3A_1004] in [0] : vector<16xf32>, vector<16xi32> -> vector<16xf32>
      %slice3A_1006 = vector.extract_strided_slice %gather3A_1005 {offsets = [0], sizes = [1], strides = [1]} : vector<16xf32> to vector<1xf32>
      %squeeze3A_1007 = vector.extract %slice3A_1006[0] : f32 from vector<1xf32>
      %ge3A_1008 = arith.cmpf oge, %squeeze3A_1007, %squeeze3A_940 : f32
      %convert_element_type3A_1009 = arith.extui %ge3A_1008 : i1 to i32
      %cond3A_1010 = arith.constant 0 : i32
      %cond3A_1011 = arith.cmpi ne, %convert_element_type3A_1009, %cond3A_1010 : i32
      scf.if %cond3A_1011 {
        %dma_start3A_1184 = arith.constant 8192 : i32
        %dma_start3A_1185 = tpu.memref_slice %arg6[%dma_start3A_1184] : memref<32768xf32, #tpu.memory_space<vmem>> -> memref<2048xf32, #tpu.memory_space<vmem>>
        %dma_start3A_1186 = arith.constant 8192 : i32
        %dma_start3A_1187 = tpu.memref_slice %arg3[%add3A_159, %dma_start3A_1186] : memref<1024x32768xf32, #tpu.memory_space<hbm>> -> memref<1x2048xf32, #tpu.memory_space<hbm>>
        %dma_start3A_1188 = tpu.memref_squeeze %dma_start3A_1187 : memref<1x2048xf32, #tpu.memory_space<hbm>> -> memref<2048xf32, #tpu.memory_space<hbm>>
        %dma_start3A_1189 = arith.constant 8192 : i32
        %dma_start3A_1190 = tpu.memref_slice %arg3[%add3A_159, %dma_start3A_1189] : memref<1024x32768xf32, #tpu.memory_space<hbm>> -> memref<1x2048xf32, #tpu.memory_space<hbm>>
        %dma_start3A_1191 = tpu.memref_squeeze %dma_start3A_1190 : memref<1x2048xf32, #tpu.memory_space<hbm>> -> memref<2048xf32, #tpu.memory_space<hbm>>
        %dma_start3A_1192 = arith.constant 8192 : i32
        %dma_start3A_1193 = tpu.memref_slice %arg6[%dma_start3A_1192] : memref<32768xf32, #tpu.memory_space<vmem>> -> memref<2048xf32, #tpu.memory_space<vmem>>
        tpu.enqueue_dma source(%dma_start3A_1193 : memref<2048xf32, #tpu.memory_space<vmem>>) target(%dma_start3A_1191 : memref<2048xf32, #tpu.memory_space<hbm>>) target_semaphore(%arg10 : memref<!tpu.dma_semaphore, #tpu.memory_space<semaphore_mem>>)
      } else {
      }
      %lt3A_1012 = arith.cmpf olt, %squeeze3A_1007, %squeeze3A_940 : f32
      %convert_element_type3A_1013 = arith.extui %lt3A_1012 : i1 to i32
      %cond3A_1014 = arith.constant 0 : i32
      %cond3A_1015 = arith.cmpi ne, %convert_element_type3A_1013, %cond3A_1014 : i32
      scf.if %cond3A_1015 {
        %dma_start3A_1184 = arith.constant 8192 : i32
        %dma_start3A_1185 = tpu.memref_slice %arg3[%add3A_159, %dma_start3A_1184] : memref<1024x32768xf32, #tpu.memory_space<hbm>> -> memref<1x2048xf32, #tpu.memory_space<hbm>>
        %dma_start3A_1186 = tpu.memref_squeeze %dma_start3A_1185 : memref<1x2048xf32, #tpu.memory_space<hbm>> -> memref<2048xf32, #tpu.memory_space<hbm>>
        %dma_start3A_1187 = arith.constant 8192 : i32
        %dma_start3A_1188 = tpu.memref_slice %arg3[%add3A_159, %dma_start3A_1187] : memref<1024x32768xf32, #tpu.memory_space<hbm>> -> memref<1x2048xf32, #tpu.memory_space<hbm>>
        %dma_start3A_1189 = tpu.memref_squeeze %dma_start3A_1188 : memref<1x2048xf32, #tpu.memory_space<hbm>> -> memref<2048xf32, #tpu.memory_space<hbm>>
        tpu.enqueue_dma source(%arg7 : memref<2048xf32, #tpu.memory_space<vmem>>) target(%dma_start3A_1189 : memref<2048xf32, #tpu.memory_space<hbm>>) target_semaphore(%arg10 : memref<!tpu.dma_semaphore, #tpu.memory_space<semaphore_mem>>)
      } else {
      }
      %broadcast_in_dim3A_1016 = arith.constant 5 : i32
      %broadcast_in_dim3A_1017 = vector.broadcast %broadcast_in_dim3A_1016 : i32 to vector<16xi32>
      %broadcast_in_dim3A_1018 = vector.shape_cast %broadcast_in_dim3A_1017 : vector<16xi32> to vector<16x1xi32>
      %gather3A_1019 = vector.shape_cast %broadcast_in_dim3A_1018 : vector<16x1xi32> to vector<16xi32>
      %gather3A_1020 = tpu.dynamic_gather %scan3A_680[%gather3A_1019] in [0] : vector<16xf32>, vector<16xi32> -> vector<16xf32>
      %slice3A_1021 = vector.extract_strided_slice %gather3A_1020 {offsets = [0], sizes = [1], strides = [1]} : vector<16xf32> to vector<1xf32>
      %squeeze3A_1022 = vector.extract %slice3A_1021[0] : f32 from vector<1xf32>
      %ge3A_1023 = arith.cmpf oge, %squeeze3A_1022, %squeeze3A_940 : f32
      %convert_element_type3A_1024 = arith.extui %ge3A_1023 : i1 to i32
      %cond3A_1025 = arith.constant 0 : i32
      %cond3A_1026 = arith.cmpi ne, %convert_element_type3A_1024, %cond3A_1025 : i32
      scf.if %cond3A_1026 {
        %dma_start3A_1184 = arith.constant 10240 : i32
        %dma_start3A_1185 = tpu.memref_slice %arg6[%dma_start3A_1184] : memref<32768xf32, #tpu.memory_space<vmem>> -> memref<2048xf32, #tpu.memory_space<vmem>>
        %dma_start3A_1186 = arith.constant 10240 : i32
        %dma_start3A_1187 = tpu.memref_slice %arg3[%add3A_159, %dma_start3A_1186] : memref<1024x32768xf32, #tpu.memory_space<hbm>> -> memref<1x2048xf32, #tpu.memory_space<hbm>>
        %dma_start3A_1188 = tpu.memref_squeeze %dma_start3A_1187 : memref<1x2048xf32, #tpu.memory_space<hbm>> -> memref<2048xf32, #tpu.memory_space<hbm>>
        %dma_start3A_1189 = arith.constant 10240 : i32
        %dma_start3A_1190 = tpu.memref_slice %arg3[%add3A_159, %dma_start3A_1189] : memref<1024x32768xf32, #tpu.memory_space<hbm>> -> memref<1x2048xf32, #tpu.memory_space<hbm>>
        %dma_start3A_1191 = tpu.memref_squeeze %dma_start3A_1190 : memref<1x2048xf32, #tpu.memory_space<hbm>> -> memref<2048xf32, #tpu.memory_space<hbm>>
        %dma_start3A_1192 = arith.constant 10240 : i32
        %dma_start3A_1193 = tpu.memref_slice %arg6[%dma_start3A_1192] : memref<32768xf32, #tpu.memory_space<vmem>> -> memref<2048xf32, #tpu.memory_space<vmem>>
        tpu.enqueue_dma source(%dma_start3A_1193 : memref<2048xf32, #tpu.memory_space<vmem>>) target(%dma_start3A_1191 : memref<2048xf32, #tpu.memory_space<hbm>>) target_semaphore(%arg10 : memref<!tpu.dma_semaphore, #tpu.memory_space<semaphore_mem>>)
      } else {
      }
      %lt3A_1027 = arith.cmpf olt, %squeeze3A_1022, %squeeze3A_940 : f32
      %convert_element_type3A_1028 = arith.extui %lt3A_1027 : i1 to i32
      %cond3A_1029 = arith.constant 0 : i32
      %cond3A_1030 = arith.cmpi ne, %convert_element_type3A_1028, %cond3A_1029 : i32
      scf.if %cond3A_1030 {
        %dma_start3A_1184 = arith.constant 10240 : i32
        %dma_start3A_1185 = tpu.memref_slice %arg3[%add3A_159, %dma_start3A_1184] : memref<1024x32768xf32, #tpu.memory_space<hbm>> -> memref<1x2048xf32, #tpu.memory_space<hbm>>
        %dma_start3A_1186 = tpu.memref_squeeze %dma_start3A_1185 : memref<1x2048xf32, #tpu.memory_space<hbm>> -> memref<2048xf32, #tpu.memory_space<hbm>>
        %dma_start3A_1187 = arith.constant 10240 : i32
        %dma_start3A_1188 = tpu.memref_slice %arg3[%add3A_159, %dma_start3A_1187] : memref<1024x32768xf32, #tpu.memory_space<hbm>> -> memref<1x2048xf32, #tpu.memory_space<hbm>>
        %dma_start3A_1189 = tpu.memref_squeeze %dma_start3A_1188 : memref<1x2048xf32, #tpu.memory_space<hbm>> -> memref<2048xf32, #tpu.memory_space<hbm>>
        tpu.enqueue_dma source(%arg7 : memref<2048xf32, #tpu.memory_space<vmem>>) target(%dma_start3A_1189 : memref<2048xf32, #tpu.memory_space<hbm>>) target_semaphore(%arg10 : memref<!tpu.dma_semaphore, #tpu.memory_space<semaphore_mem>>)
      } else {
      }
      %broadcast_in_dim3A_1031 = arith.constant 6 : i32
      %broadcast_in_dim3A_1032 = vector.broadcast %broadcast_in_dim3A_1031 : i32 to vector<16xi32>
      %broadcast_in_dim3A_1033 = vector.shape_cast %broadcast_in_dim3A_1032 : vector<16xi32> to vector<16x1xi32>
      %gather3A_1034 = vector.shape_cast %broadcast_in_dim3A_1033 : vector<16x1xi32> to vector<16xi32>
      %gather3A_1035 = tpu.dynamic_gather %scan3A_680[%gather3A_1034] in [0] : vector<16xf32>, vector<16xi32> -> vector<16xf32>
      %slice3A_1036 = vector.extract_strided_slice %gather3A_1035 {offsets = [0], sizes = [1], strides = [1]} : vector<16xf32> to vector<1xf32>
      %squeeze3A_1037 = vector.extract %slice3A_1036[0] : f32 from vector<1xf32>
      %ge3A_1038 = arith.cmpf oge, %squeeze3A_1037, %squeeze3A_940 : f32
      %convert_element_type3A_1039 = arith.extui %ge3A_1038 : i1 to i32
      %cond3A_1040 = arith.constant 0 : i32
      %cond3A_1041 = arith.cmpi ne, %convert_element_type3A_1039, %cond3A_1040 : i32
      scf.if %cond3A_1041 {
        %dma_start3A_1184 = arith.constant 12288 : i32
        %dma_start3A_1185 = tpu.memref_slice %arg6[%dma_start3A_1184] : memref<32768xf32, #tpu.memory_space<vmem>> -> memref<2048xf32, #tpu.memory_space<vmem>>
        %dma_start3A_1186 = arith.constant 12288 : i32
        %dma_start3A_1187 = tpu.memref_slice %arg3[%add3A_159, %dma_start3A_1186] : memref<1024x32768xf32, #tpu.memory_space<hbm>> -> memref<1x2048xf32, #tpu.memory_space<hbm>>
        %dma_start3A_1188 = tpu.memref_squeeze %dma_start3A_1187 : memref<1x2048xf32, #tpu.memory_space<hbm>> -> memref<2048xf32, #tpu.memory_space<hbm>>
        %dma_start3A_1189 = arith.constant 12288 : i32
        %dma_start3A_1190 = tpu.memref_slice %arg3[%add3A_159, %dma_start3A_1189] : memref<1024x32768xf32, #tpu.memory_space<hbm>> -> memref<1x2048xf32, #tpu.memory_space<hbm>>
        %dma_start3A_1191 = tpu.memref_squeeze %dma_start3A_1190 : memref<1x2048xf32, #tpu.memory_space<hbm>> -> memref<2048xf32, #tpu.memory_space<hbm>>
        %dma_start3A_1192 = arith.constant 12288 : i32
        %dma_start3A_1193 = tpu.memref_slice %arg6[%dma_start3A_1192] : memref<32768xf32, #tpu.memory_space<vmem>> -> memref<2048xf32, #tpu.memory_space<vmem>>
        tpu.enqueue_dma source(%dma_start3A_1193 : memref<2048xf32, #tpu.memory_space<vmem>>) target(%dma_start3A_1191 : memref<2048xf32, #tpu.memory_space<hbm>>) target_semaphore(%arg10 : memref<!tpu.dma_semaphore, #tpu.memory_space<semaphore_mem>>)
      } else {
      }
      %lt3A_1042 = arith.cmpf olt, %squeeze3A_1037, %squeeze3A_940 : f32
      %convert_element_type3A_1043 = arith.extui %lt3A_1042 : i1 to i32
      %cond3A_1044 = arith.constant 0 : i32
      %cond3A_1045 = arith.cmpi ne, %convert_element_type3A_1043, %cond3A_1044 : i32
      scf.if %cond3A_1045 {
        %dma_start3A_1184 = arith.constant 12288 : i32
        %dma_start3A_1185 = tpu.memref_slice %arg3[%add3A_159, %dma_start3A_1184] : memref<1024x32768xf32, #tpu.memory_space<hbm>> -> memref<1x2048xf32, #tpu.memory_space<hbm>>
        %dma_start3A_1186 = tpu.memref_squeeze %dma_start3A_1185 : memref<1x2048xf32, #tpu.memory_space<hbm>> -> memref<2048xf32, #tpu.memory_space<hbm>>
        %dma_start3A_1187 = arith.constant 12288 : i32
        %dma_start3A_1188 = tpu.memref_slice %arg3[%add3A_159, %dma_start3A_1187] : memref<1024x32768xf32, #tpu.memory_space<hbm>> -> memref<1x2048xf32, #tpu.memory_space<hbm>>
        %dma_start3A_1189 = tpu.memref_squeeze %dma_start3A_1188 : memref<1x2048xf32, #tpu.memory_space<hbm>> -> memref<2048xf32, #tpu.memory_space<hbm>>
        tpu.enqueue_dma source(%arg7 : memref<2048xf32, #tpu.memory_space<vmem>>) target(%dma_start3A_1189 : memref<2048xf32, #tpu.memory_space<hbm>>) target_semaphore(%arg10 : memref<!tpu.dma_semaphore, #tpu.memory_space<semaphore_mem>>)
      } else {
      }
      %broadcast_in_dim3A_1046 = arith.constant 7 : i32
      %broadcast_in_dim3A_1047 = vector.broadcast %broadcast_in_dim3A_1046 : i32 to vector<16xi32>
      %broadcast_in_dim3A_1048 = vector.shape_cast %broadcast_in_dim3A_1047 : vector<16xi32> to vector<16x1xi32>
      %gather3A_1049 = vector.shape_cast %broadcast_in_dim3A_1048 : vector<16x1xi32> to vector<16xi32>
      %gather3A_1050 = tpu.dynamic_gather %scan3A_680[%gather3A_1049] in [0] : vector<16xf32>, vector<16xi32> -> vector<16xf32>
      %slice3A_1051 = vector.extract_strided_slice %gather3A_1050 {offsets = [0], sizes = [1], strides = [1]} : vector<16xf32> to vector<1xf32>
      %squeeze3A_1052 = vector.extract %slice3A_1051[0] : f32 from vector<1xf32>
      %ge3A_1053 = arith.cmpf oge, %squeeze3A_1052, %squeeze3A_940 : f32
      %convert_element_type3A_1054 = arith.extui %ge3A_1053 : i1 to i32
      %cond3A_1055 = arith.constant 0 : i32
      %cond3A_1056 = arith.cmpi ne, %convert_element_type3A_1054, %cond3A_1055 : i32
      scf.if %cond3A_1056 {
        %dma_start3A_1184 = arith.constant 14336 : i32
        %dma_start3A_1185 = tpu.memref_slice %arg6[%dma_start3A_1184] : memref<32768xf32, #tpu.memory_space<vmem>> -> memref<2048xf32, #tpu.memory_space<vmem>>
        %dma_start3A_1186 = arith.constant 14336 : i32
        %dma_start3A_1187 = tpu.memref_slice %arg3[%add3A_159, %dma_start3A_1186] : memref<1024x32768xf32, #tpu.memory_space<hbm>> -> memref<1x2048xf32, #tpu.memory_space<hbm>>
        %dma_start3A_1188 = tpu.memref_squeeze %dma_start3A_1187 : memref<1x2048xf32, #tpu.memory_space<hbm>> -> memref<2048xf32, #tpu.memory_space<hbm>>
        %dma_start3A_1189 = arith.constant 14336 : i32
        %dma_start3A_1190 = tpu.memref_slice %arg3[%add3A_159, %dma_start3A_1189] : memref<1024x32768xf32, #tpu.memory_space<hbm>> -> memref<1x2048xf32, #tpu.memory_space<hbm>>
        %dma_start3A_1191 = tpu.memref_squeeze %dma_start3A_1190 : memref<1x2048xf32, #tpu.memory_space<hbm>> -> memref<2048xf32, #tpu.memory_space<hbm>>
        %dma_start3A_1192 = arith.constant 14336 : i32
        %dma_start3A_1193 = tpu.memref_slice %arg6[%dma_start3A_1192] : memref<32768xf32, #tpu.memory_space<vmem>> -> memref<2048xf32, #tpu.memory_space<vmem>>
        tpu.enqueue_dma source(%dma_start3A_1193 : memref<2048xf32, #tpu.memory_space<vmem>>) target(%dma_start3A_1191 : memref<2048xf32, #tpu.memory_space<hbm>>) target_semaphore(%arg10 : memref<!tpu.dma_semaphore, #tpu.memory_space<semaphore_mem>>)
      } else {
      }
      %lt3A_1057 = arith.cmpf olt, %squeeze3A_1052, %squeeze3A_940 : f32
      %convert_element_type3A_1058 = arith.extui %lt3A_1057 : i1 to i32
      %cond3A_1059 = arith.constant 0 : i32
      %cond3A_1060 = arith.cmpi ne, %convert_element_type3A_1058, %cond3A_1059 : i32
      scf.if %cond3A_1060 {
        %dma_start3A_1184 = arith.constant 14336 : i32
        %dma_start3A_1185 = tpu.memref_slice %arg3[%add3A_159, %dma_start3A_1184] : memref<1024x32768xf32, #tpu.memory_space<hbm>> -> memref<1x2048xf32, #tpu.memory_space<hbm>>
        %dma_start3A_1186 = tpu.memref_squeeze %dma_start3A_1185 : memref<1x2048xf32, #tpu.memory_space<hbm>> -> memref<2048xf32, #tpu.memory_space<hbm>>
        %dma_start3A_1187 = arith.constant 14336 : i32
        %dma_start3A_1188 = tpu.memref_slice %arg3[%add3A_159, %dma_start3A_1187] : memref<1024x32768xf32, #tpu.memory_space<hbm>> -> memref<1x2048xf32, #tpu.memory_space<hbm>>
        %dma_start3A_1189 = tpu.memref_squeeze %dma_start3A_1188 : memref<1x2048xf32, #tpu.memory_space<hbm>> -> memref<2048xf32, #tpu.memory_space<hbm>>
        tpu.enqueue_dma source(%arg7 : memref<2048xf32, #tpu.memory_space<vmem>>) target(%dma_start3A_1189 : memref<2048xf32, #tpu.memory_space<hbm>>) target_semaphore(%arg10 : memref<!tpu.dma_semaphore, #tpu.memory_space<semaphore_mem>>)
      } else {
      }
      %broadcast_in_dim3A_1061 = arith.constant 8 : i32
      %broadcast_in_dim3A_1062 = vector.broadcast %broadcast_in_dim3A_1061 : i32 to vector<16xi32>
      %broadcast_in_dim3A_1063 = vector.shape_cast %broadcast_in_dim3A_1062 : vector<16xi32> to vector<16x1xi32>
      %gather3A_1064 = vector.shape_cast %broadcast_in_dim3A_1063 : vector<16x1xi32> to vector<16xi32>
      %gather3A_1065 = tpu.dynamic_gather %scan3A_680[%gather3A_1064] in [0] : vector<16xf32>, vector<16xi32> -> vector<16xf32>
      %slice3A_1066 = vector.extract_strided_slice %gather3A_1065 {offsets = [0], sizes = [1], strides = [1]} : vector<16xf32> to vector<1xf32>
      %squeeze3A_1067 = vector.extract %slice3A_1066[0] : f32 from vector<1xf32>
      %ge3A_1068 = arith.cmpf oge, %squeeze3A_1067, %squeeze3A_940 : f32
      %convert_element_type3A_1069 = arith.extui %ge3A_1068 : i1 to i32
      %cond3A_1070 = arith.constant 0 : i32
      %cond3A_1071 = arith.cmpi ne, %convert_element_type3A_1069, %cond3A_1070 : i32
      scf.if %cond3A_1071 {
        %dma_start3A_1184 = arith.constant 16384 : i32
        %dma_start3A_1185 = tpu.memref_slice %arg6[%dma_start3A_1184] : memref<32768xf32, #tpu.memory_space<vmem>> -> memref<2048xf32, #tpu.memory_space<vmem>>
        %dma_start3A_1186 = arith.constant 16384 : i32
        %dma_start3A_1187 = tpu.memref_slice %arg3[%add3A_159, %dma_start3A_1186] : memref<1024x32768xf32, #tpu.memory_space<hbm>> -> memref<1x2048xf32, #tpu.memory_space<hbm>>
        %dma_start3A_1188 = tpu.memref_squeeze %dma_start3A_1187 : memref<1x2048xf32, #tpu.memory_space<hbm>> -> memref<2048xf32, #tpu.memory_space<hbm>>
        %dma_start3A_1189 = arith.constant 16384 : i32
        %dma_start3A_1190 = tpu.memref_slice %arg3[%add3A_159, %dma_start3A_1189] : memref<1024x32768xf32, #tpu.memory_space<hbm>> -> memref<1x2048xf32, #tpu.memory_space<hbm>>
        %dma_start3A_1191 = tpu.memref_squeeze %dma_start3A_1190 : memref<1x2048xf32, #tpu.memory_space<hbm>> -> memref<2048xf32, #tpu.memory_space<hbm>>
        %dma_start3A_1192 = arith.constant 16384 : i32
        %dma_start3A_1193 = tpu.memref_slice %arg6[%dma_start3A_1192] : memref<32768xf32, #tpu.memory_space<vmem>> -> memref<2048xf32, #tpu.memory_space<vmem>>
        tpu.enqueue_dma source(%dma_start3A_1193 : memref<2048xf32, #tpu.memory_space<vmem>>) target(%dma_start3A_1191 : memref<2048xf32, #tpu.memory_space<hbm>>) target_semaphore(%arg10 : memref<!tpu.dma_semaphore, #tpu.memory_space<semaphore_mem>>)
      } else {
      }
      %lt3A_1072 = arith.cmpf olt, %squeeze3A_1067, %squeeze3A_940 : f32
      %convert_element_type3A_1073 = arith.extui %lt3A_1072 : i1 to i32
      %cond3A_1074 = arith.constant 0 : i32
      %cond3A_1075 = arith.cmpi ne, %convert_element_type3A_1073, %cond3A_1074 : i32
      scf.if %cond3A_1075 {
        %dma_start3A_1184 = arith.constant 16384 : i32
        %dma_start3A_1185 = tpu.memref_slice %arg3[%add3A_159, %dma_start3A_1184] : memref<1024x32768xf32, #tpu.memory_space<hbm>> -> memref<1x2048xf32, #tpu.memory_space<hbm>>
        %dma_start3A_1186 = tpu.memref_squeeze %dma_start3A_1185 : memref<1x2048xf32, #tpu.memory_space<hbm>> -> memref<2048xf32, #tpu.memory_space<hbm>>
        %dma_start3A_1187 = arith.constant 16384 : i32
        %dma_start3A_1188 = tpu.memref_slice %arg3[%add3A_159, %dma_start3A_1187] : memref<1024x32768xf32, #tpu.memory_space<hbm>> -> memref<1x2048xf32, #tpu.memory_space<hbm>>
        %dma_start3A_1189 = tpu.memref_squeeze %dma_start3A_1188 : memref<1x2048xf32, #tpu.memory_space<hbm>> -> memref<2048xf32, #tpu.memory_space<hbm>>
        tpu.enqueue_dma source(%arg7 : memref<2048xf32, #tpu.memory_space<vmem>>) target(%dma_start3A_1189 : memref<2048xf32, #tpu.memory_space<hbm>>) target_semaphore(%arg10 : memref<!tpu.dma_semaphore, #tpu.memory_space<semaphore_mem>>)
      } else {
      }
      %broadcast_in_dim3A_1076 = arith.constant 9 : i32
      %broadcast_in_dim3A_1077 = vector.broadcast %broadcast_in_dim3A_1076 : i32 to vector<16xi32>
      %broadcast_in_dim3A_1078 = vector.shape_cast %broadcast_in_dim3A_1077 : vector<16xi32> to vector<16x1xi32>
      %gather3A_1079 = vector.shape_cast %broadcast_in_dim3A_1078 : vector<16x1xi32> to vector<16xi32>
      %gather3A_1080 = tpu.dynamic_gather %scan3A_680[%gather3A_1079] in [0] : vector<16xf32>, vector<16xi32> -> vector<16xf32>
      %slice3A_1081 = vector.extract_strided_slice %gather3A_1080 {offsets = [0], sizes = [1], strides = [1]} : vector<16xf32> to vector<1xf32>
      %squeeze3A_1082 = vector.extract %slice3A_1081[0] : f32 from vector<1xf32>
      %ge3A_1083 = arith.cmpf oge, %squeeze3A_1082, %squeeze3A_940 : f32
      %convert_element_type3A_1084 = arith.extui %ge3A_1083 : i1 to i32
      %cond3A_1085 = arith.constant 0 : i32
      %cond3A_1086 = arith.cmpi ne, %convert_element_type3A_1084, %cond3A_1085 : i32
      scf.if %cond3A_1086 {
        %dma_start3A_1184 = arith.constant 18432 : i32
        %dma_start3A_1185 = tpu.memref_slice %arg6[%dma_start3A_1184] : memref<32768xf32, #tpu.memory_space<vmem>> -> memref<2048xf32, #tpu.memory_space<vmem>>
        %dma_start3A_1186 = arith.constant 18432 : i32
        %dma_start3A_1187 = tpu.memref_slice %arg3[%add3A_159, %dma_start3A_1186] : memref<1024x32768xf32, #tpu.memory_space<hbm>> -> memref<1x2048xf32, #tpu.memory_space<hbm>>
        %dma_start3A_1188 = tpu.memref_squeeze %dma_start3A_1187 : memref<1x2048xf32, #tpu.memory_space<hbm>> -> memref<2048xf32, #tpu.memory_space<hbm>>
        %dma_start3A_1189 = arith.constant 18432 : i32
        %dma_start3A_1190 = tpu.memref_slice %arg3[%add3A_159, %dma_start3A_1189] : memref<1024x32768xf32, #tpu.memory_space<hbm>> -> memref<1x2048xf32, #tpu.memory_space<hbm>>
        %dma_start3A_1191 = tpu.memref_squeeze %dma_start3A_1190 : memref<1x2048xf32, #tpu.memory_space<hbm>> -> memref<2048xf32, #tpu.memory_space<hbm>>
        %dma_start3A_1192 = arith.constant 18432 : i32
        %dma_start3A_1193 = tpu.memref_slice %arg6[%dma_start3A_1192] : memref<32768xf32, #tpu.memory_space<vmem>> -> memref<2048xf32, #tpu.memory_space<vmem>>
        tpu.enqueue_dma source(%dma_start3A_1193 : memref<2048xf32, #tpu.memory_space<vmem>>) target(%dma_start3A_1191 : memref<2048xf32, #tpu.memory_space<hbm>>) target_semaphore(%arg10 : memref<!tpu.dma_semaphore, #tpu.memory_space<semaphore_mem>>)
      } else {
      }
      %lt3A_1087 = arith.cmpf olt, %squeeze3A_1082, %squeeze3A_940 : f32
      %convert_element_type3A_1088 = arith.extui %lt3A_1087 : i1 to i32
      %cond3A_1089 = arith.constant 0 : i32
      %cond3A_1090 = arith.cmpi ne, %convert_element_type3A_1088, %cond3A_1089 : i32
      scf.if %cond3A_1090 {
        %dma_start3A_1184 = arith.constant 18432 : i32
        %dma_start3A_1185 = tpu.memref_slice %arg3[%add3A_159, %dma_start3A_1184] : memref<1024x32768xf32, #tpu.memory_space<hbm>> -> memref<1x2048xf32, #tpu.memory_space<hbm>>
        %dma_start3A_1186 = tpu.memref_squeeze %dma_start3A_1185 : memref<1x2048xf32, #tpu.memory_space<hbm>> -> memref<2048xf32, #tpu.memory_space<hbm>>
        %dma_start3A_1187 = arith.constant 18432 : i32
        %dma_start3A_1188 = tpu.memref_slice %arg3[%add3A_159, %dma_start3A_1187] : memref<1024x32768xf32, #tpu.memory_space<hbm>> -> memref<1x2048xf32, #tpu.memory_space<hbm>>
        %dma_start3A_1189 = tpu.memref_squeeze %dma_start3A_1188 : memref<1x2048xf32, #tpu.memory_space<hbm>> -> memref<2048xf32, #tpu.memory_space<hbm>>
        tpu.enqueue_dma source(%arg7 : memref<2048xf32, #tpu.memory_space<vmem>>) target(%dma_start3A_1189 : memref<2048xf32, #tpu.memory_space<hbm>>) target_semaphore(%arg10 : memref<!tpu.dma_semaphore, #tpu.memory_space<semaphore_mem>>)
      } else {
      }
      %broadcast_in_dim3A_1091 = arith.constant 10 : i32
      %broadcast_in_dim3A_1092 = vector.broadcast %broadcast_in_dim3A_1091 : i32 to vector<16xi32>
      %broadcast_in_dim3A_1093 = vector.shape_cast %broadcast_in_dim3A_1092 : vector<16xi32> to vector<16x1xi32>
      %gather3A_1094 = vector.shape_cast %broadcast_in_dim3A_1093 : vector<16x1xi32> to vector<16xi32>
      %gather3A_1095 = tpu.dynamic_gather %scan3A_680[%gather3A_1094] in [0] : vector<16xf32>, vector<16xi32> -> vector<16xf32>
      %slice3A_1096 = vector.extract_strided_slice %gather3A_1095 {offsets = [0], sizes = [1], strides = [1]} : vector<16xf32> to vector<1xf32>
      %squeeze3A_1097 = vector.extract %slice3A_1096[0] : f32 from vector<1xf32>
      %ge3A_1098 = arith.cmpf oge, %squeeze3A_1097, %squeeze3A_940 : f32
      %convert_element_type3A_1099 = arith.extui %ge3A_1098 : i1 to i32
      %cond3A_1100 = arith.constant 0 : i32
      %cond3A_1101 = arith.cmpi ne, %convert_element_type3A_1099, %cond3A_1100 : i32
      scf.if %cond3A_1101 {
        %dma_start3A_1184 = arith.constant 20480 : i32
        %dma_start3A_1185 = tpu.memref_slice %arg6[%dma_start3A_1184] : memref<32768xf32, #tpu.memory_space<vmem>> -> memref<2048xf32, #tpu.memory_space<vmem>>
        %dma_start3A_1186 = arith.constant 20480 : i32
        %dma_start3A_1187 = tpu.memref_slice %arg3[%add3A_159, %dma_start3A_1186] : memref<1024x32768xf32, #tpu.memory_space<hbm>> -> memref<1x2048xf32, #tpu.memory_space<hbm>>
        %dma_start3A_1188 = tpu.memref_squeeze %dma_start3A_1187 : memref<1x2048xf32, #tpu.memory_space<hbm>> -> memref<2048xf32, #tpu.memory_space<hbm>>
        %dma_start3A_1189 = arith.constant 20480 : i32
        %dma_start3A_1190 = tpu.memref_slice %arg3[%add3A_159, %dma_start3A_1189] : memref<1024x32768xf32, #tpu.memory_space<hbm>> -> memref<1x2048xf32, #tpu.memory_space<hbm>>
        %dma_start3A_1191 = tpu.memref_squeeze %dma_start3A_1190 : memref<1x2048xf32, #tpu.memory_space<hbm>> -> memref<2048xf32, #tpu.memory_space<hbm>>
        %dma_start3A_1192 = arith.constant 20480 : i32
        %dma_start3A_1193 = tpu.memref_slice %arg6[%dma_start3A_1192] : memref<32768xf32, #tpu.memory_space<vmem>> -> memref<2048xf32, #tpu.memory_space<vmem>>
        tpu.enqueue_dma source(%dma_start3A_1193 : memref<2048xf32, #tpu.memory_space<vmem>>) target(%dma_start3A_1191 : memref<2048xf32, #tpu.memory_space<hbm>>) target_semaphore(%arg10 : memref<!tpu.dma_semaphore, #tpu.memory_space<semaphore_mem>>)
      } else {
      }
      %lt3A_1102 = arith.cmpf olt, %squeeze3A_1097, %squeeze3A_940 : f32
      %convert_element_type3A_1103 = arith.extui %lt3A_1102 : i1 to i32
      %cond3A_1104 = arith.constant 0 : i32
      %cond3A_1105 = arith.cmpi ne, %convert_element_type3A_1103, %cond3A_1104 : i32
      scf.if %cond3A_1105 {
        %dma_start3A_1184 = arith.constant 20480 : i32
        %dma_start3A_1185 = tpu.memref_slice %arg3[%add3A_159, %dma_start3A_1184] : memref<1024x32768xf32, #tpu.memory_space<hbm>> -> memref<1x2048xf32, #tpu.memory_space<hbm>>
        %dma_start3A_1186 = tpu.memref_squeeze %dma_start3A_1185 : memref<1x2048xf32, #tpu.memory_space<hbm>> -> memref<2048xf32, #tpu.memory_space<hbm>>
        %dma_start3A_1187 = arith.constant 20480 : i32
        %dma_start3A_1188 = tpu.memref_slice %arg3[%add3A_159, %dma_start3A_1187] : memref<1024x32768xf32, #tpu.memory_space<hbm>> -> memref<1x2048xf32, #tpu.memory_space<hbm>>
        %dma_start3A_1189 = tpu.memref_squeeze %dma_start3A_1188 : memref<1x2048xf32, #tpu.memory_space<hbm>> -> memref<2048xf32, #tpu.memory_space<hbm>>
        tpu.enqueue_dma source(%arg7 : memref<2048xf32, #tpu.memory_space<vmem>>) target(%dma_start3A_1189 : memref<2048xf32, #tpu.memory_space<hbm>>) target_semaphore(%arg10 : memref<!tpu.dma_semaphore, #tpu.memory_space<semaphore_mem>>)
      } else {
      }
      %broadcast_in_dim3A_1106 = arith.constant 11 : i32
      %broadcast_in_dim3A_1107 = vector.broadcast %broadcast_in_dim3A_1106 : i32 to vector<16xi32>
      %broadcast_in_dim3A_1108 = vector.shape_cast %broadcast_in_dim3A_1107 : vector<16xi32> to vector<16x1xi32>
      %gather3A_1109 = vector.shape_cast %broadcast_in_dim3A_1108 : vector<16x1xi32> to vector<16xi32>
      %gather3A_1110 = tpu.dynamic_gather %scan3A_680[%gather3A_1109] in [0] : vector<16xf32>, vector<16xi32> -> vector<16xf32>
      %slice3A_1111 = vector.extract_strided_slice %gather3A_1110 {offsets = [0], sizes = [1], strides = [1]} : vector<16xf32> to vector<1xf32>
      %squeeze3A_1112 = vector.extract %slice3A_1111[0] : f32 from vector<1xf32>
      %ge3A_1113 = arith.cmpf oge, %squeeze3A_1112, %squeeze3A_940 : f32
      %convert_element_type3A_1114 = arith.extui %ge3A_1113 : i1 to i32
      %cond3A_1115 = arith.constant 0 : i32
      %cond3A_1116 = arith.cmpi ne, %convert_element_type3A_1114, %cond3A_1115 : i32
      scf.if %cond3A_1116 {
        %dma_start3A_1184 = arith.constant 22528 : i32
        %dma_start3A_1185 = tpu.memref_slice %arg6[%dma_start3A_1184] : memref<32768xf32, #tpu.memory_space<vmem>> -> memref<2048xf32, #tpu.memory_space<vmem>>
        %dma_start3A_1186 = arith.constant 22528 : i32
        %dma_start3A_1187 = tpu.memref_slice %arg3[%add3A_159, %dma_start3A_1186] : memref<1024x32768xf32, #tpu.memory_space<hbm>> -> memref<1x2048xf32, #tpu.memory_space<hbm>>
        %dma_start3A_1188 = tpu.memref_squeeze %dma_start3A_1187 : memref<1x2048xf32, #tpu.memory_space<hbm>> -> memref<2048xf32, #tpu.memory_space<hbm>>
        %dma_start3A_1189 = arith.constant 22528 : i32
        %dma_start3A_1190 = tpu.memref_slice %arg3[%add3A_159, %dma_start3A_1189] : memref<1024x32768xf32, #tpu.memory_space<hbm>> -> memref<1x2048xf32, #tpu.memory_space<hbm>>
        %dma_start3A_1191 = tpu.memref_squeeze %dma_start3A_1190 : memref<1x2048xf32, #tpu.memory_space<hbm>> -> memref<2048xf32, #tpu.memory_space<hbm>>
        %dma_start3A_1192 = arith.constant 22528 : i32
        %dma_start3A_1193 = tpu.memref_slice %arg6[%dma_start3A_1192] : memref<32768xf32, #tpu.memory_space<vmem>> -> memref<2048xf32, #tpu.memory_space<vmem>>
        tpu.enqueue_dma source(%dma_start3A_1193 : memref<2048xf32, #tpu.memory_space<vmem>>) target(%dma_start3A_1191 : memref<2048xf32, #tpu.memory_space<hbm>>) target_semaphore(%arg10 : memref<!tpu.dma_semaphore, #tpu.memory_space<semaphore_mem>>)
      } else {
      }
      %lt3A_1117 = arith.cmpf olt, %squeeze3A_1112, %squeeze3A_940 : f32
      %convert_element_type3A_1118 = arith.extui %lt3A_1117 : i1 to i32
      %cond3A_1119 = arith.constant 0 : i32
      %cond3A_1120 = arith.cmpi ne, %convert_element_type3A_1118, %cond3A_1119 : i32
      scf.if %cond3A_1120 {
        %dma_start3A_1184 = arith.constant 22528 : i32
        %dma_start3A_1185 = tpu.memref_slice %arg3[%add3A_159, %dma_start3A_1184] : memref<1024x32768xf32, #tpu.memory_space<hbm>> -> memref<1x2048xf32, #tpu.memory_space<hbm>>
        %dma_start3A_1186 = tpu.memref_squeeze %dma_start3A_1185 : memref<1x2048xf32, #tpu.memory_space<hbm>> -> memref<2048xf32, #tpu.memory_space<hbm>>
        %dma_start3A_1187 = arith.constant 22528 : i32
        %dma_start3A_1188 = tpu.memref_slice %arg3[%add3A_159, %dma_start3A_1187] : memref<1024x32768xf32, #tpu.memory_space<hbm>> -> memref<1x2048xf32, #tpu.memory_space<hbm>>
        %dma_start3A_1189 = tpu.memref_squeeze %dma_start3A_1188 : memref<1x2048xf32, #tpu.memory_space<hbm>> -> memref<2048xf32, #tpu.memory_space<hbm>>
        tpu.enqueue_dma source(%arg7 : memref<2048xf32, #tpu.memory_space<vmem>>) target(%dma_start3A_1189 : memref<2048xf32, #tpu.memory_space<hbm>>) target_semaphore(%arg10 : memref<!tpu.dma_semaphore, #tpu.memory_space<semaphore_mem>>)
      } else {
      }
      %broadcast_in_dim3A_1121 = arith.constant 12 : i32
      %broadcast_in_dim3A_1122 = vector.broadcast %broadcast_in_dim3A_1121 : i32 to vector<16xi32>
      %broadcast_in_dim3A_1123 = vector.shape_cast %broadcast_in_dim3A_1122 : vector<16xi32> to vector<16x1xi32>
      %gather3A_1124 = vector.shape_cast %broadcast_in_dim3A_1123 : vector<16x1xi32> to vector<16xi32>
      %gather3A_1125 = tpu.dynamic_gather %scan3A_680[%gather3A_1124] in [0] : vector<16xf32>, vector<16xi32> -> vector<16xf32>
      %slice3A_1126 = vector.extract_strided_slice %gather3A_1125 {offsets = [0], sizes = [1], strides = [1]} : vector<16xf32> to vector<1xf32>
      %squeeze3A_1127 = vector.extract %slice3A_1126[0] : f32 from vector<1xf32>
      %ge3A_1128 = arith.cmpf oge, %squeeze3A_1127, %squeeze3A_940 : f32
      %convert_element_type3A_1129 = arith.extui %ge3A_1128 : i1 to i32
      %cond3A_1130 = arith.constant 0 : i32
      %cond3A_1131 = arith.cmpi ne, %convert_element_type3A_1129, %cond3A_1130 : i32
      scf.if %cond3A_1131 {
        %dma_start3A_1184 = arith.constant 24576 : i32
        %dma_start3A_1185 = tpu.memref_slice %arg6[%dma_start3A_1184] : memref<32768xf32, #tpu.memory_space<vmem>> -> memref<2048xf32, #tpu.memory_space<vmem>>
        %dma_start3A_1186 = arith.constant 24576 : i32
        %dma_start3A_1187 = tpu.memref_slice %arg3[%add3A_159, %dma_start3A_1186] : memref<1024x32768xf32, #tpu.memory_space<hbm>> -> memref<1x2048xf32, #tpu.memory_space<hbm>>
        %dma_start3A_1188 = tpu.memref_squeeze %dma_start3A_1187 : memref<1x2048xf32, #tpu.memory_space<hbm>> -> memref<2048xf32, #tpu.memory_space<hbm>>
        %dma_start3A_1189 = arith.constant 24576 : i32
        %dma_start3A_1190 = tpu.memref_slice %arg3[%add3A_159, %dma_start3A_1189] : memref<1024x32768xf32, #tpu.memory_space<hbm>> -> memref<1x2048xf32, #tpu.memory_space<hbm>>
        %dma_start3A_1191 = tpu.memref_squeeze %dma_start3A_1190 : memref<1x2048xf32, #tpu.memory_space<hbm>> -> memref<2048xf32, #tpu.memory_space<hbm>>
        %dma_start3A_1192 = arith.constant 24576 : i32
        %dma_start3A_1193 = tpu.memref_slice %arg6[%dma_start3A_1192] : memref<32768xf32, #tpu.memory_space<vmem>> -> memref<2048xf32, #tpu.memory_space<vmem>>
        tpu.enqueue_dma source(%dma_start3A_1193 : memref<2048xf32, #tpu.memory_space<vmem>>) target(%dma_start3A_1191 : memref<2048xf32, #tpu.memory_space<hbm>>) target_semaphore(%arg10 : memref<!tpu.dma_semaphore, #tpu.memory_space<semaphore_mem>>)
      } else {
      }
      %lt3A_1132 = arith.cmpf olt, %squeeze3A_1127, %squeeze3A_940 : f32
      %convert_element_type3A_1133 = arith.extui %lt3A_1132 : i1 to i32
      %cond3A_1134 = arith.constant 0 : i32
      %cond3A_1135 = arith.cmpi ne, %convert_element_type3A_1133, %cond3A_1134 : i32
      scf.if %cond3A_1135 {
        %dma_start3A_1184 = arith.constant 24576 : i32
        %dma_start3A_1185 = tpu.memref_slice %arg3[%add3A_159, %dma_start3A_1184] : memref<1024x32768xf32, #tpu.memory_space<hbm>> -> memref<1x2048xf32, #tpu.memory_space<hbm>>
        %dma_start3A_1186 = tpu.memref_squeeze %dma_start3A_1185 : memref<1x2048xf32, #tpu.memory_space<hbm>> -> memref<2048xf32, #tpu.memory_space<hbm>>
        %dma_start3A_1187 = arith.constant 24576 : i32
        %dma_start3A_1188 = tpu.memref_slice %arg3[%add3A_159, %dma_start3A_1187] : memref<1024x32768xf32, #tpu.memory_space<hbm>> -> memref<1x2048xf32, #tpu.memory_space<hbm>>
        %dma_start3A_1189 = tpu.memref_squeeze %dma_start3A_1188 : memref<1x2048xf32, #tpu.memory_space<hbm>> -> memref<2048xf32, #tpu.memory_space<hbm>>
        tpu.enqueue_dma source(%arg7 : memref<2048xf32, #tpu.memory_space<vmem>>) target(%dma_start3A_1189 : memref<2048xf32, #tpu.memory_space<hbm>>) target_semaphore(%arg10 : memref<!tpu.dma_semaphore, #tpu.memory_space<semaphore_mem>>)
      } else {
      }
      %broadcast_in_dim3A_1136 = arith.constant 13 : i32
      %broadcast_in_dim3A_1137 = vector.broadcast %broadcast_in_dim3A_1136 : i32 to vector<16xi32>
      %broadcast_in_dim3A_1138 = vector.shape_cast %broadcast_in_dim3A_1137 : vector<16xi32> to vector<16x1xi32>
      %gather3A_1139 = vector.shape_cast %broadcast_in_dim3A_1138 : vector<16x1xi32> to vector<16xi32>
      %gather3A_1140 = tpu.dynamic_gather %scan3A_680[%gather3A_1139] in [0] : vector<16xf32>, vector<16xi32> -> vector<16xf32>
      %slice3A_1141 = vector.extract_strided_slice %gather3A_1140 {offsets = [0], sizes = [1], strides = [1]} : vector<16xf32> to vector<1xf32>
      %squeeze3A_1142 = vector.extract %slice3A_1141[0] : f32 from vector<1xf32>
      %ge3A_1143 = arith.cmpf oge, %squeeze3A_1142, %squeeze3A_940 : f32
      %convert_element_type3A_1144 = arith.extui %ge3A_1143 : i1 to i32
      %cond3A_1145 = arith.constant 0 : i32
      %cond3A_1146 = arith.cmpi ne, %convert_element_type3A_1144, %cond3A_1145 : i32
      scf.if %cond3A_1146 {
        %dma_start3A_1184 = arith.constant 26624 : i32
        %dma_start3A_1185 = tpu.memref_slice %arg6[%dma_start3A_1184] : memref<32768xf32, #tpu.memory_space<vmem>> -> memref<2048xf32, #tpu.memory_space<vmem>>
        %dma_start3A_1186 = arith.constant 26624 : i32
        %dma_start3A_1187 = tpu.memref_slice %arg3[%add3A_159, %dma_start3A_1186] : memref<1024x32768xf32, #tpu.memory_space<hbm>> -> memref<1x2048xf32, #tpu.memory_space<hbm>>
        %dma_start3A_1188 = tpu.memref_squeeze %dma_start3A_1187 : memref<1x2048xf32, #tpu.memory_space<hbm>> -> memref<2048xf32, #tpu.memory_space<hbm>>
        %dma_start3A_1189 = arith.constant 26624 : i32
        %dma_start3A_1190 = tpu.memref_slice %arg3[%add3A_159, %dma_start3A_1189] : memref<1024x32768xf32, #tpu.memory_space<hbm>> -> memref<1x2048xf32, #tpu.memory_space<hbm>>
        %dma_start3A_1191 = tpu.memref_squeeze %dma_start3A_1190 : memref<1x2048xf32, #tpu.memory_space<hbm>> -> memref<2048xf32, #tpu.memory_space<hbm>>
        %dma_start3A_1192 = arith.constant 26624 : i32
        %dma_start3A_1193 = tpu.memref_slice %arg6[%dma_start3A_1192] : memref<32768xf32, #tpu.memory_space<vmem>> -> memref<2048xf32, #tpu.memory_space<vmem>>
        tpu.enqueue_dma source(%dma_start3A_1193 : memref<2048xf32, #tpu.memory_space<vmem>>) target(%dma_start3A_1191 : memref<2048xf32, #tpu.memory_space<hbm>>) target_semaphore(%arg10 : memref<!tpu.dma_semaphore, #tpu.memory_space<semaphore_mem>>)
      } else {
      }
      %lt3A_1147 = arith.cmpf olt, %squeeze3A_1142, %squeeze3A_940 : f32
      %convert_element_type3A_1148 = arith.extui %lt3A_1147 : i1 to i32
      %cond3A_1149 = arith.constant 0 : i32
      %cond3A_1150 = arith.cmpi ne, %convert_element_type3A_1148, %cond3A_1149 : i32
      scf.if %cond3A_1150 {
        %dma_start3A_1184 = arith.constant 26624 : i32
        %dma_start3A_1185 = tpu.memref_slice %arg3[%add3A_159, %dma_start3A_1184] : memref<1024x32768xf32, #tpu.memory_space<hbm>> -> memref<1x2048xf32, #tpu.memory_space<hbm>>
        %dma_start3A_1186 = tpu.memref_squeeze %dma_start3A_1185 : memref<1x2048xf32, #tpu.memory_space<hbm>> -> memref<2048xf32, #tpu.memory_space<hbm>>
        %dma_start3A_1187 = arith.constant 26624 : i32
        %dma_start3A_1188 = tpu.memref_slice %arg3[%add3A_159, %dma_start3A_1187] : memref<1024x32768xf32, #tpu.memory_space<hbm>> -> memref<1x2048xf32, #tpu.memory_space<hbm>>
        %dma_start3A_1189 = tpu.memref_squeeze %dma_start3A_1188 : memref<1x2048xf32, #tpu.memory_space<hbm>> -> memref<2048xf32, #tpu.memory_space<hbm>>
        tpu.enqueue_dma source(%arg7 : memref<2048xf32, #tpu.memory_space<vmem>>) target(%dma_start3A_1189 : memref<2048xf32, #tpu.memory_space<hbm>>) target_semaphore(%arg10 : memref<!tpu.dma_semaphore, #tpu.memory_space<semaphore_mem>>)
      } else {
      }
      %broadcast_in_dim3A_1151 = arith.constant 14 : i32
      %broadcast_in_dim3A_1152 = vector.broadcast %broadcast_in_dim3A_1151 : i32 to vector<16xi32>
      %broadcast_in_dim3A_1153 = vector.shape_cast %broadcast_in_dim3A_1152 : vector<16xi32> to vector<16x1xi32>
      %gather3A_1154 = vector.shape_cast %broadcast_in_dim3A_1153 : vector<16x1xi32> to vector<16xi32>
      %gather3A_1155 = tpu.dynamic_gather %scan3A_680[%gather3A_1154] in [0] : vector<16xf32>, vector<16xi32> -> vector<16xf32>
      %slice3A_1156 = vector.extract_strided_slice %gather3A_1155 {offsets = [0], sizes = [1], strides = [1]} : vector<16xf32> to vector<1xf32>
      %squeeze3A_1157 = vector.extract %slice3A_1156[0] : f32 from vector<1xf32>
      %ge3A_1158 = arith.cmpf oge, %squeeze3A_1157, %squeeze3A_940 : f32
      %convert_element_type3A_1159 = arith.extui %ge3A_1158 : i1 to i32
      %cond3A_1160 = arith.constant 0 : i32
      %cond3A_1161 = arith.cmpi ne, %convert_element_type3A_1159, %cond3A_1160 : i32
      scf.if %cond3A_1161 {
        %dma_start3A_1184 = arith.constant 28672 : i32
        %dma_start3A_1185 = tpu.memref_slice %arg6[%dma_start3A_1184] : memref<32768xf32, #tpu.memory_space<vmem>> -> memref<2048xf32, #tpu.memory_space<vmem>>
        %dma_start3A_1186 = arith.constant 28672 : i32
        %dma_start3A_1187 = tpu.memref_slice %arg3[%add3A_159, %dma_start3A_1186] : memref<1024x32768xf32, #tpu.memory_space<hbm>> -> memref<1x2048xf32, #tpu.memory_space<hbm>>
        %dma_start3A_1188 = tpu.memref_squeeze %dma_start3A_1187 : memref<1x2048xf32, #tpu.memory_space<hbm>> -> memref<2048xf32, #tpu.memory_space<hbm>>
        %dma_start3A_1189 = arith.constant 28672 : i32
        %dma_start3A_1190 = tpu.memref_slice %arg3[%add3A_159, %dma_start3A_1189] : memref<1024x32768xf32, #tpu.memory_space<hbm>> -> memref<1x2048xf32, #tpu.memory_space<hbm>>
        %dma_start3A_1191 = tpu.memref_squeeze %dma_start3A_1190 : memref<1x2048xf32, #tpu.memory_space<hbm>> -> memref<2048xf32, #tpu.memory_space<hbm>>
        %dma_start3A_1192 = arith.constant 28672 : i32
        %dma_start3A_1193 = tpu.memref_slice %arg6[%dma_start3A_1192] : memref<32768xf32, #tpu.memory_space<vmem>> -> memref<2048xf32, #tpu.memory_space<vmem>>
        tpu.enqueue_dma source(%dma_start3A_1193 : memref<2048xf32, #tpu.memory_space<vmem>>) target(%dma_start3A_1191 : memref<2048xf32, #tpu.memory_space<hbm>>) target_semaphore(%arg10 : memref<!tpu.dma_semaphore, #tpu.memory_space<semaphore_mem>>)
      } else {
      }
      %lt3A_1162 = arith.cmpf olt, %squeeze3A_1157, %squeeze3A_940 : f32
      %convert_element_type3A_1163 = arith.extui %lt3A_1162 : i1 to i32
      %cond3A_1164 = arith.constant 0 : i32
      %cond3A_1165 = arith.cmpi ne, %convert_element_type3A_1163, %cond3A_1164 : i32
      scf.if %cond3A_1165 {
        %dma_start3A_1184 = arith.constant 28672 : i32
        %dma_start3A_1185 = tpu.memref_slice %arg3[%add3A_159, %dma_start3A_1184] : memref<1024x32768xf32, #tpu.memory_space<hbm>> -> memref<1x2048xf32, #tpu.memory_space<hbm>>
        %dma_start3A_1186 = tpu.memref_squeeze %dma_start3A_1185 : memref<1x2048xf32, #tpu.memory_space<hbm>> -> memref<2048xf32, #tpu.memory_space<hbm>>
        %dma_start3A_1187 = arith.constant 28672 : i32
        %dma_start3A_1188 = tpu.memref_slice %arg3[%add3A_159, %dma_start3A_1187] : memref<1024x32768xf32, #tpu.memory_space<hbm>> -> memref<1x2048xf32, #tpu.memory_space<hbm>>
        %dma_start3A_1189 = tpu.memref_squeeze %dma_start3A_1188 : memref<1x2048xf32, #tpu.memory_space<hbm>> -> memref<2048xf32, #tpu.memory_space<hbm>>
        tpu.enqueue_dma source(%arg7 : memref<2048xf32, #tpu.memory_space<vmem>>) target(%dma_start3A_1189 : memref<2048xf32, #tpu.memory_space<hbm>>) target_semaphore(%arg10 : memref<!tpu.dma_semaphore, #tpu.memory_space<semaphore_mem>>)
      } else {
      }
      %broadcast_in_dim3A_1166 = arith.constant 15 : i32
      %broadcast_in_dim3A_1167 = vector.broadcast %broadcast_in_dim3A_1166 : i32 to vector<16xi32>
      %broadcast_in_dim3A_1168 = vector.shape_cast %broadcast_in_dim3A_1167 : vector<16xi32> to vector<16x1xi32>
      %gather3A_1169 = vector.shape_cast %broadcast_in_dim3A_1168 : vector<16x1xi32> to vector<16xi32>
      %gather3A_1170 = tpu.dynamic_gather %scan3A_680[%gather3A_1169] in [0] : vector<16xf32>, vector<16xi32> -> vector<16xf32>
      %slice3A_1171 = vector.extract_strided_slice %gather3A_1170 {offsets = [0], sizes = [1], strides = [1]} : vector<16xf32> to vector<1xf32>
      %squeeze3A_1172 = vector.extract %slice3A_1171[0] : f32 from vector<1xf32>
      %ge3A_1173 = arith.cmpf oge, %squeeze3A_1172, %squeeze3A_940 : f32
      %convert_element_type3A_1174 = arith.extui %ge3A_1173 : i1 to i32
      %cond3A_1175 = arith.constant 0 : i32
      %cond3A_1176 = arith.cmpi ne, %convert_element_type3A_1174, %cond3A_1175 : i32
      scf.if %cond3A_1176 {
        %dma_start3A_1184 = arith.constant 30720 : i32
        %dma_start3A_1185 = tpu.memref_slice %arg6[%dma_start3A_1184] : memref<32768xf32, #tpu.memory_space<vmem>> -> memref<2048xf32, #tpu.memory_space<vmem>>
        %dma_start3A_1186 = arith.constant 30720 : i32
        %dma_start3A_1187 = tpu.memref_slice %arg3[%add3A_159, %dma_start3A_1186] : memref<1024x32768xf32, #tpu.memory_space<hbm>> -> memref<1x2048xf32, #tpu.memory_space<hbm>>
        %dma_start3A_1188 = tpu.memref_squeeze %dma_start3A_1187 : memref<1x2048xf32, #tpu.memory_space<hbm>> -> memref<2048xf32, #tpu.memory_space<hbm>>
        %dma_start3A_1189 = arith.constant 30720 : i32
        %dma_start3A_1190 = tpu.memref_slice %arg3[%add3A_159, %dma_start3A_1189] : memref<1024x32768xf32, #tpu.memory_space<hbm>> -> memref<1x2048xf32, #tpu.memory_space<hbm>>
        %dma_start3A_1191 = tpu.memref_squeeze %dma_start3A_1190 : memref<1x2048xf32, #tpu.memory_space<hbm>> -> memref<2048xf32, #tpu.memory_space<hbm>>
        %dma_start3A_1192 = arith.constant 30720 : i32
        %dma_start3A_1193 = tpu.memref_slice %arg6[%dma_start3A_1192] : memref<32768xf32, #tpu.memory_space<vmem>> -> memref<2048xf32, #tpu.memory_space<vmem>>
        tpu.enqueue_dma source(%dma_start3A_1193 : memref<2048xf32, #tpu.memory_space<vmem>>) target(%dma_start3A_1191 : memref<2048xf32, #tpu.memory_space<hbm>>) target_semaphore(%arg10 : memref<!tpu.dma_semaphore, #tpu.memory_space<semaphore_mem>>)
      } else {
      }
      %lt3A_1177 = arith.cmpf olt, %squeeze3A_1172, %squeeze3A_940 : f32
      %convert_element_type3A_1178 = arith.extui %lt3A_1177 : i1 to i32
      %cond3A_1179 = arith.constant 0 : i32
      %cond3A_1180 = arith.cmpi ne, %convert_element_type3A_1178, %cond3A_1179 : i32
      scf.if %cond3A_1180 {
        %dma_start3A_1184 = arith.constant 30720 : i32
        %dma_start3A_1185 = tpu.memref_slice %arg3[%add3A_159, %dma_start3A_1184] : memref<1024x32768xf32, #tpu.memory_space<hbm>> -> memref<1x2048xf32, #tpu.memory_space<hbm>>
        %dma_start3A_1186 = tpu.memref_squeeze %dma_start3A_1185 : memref<1x2048xf32, #tpu.memory_space<hbm>> -> memref<2048xf32, #tpu.memory_space<hbm>>
        %dma_start3A_1187 = arith.constant 30720 : i32
        %dma_start3A_1188 = tpu.memref_slice %arg3[%add3A_159, %dma_start3A_1187] : memref<1024x32768xf32, #tpu.memory_space<hbm>> -> memref<1x2048xf32, #tpu.memory_space<hbm>>
        %dma_start3A_1189 = tpu.memref_squeeze %dma_start3A_1188 : memref<1x2048xf32, #tpu.memory_space<hbm>> -> memref<2048xf32, #tpu.memory_space<hbm>>
        tpu.enqueue_dma source(%arg7 : memref<2048xf32, #tpu.memory_space<vmem>>) target(%dma_start3A_1189 : memref<2048xf32, #tpu.memory_space<hbm>>) target_semaphore(%arg10 : memref<!tpu.dma_semaphore, #tpu.memory_space<semaphore_mem>>)
      } else {
      }
      %convert_element_type3A_1181 = arith.extui %lt3A_675 : i1 to i32
      %cond3A_1182 = arith.constant 0 : i32
      %cond3A_1183 = arith.cmpi ne, %convert_element_type3A_1181, %cond3A_1182 : i32
      scf.if %cond3A_1183 {
        %dma_start3A_1184 = arith.constant 0 : i32
        %dma_start3A_1185 = tpu.memref_slice %arg2[%add3A_673, %dma_start3A_1184] : memref<1024x32768xf32, #tpu.memory_space<hbm>> -> memref<1x32768xf32, #tpu.memory_space<hbm>>
        %dma_start3A_1186 = tpu.memref_squeeze %dma_start3A_1185 : memref<1x32768xf32, #tpu.memory_space<hbm>> -> memref<32768xf32, #tpu.memory_space<hbm>>
        %dma_start3A_1187 = arith.constant 0 : i32
        %dma_start3A_1188 = tpu.memref_slice %arg2[%add3A_673, %dma_start3A_1187] : memref<1024x32768xf32, #tpu.memory_space<hbm>> -> memref<1x32768xf32, #tpu.memory_space<hbm>>
        %dma_start3A_1189 = tpu.memref_squeeze %dma_start3A_1188 : memref<1x32768xf32, #tpu.memory_space<hbm>> -> memref<32768xf32, #tpu.memory_space<hbm>>
        tpu.enqueue_dma source(%dma_start3A_1189 : memref<32768xf32, #tpu.memory_space<hbm>>) target(%arg5 : memref<32768xf32, #tpu.memory_space<vmem>>) target_semaphore(%arg9 : memref<!tpu.dma_semaphore, #tpu.memory_space<semaphore_mem>>)
      } else {
      }
    }
    %scan3A_42 = arith.constant 16 : i32
    %dma_wait3A = arith.constant 0 : i32
    %dma_wait3A_43 = arith.constant 0 : i32
    %dma_wait3A_44 = tpu.memref_slice %arg3[%dma_wait3A, %dma_wait3A_43] : memref<1024x32768xf32, #tpu.memory_space<hbm>> -> memref<1x2048xf32, #tpu.memory_space<hbm>>
    %dma_wait3A_45 = tpu.memref_squeeze %dma_wait3A_44 : memref<1x2048xf32, #tpu.memory_space<hbm>> -> memref<2048xf32, #tpu.memory_space<hbm>>
    %dma_wait3A_46 = arith.constant 0 : i32
    %dma_wait3A_47 = tpu.memref_slice %arg3[%dma_wait3A, %dma_wait3A_46] : memref<1024x32768xf32, #tpu.memory_space<hbm>> -> memref<1x2048xf32, #tpu.memory_space<hbm>>
    %dma_wait3A_48 = tpu.memref_squeeze %dma_wait3A_47 : memref<1x2048xf32, #tpu.memory_space<hbm>> -> memref<2048xf32, #tpu.memory_space<hbm>>
    tpu.wait_dma2 semaphore(%arg10 : memref<!tpu.dma_semaphore, #tpu.memory_space<semaphore_mem>>) src(%arg7 : memref<2048xf32, #tpu.memory_space<vmem>>) dst(%dma_wait3A_48 : memref<2048xf32, #tpu.memory_space<hbm>>)
    %dma_wait3A_49 = arith.constant 0 : i32
    %dma_wait3A_50 = arith.constant 0 : i32
    %dma_wait3A_51 = tpu.memref_slice %arg3[%dma_wait3A_49, %dma_wait3A_50] : memref<1024x32768xf32, #tpu.memory_space<hbm>> -> memref<1x2048xf32, #tpu.memory_space<hbm>>
    %dma_wait3A_52 = tpu.memref_squeeze %dma_wait3A_51 : memref<1x2048xf32, #tpu.memory_space<hbm>> -> memref<2048xf32, #tpu.memory_space<hbm>>
    %dma_wait3A_53 = arith.constant 0 : i32
    %dma_wait3A_54 = tpu.memref_slice %arg3[%dma_wait3A_49, %dma_wait3A_53] : memref<1024x32768xf32, #tpu.memory_space<hbm>> -> memref<1x2048xf32, #tpu.memory_space<hbm>>
    %dma_wait3A_55 = tpu.memref_squeeze %dma_wait3A_54 : memref<1x2048xf32, #tpu.memory_space<hbm>> -> memref<2048xf32, #tpu.memory_space<hbm>>
    tpu.wait_dma2 semaphore(%arg10 : memref<!tpu.dma_semaphore, #tpu.memory_space<semaphore_mem>>) src(%arg7 : memref<2048xf32, #tpu.memory_space<vmem>>) dst(%dma_wait3A_55 : memref<2048xf32, #tpu.memory_space<hbm>>)
    %dma_wait3A_56 = arith.constant 0 : i32
    %dma_wait3A_57 = arith.constant 0 : i32
    %dma_wait3A_58 = tpu.memref_slice %arg3[%dma_wait3A_56, %dma_wait3A_57] : memref<1024x32768xf32, #tpu.memory_space<hbm>> -> memref<1x2048xf32, #tpu.memory_space<hbm>>
    %dma_wait3A_59 = tpu.memref_squeeze %dma_wait3A_58 : memref<1x2048xf32, #tpu.memory_space<hbm>> -> memref<2048xf32, #tpu.memory_space<hbm>>
    %dma_wait3A_60 = arith.constant 0 : i32
    %dma_wait3A_61 = tpu.memref_slice %arg3[%dma_wait3A_56, %dma_wait3A_60] : memref<1024x32768xf32, #tpu.memory_space<hbm>> -> memref<1x2048xf32, #tpu.memory_space<hbm>>
    %dma_wait3A_62 = tpu.memref_squeeze %dma_wait3A_61 : memref<1x2048xf32, #tpu.memory_space<hbm>> -> memref<2048xf32, #tpu.memory_space<hbm>>
    tpu.wait_dma2 semaphore(%arg10 : memref<!tpu.dma_semaphore, #tpu.memory_space<semaphore_mem>>) src(%arg7 : memref<2048xf32, #tpu.memory_space<vmem>>) dst(%dma_wait3A_62 : memref<2048xf32, #tpu.memory_space<hbm>>)
    %dma_wait3A_63 = arith.constant 0 : i32
    %dma_wait3A_64 = arith.constant 0 : i32
    %dma_wait3A_65 = tpu.memref_slice %arg3[%dma_wait3A_63, %dma_wait3A_64] : memref<1024x32768xf32, #tpu.memory_space<hbm>> -> memref<1x2048xf32, #tpu.memory_space<hbm>>
    %dma_wait3A_66 = tpu.memref_squeeze %dma_wait3A_65 : memref<1x2048xf32, #tpu.memory_space<hbm>> -> memref<2048xf32, #tpu.memory_space<hbm>>
    %dma_wait3A_67 = arith.constant 0 : i32
    %dma_wait3A_68 = tpu.memref_slice %arg3[%dma_wait3A_63, %dma_wait3A_67] : memref<1024x32768xf32, #tpu.memory_space<hbm>> -> memref<1x2048xf32, #tpu.memory_space<hbm>>
    %dma_wait3A_69 = tpu.memref_squeeze %dma_wait3A_68 : memref<1x2048xf32, #tpu.memory_space<hbm>> -> memref<2048xf32, #tpu.memory_space<hbm>>
    tpu.wait_dma2 semaphore(%arg10 : memref<!tpu.dma_semaphore, #tpu.memory_space<semaphore_mem>>) src(%arg7 : memref<2048xf32, #tpu.memory_space<vmem>>) dst(%dma_wait3A_69 : memref<2048xf32, #tpu.memory_space<hbm>>)
    %dma_wait3A_70 = arith.constant 0 : i32
    %dma_wait3A_71 = arith.constant 0 : i32
    %dma_wait3A_72 = tpu.memref_slice %arg3[%dma_wait3A_70, %dma_wait3A_71] : memref<1024x32768xf32, #tpu.memory_space<hbm>> -> memref<1x2048xf32, #tpu.memory_space<hbm>>
    %dma_wait3A_73 = tpu.memref_squeeze %dma_wait3A_72 : memref<1x2048xf32, #tpu.memory_space<hbm>> -> memref<2048xf32, #tpu.memory_space<hbm>>
    %dma_wait3A_74 = arith.constant 0 : i32
    %dma_wait3A_75 = tpu.memref_slice %arg3[%dma_wait3A_70, %dma_wait3A_74] : memref<1024x32768xf32, #tpu.memory_space<hbm>> -> memref<1x2048xf32, #tpu.memory_space<hbm>>
    %dma_wait3A_76 = tpu.memref_squeeze %dma_wait3A_75 : memref<1x2048xf32, #tpu.memory_space<hbm>> -> memref<2048xf32, #tpu.memory_space<hbm>>
    tpu.wait_dma2 semaphore(%arg10 : memref<!tpu.dma_semaphore, #tpu.memory_space<semaphore_mem>>) src(%arg7 : memref<2048xf32, #tpu.memory_space<vmem>>) dst(%dma_wait3A_76 : memref<2048xf32, #tpu.memory_space<hbm>>)
    %dma_wait3A_77 = arith.constant 0 : i32
    %dma_wait3A_78 = arith.constant 0 : i32
    %dma_wait3A_79 = tpu.memref_slice %arg3[%dma_wait3A_77, %dma_wait3A_78] : memref<1024x32768xf32, #tpu.memory_space<hbm>> -> memref<1x2048xf32, #tpu.memory_space<hbm>>
    %dma_wait3A_80 = tpu.memref_squeeze %dma_wait3A_79 : memref<1x2048xf32, #tpu.memory_space<hbm>> -> memref<2048xf32, #tpu.memory_space<hbm>>
    %dma_wait3A_81 = arith.constant 0 : i32
    %dma_wait3A_82 = tpu.memref_slice %arg3[%dma_wait3A_77, %dma_wait3A_81] : memref<1024x32768xf32, #tpu.memory_space<hbm>> -> memref<1x2048xf32, #tpu.memory_space<hbm>>
    %dma_wait3A_83 = tpu.memref_squeeze %dma_wait3A_82 : memref<1x2048xf32, #tpu.memory_space<hbm>> -> memref<2048xf32, #tpu.memory_space<hbm>>
    tpu.wait_dma2 semaphore(%arg10 : memref<!tpu.dma_semaphore, #tpu.memory_space<semaphore_mem>>) src(%arg7 : memref<2048xf32, #tpu.memory_space<vmem>>) dst(%dma_wait3A_83 : memref<2048xf32, #tpu.memory_space<hbm>>)
    %dma_wait3A_84 = arith.constant 0 : i32
    %dma_wait3A_85 = arith.constant 0 : i32
    %dma_wait3A_86 = tpu.memref_slice %arg3[%dma_wait3A_84, %dma_wait3A_85] : memref<1024x32768xf32, #tpu.memory_space<hbm>> -> memref<1x2048xf32, #tpu.memory_space<hbm>>
    %dma_wait3A_87 = tpu.memref_squeeze %dma_wait3A_86 : memref<1x2048xf32, #tpu.memory_space<hbm>> -> memref<2048xf32, #tpu.memory_space<hbm>>
    %dma_wait3A_88 = arith.constant 0 : i32
    %dma_wait3A_89 = tpu.memref_slice %arg3[%dma_wait3A_84, %dma_wait3A_88] : memref<1024x32768xf32, #tpu.memory_space<hbm>> -> memref<1x2048xf32, #tpu.memory_space<hbm>>
    %dma_wait3A_90 = tpu.memref_squeeze %dma_wait3A_89 : memref<1x2048xf32, #tpu.memory_space<hbm>> -> memref<2048xf32, #tpu.memory_space<hbm>>
    tpu.wait_dma2 semaphore(%arg10 : memref<!tpu.dma_semaphore, #tpu.memory_space<semaphore_mem>>) src(%arg7 : memref<2048xf32, #tpu.memory_space<vmem>>) dst(%dma_wait3A_90 : memref<2048xf32, #tpu.memory_space<hbm>>)
    %dma_wait3A_91 = arith.constant 0 : i32
    %dma_wait3A_92 = arith.constant 0 : i32
    %dma_wait3A_93 = tpu.memref_slice %arg3[%dma_wait3A_91, %dma_wait3A_92] : memref<1024x32768xf32, #tpu.memory_space<hbm>> -> memref<1x2048xf32, #tpu.memory_space<hbm>>
    %dma_wait3A_94 = tpu.memref_squeeze %dma_wait3A_93 : memref<1x2048xf32, #tpu.memory_space<hbm>> -> memref<2048xf32, #tpu.memory_space<hbm>>
    %dma_wait3A_95 = arith.constant 0 : i32
    %dma_wait3A_96 = tpu.memref_slice %arg3[%dma_wait3A_91, %dma_wait3A_95] : memref<1024x32768xf32, #tpu.memory_space<hbm>> -> memref<1x2048xf32, #tpu.memory_space<hbm>>
    %dma_wait3A_97 = tpu.memref_squeeze %dma_wait3A_96 : memref<1x2048xf32, #tpu.memory_space<hbm>> -> memref<2048xf32, #tpu.memory_space<hbm>>
    tpu.wait_dma2 semaphore(%arg10 : memref<!tpu.dma_semaphore, #tpu.memory_space<semaphore_mem>>) src(%arg7 : memref<2048xf32, #tpu.memory_space<vmem>>) dst(%dma_wait3A_97 : memref<2048xf32, #tpu.memory_space<hbm>>)
    %dma_wait3A_98 = arith.constant 0 : i32
    %dma_wait3A_99 = arith.constant 0 : i32
    %dma_wait3A_100 = tpu.memref_slice %arg3[%dma_wait3A_98, %dma_wait3A_99] : memref<1024x32768xf32, #tpu.memory_space<hbm>> -> memref<1x2048xf32, #tpu.memory_space<hbm>>
    %dma_wait3A_101 = tpu.memref_squeeze %dma_wait3A_100 : memref<1x2048xf32, #tpu.memory_space<hbm>> -> memref<2048xf32, #tpu.memory_space<hbm>>
    %dma_wait3A_102 = arith.constant 0 : i32
    %dma_wait3A_103 = tpu.memref_slice %arg3[%dma_wait3A_98, %dma_wait3A_102] : memref<1024x32768xf32, #tpu.memory_space<hbm>> -> memref<1x2048xf32, #tpu.memory_space<hbm>>
    %dma_wait3A_104 = tpu.memref_squeeze %dma_wait3A_103 : memref<1x2048xf32, #tpu.memory_space<hbm>> -> memref<2048xf32, #tpu.memory_space<hbm>>
    tpu.wait_dma2 semaphore(%arg10 : memref<!tpu.dma_semaphore, #tpu.memory_space<semaphore_mem>>) src(%arg7 : memref<2048xf32, #tpu.memory_space<vmem>>) dst(%dma_wait3A_104 : memref<2048xf32, #tpu.memory_space<hbm>>)
    %dma_wait3A_105 = arith.constant 0 : i32
    %dma_wait3A_106 = arith.constant 0 : i32
    %dma_wait3A_107 = tpu.memref_slice %arg3[%dma_wait3A_105, %dma_wait3A_106] : memref<1024x32768xf32, #tpu.memory_space<hbm>> -> memref<1x2048xf32, #tpu.memory_space<hbm>>
    %dma_wait3A_108 = tpu.memref_squeeze %dma_wait3A_107 : memref<1x2048xf32, #tpu.memory_space<hbm>> -> memref<2048xf32, #tpu.memory_space<hbm>>
    %dma_wait3A_109 = arith.constant 0 : i32
    %dma_wait3A_110 = tpu.memref_slice %arg3[%dma_wait3A_105, %dma_wait3A_109] : memref<1024x32768xf32, #tpu.memory_space<hbm>> -> memref<1x2048xf32, #tpu.memory_space<hbm>>
    %dma_wait3A_111 = tpu.memref_squeeze %dma_wait3A_110 : memref<1x2048xf32, #tpu.memory_space<hbm>> -> memref<2048xf32, #tpu.memory_space<hbm>>
    tpu.wait_dma2 semaphore(%arg10 : memref<!tpu.dma_semaphore, #tpu.memory_space<semaphore_mem>>) src(%arg7 : memref<2048xf32, #tpu.memory_space<vmem>>) dst(%dma_wait3A_111 : memref<2048xf32, #tpu.memory_space<hbm>>)
    %dma_wait3A_112 = arith.constant 0 : i32
    %dma_wait3A_113 = arith.constant 0 : i32
    %dma_wait3A_114 = tpu.memref_slice %arg3[%dma_wait3A_112, %dma_wait3A_113] : memref<1024x32768xf32, #tpu.memory_space<hbm>> -> memref<1x2048xf32, #tpu.memory_space<hbm>>
    %dma_wait3A_115 = tpu.memref_squeeze %dma_wait3A_114 : memref<1x2048xf32, #tpu.memory_space<hbm>> -> memref<2048xf32, #tpu.memory_space<hbm>>
    %dma_wait3A_116 = arith.constant 0 : i32
    %dma_wait3A_117 = tpu.memref_slice %arg3[%dma_wait3A_112, %dma_wait3A_116] : memref<1024x32768xf32, #tpu.memory_space<hbm>> -> memref<1x2048xf32, #tpu.memory_space<hbm>>
    %dma_wait3A_118 = tpu.memref_squeeze %dma_wait3A_117 : memref<1x2048xf32, #tpu.memory_space<hbm>> -> memref<2048xf32, #tpu.memory_space<hbm>>
    tpu.wait_dma2 semaphore(%arg10 : memref<!tpu.dma_semaphore, #tpu.memory_space<semaphore_mem>>) src(%arg7 : memref<2048xf32, #tpu.memory_space<vmem>>) dst(%dma_wait3A_118 : memref<2048xf32, #tpu.memory_space<hbm>>)
    %dma_wait3A_119 = arith.constant 0 : i32
    %dma_wait3A_120 = arith.constant 0 : i32
    %dma_wait3A_121 = tpu.memref_slice %arg3[%dma_wait3A_119, %dma_wait3A_120] : memref<1024x32768xf32, #tpu.memory_space<hbm>> -> memref<1x2048xf32, #tpu.memory_space<hbm>>
    %dma_wait3A_122 = tpu.memref_squeeze %dma_wait3A_121 : memref<1x2048xf32, #tpu.memory_space<hbm>> -> memref<2048xf32, #tpu.memory_space<hbm>>
    %dma_wait3A_123 = arith.constant 0 : i32
    %dma_wait3A_124 = tpu.memref_slice %arg3[%dma_wait3A_119, %dma_wait3A_123] : memref<1024x32768xf32, #tpu.memory_space<hbm>> -> memref<1x2048xf32, #tpu.memory_space<hbm>>
    %dma_wait3A_125 = tpu.memref_squeeze %dma_wait3A_124 : memref<1x2048xf32, #tpu.memory_space<hbm>> -> memref<2048xf32, #tpu.memory_space<hbm>>
    tpu.wait_dma2 semaphore(%arg10 : memref<!tpu.dma_semaphore, #tpu.memory_space<semaphore_mem>>) src(%arg7 : memref<2048xf32, #tpu.memory_space<vmem>>) dst(%dma_wait3A_125 : memref<2048xf32, #tpu.memory_space<hbm>>)
    %dma_wait3A_126 = arith.constant 0 : i32
    %dma_wait3A_127 = arith.constant 0 : i32
    %dma_wait3A_128 = tpu.memref_slice %arg3[%dma_wait3A_126, %dma_wait3A_127] : memref<1024x32768xf32, #tpu.memory_space<hbm>> -> memref<1x2048xf32, #tpu.memory_space<hbm>>
    %dma_wait3A_129 = tpu.memref_squeeze %dma_wait3A_128 : memref<1x2048xf32, #tpu.memory_space<hbm>> -> memref<2048xf32, #tpu.memory_space<hbm>>
    %dma_wait3A_130 = arith.constant 0 : i32
    %dma_wait3A_131 = tpu.memref_slice %arg3[%dma_wait3A_126, %dma_wait3A_130] : memref<1024x32768xf32, #tpu.memory_space<hbm>> -> memref<1x2048xf32, #tpu.memory_space<hbm>>
    %dma_wait3A_132 = tpu.memref_squeeze %dma_wait3A_131 : memref<1x2048xf32, #tpu.memory_space<hbm>> -> memref<2048xf32, #tpu.memory_space<hbm>>
    tpu.wait_dma2 semaphore(%arg10 : memref<!tpu.dma_semaphore, #tpu.memory_space<semaphore_mem>>) src(%arg7 : memref<2048xf32, #tpu.memory_space<vmem>>) dst(%dma_wait3A_132 : memref<2048xf32, #tpu.memory_space<hbm>>)
    %dma_wait3A_133 = arith.constant 0 : i32
    %dma_wait3A_134 = arith.constant 0 : i32
    %dma_wait3A_135 = tpu.memref_slice %arg3[%dma_wait3A_133, %dma_wait3A_134] : memref<1024x32768xf32, #tpu.memory_space<hbm>> -> memref<1x2048xf32, #tpu.memory_space<hbm>>
    %dma_wait3A_136 = tpu.memref_squeeze %dma_wait3A_135 : memref<1x2048xf32, #tpu.memory_space<hbm>> -> memref<2048xf32, #tpu.memory_space<hbm>>
    %dma_wait3A_137 = arith.constant 0 : i32
    %dma_wait3A_138 = tpu.memref_slice %arg3[%dma_wait3A_133, %dma_wait3A_137] : memref<1024x32768xf32, #tpu.memory_space<hbm>> -> memref<1x2048xf32, #tpu.memory_space<hbm>>
    %dma_wait3A_139 = tpu.memref_squeeze %dma_wait3A_138 : memref<1x2048xf32, #tpu.memory_space<hbm>> -> memref<2048xf32, #tpu.memory_space<hbm>>
    tpu.wait_dma2 semaphore(%arg10 : memref<!tpu.dma_semaphore, #tpu.memory_space<semaphore_mem>>) src(%arg7 : memref<2048xf32, #tpu.memory_space<vmem>>) dst(%dma_wait3A_139 : memref<2048xf32, #tpu.memory_space<hbm>>)
    %dma_wait3A_140 = arith.constant 0 : i32
    %dma_wait3A_141 = arith.constant 0 : i32
    %dma_wait3A_142 = tpu.memref_slice %arg3[%dma_wait3A_140, %dma_wait3A_141] : memref<1024x32768xf32, #tpu.memory_space<hbm>> -> memref<1x2048xf32, #tpu.memory_space<hbm>>
    %dma_wait3A_143 = tpu.memref_squeeze %dma_wait3A_142 : memref<1x2048xf32, #tpu.memory_space<hbm>> -> memref<2048xf32, #tpu.memory_space<hbm>>
    %dma_wait3A_144 = arith.constant 0 : i32
    %dma_wait3A_145 = tpu.memref_slice %arg3[%dma_wait3A_140, %dma_wait3A_144] : memref<1024x32768xf32, #tpu.memory_space<hbm>> -> memref<1x2048xf32, #tpu.memory_space<hbm>>
    %dma_wait3A_146 = tpu.memref_squeeze %dma_wait3A_145 : memref<1x2048xf32, #tpu.memory_space<hbm>> -> memref<2048xf32, #tpu.memory_space<hbm>>
    tpu.wait_dma2 semaphore(%arg10 : memref<!tpu.dma_semaphore, #tpu.memory_space<semaphore_mem>>) src(%arg7 : memref<2048xf32, #tpu.memory_space<vmem>>) dst(%dma_wait3A_146 : memref<2048xf32, #tpu.memory_space<hbm>>)
    %dma_wait3A_147 = arith.constant 0 : i32
    %dma_wait3A_148 = arith.constant 0 : i32
    %dma_wait3A_149 = tpu.memref_slice %arg3[%dma_wait3A_147, %dma_wait3A_148] : memref<1024x32768xf32, #tpu.memory_space<hbm>> -> memref<1x2048xf32, #tpu.memory_space<hbm>>
    %dma_wait3A_150 = tpu.memref_squeeze %dma_wait3A_149 : memref<1x2048xf32, #tpu.memory_space<hbm>> -> memref<2048xf32, #tpu.memory_space<hbm>>
    %dma_wait3A_151 = arith.constant 0 : i32
    %dma_wait3A_152 = tpu.memref_slice %arg3[%dma_wait3A_147, %dma_wait3A_151] : memref<1024x32768xf32, #tpu.memory_space<hbm>> -> memref<1x2048xf32, #tpu.memory_space<hbm>>
    %dma_wait3A_153 = tpu.memref_squeeze %dma_wait3A_152 : memref<1x2048xf32, #tpu.memory_space<hbm>> -> memref<2048xf32, #tpu.memory_space<hbm>>
    tpu.wait_dma2 semaphore(%arg10 : memref<!tpu.dma_semaphore, #tpu.memory_space<semaphore_mem>>) src(%arg7 : memref<2048xf32, #tpu.memory_space<vmem>>) dst(%dma_wait3A_153 : memref<2048xf32, #tpu.memory_space<hbm>>)
    return
  }
}

</mosaic_0001>

<sc_bundles>
// kernel: kernel.3.cloned.1.call-start
scs
__scs_entry_jumppad:
0x0: {  	(pc) =	sbr.rel $0x88, $3  }
0x1: {  	(tag) =	ssettag $0x0;
	lr =	simm.s32 $0x1  }
0x2: {  	[smem:$0x3FA0] =	sst lr;
	_ =	strace $0xD0000000  }
0x3: {  	_ = 	snop  }
0x4: {  	_ = 	snop  }
0x5: {  	_ = 	snop  }
0x6: {  	_ = 	snop  }
0x7: {  	_ = 	snop  }
__scs_overlays_trampoline_lowered:
0x8: {  	[smem:$0x3FAF] =	sst s0  }
0x9: {  	[smem:$0x3FB0] =	sst s1  }
0xa: {  	[smem:$0x3FB1] =	sst s2  }
0xb: {  	[smem:$0x3FB2] =	sst s3  }
0xc: {  	[smem:$0x3FB3] =	sst s4  }
0xd: {  	[smem:$0x3FB4] =	sst s5  }
0xe: {  	[smem:$0x3FB5] =	sst s6  }
0xf: {  	[smem:$0x3FB6] =	sst s7  }
0x10: {  	[smem:$0x3FB7] =	sst s8  }
0x11: {  	[smem:$0x3FB8] =	sst s9;
	s0 =	simm.s32 @!p0 $0x0  }
0x12: {  	s1 =	sld [smem:$0x3F9E];
	s0 =	simm.s32 @p0 $0x1  }
0x13: {  	[smem:$0x3FB9] =	sst s0;
	s0 =	simm.s32 @!p1 $0x0  }
0x14: {  	s2 =	sld [smem:$0x3F9D];
	s0 =	simm.s32 @p1 $0x1  }
0x15: {  	[smem:$0x3FBA] =	sst s0;
	s0 =	simm.s32 @!p2 $0x0  }
0x16: {  	s3 =	sld [smem:$0x3FDB];
	s0 =	simm.s32 @p2 $0x1  }
0x17: {  	s4 =	simm.s32 $0x1BF5;
	[smem:$0x3FBC] =	sst s0  }
0x18: {  	s0 =	sld [smem:$0x3F9F];
	_ =	swait.ge [sflag:s4], $0x0  }
0x19: {  	s7 =	sld [smem:$0x3FA0]  }
0x1a: {  	s8 =	sadd.s32 $0xFFFFE003, lr  }
0x1b: {  	s9 =	sadd.s32 $0xFFFFFEF7, lr;
	s5 =	simm.s32 $0xFFFFFFFF;
	p2 =	slt.u32 s8, $0xFFFFF086  }
0x1c: {  	p1 =	slt.u32 s9, $0xF7A;
	s5 =	simm.s32 @!p2 $0x0  }
0x1d: {  	s5 =	simm.s32 @p1 $0x1;
	p0 =	seq.s32 s7, s2  }
0x1e: {  	s7 =	smul.u32 @!p0 $0xF7A, s2;
	p2 =	seq.s32 @!p0 s5, $0x0  }
0x1f: {  	s9 =	smul.u32 $0xF7A, s1;
	s8 =	simm.s32 @!p0 $0x1BF5;
	p2 =	por !p2, p0  }
0x20: {  	[sflag:s8] =	ssyncset.s32 @!p0 $0xFFFFF086;
	s6 =	sadd.s32 @!p0 s3, s7;
	s7 =	simm.s32 @!p0 $0x108  }
0x21: {  	s3 =	sadd.s32 s3, s9;
	s6 =	sadd.s32 @!p0 $0x88, s6;
	s7 =	simm.s32 @p2 $0x1082  }
0x22: {  	[simem:s7], [sflag:s8] =	dma.local @!p0 [hbm:s6], $0xF7A  }
0x23: {  	s9 =	sor.u32 $0xD0000000, s2;
	s6 =	simm.s32 $0x108;
	_ =	swait.ge @!p0 [sflag:s8], $0x0  }
0x24: {  	s3 =	sadd.s32 $0x88, s3;
	s6 =	simm.s32 @!p1 $0x1082;
	[sflag:s4] =	ssyncset.s32 $0xFFFFF086  }
0x25: {  	[simem:s6], [sflag:s4] =	dma.local [hbm:s3], $0xF7A  }
0x26: {  	[smem:$0x3FA0] =	sst s1;
	(tag) =	ssettag s2;
	_ =	strace s9  }
0x27: {  	s1 =	sld [smem:$0x3FB0]  }
0x28: {  	s2 =	sld [smem:$0x3FB1]  }
0x29: {  	s4 =	sld [smem:$0x3FB3]  }
0x2a: {  	p0 =	seq.s32 s5, $0x0;
	s5 =	sld [smem:$0x3FB4]  }
0x2b: {  	s6 =	sld [smem:$0x3FB5]  }
0x2c: {  	s7 =	sld [smem:$0x3FB6]  }
0x2d: {  	s3 =	simm.s32 $0x108;
	s8 =	sld [smem:$0x3FB7]  }
0x2e: {  	s3 =	simm.s32 @!p0 $0x1082;
	s9 =	sld [smem:$0x3FB8]  }
0x2f: {  	lr =	sadd.s32 s0, s3;
	s0 =	sld [smem:$0x3FAF]  }
0x30: {  	s3 =	sld [smem:$0x3FB2]  }
0x31: {  	[smem:$0x3FBB] =	sst s10  }
0x32: {  	s10 =	sld [smem:$0x3FB9];
	_ =	sdelay $0x3  }
0x33: {  	p0 =	seq.s32 s10, $0x1;
	s10 =	sld [smem:$0x3FBB];
	_ =	sdelay $0x3  }
0x34: {  	[smem:$0x3FBB] =	sst s10  }
0x35: {  	s10 =	sld [smem:$0x3FBA];
	_ =	sdelay $0x3  }
0x36: {  	p1 =	seq.s32 s10, $0x1;
	s10 =	sld [smem:$0x3FBB];
	_ =	sdelay $0x3  }
0x37: {  	[smem:$0x3FBB] =	sst s10  }
0x38: {  	s10 =	sld [smem:$0x3FBC]  }
0x39: {  	_ = 	snop;
	(pc) =	sbr.ind lr, $3  }
0x3a: {  	_ = 	snop  }
0x3b: {  	_ = 	snop  }
0x3c: {  	p2 =	seq.s32 s10, $0x1;
	s10 =	sld [smem:$0x3FBB]  }
0x3d: {  	_ =	shalt  }
0x3e: {  	_ =	shalt  }
0x3f: {  	_ =	shalt  }
0x40: {  	_ =	shalt  }
0x41: {  	_ =	shalt  }
0x42: {  	_ =	shalt  }
0x43: {  	_ =	shalt  }
0x44: {  	_ =	shalt  }
0x45: {  	_ =	shalt  }
0x46: {  	_ =	shalt  }
0x47: {  	_ =	shalt  }
0x48: {  	_ =	shalt  }
0x49: {  	_ =	shalt  }
0x4a: {  	_ =	shalt  }
0x4b: {  	_ =	shalt  }
0x4c: {  	_ =	shalt  }
0x4d: {  	_ =	shalt  }
0x4e: {  	_ =	shalt  }
0x4f: {  	_ =	shalt  }
0x50: {  	_ =	shalt  }
0x51: {  	_ =	shalt  }
0x52: {  	_ =	shalt  }
0x53: {  	_ =	shalt  }
0x54: {  	_ =	shalt  }
0x55: {  	_ =	shalt  }
0x56: {  	_ =	shalt  }
0x57: {  	_ =	shalt  }
0x58: {  	_ =	shalt  }
0x59: {  	_ =	shalt  }
0x5a: {  	_ =	shalt  }
0x5b: {  	_ =	shalt  }
0x5c: {  	_ =	shalt  }
0x5d: {  	_ =	shalt  }
0x5e: {  	_ =	shalt  }
0x5f: {  	_ =	shalt  }
0x60: {  	_ =	shalt  }
0x61: {  	_ =	shalt  }
0x62: {  	_ =	shalt  }
0x63: {  	_ =	shalt  }
0x64: {  	_ =	shalt  }
0x65: {  	_ =	shalt  }
0x66: {  	_ =	shalt  }
0x67: {  	_ =	shalt  }
0x68: {  	_ =	shalt  }
0x69: {  	_ =	shalt  }
0x6a: {  	_ =	shalt  }
0x6b: {  	_ =	shalt  }
0x6c: {  	_ =	shalt  }
0x6d: {  	_ =	shalt  }
0x6e: {  	_ =	shalt  }
0x6f: {  	_ =	shalt  }
0x70: {  	_ =	shalt  }
0x71: {  	_ =	shalt  }
0x72: {  	_ =	shalt  }
0x73: {  	_ =	shalt  }
0x74: {  	_ =	shalt  }
0x75: {  	_ =	shalt  }
0x76: {  	_ =	shalt  }
0x77: {  	_ =	shalt  }
0x78: {  	_ =	shalt  }
0x79: {  	_ =	shalt  }
0x7a: {  	_ =	shalt  }
0x7b: {  	_ =	shalt  }
0x7c: {  	_ =	shalt  }
0x7d: {  	_ =	shalt  }
0x7e: {  	_ =	shalt  }
0x7f: {  	_ =	shalt  }
0x80: {  	_ =	shalt  }
0x81: {  	_ =	shalt  }
0x82: {  	_ =	shalt  }
0x83: {  	_ =	shalt  }
0x84: {  	_ =	shalt  }
0x85: {  	_ =	shalt  }
0x86: {  	_ =	shalt  }
0x87: {  	_ =	shalt  }
.Lfunc_end0:
.L_simem_size_0:
called_computation_lowered:
.L_overlay_start_0:
0x88: {  	s2 =	sld [smem:$0x3FD9]  }
0x89: {  	s3 =	sld [smem:$0x3FFE];
	_ =	sdelay $0x1  }
0x8a: {  	s1 =	srdreg.scid  }
0x8b: {  	s0 =	sand.u32 $0x1, s1  }
0x8c: {  	s18 =	sshll.u32 s0, $0xA;
	s2 =	sadd.s32 s3, s2  }
0x8d: {  	s2 =	sadd.s32 s2, s18  }
0x8e: {  	[smem:$0x3FC7] =	sst s2  }
0x8f: {  	_ = 	snop  }
0x90: {  	s2 =	sld [smem:$0x3FC9]  }
0x91: {  	s19 =	sld [smem:$0x3FD0];
	(tm) =	ssettm $0x1  }
0x92: {  	s4 =	sld [smem:$0x3FFB];
	_ =	sdelay $0x3  }
0x93: {  	_ =	strace s4  }
0x94: {  	s4 =	sld [smem:$0x3FFC];
	_ =	sdelay $0x3  }
0x95: {  	_ =	strace s4  }
0x96: {  	s4 =	sld [smem:$0x3FFD];
	_ =	sdelay $0x3  }
0x97: {  	_ =	strace s4  }
0x98: {  	_ =	strace $0x8FFFFFFF  }
0x99: {  	s20 =	sld [smem:$0x3FDB];
	_ =	sdelay $0x1  }
0x9a: {  	s5 =	simm.s32 $_scs_section_size  }
0x9b: {  	s6 =	simm.s32 $_size__tile_overlayer_lowered;
	s7 =	simm.s32 $_tile_overlayer_lowered  }
0x9c: {  	s23 =	simm.s32 $0x1BFF;
	s22 =	sshll.u32 s7, $0x1;
	s4 =	sadd.s32 s5, s20  }
0x9d: {  	s8 =	simm.s32 $0x0;
	s21 =	sshll.u32 s6, $0x1;
	s6 =	sadd.s32 s22, s4  }
0x9e: {  	[timem:s8], [sflag:s23] =	dma.local [hbm:s6], s21  }
0x9f: {  	_ =	swait.ge [sflag:s23], s21  }
0xa0: {  	s5 =	ssub.s32 $0x0, s21;
	[sflag:s23] =	ssyncset.done $0x0  }
0xa1: {  	[sflag:s23] =	ssyncadd.s32 s5;
	_ =	sdelay $0x1  }
0xa2: {  	s24 =	simm.s32 $0x1B8B  }
0xa3: {  	_ =	swait.ge [sflag:s24], $0x1  }
0xa4: {  	[sflag:s24] =	ssyncset.done $0x0  }
0xa5: {  	s25 =	simm.s32 $0x1B8E;
	[sflag:s24] =	ssyncadd.s32 $0xFFFFFFFF  }
0xa6: {  	s26 =	simm.s32 $execute0_lowered;
	[smem:$0x3FD2] =	sst s25  }
0xa7: {  	s5 =	sshll.u32 s26, $0x1;
	_ =	strace $0x80000046;
	[dreg:$0x1] =	wrdreg $0xFFFFFFFF  }
0xa8: {  	s28 =	simm.s32 $_size_execute0_lowered;
	s4 =	sadd.s32 s4, s5;
	[dreg:$0x0] =	wrdreg $0x0  }
0xa9: {  	s5 =	sshll.u32 s28, $0x1;
	[dreg:$0x2] =	wrdreg s4  }
0xaa: {  	[dreg:$0x3] =	wrdreg s5  }
0xab: {  	[dreg:$0x4] =	wrdreg $0xC0  }
0xac: {  	_ =	task [dreg:s8], $0x5FFFF  }
0xad: {  	[dreg:$0x1] =	wrdreg $0xFFFFFFFF  }
0xae: {  	[dreg:$0x0] =	wrdreg $0x60  }
0xaf: {  	[dreg:$0x2] =	wrdreg s2  }
0xb0: {  	[dreg:$0x3] =	wrdreg s19  }
0xb1: {  	[dreg:$0x4] =	wrdreg $0x9  }
0xb2: {  	_ =	task.clear_ibuf [dreg:s8], $0x5FFFF;
	_ =	strace $0x90000046  }
0xb3: {  	s29 =	simm.s32 $0x9;
	_ =	strace $0x80000048  }
0xb4: {  	_ =	swait.ge [sflag:s29], $0x1  }
0xb5: {  	[sflag:s29] =	ssyncadd.s32 $0xFFFFFFFF  }
0xb6: {  	_ =	strace $0x90000048  }
0xb7: {  	_ =	sfence  }
0xb8: {  	s30 =	sld [smem:$0x0];
	_ =	sdelay $0x2  }
0xb9: {  	s31 =	sshll.u32 s1, $0xD;
	s1 =	sshrl.u32 s1, $0x2  }
0xba: {  	s3 =	sand.u32 $0x4000, s31;
	s1 =	sadd.s32 s1, s30  }
0xbb: {  	s0 =	sor.u32 s3, s0;
	s1 =	sshll.u32 s1, $0x11  }
0xbc: {  	s0 =	sor.u32 s1, s0  }
0xbd: {  	s0 =	sadd.s32 $0x8F2B, s0  }
0xbe: {  	[sflag:s0] =	ssyncadd.remote.s32 $0x1  }
0xbf: {  	_ =	sfence.sel $0xFFFF  }
0xc0: {  	[dreg:$0x0] =	wrdreg $0xFFFFFFFF;
	(pc) =	sbr.abs _section_cstart, $3  }
0xc1: {  	[dreg:$0x1] =	wrdreg $0xFFFFFFFF  }
0xc2: {  	_ =	task.clear_ibuf [dreg:s8], $0x2FFFF;
	_ =	strace $0x9FFFFFFF  }
0xc3: {  	(tm) =	ssettm $0x7FFFFFFF  }
tec
execute0_lowered:
.L_overlay_start_1:
0x0: {  	(tag) =	ssettag $0x1  }
0x1: {  	v0 =	vimm.s32 $0xEFCDAB89;
	v1 =	vimm.s32 $0x67452301  }
0x2: {  	v3 =	vimm.s32 $0x54761032;
	v4 =	vimm.s32 $0xBA98FEDC;
	v5 =	vimm.s32 $0x32107654  }
0x3: {  	v6 =	vimm.s32 $0xFEDCBA98;
	v7 =	vimm.s32 $0x76543210;
	v12 =	vimm.s32 $0x3  }
0x4: {  	v13 =	vimm.s32 $0x4;
	v14 =	vimm.s32 $0x5;
	v15 =	vimm.s32 $0x6  }
0x5: {  	s0 =	srdreg.scid;
	s1 =	rddreg [dreg:$0x0];
	v16 =	vimm.s32 $0x7;
	v17 =	vimm.s32 $0x8;
	v18 =	vimm.s32 $0x9  }
0x6: {  	s2 =	stileid.u32;
	s3 =	rddreg [dreg:$0x1];
	s6 =	simm.s32 $0x0;
	v19 =	vimm.s32 $0xA;
	v20 =	vimm.s32 $0xB;
	v21 =	vimm.s32 $0xC  }
0x7: {  	s20 =	simm.s32 $0x80;
	s21 =	simm.s32 $0x400;
	s23 =	simm.s32 $0x1;
	v22 =	vimm.s32 $0xD;
	v23 =	vimm.s32 $0xE;
	v0 =	vunpack.c.l.s4.s8 v0  }
0x8: {  	v24 =	vimm.s32 $0xF;
	s24 =	simm.s32 $0x2;
	s25 =	simm.s32 $0x3;
	v1 =	vunpack.c.l.s4.s8 v1;
	v3 =	vunpack.c.l.s4.s8 v3;
	s0 =	sand.u32 $0x1, s0  }
0x9: {  	v4 =	vunpack.c.l.s4.s8 v4;
	s2 =	sshll.u32 s2, $0x6;
	[smem:$0x7FF] =	sst s6;
	s8 =	sadd.s32 $0x800, s3;
	v2 =	vunpack.c.0.s8.s32 v0;
	v0 =	vimm.s32 $0xDCFE98BA  }
0xa: {  	v5 =	vunpack.c.l.s4.s8 v5;
	s9 =	sadd.s32 $0x1000, s3;
	s10 =	sadd.s32 $0x1800, s3;
	s11 =	sadd.s32 $0x2000, s3;
	v1 =	vunpack.c.0.s8.s32 v1;
	v0 =	vunpack.c.l.s4.s8 v0  }
0xb: {  	v6 =	vunpack.c.l.s4.s8 v6;
	v7 =	vunpack.c.l.s4.s8 v7;
	s12 =	sadd.s32 $0x2800, s3;
	s13 =	sadd.s32 $0x3000, s3;
	s4 =	sshll.u32 s0, $0x5;
	v3 =	vunpack.c.0.s8.s32 v3  }
0xc: {  	s14 =	sadd.s32 $0x3800, s3;
	s0 =	ssub.s32 $0x2, s0;
	s4 =	sor.u32 s4, s2;
	v4 =	vunpack.c.0.s8.s32 v4;
	v1 =	vcombine.low v1, v2;
	v8 =	vunpack.c.0.s8.s32 v0  }
.Ltmp0:
0xd: {  	v5 =	vunpack.c.0.s8.s32 v5;
	v6 =	vunpack.c.0.s8.s32 v6;
	v7 =	vunpack.c.0.s8.s32 v7;
	s5 =	sshrl.u32 s0, $0x1;
	s2 =	sshll.u32 s4, $0xC;
	(pc) =	sbr.rel .LBB2_1-.Ltmp0, $4  }
0xe: {  	s15 =	sadd.s32 $0x4000, s3;
	s0 =	ssub.s32 s0, s5;
	s2 =	sadd.s32 s1, s2;
	v0 =	vimm.f32 $0.0e+00;
	v9 =	vand.u32 $0xF, v1;
	v2 =	vcombine.low v3, v8  }
0xf: {  	_ =	strace $0x80000047;
	s0 =	smax.u32 s0, $0x1;
	[dreg:$0x4] =	wrdreg s2;
	v3 =	vcombine.low v5, v4;
	v4 =	vand.u32 $0xF, v6;
	v5 =	vlaneseq.u32  }
0x10: {  	s16 =	sadd.s32 $0x4800, s3;
	s2 =	sadd.s32 $0x10, s2;
	[dreg:$0x6] =	wrdreg s0;
	v6 =	vimm.s32 $0x0;
	v8 =	vimm.s32 $0x2;
	v4 =	vcombine.low v4, v7  }
0x11: {  	s17 =	sadd.s32 $0x5000, s3;
	s18 =	sadd.s32 $0x5800, s3;
	[dreg:$0x5] =	wrdreg s2;
	v7 =	vimm.s32 $0x1;
	v10 =	vand.u32 $0xF, v2;
	v11 =	vand.u32 $0xF, v3  }
.LBB2_44:
0x12: {  	_ =	swait.ge [sflag:s25], $0x800  }
0x13: {  	[sflag:s25] =	ssyncset.done $0x0  }
0x14: {  	[sflag:s25] =	ssyncadd.s32 $0xFFFFF800  }
0x15: {  	_ =	swait.ge [sflag:s25], $0x800  }
0x16: {  	[sflag:s25] =	ssyncset.done $0x0  }
0x17: {  	[sflag:s25] =	ssyncadd.s32 $0xFFFFF800  }
0x18: {  	_ =	swait.ge [sflag:s25], $0x800  }
0x19: {  	[sflag:s25] =	ssyncset.done $0x0  }
0x1a: {  	[sflag:s25] =	ssyncadd.s32 $0xFFFFF800  }
0x1b: {  	_ =	swait.ge [sflag:s25], $0x800  }
0x1c: {  	[sflag:s25] =	ssyncset.done $0x0  }
0x1d: {  	[sflag:s25] =	ssyncadd.s32 $0xFFFFF800  }
0x1e: {  	_ =	swait.ge [sflag:s25], $0x800  }
0x1f: {  	[sflag:s25] =	ssyncset.done $0x0  }
0x20: {  	[sflag:s25] =	ssyncadd.s32 $0xFFFFF800  }
0x21: {  	_ =	swait.ge [sflag:s25], $0x800  }
0x22: {  	[sflag:s25] =	ssyncset.done $0x0  }
0x23: {  	[sflag:s25] =	ssyncadd.s32 $0xFFFFF800  }
0x24: {  	_ =	swait.ge [sflag:s25], $0x800  }
0x25: {  	[sflag:s25] =	ssyncset.done $0x0  }
0x26: {  	[sflag:s25] =	ssyncadd.s32 $0xFFFFF800  }
0x27: {  	_ =	swait.ge [sflag:s25], $0x800  }
0x28: {  	[sflag:s25] =	ssyncset.done $0x0  }
0x29: {  	[sflag:s25] =	ssyncadd.s32 $0xFFFFF800  }
0x2a: {  	_ =	swait.ge [sflag:s25], $0x800  }
0x2b: {  	[sflag:s25] =	ssyncset.done $0x0  }
0x2c: {  	[sflag:s25] =	ssyncadd.s32 $0xFFFFF800  }
0x2d: {  	_ =	swait.ge [sflag:s25], $0x800  }
0x2e: {  	[sflag:s25] =	ssyncset.done $0x0  }
0x2f: {  	[sflag:s25] =	ssyncadd.s32 $0xFFFFF800  }
0x30: {  	_ =	swait.ge [sflag:s25], $0x800  }
0x31: {  	[sflag:s25] =	ssyncset.done $0x0  }
0x32: {  	[sflag:s25] =	ssyncadd.s32 $0xFFFFF800  }
0x33: {  	_ =	swait.ge [sflag:s25], $0x800  }
0x34: {  	[sflag:s25] =	ssyncset.done $0x0  }
0x35: {  	[sflag:s25] =	ssyncadd.s32 $0xFFFFF800  }
0x36: {  	_ =	swait.ge [sflag:s25], $0x800  }
0x37: {  	[sflag:s25] =	ssyncset.done $0x0  }
0x38: {  	[sflag:s25] =	ssyncadd.s32 $0xFFFFF800  }
0x39: {  	_ =	swait.ge [sflag:s25], $0x800  }
0x3a: {  	[sflag:s25] =	ssyncset.done $0x0  }
0x3b: {  	[sflag:s25] =	ssyncadd.s32 $0xFFFFF800  }
0x3c: {  	_ =	swait.ge [sflag:s25], $0x800  }
0x3d: {  	[sflag:s25] =	ssyncset.done $0x0  }
0x3e: {  	[sflag:s25] =	ssyncadd.s32 $0xFFFFF800  }
0x3f: {  	_ =	swait.ge [sflag:s25], $0x800  }
0x40: {  	s6 =	rddreg [dreg:$0x3]  }
0x41: {  	s0 =	rddreg [dreg:$0x6];
	s6 =	sadd.s32 $0x1, s6  }
0x42: {  	p0 =	sne.s32 s6, s0  }
.Ltmp1:
0x43: {  	_ = 	snop;
	(pc) =	sbr.rel @!p0 .LBB2_45-.Ltmp1, $3  }
0x44: {  	_ =	sdelay $0x1  }
0x45: {  	[sflag:s25] =	ssyncset.done $0x0  }
0x46: {  	[sflag:s25] =	ssyncadd.s32 $0xFFFFF800  }
.LBB2_1:
0x47: {  	[dreg:$0x3] =	wrdreg s6;
	s2 =	simm.s32 $0x100;
	s0 =	simm.s32 $0x0  }
.LBB2_2:
0x48: {  	p0 =	sne.s32 s2, $0x1F00;
	[tilespmem:s0+$0x18030] =	vst v0;
	s5 =	smov.u32 s2;
	s2 =	sadd.s32 $0x100, s2  }
.Ltmp2:
0x49: {  	[tilespmem:s0+$0x18020] =	vst v0;
	(pc) =	sbr.rel @p0 .LBB2_2-.Ltmp2, $3  }
0x4a: {  	[tilespmem:s0+$0x18000] =	vst v0  }
0x4b: {  	[tilespmem:s0+$0x18010] =	vst v0;
	_ =	sdelay $0x1  }
0x4c: {  	s0 =	sshra.s32 s5, $0x2  }
0x4d: {  	[tilespmem:s0+$0x18030] =	vst v0  }
0x4e: {  	[tilespmem:s0+$0x18020] =	vst v0  }
0x4f: {  	[tilespmem:s0+$0x18000] =	vst v0  }
0x50: {  	[tilespmem:s0+$0x18010] =	vst v0;
	s26 =	simm.s32 $0x0;
	s30 =	rddreg [dreg:$0x4]  }
0x51: {  	[tilespmem:s26], [sflag:$0x1] =	stream.strided.gather [hbm4b:s30+s20], $0x8000, s21, s20, $0x38;
	[tilespmem:$0x18800] =	vst v63  }
0x52: {  	s31 =	rddreg [dreg:$0x5];
	s2 =	simm.s32 $0x8000  }
0x53: {  	[tilespmem:s2], [sflag:$0x2] =	stream.strided.gather [hbm4b:s31+s20], $0x8000, s21, s20, $0x38;
	[tilespmem:$0x18800] =	vst v63  }
.LBB2_4:
0x54: {  	_ =	swait.ge [sflag:s23], $0x8000  }
0x55: {  	[sflag:s23] =	ssyncset.done $0x0  }
0x56: {  	v26 =	vimm.f32 $-Inf;
	s28 =	simm.s32 $0x40;
	v25 =	vimm.f32 $-Inf;
	s29 =	simm.s32 $0x0;
	[sflag:s23] =	ssyncadd.s32 $0xFFFF8000  }
.LBB2_5:
0x57: {  	v27 =	vmov s28;
	_ =	sdelay $0x3  }
0x58: {  	s5 =	simm.s32 $0x0  }
0x59: {  	v28 =	vld.idx.msk [tilespmem:v27+s5+$0x30 ss:$0x1], $0xffff  }
0x5a: {  	v29 =	vld.idx.msk [tilespmem:v27+s5+$0xFFFFFFC0 ss:$0x1], $0xffff  }
0x5b: {  	v30 =	vld.idx.msk [tilespmem:v27+s5+$0xFFFFFFD0 ss:$0x1], $0xffff  }
0x5c: {  	v31 =	vld.idx.msk [tilespmem:v27+s5+$0xFFFFFFE0 ss:$0x1], $0xffff  }
0x5d: {  	v32 =	vld.idx.msk [tilespmem:v27+s5+$0xFFFFFFF0 ss:$0x1], $0xffff  }
0x5e: {  	v34 =	vimm.f32 $-Inf;
	v35 =	vimm.f32 $-Inf;
	v33 =	vld.idx.msk [tilespmem:v27+s5+$0x0 ss:$0x1], $0xffff  }
0x5f: {  	v36 =	vimm.f32 $-Inf;
	v38 =	vimm.f32 $-Inf;
	v39 =	vimm.f32 $-Inf;
	v37 =	vld.idx.msk [tilespmem:v27+s5+$0x10 ss:$0x1], $0xffff  }
0x60: {  	s0 =	simm.s32 $0x80;
	s2 =	simm.s32 $0x400;
	v40 =	vimm.f32 $-Inf;
	v41 =	vld.idx.msk [tilespmem:v27+s5+$0x20 ss:$0x1], $0xffff;
	v28 =	vmax.f32 v26, v28;
	v29 =	vmax.f32 v26, v29  }
.LBB2_6:
0x61: {  	p0 =	sne.s32 s2, $0x1E00;
	v42 =	vld.idx.msk [tilespmem:v27+s0+$0x30 ss:$0x1], $0xffff;
	v34 =	vmax.f32 v34, v30  }
0x62: {  	v35 =	vmax.f32 v35, v31;
	v43 =	vld.idx.msk [tilespmem:v27+s0+$0xFFFFFFC0 ss:$0x1], $0xffff  }
0x63: {  	v36 =	vmax.f32 v36, v32;
	v30 =	vld.idx.msk [tilespmem:v27+s0+$0xFFFFFFD0 ss:$0x1], $0xffff  }
.Ltmp3:
0x64: {  	v38 =	vmax.f32 v38, v33;
	v31 =	vld.idx.msk [tilespmem:v27+s0+$0xFFFFFFE0 ss:$0x1], $0xffff;
	(pc) =	sbr.rel @p0 .LBB2_6-.Ltmp3, $4  }
0x65: {  	v39 =	vmax.f32 v39, v37;
	v32 =	vld.idx.msk [tilespmem:v27+s0+$0xFFFFFFF0 ss:$0x1], $0xffff  }
0x66: {  	v40 =	vmax.f32 v40, v41;
	v33 =	vld.idx.msk [tilespmem:v27+s0+$0x0 ss:$0x1], $0xffff  }
0x67: {  	v28 =	vmax.f32 v28, v42;
	v37 =	vld.idx.msk [tilespmem:v27+s0+$0x10 ss:$0x1], $0xffff  }
0x68: {  	v29 =	vmax.f32 v29, v43;
	v41 =	vld.idx.msk [tilespmem:v27+s0+$0x20 ss:$0x1], $0xffff;
	s0 =	sshra.s32 s2, $0x2;
	s2 =	sadd.s32 $0x200, s2  }
0x69: {  	_ =	sdelay $0x3  }
0x6a: {  	v42 =	vld.idx.msk [tilespmem:v27+s0+$0x30 ss:$0x1], $0xffff  }
0x6b: {  	v43 =	vld.idx.msk [tilespmem:v27+s0+$0xFFFFFFC0 ss:$0x1], $0xffff  }
0x6c: {  	v44 =	vld.idx.msk [tilespmem:v27+s0+$0xFFFFFFD0 ss:$0x1], $0xffff  }
0x6d: {  	v45 =	vld.idx.msk [tilespmem:v27+s0+$0xFFFFFFE0 ss:$0x1], $0xffff  }
0x6e: {  	v46 =	vld.idx.msk [tilespmem:v27+s0+$0xFFFFFFF0 ss:$0x1], $0xffff  }
0x6f: {  	v47 =	vld.idx.msk [tilespmem:v27+s0+$0x0 ss:$0x1], $0xffff  }
0x70: {  	v48 =	vld.idx.msk [tilespmem:v27+s0+$0x10 ss:$0x1], $0xffff  }
0x71: {  	v27 =	vld.idx.msk [tilespmem:v27+s0+$0x20 ss:$0x1], $0xffff  }
0x72: {  	v30 =	vmax.f32 v34, v30;
	v31 =	vmax.f32 v35, v31;
	v32 =	vmax.f32 v36, v32  }
0x73: {  	v33 =	vmax.f32 v38, v33;
	v58 =	vmax.f32 v39, v37;
	v59 =	vmax.f32 v40, v41  }
0x74: {  	v28 =	vmax.f32 v28, v42;
	v29 =	vmax.f32 v29, v43;
	v30 =	vmax.f32 v30, v44  }
0x75: {  	v31 =	vmax.f32 v31, v45;
	v32 =	vmax.f32 v32, v46;
	v33 =	vmax.f32 v33, v47  }
0x76: {  	v34 =	vmax.f32 v58, v48;
	v27 =	vmax.f32 v59, v27;
	v29 =	vmax.f32 v29, v30  }
0x77: {  	v60 =	vmax.f32 v31, v32;
	v61 =	vmax.f32 v33, v34;
	v27 =	vmax.f32 v27, v28  }
0x78: {  	v62 =	vmax.f32 v29, v60;
	v27 =	vmax.f32 v61, v27  }
0x79: {  	v27 =	vmax.f32 v62, v27  }
0x7a: {  	v28 =	vperm.xlane v27, v1;
	_ =	sdelay $0x1  }
0x7b: {  	v27 =	vmax.f32 v27, v28  }
0x7c: {  	v28 =	vperm.xlane v27, v2;
	_ =	sdelay $0x1  }
0x7d: {  	v27 =	vmax.f32 v27, v28  }
0x7e: {  	v63 =	vmov s29;
	s29 =	sadd.s32 $0x1, s29;
	v28 =	vperm.xlane v27, v3  }
0x7f: {  	p0 =	sne.s32 s29, $0x10  }
.Ltmp4:
0x80: {  	v27 =	vmax.f32 v27, v28;
	(pc) =	sbr.rel @p0 .LBB2_5-.Ltmp4, $3  }
0x81: {  	v28 =	vperm.xlane v27, v4;
	_ =	sdelay $0x1  }
0x82: {  	vm0 =	veq.s32 v63, v5;
	v27 =	vmax.f32 v27, v28  }
0x83: {  	s28 =	sadd.s32 $0x800, s28;
	v25 =	vsel vm0, v27, v25  }
0x84: {  	(xrf1) =	vsort.dscd.msk.f32 $0xffff, v25, v5;
	_ =	sdelay $0xd  }
0x85: {  	_, v26, _ =	vpop (xrf1)  }
0x86: {  	v27 =	vperm.xlane v26, v6;
	_ =	sdelay $0x1  }
0x87: {  	(v2sf) =	vpush v27, $0x0;
	_ =	sdelay $0xe  }
0x88: {  	s0 =	spop (v2sf)  }
0x89: {  	s2 =	simm.s32 $0x0;
	s0 =	sshll.u32 s0, $0xD  }
0x8a: {  	s5 =	sand.u32 $0x780, s2;
	s0 =	sshra.s32 s0, $0x2  }
0x8b: {  	s2 =	sand.u32 $0x60, s2;
	s5 =	sadd.s32 s5, s0  }
0x8c: {  	s2 =	sadd.s32 s2, s5  }
0x8d: {  	v32 =	vld [tilespmem:s2+$0x10]  }
0x8e: {  	v27 =	vld [tilespmem:s2+$0x0];
	_ =	sdelay $0x1  }
0x8f: {  	s30 =	simm.s32 $0x20  }
0x90: {  	s31 =	sand.u32 $0x780, s30  }
0x91: {  	v29 =	vimm.f32 $-Inf;
	s5 =	sadd.s32 s31, s0;
	s2 =	sand.u32 $0x60, s30  }
0x92: {  	s5 =	sadd.s32 s2, s5;
	v33 =	vmin.f32 v29, v32;
	v30 =	vmax.f32 v29, v27;
	v27 =	vmin.f32 v29, v27  }
0x93: {  	v28 =	vld [tilespmem:s5+$0x10];
	v34 =	vmin.f32 v29, v33;
	v31 =	vmax.f32 v29, v27;
	v27 =	vmin.f32 v29, v27  }
0x94: {  	v37 =	vimm.f32 $-Inf;
	s2 =	simm.s32 $0x40;
	v36 =	vld [tilespmem:s5+$0x0];
	v34 =	vmax.f32 v29, v34;
	v35 =	vmax.f32 v29, v27  }
.LBB2_9:
0x95: {  	s5 =	sand.u32 $0x780, s2  }
0x96: {  	p0 =	sne.s32 s2, $0x7E0;
	s6 =	smov.u32 s2;
	s2 =	sadd.s32 $0x20, s2  }
.Ltmp5:
0x97: {  	v29 =	vmax.f32 v29, v32;
	s6 =	sand.u32 $0x60, s6;
	s5 =	sadd.s32 s5, s0;
	(pc) =	sbr.rel @p0 .LBB2_9-.Ltmp5, $4  }
0x98: {  	v37 =	vmax.f32 v37, v33;
	s5 =	sadd.s32 s6, s5;
	v33 =	vmin.f32 v29, v28;
	v32 =	vmov v28  }
0x99: {  	v28 =	vld [tilespmem:s5+$0x10];
	v27 =	vmin.f32 v30, v36;
	v30 =	vmax.f32 v30, v36;
	v38 =	vmin.f32 v37, v33  }
0x9a: {  	v36 =	vld [tilespmem:s5+$0x0];
	v39 =	vmin.f32 v31, v27;
	v31 =	vmax.f32 v31, v27;
	v34 =	vmax.f32 v34, v38  }
0x9b: {  	v35 =	vmax.f32 v35, v39  }
0x9c: {  	v27 =	vperm.xlane v26, v7;
	_ =	sdelay $0x1  }
0x9d: {  	(v2sf) =	vpush v27, $0x0;
	_ =	sdelay $0xe  }
0x9e: {  	s0 =	spop (v2sf)  }
0x9f: {  	s2 =	simm.s32 $0x0;
	s0 =	sshll.u32 s0, $0xD  }
0xa0: {  	s5 =	sand.u32 $0x780, s2;
	s0 =	sshra.s32 s0, $0x2  }
0xa1: {  	s2 =	sand.u32 $0x60, s2;
	s5 =	sadd.s32 s5, s0  }
0xa2: {  	s2 =	sadd.s32 s2, s5  }
0xa3: {  	v27 =	vld [tilespmem:s2+$0x10]  }
0xa4: {  	v38 =	vld [tilespmem:s2+$0x0]  }
0xa5: {  	v29 =	vmax.f32 v29, v32;
	v33 =	vmax.f32 v37, v33  }
0xa6: {  	s30 =	simm.s32 $0x20;
	v32 =	vmin.f32 v29, v28;
	v60 =	vmax.f32 v30, v36;
	v30 =	vmin.f32 v30, v36  }
0xa7: {  	s31 =	sand.u32 $0x780, s30;
	v61 =	vmin.f32 v33, v32;
	v39 =	vmax.f32 v31, v30;
	v30 =	vmin.f32 v31, v30  }
0xa8: {  	v29 =	vmax.f32 v29, v28;
	v31 =	vmax.f32 v34, v61;
	v35 =	vmax.f32 v35, v30;
	s5 =	sadd.s32 s31, s0;
	s2 =	sand.u32 $0x60, s30  }
0xa9: {  	v30 =	vmax.f32 v33, v32;
	s5 =	sadd.s32 s2, s5;
	v32 =	vmin.f32 v29, v27;
	v62 =	vmin.f32 v60, v38  }
0xaa: {  	v28 =	vld [tilespmem:s5+$0x10];
	v33 =	vmax.f32 v60, v38;
	v63 =	vmin.f32 v30, v32;
	v40 =	vmin.f32 v39, v62  }
0xab: {  	s2 =	simm.s32 $0x40;
	v37 =	vld [tilespmem:s5+$0x0];
	v36 =	vmax.f32 v39, v62;
	v34 =	vmax.f32 v31, v63;
	v35 =	vmax.f32 v35, v40  }
.LBB2_11:
0xac: {  	s5 =	sand.u32 $0x780, s2  }
0xad: {  	p0 =	sne.s32 s2, $0x7E0;
	s6 =	smov.u32 s2;
	s2 =	sadd.s32 $0x20, s2  }
.Ltmp6:
0xae: {  	v29 =	vmax.f32 v29, v27;
	s6 =	sand.u32 $0x60, s6;
	s5 =	sadd.s32 s5, s0;
	(pc) =	sbr.rel @p0 .LBB2_11-.Ltmp6, $4  }
0xaf: {  	v30 =	vmax.f32 v30, v32;
	s5 =	sadd.s32 s6, s5;
	v32 =	vmin.f32 v29, v28;
	v27 =	vmov v28  }
0xb0: {  	v28 =	vld [tilespmem:s5+$0x10];
	v31 =	vmin.f32 v33, v37;
	v33 =	vmax.f32 v33, v37;
	v38 =	vmin.f32 v30, v32  }
0xb1: {  	v37 =	vld [tilespmem:s5+$0x0];
	v39 =	vmin.f32 v36, v31;
	v36 =	vmax.f32 v36, v31;
	v34 =	vmax.f32 v34, v38  }
0xb2: {  	v35 =	vmax.f32 v35, v39  }
0xb3: {  	v31 =	vperm.xlane v26, v8;
	_ =	sdelay $0x1  }
0xb4: {  	(v2sf) =	vpush v31, $0x0;
	_ =	sdelay $0xe  }
0xb5: {  	s0 =	spop (v2sf)  }
0xb6: {  	s2 =	simm.s32 $0x0;
	s0 =	sshll.u32 s0, $0xD  }
0xb7: {  	s5 =	sand.u32 $0x780, s2;
	s0 =	sshra.s32 s0, $0x2  }
0xb8: {  	s2 =	sand.u32 $0x60, s2;
	s5 =	sadd.s32 s5, s0  }
0xb9: {  	s2 =	sadd.s32 s2, s5  }
0xba: {  	v31 =	vld [tilespmem:s2+$0x10]  }
0xbb: {  	v27 =	vmax.f32 v29, v27;
	v29 =	vld [tilespmem:s2+$0x0]  }
0xbc: {  	v32 =	vmax.f32 v30, v32  }
0xbd: {  	s30 =	simm.s32 $0x20;
	v38 =	vmin.f32 v27, v28;
	v39 =	vmax.f32 v33, v37;
	v30 =	vmin.f32 v33, v37  }
0xbe: {  	s31 =	sand.u32 $0x780, s30;
	v61 =	vmin.f32 v32, v38;
	v37 =	vmax.f32 v36, v30;
	v30 =	vmin.f32 v36, v30  }
0xbf: {  	v33 =	vmax.f32 v32, v38;
	v40 =	vmax.f32 v35, v30;
	v30 =	vmax.f32 v27, v28;
	s5 =	sadd.s32 s31, s0;
	s2 =	sand.u32 $0x60, s30  }
0xc0: {  	v62 =	vmax.f32 v34, v61;
	s5 =	sadd.s32 s2, s5;
	v34 =	vmin.f32 v30, v31;
	v27 =	vmin.f32 v39, v29  }
0xc1: {  	v35 =	vld [tilespmem:s5+$0x10];
	v28 =	vmax.f32 v39, v29;
	v38 =	vmin.f32 v33, v34;
	v63 =	vmin.f32 v37, v27  }
0xc2: {  	s2 =	simm.s32 $0x40;
	v32 =	vld [tilespmem:s5+$0x0];
	v29 =	vmax.f32 v37, v27;
	v36 =	vmax.f32 v62, v38;
	v27 =	vmax.f32 v40, v63  }
.LBB2_13:
0xc3: {  	s5 =	sand.u32 $0x780, s2  }
0xc4: {  	p0 =	sne.s32 s2, $0x7E0;
	s6 =	smov.u32 s2;
	s2 =	sadd.s32 $0x20, s2  }
.Ltmp7:
0xc5: {  	v30 =	vmax.f32 v30, v31;
	s6 =	sand.u32 $0x60, s6;
	s5 =	sadd.s32 s5, s0;
	(pc) =	sbr.rel @p0 .LBB2_13-.Ltmp7, $4  }
0xc6: {  	v33 =	vmax.f32 v33, v34;
	s5 =	sadd.s32 s6, s5;
	v34 =	vmin.f32 v30, v35;
	v31 =	vmov v35  }
0xc7: {  	v35 =	vld [tilespmem:s5+$0x10];
	v37 =	vmin.f32 v28, v32;
	v28 =	vmax.f32 v28, v32;
	v38 =	vmin.f32 v33, v34  }
0xc8: {  	v32 =	vld [tilespmem:s5+$0x0];
	v39 =	vmin.f32 v29, v37;
	v29 =	vmax.f32 v29, v37;
	v36 =	vmax.f32 v36, v38  }
0xc9: {  	v27 =	vmax.f32 v27, v39  }
0xca: {  	_ =	sdelay $0x1  }
0xcb: {  	v30 =	vmax.f32 v30, v31;
	v33 =	vmax.f32 v33, v34  }
0xcc: {  	v31 =	vmin.f32 v30, v35;
	v30 =	vmax.f32 v30, v35;
	v46 =	vmax.f32 v28, v32  }
0xcd: {  	v47 =	vmin.f32 v33, v31;
	v31 =	vmax.f32 v33, v31;
	v48 =	vmax.f32 v46, v30  }
0xce: {  	v35 =	vmax.f32 v36, v47;
	v49 =	vmax.f32 v48, v31  }
0xcf: {  	v37 =	vmax.f32 v49, v35  }
0xd0: {  	v38 =	vperm.xlane v37, v9;
	_ =	sdelay $0x1  }
0xd1: {  	v38 =	vmax.f32 v37, v38  }
0xd2: {  	v39 =	vperm.xlane v38, v10;
	_ =	sdelay $0x1  }
0xd3: {  	v38 =	vmax.f32 v38, v39  }
0xd4: {  	v28 =	vmin.f32 v28, v32;
	v50 =	vperm.xlane v38, v11  }
0xd5: {  	v51 =	vmax.f32 v29, v28  }
0xd6: {  	v28 =	vmin.f32 v29, v28;
	v29 =	vmin.f32 v46, v30;
	v30 =	vmax.f32 v38, v50  }
0xd7: {  	v52 =	vmax.f32 v51, v29;
	v31 =	vmin.f32 v48, v31;
	v53 =	vperm.xlane v30, v4  }
0xd8: {  	v27 =	vmax.f32 v27, v28;
	v28 =	vmax.f32 v52, v31;
	v54 =	vmin.f32 v49, v35  }
0xd9: {  	v29 =	vmin.f32 v51, v29;
	v35 =	vmax.f32 v28, v54;
	v30 =	vmax.f32 v30, v53  }
0xda: {  	v27 =	vmax.f32 v27, v29;
	v29 =	vmin.f32 v52, v31;
	vm0 =	vlt.f32 v35, v30  }
0xdb: {  	v27 =	vmax.f32 v27, v29;
	v29 =	vnsel vm0, $0xFF800000, v35  }
0xdc: {  	v28 =	vmin.f32 v28, v54;
	vm15 =	vlt.f32 v37, v30;
	v31 =	vmax.f32 v37, v29  }
0xdd: {  	v27 =	vmax.f32 v27, v28;
	v28 =	vsel vm15, v31, v29  }
0xde: {  	vm4 =	vlt.f32 v27, v30;
	v29 =	vmax.f32 v28, v27  }
0xdf: {  	v28 =	vsel vm4, v29, v28  }
0xe0: {  	v29 =	vperm.xlane v28, v9;
	_ =	sdelay $0x1  }
0xe1: {  	v28 =	vmax.f32 v28, v29  }
0xe2: {  	v29 =	vperm.xlane v28, v10;
	_ =	sdelay $0x1  }
0xe3: {  	v28 =	vmax.f32 v28, v29  }
0xe4: {  	v29 =	vperm.xlane v28, v11;
	_ =	sdelay $0x1  }
0xe5: {  	v28 =	vmax.f32 v28, v29  }
0xe6: {  	v29 =	vperm.xlane v28, v4  }
0xe7: {  	vm5 =	veq.f32 v37, v30  }
0xe8: {  	vm6 =	veq.f32 v35, v30;
	v31 =	vsel vm5, $0x3F800000, v6;
	v28 =	vmax.f32 v28, v29  }
0xe9: {  	v29 =	vsel vm6, $0x3F800000, v6;
	vm7 =	veq.f32 v37, v28;
	vm1 =	veq.f32 v35, v28  }
0xea: {  	v29 =	vadd.f32 v29, v31;
	v31 =	vsel vm7, $0x3F800000, v6;
	v55 =	vsel vm1, $0x3F800000, v6  }
0xeb: {  	vm8 =	veq.f32 v27, v30;
	vm9 =	veq.f32 v27, v28;
	v31 =	vadd.f32 v55, v31  }
0xec: {  	v56 =	vsel vm8, $0x3F800000, v6;
	v57 =	vsel vm9, $0x3F800000, v6  }
0xed: {  	v29 =	vadd.f32 v56, v29;
	v31 =	vadd.f32 v57, v31;
	_ =	sdelay $0x1  }
0xee: {  	v32 =	vperm.xlane v29, v9;
	v33 =	vperm.xlane v31, v9  }
0xef: {  	vm10 =	vlt.f32 v35, v28  }
0xf0: {  	v58 =	vnsel vm10, $0xFF800000, v35;
	v29 =	vadd.f32 v29, v32;
	v31 =	vadd.f32 v31, v33  }
0xf1: {  	vm11 =	vlt.f32 v37, v28;
	v59 =	vmax.f32 v37, v58  }
0xf2: {  	v32 =	vsel vm11, v59, v58;
	v60 =	vperm.xlane v29, v10;
	v61 =	vperm.xlane v31, v10  }
0xf3: {  	vm12 =	vlt.f32 v27, v28;
	v27 =	vmax.f32 v32, v27  }
0xf4: {  	v27 =	vsel vm12, v27, v32;
	v29 =	vadd.f32 v29, v60;
	v31 =	vadd.f32 v31, v61  }
0xf5: {  	v32 =	vperm.xlane v27, v9  }
0xf6: {  	v62 =	vperm.xlane v29, v11;
	v63 =	vperm.xlane v31, v11  }
0xf7: {  	v27 =	vmax.f32 v27, v32  }
0xf8: {  	v32 =	vperm.xlane v27, v10;
	v29 =	vadd.f32 v29, v62;
	v31 =	vadd.f32 v31, v63;
	_ =	sdelay $0x1  }
0xf9: {  	v27 =	vmax.f32 v27, v32;
	v33 =	vperm.xlane v29, v4;
	v34 =	vperm.xlane v31, v4  }
0xfa: {  	v32 =	vperm.xlane v27, v11  }
0xfb: {  	v29 =	vadd.f32 v29, v33;
	v31 =	vadd.f32 v31, v34  }
0xfc: {  	v27 =	vmax.f32 v27, v32  }
0xfd: {  	v32 =	vperm.xlane v27, v4;
	v31 =	vadd.f32 v31, v29;
	_ =	sdelay $0x1  }
0xfe: {  	v27 =	vmax.f32 v27, v32;
	vm13 =	vge.f32 v31, $3.000000000e+00  }
0xff: {  	vm14 =	vge.f32 v29, $3.000000000e+00;
	v27 =	vsel vm13, v28, v27  }
0x100: {  	v27 =	vsel vm14, v30, v27  }
0x101: {  	vm15 =	vge.f32 v25, v27  }
0x102: {  	v28 =	vsel vm15, $0x3F800000, v6  }
0x103: {  	v29 =	vperm.xlane v28, v9;
	_ =	sdelay $0x1  }
0x104: {  	v28 =	vadd.f32 v28, v29;
	_ =	sdelay $0x1  }
0x105: {  	v29 =	vperm.xlane v28, v10;
	_ =	sdelay $0x1  }
0x106: {  	v28 =	vadd.f32 v28, v29;
	_ =	sdelay $0x1  }
0x107: {  	v29 =	vperm.xlane v28, v11;
	_ =	sdelay $0x1  }
0x108: {  	v28 =	vadd.f32 v28, v29;
	_ =	sdelay $0x1  }
0x109: {  	v29 =	vperm.xlane v28, v4;
	_ =	sdelay $0x1  }
0x10a: {  	v28 =	vadd.f32 v28, v29;
	_ =	sdelay $0x1  }
0x10b: {  	(v2sf) =	vpush v28, $0x0;
	_ =	sdelay $0xe  }
0x10c: {  	s0 =	spop (v2sf)  }
0x10d: {  	s28 =	scvt.f32.s32 s0;
	_ =	sdelay $0x1  }
0x10e: {  	p0 =	slt.s32 s28, $0x1  }
.Ltmp8:
0x10f: {  	_ = 	snop;
	(pc) =	sbr.rel @p0 .LBB2_15-.Ltmp8, $2  }
0x110: {  	_ =	sdelay $0x2  }
0x111: {  	s2 =	simm.s32 $0x0;
	s29 =	simm.s32 $0x0;
	v31 =	vimm.f32 $0.0e+00;
	v28 =	vimm.f32 $0.0e+00  }
.LBB2_16:
0x112: {  	v29 =	vmov s29  }
0x113: {  	v29 =	vperm.xlane v26, v29;
	_ =	sdelay $0x1  }
0x114: {  	(v2sf) =	vpush v29, $0x0;
	_ =	sdelay $0xe  }
0x115: {  	s0 =	spop (v2sf)  }
0x116: {  	s0 =	sshll.u32 s0, $0xD  }
0x117: {  	s5 =	sand.u32 $0x780, s2;
	s0 =	sshra.s32 s0, $0x2  }
0x118: {  	s6 =	sand.u32 $0x40, s2;
	s5 =	sadd.s32 s5, s0  }
0x119: {  	s5 =	sadd.s32 s6, s5  }
0x11a: {  	v32 =	vld [tilespmem:s5+$0x30]  }
0x11b: {  	v33 =	vld [tilespmem:s5+$0x0];
	_ =	sdelay $0x1  }
0x11c: {  	s22 =	simm.s32 $0x40;
	v34 =	vld [tilespmem:s5+$0x10]  }
0x11d: {  	s7 =	sand.u32 $0x780, s22;
	v29 =	vld [tilespmem:s5+$0x20]  }
0x11e: {  	s30 =	sand.u32 $0x40, s22;
	s31 =	sadd.s32 s7, s0  }
0x11f: {  	s5 =	sadd.s32 s30, s31;
	vm0 =	vge.f32 v32, v27;
	vm1 =	vge.f32 v33, v27  }
0x120: {  	v36 =	vimm.f32 $0.0e+00;
	v30 =	vld [tilespmem:s5+$0x30];
	v32 =	vnsel vm0, $0x0, v32;
	v35 =	vnsel vm1, $0x0, v33  }
0x121: {  	vm0 =	vge.f32 v34, v27;
	v33 =	vld [tilespmem:s5+$0x0];
	v32 =	vadd.f32 v32, v28;
	v31 =	vadd.f32 v35, v31  }
0x122: {  	s6 =	simm.s32 $0x80;
	v37 =	vnsel vm0, $0x0, v34;
	v34 =	vld [tilespmem:s5+$0x10];
	vm0 =	vge.f32 v29, v27;
	v35 =	vimm.f32 $0.0e+00  }
.LBB2_17:
0x123: {  	s7 =	sand.u32 $0x780, s6  }
0x124: {  	p1 =	sne.s32 s6, $0x7C0;
	v36 =	vadd.f32 v37, v36;
	v37 =	vnsel vm0, $0x0, v29;
	v29 =	vld [tilespmem:s5+$0x20];
	s5 =	smov.u32 s6;
	s6 =	sadd.s32 $0x40, s6  }
.Ltmp9:
0x125: {  	s5 =	sand.u32 $0x40, s5;
	s7 =	sadd.s32 s7, s0;
	v35 =	vadd.f32 v37, v35;
	(pc) =	sbr.rel @p1 .LBB2_17-.Ltmp9, $4  }
0x126: {  	s5 =	sadd.s32 s5, s7;
	vm0 =	vge.f32 v30, v27  }
0x127: {  	vm1 =	vge.f32 v33, v27;
	v37 =	vnsel vm0, $0x0, v30;
	v30 =	vld [tilespmem:s5+$0x30]  }
0x128: {  	v38 =	vnsel vm1, $0x0, v33;
	v33 =	vld [tilespmem:s5+$0x0];
	vm0 =	vge.f32 v34, v27;
	v32 =	vadd.f32 v37, v32  }
0x129: {  	v31 =	vadd.f32 v38, v31;
	v37 =	vnsel vm0, $0x0, v34;
	v34 =	vld [tilespmem:s5+$0x10];
	vm0 =	vge.f32 v29, v27  }
0x12a: {  	v38 =	vld [tilespmem:s5+$0x20];
	_ =	sdelay $0x1  }
0x12b: {  	v36 =	vadd.f32 v37, v36  }
0x12c: {  	v29 =	vnsel vm0, $0x0, v29;
	vm13 =	vge.f32 v30, v27;
	vm1 =	vge.f32 v33, v27  }
0x12d: {  	v29 =	vadd.f32 v29, v35;
	v30 =	vnsel vm13, $0x0, v30;
	v33 =	vnsel vm1, $0x0, v33  }
0x12e: {  	s29 =	sadd.s32 $0x1, s29;
	vm14 =	vge.f32 v34, v27;
	v30 =	vadd.f32 v30, v32;
	vm15 =	vge.f32 v38, v27  }
0x12f: {  	p1 =	sne.s32 s29, s28;
	v31 =	vadd.f32 v33, v31;
	v62 =	vnsel vm14, $0x0, v34;
	v63 =	vnsel vm15, $0x0, v38  }
.Ltmp10:
0x130: {  	v32 =	vadd.f32 v62, v36;
	v29 =	vadd.f32 v63, v29;
	(pc) =	sbr.rel @p1 .LBB2_16-.Ltmp10, $4  }
.Ltmp11:
0x131: {  	_ = 	snop;
	(pc) =	sbr.rel @!p1 .LBB2_19-.Ltmp11, $4  }
0x132: {  	v31 =	vadd.f32 v32, v31;
	v29 =	vadd.f32 v30, v29  }
0x133: {  	_ = 	snop  }
0x134: {  	v31 =	vadd.f32 v29, v31  }
0x135: {  	_ = 	snop  }
.LBB2_15:
0x136: {  	v31 =	vimm.f32 $0.0e+00  }
.LBB2_19:
0x137: {  	v28 =	vperm.xlane v31, v1;
	_ =	sdelay $0x1  }
0x138: {  	v28 =	vadd.f32 v28, v31;
	_ =	sdelay $0x1  }
0x139: {  	v29 =	vperm.xlane v28, v2;
	_ =	sdelay $0x1  }
0x13a: {  	v28 =	vadd.f32 v29, v28;
	_ =	sdelay $0x1  }
0x13b: {  	v29 =	vperm.xlane v28, v3;
	_ =	sdelay $0x1  }
0x13c: {  	v28 =	vadd.f32 v29, v28;
	_ =	sdelay $0x1  }
0x13d: {  	v29 =	vperm.xlane v28, v4;
	_ =	sdelay $0x1  }
0x13e: {  	v28 =	vadd.f32 v29, v28;
	_ =	sdelay $0x1  }
0x13f: {  	(erf) = vrcp.f32 v28;
	_ =	sdelay $0x7  }
0x140: {  	p1 =	seq.s32 s26, $0x0  }
0x141: {  	s0 =	simm.s32 @!p1 $0x3;
	v28 =	vpop (erf)  }
0x142: {  	_ =	swait.ge @!p1 [sflag:s0], $0x800  }
0x143: {  	[sflag:s0] =	ssyncset.done @!p1 $0x0  }
0x144: {  	[sflag:s0] =	ssyncadd.s32 @!p1 $0xFFFFF800  }
0x145: {  	_ =	swait.ge @!p1 [sflag:s0], $0x800  }
0x146: {  	[sflag:s0] =	ssyncset.done @!p1 $0x0  }
0x147: {  	[sflag:s0] =	ssyncadd.s32 @!p1 $0xFFFFF800  }
0x148: {  	_ =	swait.ge @!p1 [sflag:s0], $0x800  }
0x149: {  	[sflag:s0] =	ssyncset.done @!p1 $0x0  }
0x14a: {  	[sflag:s0] =	ssyncadd.s32 @!p1 $0xFFFFF800  }
0x14b: {  	_ =	swait.ge @!p1 [sflag:s0], $0x800  }
0x14c: {  	[sflag:s0] =	ssyncset.done @!p1 $0x0  }
0x14d: {  	[sflag:s0] =	ssyncadd.s32 @!p1 $0xFFFFF800  }
0x14e: {  	_ =	swait.ge @!p1 [sflag:s0], $0x800  }
0x14f: {  	[sflag:s0] =	ssyncset.done @!p1 $0x0  }
0x150: {  	[sflag:s0] =	ssyncadd.s32 @!p1 $0xFFFFF800  }
0x151: {  	_ =	swait.ge @!p1 [sflag:s0], $0x800  }
0x152: {  	[sflag:s0] =	ssyncset.done @!p1 $0x0  }
0x153: {  	[sflag:s0] =	ssyncadd.s32 @!p1 $0xFFFFF800  }
0x154: {  	_ =	swait.ge @!p1 [sflag:s0], $0x800  }
0x155: {  	[sflag:s0] =	ssyncset.done @!p1 $0x0  }
0x156: {  	[sflag:s0] =	ssyncadd.s32 @!p1 $0xFFFFF800  }
0x157: {  	_ =	swait.ge @!p1 [sflag:s0], $0x800  }
0x158: {  	[sflag:s0] =	ssyncset.done @!p1 $0x0  }
0x159: {  	[sflag:s0] =	ssyncadd.s32 @!p1 $0xFFFFF800  }
0x15a: {  	_ =	swait.ge @!p1 [sflag:s0], $0x800  }
0x15b: {  	[sflag:s0] =	ssyncset.done @!p1 $0x0  }
0x15c: {  	[sflag:s0] =	ssyncadd.s32 @!p1 $0xFFFFF800  }
0x15d: {  	_ =	swait.ge @!p1 [sflag:s0], $0x800  }
0x15e: {  	[sflag:s0] =	ssyncset.done @!p1 $0x0  }
0x15f: {  	[sflag:s0] =	ssyncadd.s32 @!p1 $0xFFFFF800  }
0x160: {  	_ =	swait.ge @!p1 [sflag:s0], $0x800  }
0x161: {  	[sflag:s0] =	ssyncset.done @!p1 $0x0  }
0x162: {  	[sflag:s0] =	ssyncadd.s32 @!p1 $0xFFFFF800  }
0x163: {  	_ =	swait.ge @!p1 [sflag:s0], $0x800  }
0x164: {  	[sflag:s0] =	ssyncset.done @!p1 $0x0  }
0x165: {  	[sflag:s0] =	ssyncadd.s32 @!p1 $0xFFFFF800  }
0x166: {  	_ =	swait.ge @!p1 [sflag:s0], $0x800  }
0x167: {  	[sflag:s0] =	ssyncset.done @!p1 $0x0  }
0x168: {  	[sflag:s0] =	ssyncadd.s32 @!p1 $0xFFFFF800  }
0x169: {  	_ =	swait.ge @!p1 [sflag:s0], $0x800  }
0x16a: {  	[sflag:s0] =	ssyncset.done @!p1 $0x0  }
0x16b: {  	[sflag:s0] =	ssyncadd.s32 @!p1 $0xFFFFF800  }
0x16c: {  	_ =	swait.ge @!p1 [sflag:s0], $0x800  }
.Ltmp12:
0x16d: {  	[sflag:s0] =	ssyncset.done @!p1 $0x0;
	(pc) =	sbr.rel @p0 .LBB2_23-.Ltmp12, $4  }
0x16e: {  	[sflag:s0] =	ssyncadd.s32 @!p1 $0xFFFFF800  }
0x16f: {  	_ =	swait.ge @!p1 [sflag:s0], $0x800  }
0x170: {  	[sflag:s0] =	ssyncset.done @!p1 $0x0  }
0x171: {  	s29 =	simm.s32 $0x0;
	s2 =	simm.s32 $0x0;
	[sflag:s0] =	ssyncadd.s32 @!p1 $0xFFFFF800  }
.LBB2_20:
0x172: {  	v29 =	vmov s2  }
0x173: {  	v29 =	vperm.xlane v26, v29;
	_ =	sdelay $0x1  }
0x174: {  	(v2sf) =	vpush v29, $0x0;
	_ =	sdelay $0xe  }
0x175: {  	s0 =	spop (v2sf)  }
0x176: {  	s5 =	sshll.u32 s0, $0xD  }
0x177: {  	s30 =	sshra.s32 s5, $0x2  }
0x178: {  	v29 =	vld [tilespmem:s30+$0x0];
	_ =	sdelay $0x4  }
0x179: {  	vm0 =	vge.f32 v29, v27  }
0x17a: {  	s0 =	sshll.u32 s0, $0xB;
	v29 =	vnsel vm0, $0x0, v29  }
0x17b: {  	s31 =	sadd.s32 $0x0, s0;
	v29 =	vmul.f32 v29, v28  }
0x17c: {  	s6 =	sand.u32 $0x40, s29;
	s7 =	sadd.s32 $0x10000, s30;
	s5 =	sand.u32 $0xFFFFFF80, s31  }
0x17d: {  	s6 =	sor.u32 s6, s5;
	[tilespmem:s7+$0x0] =	vst v29  }
0x17e: {  	v29 =	vld [tilespmem:s6+$0x30]  }
0x17f: {  	v30 =	vld [tilespmem:s6+$0x10]  }
0x180: {  	v31 =	vld [tilespmem:s6+$0x20];
	_ =	sdelay $0x2  }
0x181: {  	vm14 =	vge.f32 v29, v27  }
0x182: {  	vm1 =	vge.f32 v30, v27;
	v29 =	vnsel vm14, $0x0, v29  }
0x183: {  	vm15 =	vge.f32 v31, v27;
	v32 =	vnsel vm1, $0x0, v30;
	v30 =	vmul.f32 v29, v28  }
0x184: {  	s19 =	simm.s32 $0x40;
	v31 =	vnsel vm15, $0x0, v31;
	v29 =	vmul.f32 v32, v28  }
.LBB2_21:
0x185: {  	p0 =	sne.s32 s19, $0x7C0;
	v31 =	vmul.f32 v31, v28;
	[tilespmem:s6+$0x10030] =	vst v30;
	s7 =	sadd.s32 $0x40, s7;
	s30 =	sadd.s32 $0x40, s30  }
0x186: {  	s5 =	smov.u32 s19;
	s19 =	sadd.s32 $0x40, s19;
	[tilespmem:s6+$0x10010] =	vst v29  }
0x187: {  	[tilespmem:s6+$0x10020] =	vst v31  }
0x188: {  	v29 =	vld [tilespmem:s30+$0x0];
	_ =	sdelay $0x4  }
0x189: {  	vm0 =	vge.f32 v29, v27  }
0x18a: {  	v29 =	vnsel vm0, $0x0, v29  }
0x18b: {  	s6 =	sadd.s32 s5, s0;
	v29 =	vmul.f32 v29, v28  }
0x18c: {  	s5 =	sand.u32 $0x40, s5;
	s6 =	sand.u32 $0xFFFFFF80, s6  }
0x18d: {  	s6 =	sor.u32 s5, s6;
	[tilespmem:s7+$0x0] =	vst v29  }
0x18e: {  	v29 =	vld [tilespmem:s6+$0x30]  }
0x18f: {  	v30 =	vld [tilespmem:s6+$0x10]  }
0x190: {  	v31 =	vld [tilespmem:s6+$0x20];
	_ =	sdelay $0x1  }
.Ltmp13:
0x191: {  	(pc) =	sbr.rel @p0 .LBB2_21-.Ltmp13, $4  }
0x192: {  	vm0 =	vge.f32 v29, v27  }
0x193: {  	vm1 =	vge.f32 v30, v27;
	v29 =	vnsel vm0, $0x0, v29  }
0x194: {  	v32 =	vnsel vm1, $0x0, v30;
	vm0 =	vge.f32 v31, v27;
	v30 =	vmul.f32 v29, v28  }
0x195: {  	v29 =	vmul.f32 v32, v28;
	v31 =	vnsel vm0, $0x0, v31  }
0x196: {  	s2 =	sadd.s32 $0x1, s2  }
0x197: {  	p0 =	sne.s32 s2, s28  }
.Ltmp14:
0x198: {  	_ = 	snop;
	(pc) =	sbr.rel @p0 .LBB2_20-.Ltmp14, $4  }
0x199: {  	_ = 	snop  }
0x19a: {  	v31 =	vmul.f32 v31, v28;
	[tilespmem:s6+$0x10030] =	vst v30  }
0x19b: {  	[tilespmem:s6+$0x10010] =	vst v29  }
0x19c: {  	[tilespmem:s6+$0x10020] =	vst v31  }
.LBB2_23:
0x19d: {  	v26 =	vperm.xlane v25, v6  }
0x19e: {  	(v2sf) =	vpush v27, $0x0  }
0x19f: {  	(v2sf) =	vpush v26, $0x0;
	_ =	sdelay $0x5  }
0x1a0: {  	v26 =	vperm.xlane v25, v7;
	_ =	sdelay $0x1  }
0x1a1: {  	(v2sf) =	vpush v26, $0x0;
	_ =	sdelay $0x5  }
0x1a2: {  	s29 =	spop (v2sf)  }
0x1a3: {  	s0 =	spop (v2sf)  }
0x1a4: {  	s2 =	sshll.u32 s26, $0x1;
	v26 =	vperm.xlane v25, v8;
	p1 =	sge.f32 s0, s29  }
0x1a5: {  	s28 =	sadd.s32 s4, s2  }
0x1a6: {  	(v2sf) =	vpush v26, $0x0;
	p0 =	slt.f32 s0, s29;
	s2 =	sshll.u32 @p1 s26, $0x5;
	s5 =	sshll.u32 @p1 s28, $0xC  }
0x1a7: {  	s6 =	simm.s32 @p1 $0x400;
	s7 =	simm.s32 @p1 $0x10000;
	s2 =	sand.u32 @p1 $0x60, s2  }
0x1a8: {  	s0 =	sshll.u32 @p0 s26, $0x5;
	s5 =	sand.u32 @p1 $0x3F8000, s5;
	s2 =	sadd.s32 @p1 s3, s2  }
0x1a9: {  	s0 =	sand.u32 @p0 $0x60, s0;
	s2 =	sadd.s32 @p1 s5, s2;
	s5 =	simm.s32 @p1 $0x80  }
0x1aa: {  	[hbm4b:s2+s5] =	stream.strided.scatter @p1 [tilespmem:s7], [sflag:$0x3], $0x800, s6, s5, $0x38;
	[tilespmem:$0x18800] =	vst v63  }
0x1ab: {  	s22 =	spop (v2sf);
	s0 =	sadd.s32 @p0 s3, s0;
	s2 =	sshll.u32 @p0 s28, $0xC  }
0x1ac: {  	s6 =	simm.s32 @p0 $0x400;
	s7 =	simm.s32 @p0 $0x18000;
	s2 =	sand.u32 @p0 $0x3F8000, s2  }
0x1ad: {  	p1 =	sge.f32 s22, s29;
	s0 =	sadd.s32 @p0 s2, s0;
	s2 =	simm.s32 @p0 $0x80  }
0x1ae: {  	v26 =	vperm.xlane v25, v12;
	[hbm4b:s0+s2] =	stream.strided.scatter @p0 [tilespmem:s7], [sflag:$0x3], $0x800, s6, s2, $0x38;
	[tilespmem:$0x18800] =	vst v63  }
0x1af: {  	s0 =	sshll.u32 @p1 s28, $0xC;
	s2 =	sshll.u32 @p1 s26, $0x5  }
0x1b0: {  	(v2sf) =	vpush v26, $0x0;
	s0 =	sand.u32 @p1 $0x3F8000, s0;
	s2 =	sand.u32 @p1 $0x60, s2  }
0x1b1: {  	s6 =	simm.s32 @p1 $0x400;
	s7 =	simm.s32 @p1 $0x10800;
	s0 =	sor.u32 @p1 s0, s2  }
0x1b2: {  	p0 =	slt.f32 s22, s29;
	s2 =	simm.s32 @p1 $0x80;
	s0 =	sadd.s32 @p1 s0, s8  }
0x1b3: {  	[hbm4b:s0+s2] =	stream.strided.scatter @p1 [tilespmem:s7], [sflag:$0x3], $0x800, s6, s2, $0x38;
	[tilespmem:$0x18800] =	vst v63  }
0x1b4: {  	s0 =	sshll.u32 @p0 s28, $0xC;
	s2 =	sshll.u32 @p0 s26, $0x5  }
0x1b5: {  	s19 =	spop (v2sf);
	s0 =	sand.u32 @p0 $0x3F8000, s0;
	s2 =	sand.u32 @p0 $0x60, s2  }
0x1b6: {  	s6 =	simm.s32 @p0 $0x400;
	s7 =	simm.s32 @p0 $0x18000;
	s0 =	sor.u32 @p0 s0, s2  }
0x1b7: {  	p1 =	sge.f32 s19, s29;
	s2 =	simm.s32 @p0 $0x80;
	s0 =	sadd.s32 @p0 s0, s8  }
0x1b8: {  	v26 =	vperm.xlane v25, v13;
	[hbm4b:s0+s2] =	stream.strided.scatter @p0 [tilespmem:s7], [sflag:$0x3], $0x800, s6, s2, $0x38;
	[tilespmem:$0x18800] =	vst v63  }
0x1b9: {  	s0 =	sshll.u32 @p1 s28, $0xC;
	s2 =	sshll.u32 @p1 s26, $0x5  }
0x1ba: {  	(v2sf) =	vpush v26, $0x0;
	s0 =	sand.u32 @p1 $0x3F8000, s0;
	s2 =	sand.u32 @p1 $0x60, s2  }
0x1bb: {  	s6 =	simm.s32 @p1 $0x400;
	s7 =	simm.s32 @p1 $0x11000;
	s0 =	sor.u32 @p1 s0, s2  }
0x1bc: {  	p0 =	slt.f32 s19, s29;
	s2 =	simm.s32 @p1 $0x80;
	s0 =	sadd.s32 @p1 s0, s9  }
0x1bd: {  	[hbm4b:s0+s2] =	stream.strided.scatter @p1 [tilespmem:s7], [sflag:$0x3], $0x800, s6, s2, $0x38;
	[tilespmem:$0x18800] =	vst v63  }
0x1be: {  	s0 =	sshll.u32 @p0 s28, $0xC;
	s2 =	sshll.u32 @p0 s26, $0x5  }
0x1bf: {  	s22 =	spop (v2sf);
	s0 =	sand.u32 @p0 $0x3F8000, s0;
	s2 =	sand.u32 @p0 $0x60, s2  }
0x1c0: {  	s6 =	simm.s32 @p0 $0x400;
	s7 =	simm.s32 @p0 $0x18000;
	s0 =	sor.u32 @p0 s0, s2  }
0x1c1: {  	p1 =	sge.f32 s22, s29;
	s2 =	simm.s32 @p0 $0x80;
	s0 =	sadd.s32 @p0 s0, s9  }
0x1c2: {  	v26 =	vperm.xlane v25, v14;
	[hbm4b:s0+s2] =	stream.strided.scatter @p0 [tilespmem:s7], [sflag:$0x3], $0x800, s6, s2, $0x38;
	[tilespmem:$0x18800] =	vst v63  }
0x1c3: {  	s0 =	sshll.u32 @p1 s28, $0xC;
	s2 =	sshll.u32 @p1 s26, $0x5  }
0x1c4: {  	(v2sf) =	vpush v26, $0x0;
	s0 =	sand.u32 @p1 $0x3F8000, s0;
	s2 =	sand.u32 @p1 $0x60, s2  }
0x1c5: {  	s6 =	simm.s32 @p1 $0x400;
	s7 =	simm.s32 @p1 $0x11800;
	s0 =	sor.u32 @p1 s0, s2  }
0x1c6: {  	p0 =	slt.f32 s22, s29;
	s2 =	simm.s32 @p1 $0x80;
	s0 =	sadd.s32 @p1 s0, s10  }
0x1c7: {  	[hbm4b:s0+s2] =	stream.strided.scatter @p1 [tilespmem:s7], [sflag:$0x3], $0x800, s6, s2, $0x38;
	[tilespmem:$0x18800] =	vst v63  }
0x1c8: {  	s0 =	sshll.u32 @p0 s28, $0xC;
	s2 =	sshll.u32 @p0 s26, $0x5  }
0x1c9: {  	s19 =	spop (v2sf);
	s0 =	sand.u32 @p0 $0x3F8000, s0;
	s2 =	sand.u32 @p0 $0x60, s2  }
0x1ca: {  	s6 =	simm.s32 @p0 $0x400;
	s7 =	simm.s32 @p0 $0x18000;
	s0 =	sor.u32 @p0 s0, s2  }
0x1cb: {  	p1 =	sge.f32 s19, s29;
	s2 =	simm.s32 @p0 $0x80;
	s0 =	sadd.s32 @p0 s0, s10  }
0x1cc: {  	v26 =	vperm.xlane v25, v15;
	[hbm4b:s0+s2] =	stream.strided.scatter @p0 [tilespmem:s7], [sflag:$0x3], $0x800, s6, s2, $0x38;
	[tilespmem:$0x18800] =	vst v63  }
0x1cd: {  	s0 =	sshll.u32 @p1 s28, $0xC;
	s2 =	sshll.u32 @p1 s26, $0x5  }
0x1ce: {  	(v2sf) =	vpush v26, $0x0;
	s0 =	sand.u32 @p1 $0x3F8000, s0;
	s2 =	sand.u32 @p1 $0x60, s2  }
0x1cf: {  	s6 =	simm.s32 @p1 $0x400;
	s7 =	simm.s32 @p1 $0x12000;
	s0 =	sor.u32 @p1 s0, s2  }
0x1d0: {  	p0 =	slt.f32 s19, s29;
	s2 =	simm.s32 @p1 $0x80;
	s0 =	sadd.s32 @p1 s0, s11  }
0x1d1: {  	[hbm4b:s0+s2] =	stream.strided.scatter @p1 [tilespmem:s7], [sflag:$0x3], $0x800, s6, s2, $0x38;
	[tilespmem:$0x18800] =	vst v63  }
0x1d2: {  	s0 =	sshll.u32 @p0 s28, $0xC;
	s2 =	sshll.u32 @p0 s26, $0x5  }
0x1d3: {  	s22 =	spop (v2sf);
	s0 =	sand.u32 @p0 $0x3F8000, s0;
	s2 =	sand.u32 @p0 $0x60, s2  }
0x1d4: {  	s6 =	simm.s32 @p0 $0x400;
	s7 =	simm.s32 @p0 $0x18000;
	s0 =	sor.u32 @p0 s0, s2  }
0x1d5: {  	p1 =	sge.f32 s22, s29;
	s2 =	simm.s32 @p0 $0x80;
	s0 =	sadd.s32 @p0 s0, s11  }
0x1d6: {  	v26 =	vperm.xlane v25, v16;
	[hbm4b:s0+s2] =	stream.strided.scatter @p0 [tilespmem:s7], [sflag:$0x3], $0x800, s6, s2, $0x38;
	[tilespmem:$0x18800] =	vst v63  }
0x1d7: {  	s0 =	sshll.u32 @p1 s28, $0xC;
	s2 =	sshll.u32 @p1 s26, $0x5  }
0x1d8: {  	(v2sf) =	vpush v26, $0x0;
	s0 =	sand.u32 @p1 $0x3F8000, s0;
	s2 =	sand.u32 @p1 $0x60, s2  }
0x1d9: {  	s6 =	simm.s32 @p1 $0x400;
	s7 =	simm.s32 @p1 $0x12800;
	s0 =	sor.u32 @p1 s0, s2  }
0x1da: {  	p0 =	slt.f32 s22, s29;
	s2 =	simm.s32 @p1 $0x80;
	s0 =	sadd.s32 @p1 s0, s12  }
0x1db: {  	[hbm4b:s0+s2] =	stream.strided.scatter @p1 [tilespmem:s7], [sflag:$0x3], $0x800, s6, s2, $0x38;
	[tilespmem:$0x18800] =	vst v63  }
0x1dc: {  	s0 =	sshll.u32 @p0 s28, $0xC;
	s2 =	sshll.u32 @p0 s26, $0x5  }
0x1dd: {  	s19 =	spop (v2sf);
	s0 =	sand.u32 @p0 $0x3F8000, s0;
	s2 =	sand.u32 @p0 $0x60, s2  }
0x1de: {  	s6 =	simm.s32 @p0 $0x400;
	s7 =	simm.s32 @p0 $0x18000;
	s0 =	sor.u32 @p0 s0, s2  }
0x1df: {  	p1 =	sge.f32 s19, s29;
	s2 =	simm.s32 @p0 $0x80;
	s0 =	sadd.s32 @p0 s0, s12  }
0x1e0: {  	v26 =	vperm.xlane v25, v17;
	[hbm4b:s0+s2] =	stream.strided.scatter @p0 [tilespmem:s7], [sflag:$0x3], $0x800, s6, s2, $0x38;
	[tilespmem:$0x18800] =	vst v63  }
0x1e1: {  	s0 =	sshll.u32 @p1 s28, $0xC;
	s2 =	sshll.u32 @p1 s26, $0x5  }
0x1e2: {  	(v2sf) =	vpush v26, $0x0;
	s0 =	sand.u32 @p1 $0x3F8000, s0;
	s2 =	sand.u32 @p1 $0x60, s2  }
0x1e3: {  	s6 =	simm.s32 @p1 $0x400;
	s7 =	simm.s32 @p1 $0x13000;
	s0 =	sor.u32 @p1 s0, s2  }
0x1e4: {  	p0 =	slt.f32 s19, s29;
	s2 =	simm.s32 @p1 $0x80;
	s0 =	sadd.s32 @p1 s0, s13  }
0x1e5: {  	[hbm4b:s0+s2] =	stream.strided.scatter @p1 [tilespmem:s7], [sflag:$0x3], $0x800, s6, s2, $0x38;
	[tilespmem:$0x18800] =	vst v63  }
0x1e6: {  	s0 =	sshll.u32 @p0 s28, $0xC;
	s2 =	sshll.u32 @p0 s26, $0x5  }
0x1e7: {  	s22 =	spop (v2sf);
	s0 =	sand.u32 @p0 $0x3F8000, s0;
	s2 =	sand.u32 @p0 $0x60, s2  }
0x1e8: {  	s6 =	simm.s32 @p0 $0x400;
	s7 =	simm.s32 @p0 $0x18000;
	s0 =	sor.u32 @p0 s0, s2  }
0x1e9: {  	p1 =	sge.f32 s22, s29;
	s2 =	simm.s32 @p0 $0x80;
	s0 =	sadd.s32 @p0 s0, s13  }
0x1ea: {  	v26 =	vperm.xlane v25, v18;
	[hbm4b:s0+s2] =	stream.strided.scatter @p0 [tilespmem:s7], [sflag:$0x3], $0x800, s6, s2, $0x38;
	[tilespmem:$0x18800] =	vst v63  }
0x1eb: {  	s0 =	sshll.u32 @p1 s28, $0xC;
	s2 =	sshll.u32 @p1 s26, $0x5  }
0x1ec: {  	(v2sf) =	vpush v26, $0x0;
	s0 =	sand.u32 @p1 $0x3F8000, s0;
	s2 =	sand.u32 @p1 $0x60, s2  }
0x1ed: {  	s6 =	simm.s32 @p1 $0x400;
	s7 =	simm.s32 @p1 $0x13800;
	s0 =	sor.u32 @p1 s0, s2  }
0x1ee: {  	p0 =	slt.f32 s22, s29;
	s2 =	simm.s32 @p1 $0x80;
	s0 =	sadd.s32 @p1 s0, s14  }
0x1ef: {  	[hbm4b:s0+s2] =	stream.strided.scatter @p1 [tilespmem:s7], [sflag:$0x3], $0x800, s6, s2, $0x38;
	[tilespmem:$0x18800] =	vst v63  }
0x1f0: {  	s0 =	sshll.u32 @p0 s28, $0xC;
	s2 =	sshll.u32 @p0 s26, $0x5  }
0x1f1: {  	s19 =	spop (v2sf);
	s0 =	sand.u32 @p0 $0x3F8000, s0;
	s2 =	sand.u32 @p0 $0x60, s2  }
0x1f2: {  	s6 =	simm.s32 @p0 $0x400;
	s7 =	simm.s32 @p0 $0x18000;
	s0 =	sor.u32 @p0 s0, s2  }
0x1f3: {  	p1 =	sge.f32 s19, s29;
	s2 =	simm.s32 @p0 $0x80;
	s0 =	sadd.s32 @p0 s0, s14  }
0x1f4: {  	v26 =	vperm.xlane v25, v19;
	[hbm4b:s0+s2] =	stream.strided.scatter @p0 [tilespmem:s7], [sflag:$0x3], $0x800, s6, s2, $0x38;
	[tilespmem:$0x18800] =	vst v63  }
0x1f5: {  	s0 =	sshll.u32 @p1 s28, $0xC;
	s2 =	sshll.u32 @p1 s26, $0x5  }
0x1f6: {  	(v2sf) =	vpush v26, $0x0;
	s0 =	sand.u32 @p1 $0x3F8000, s0;
	s2 =	sand.u32 @p1 $0x60, s2  }
0x1f7: {  	s6 =	simm.s32 @p1 $0x400;
	s7 =	simm.s32 @p1 $0x14000;
	s0 =	sor.u32 @p1 s0, s2  }
0x1f8: {  	p0 =	slt.f32 s19, s29;
	s2 =	simm.s32 @p1 $0x80;
	s0 =	sadd.s32 @p1 s0, s15  }
0x1f9: {  	[hbm4b:s0+s2] =	stream.strided.scatter @p1 [tilespmem:s7], [sflag:$0x3], $0x800, s6, s2, $0x38;
	[tilespmem:$0x18800] =	vst v63  }
0x1fa: {  	s0 =	sshll.u32 @p0 s28, $0xC;
	s2 =	sshll.u32 @p0 s26, $0x5  }
0x1fb: {  	s22 =	spop (v2sf);
	s0 =	sand.u32 @p0 $0x3F8000, s0;
	s2 =	sand.u32 @p0 $0x60, s2  }
0x1fc: {  	s6 =	simm.s32 @p0 $0x400;
	s7 =	simm.s32 @p0 $0x18000;
	s0 =	sor.u32 @p0 s0, s2  }
0x1fd: {  	p1 =	sge.f32 s22, s29;
	s2 =	simm.s32 @p0 $0x80;
	s0 =	sadd.s32 @p0 s0, s15  }
0x1fe: {  	v26 =	vperm.xlane v25, v20;
	[hbm4b:s0+s2] =	stream.strided.scatter @p0 [tilespmem:s7], [sflag:$0x3], $0x800, s6, s2, $0x38;
	[tilespmem:$0x18800] =	vst v63  }
0x1ff: {  	s0 =	sshll.u32 @p1 s28, $0xC;
	s2 =	sshll.u32 @p1 s26, $0x5  }
0x200: {  	(v2sf) =	vpush v26, $0x0;
	s0 =	sand.u32 @p1 $0x3F8000, s0;
	s2 =	sand.u32 @p1 $0x60, s2  }
0x201: {  	s6 =	simm.s32 @p1 $0x400;
	s7 =	simm.s32 @p1 $0x14800;
	s0 =	sor.u32 @p1 s0, s2  }
0x202: {  	p0 =	slt.f32 s22, s29;
	s2 =	simm.s32 @p1 $0x80;
	s0 =	sadd.s32 @p1 s0, s16  }
0x203: {  	[hbm4b:s0+s2] =	stream.strided.scatter @p1 [tilespmem:s7], [sflag:$0x3], $0x800, s6, s2, $0x38;
	[tilespmem:$0x18800] =	vst v63  }
0x204: {  	s0 =	sshll.u32 @p0 s28, $0xC;
	s2 =	sshll.u32 @p0 s26, $0x5  }
0x205: {  	s19 =	spop (v2sf);
	s0 =	sand.u32 @p0 $0x3F8000, s0;
	s2 =	sand.u32 @p0 $0x60, s2  }
0x206: {  	s6 =	simm.s32 @p0 $0x400;
	s7 =	simm.s32 @p0 $0x18000;
	s0 =	sor.u32 @p0 s0, s2  }
0x207: {  	p1 =	sge.f32 s19, s29;
	s2 =	simm.s32 @p0 $0x80;
	s0 =	sadd.s32 @p0 s0, s16  }
0x208: {  	v26 =	vperm.xlane v25, v21;
	[hbm4b:s0+s2] =	stream.strided.scatter @p0 [tilespmem:s7], [sflag:$0x3], $0x800, s6, s2, $0x38;
	[tilespmem:$0x18800] =	vst v63  }
0x209: {  	s0 =	sshll.u32 @p1 s28, $0xC;
	s2 =	sshll.u32 @p1 s26, $0x5  }
0x20a: {  	(v2sf) =	vpush v26, $0x0;
	s0 =	sand.u32 @p1 $0x3F8000, s0;
	s2 =	sand.u32 @p1 $0x60, s2  }
0x20b: {  	s6 =	simm.s32 @p1 $0x400;
	s7 =	simm.s32 @p1 $0x15000;
	s0 =	sor.u32 @p1 s0, s2  }
0x20c: {  	p0 =	slt.f32 s19, s29;
	s2 =	simm.s32 @p1 $0x80;
	s0 =	sadd.s32 @p1 s0, s17  }
0x20d: {  	[hbm4b:s0+s2] =	stream.strided.scatter @p1 [tilespmem:s7], [sflag:$0x3], $0x800, s6, s2, $0x38;
	[tilespmem:$0x18800] =	vst v63  }
0x20e: {  	s0 =	sshll.u32 @p0 s28, $0xC;
	s2 =	sshll.u32 @p0 s26, $0x5  }
0x20f: {  	s22 =	spop (v2sf);
	s0 =	sand.u32 @p0 $0x3F8000, s0;
	s2 =	sand.u32 @p0 $0x60, s2  }
0x210: {  	s6 =	simm.s32 @p0 $0x400;
	s7 =	simm.s32 @p0 $0x18000;
	s0 =	sor.u32 @p0 s0, s2  }
0x211: {  	p1 =	sge.f32 s22, s29;
	s2 =	simm.s32 @p0 $0x80;
	s0 =	sadd.s32 @p0 s0, s17  }
0x212: {  	[hbm4b:s0+s2] =	stream.strided.scatter @p0 [tilespmem:s7], [sflag:$0x3], $0x800, s6, s2, $0x38;
	[tilespmem:$0x18800] =	vst v63  }
0x213: {  	s0 =	sshll.u32 @p1 s28, $0xC;
	s2 =	sshll.u32 @p1 s26, $0x5  }
0x214: {  	v26 =	vperm.xlane v25, v22;
	s0 =	sand.u32 @p1 $0x3F8000, s0;
	s2 =	sand.u32 @p1 $0x60, s2  }
0x215: {  	s6 =	simm.s32 @p1 $0x400;
	s7 =	simm.s32 @p1 $0x15800;
	s0 =	sor.u32 @p1 s0, s2  }
0x216: {  	(v2sf) =	vpush v26, $0x0;
	p0 =	slt.f32 s22, s29;
	s2 =	simm.s32 @p1 $0x80;
	s0 =	sadd.s32 @p1 s0, s18  }
0x217: {  	[hbm4b:s0+s2] =	stream.strided.scatter @p1 [tilespmem:s7], [sflag:$0x3], $0x800, s6, s2, $0x38;
	[tilespmem:$0x18800] =	vst v63  }
0x218: {  	s0 =	sshll.u32 @p0 s28, $0xC;
	s2 =	sshll.u32 @p0 s26, $0x5  }
0x219: {  	s19 =	spop (v2sf);
	s0 =	sand.u32 @p0 $0x3F8000, s0;
	s2 =	sand.u32 @p0 $0x60, s2  }
0x21a: {  	s6 =	simm.s32 @p0 $0x400;
	s7 =	simm.s32 @p0 $0x18000;
	s0 =	sor.u32 @p0 s0, s2  }
0x21b: {  	p1 =	sge.f32 s19, s29;
	s2 =	simm.s32 @p0 $0x80;
	s0 =	sadd.s32 @p0 s0, s18  }
0x21c: {  	[hbm4b:s0+s2] =	stream.strided.scatter @p0 [tilespmem:s7], [sflag:$0x3], $0x800, s6, s2, $0x38;
	[tilespmem:$0x18800] =	vst v63  }
0x21d: {  	s0 =	sshll.u32 @p1 s26, $0x5  }
0x21e: {  	s2 =	sshll.u32 @p1 s28, $0xC;
	s0 =	sand.u32 @p1 $0x60, s0  }
0x21f: {  	s0 =	sor.u32 @p1 s0, s2  }
0x220: {  	v26 =	vperm.xlane v25, v23;
	s6 =	simm.s32 @p1 $0x400;
	s7 =	simm.s32 @p1 $0x16000;
	s0 =	sor.u32 @p1 $0x6000, s0  }
0x221: {  	p0 =	slt.f32 s19, s29;
	s2 =	simm.s32 @p1 $0x80;
	s0 =	sadd.s32 @p1 s3, s0  }
0x222: {  	(v2sf) =	vpush v26, $0x0;
	[hbm4b:s0+s2] =	stream.strided.scatter @p1 [tilespmem:s7], [sflag:$0x3], $0x800, s6, s2, $0x38;
	[tilespmem:$0x18800] =	vst v63  }
0x223: {  	s0 =	sshll.u32 @p0 s26, $0x5  }
0x224: {  	s2 =	sshll.u32 @p0 s28, $0xC;
	s0 =	sand.u32 @p0 $0x60, s0  }
0x225: {  	s22 =	spop (v2sf);
	s0 =	sor.u32 @p0 s0, s2  }
0x226: {  	s6 =	simm.s32 @p0 $0x400;
	s7 =	simm.s32 @p0 $0x18000;
	s0 =	sor.u32 @p0 $0x6000, s0  }
0x227: {  	p1 =	sge.f32 s22, s29;
	s2 =	simm.s32 @p0 $0x80;
	s0 =	sadd.s32 @p0 s3, s0  }
0x228: {  	[hbm4b:s0+s2] =	stream.strided.scatter @p0 [tilespmem:s7], [sflag:$0x3], $0x800, s6, s2, $0x38;
	[tilespmem:$0x18800] =	vst v63  }
0x229: {  	s0 =	sshll.u32 @p1 s26, $0x5  }
0x22a: {  	s2 =	sshll.u32 @p1 s28, $0xC;
	s0 =	sand.u32 @p1 $0x60, s0  }
0x22b: {  	s0 =	sor.u32 @p1 s0, s2  }
0x22c: {  	v25 =	vperm.xlane v25, v24;
	s6 =	simm.s32 @p1 $0x400;
	s7 =	simm.s32 @p1 $0x16800;
	s0 =	sor.u32 @p1 $0x6800, s0  }
0x22d: {  	p0 =	slt.f32 s22, s29;
	s2 =	simm.s32 @p1 $0x80;
	s0 =	sadd.s32 @p1 s3, s0  }
0x22e: {  	(v2sf) =	vpush v25, $0x0;
	[hbm4b:s0+s2] =	stream.strided.scatter @p1 [tilespmem:s7], [sflag:$0x3], $0x800, s6, s2, $0x38;
	[tilespmem:$0x18800] =	vst v63  }
0x22f: {  	s0 =	sshll.u32 @p0 s26, $0x5  }
0x230: {  	s2 =	sshll.u32 @p0 s28, $0xC;
	s0 =	sand.u32 @p0 $0x60, s0  }
0x231: {  	s19 =	spop (v2sf);
	s0 =	sor.u32 @p0 s0, s2  }
0x232: {  	s5 =	simm.s32 @p0 $0x80;
	s6 =	simm.s32 @p0 $0x400;
	s0 =	sor.u32 @p0 $0x6800, s0  }
0x233: {  	s7 =	simm.s32 @p0 $0x18000;
	p1 =	sge.f32 s19, s29;
	s0 =	sadd.s32 @p0 s3, s0  }
0x234: {  	[hbm4b:s0+s5] =	stream.strided.scatter @p0 [tilespmem:s7], [sflag:$0x3], $0x800, s6, s5, $0x38;
	[tilespmem:$0x18800] =	vst v63  }
0x235: {  	s0 =	sshll.u32 @p1 s26, $0x5  }
0x236: {  	s5 =	sshll.u32 @p1 s28, $0xC;
	s0 =	sand.u32 @p1 $0x60, s0  }
0x237: {  	s0 =	sor.u32 @p1 s0, s5  }
0x238: {  	s6 =	simm.s32 @p1 $0x400;
	s7 =	simm.s32 @p1 $0x17000;
	s0 =	sor.u32 @p1 $0x7000, s0  }
0x239: {  	p0 =	slt.f32 s19, s29;
	s5 =	simm.s32 @p1 $0x80;
	s0 =	sadd.s32 @p1 s3, s0  }
0x23a: {  	[hbm4b:s0+s5] =	stream.strided.scatter @p1 [tilespmem:s7], [sflag:$0x3], $0x800, s6, s5, $0x38;
	[tilespmem:$0x18800] =	vst v63  }
0x23b: {  	s0 =	sshll.u32 @p0 s26, $0x5  }
0x23c: {  	s2 =	sshll.u32 @p0 s28, $0xC;
	s0 =	sand.u32 @p0 $0x60, s0  }
0x23d: {  	s22 =	spop (v2sf);
	s0 =	sor.u32 @p0 s0, s2  }
0x23e: {  	s6 =	simm.s32 @p0 $0x400;
	s7 =	simm.s32 @p0 $0x18000;
	s0 =	sor.u32 @p0 $0x7000, s0  }
0x23f: {  	p1 =	sge.f32 s22, s29;
	s2 =	simm.s32 @p0 $0x80;
	s0 =	sadd.s32 @p0 s3, s0  }
0x240: {  	[hbm4b:s0+s2] =	stream.strided.scatter @p0 [tilespmem:s7], [sflag:$0x3], $0x800, s6, s2, $0x38;
	[tilespmem:$0x18800] =	vst v63  }
0x241: {  	s0 =	sshll.u32 @p1 s26, $0x5  }
0x242: {  	s2 =	sshll.u32 @p1 s28, $0xC;
	s0 =	sand.u32 @p1 $0x60, s0  }
0x243: {  	s0 =	sor.u32 @p1 s0, s2  }
0x244: {  	s6 =	simm.s32 @p1 $0x400;
	s7 =	simm.s32 @p1 $0x17800;
	s0 =	sor.u32 @p1 $0x7800, s0  }
0x245: {  	p0 =	slt.f32 s22, s29;
	s2 =	simm.s32 @p1 $0x80;
	s0 =	sadd.s32 @p1 s3, s0  }
0x246: {  	[hbm4b:s0+s2] =	stream.strided.scatter @p1 [tilespmem:s7], [sflag:$0x3], $0x800, s6, s2, $0x38;
	[tilespmem:$0x18800] =	vst v63  }
0x247: {  	s0 =	sshll.u32 @p0 s26, $0x5  }
0x248: {  	s2 =	sshll.u32 @p0 s28, $0xC;
	s0 =	sand.u32 @p0 $0x60, s0  }
0x249: {  	s0 =	sor.u32 @p0 s0, s2  }
0x24a: {  	s5 =	simm.s32 @p0 $0x400;
	s0 =	sor.u32 @p0 $0x7800, s0  }
0x24b: {  	s6 =	simm.s32 @p0 $0x18000;
	s2 =	simm.s32 @p0 $0x80;
	s0 =	sadd.s32 @p0 s3, s0  }
0x24c: {  	[hbm4b:s0+s2] =	stream.strided.scatter @p0 [tilespmem:s6], [sflag:$0x3], $0x800, s5, s2, $0x38;
	[tilespmem:$0x18800] =	vst v63  }
0x24d: {  	s0 =	sadd.s32 $0x2, s28;
	p0 =	seq.s32 s26, $0xF  }
0x24e: {  	s2 =	sshll.u32 @!p0 s0, $0x4  }
0x24f: {  	s0 =	sshll.u32 @!p0 s0, $0xC;
	s2 =	sand.u32 @!p0 $0x60, s2  }
0x250: {  	s5 =	simm.s32 @!p0 $0x400;
	s0 =	sand.u32 @!p0 $0xFFF8000, s0;
	s2 =	sadd.s32 @!p0 s1, s2  }
0x251: {  	s6 =	simm.s32 @!p0 $0x0;
	s0 =	sadd.s32 @!p0 s0, s2;
	s2 =	simm.s32 @!p0 $0x80  }
0x252: {  	[tilespmem:s6], [sflag:$0x1] =	stream.strided.gather @!p0 [hbm4b:s0+s2], $0x8000, s5, s2, $0x38;
	[tilespmem:$0x18800] =	vst v63  }
0x253: {  	_ =	swait.ge [sflag:s24], $0x8000  }
0x254: {  	s30 =	simm.s32 $0x0;
	[sflag:s24] =	ssyncset.done $0x0  }
0x255: {  	s31 =	simm.s32 $0x8040;
	v26 =	vimm.f32 $-Inf;
	v25 =	vimm.f32 $-Inf;
	s29 =	sor.u32 $0x1, s28;
	[sflag:s24] =	ssyncadd.s32 $0xFFFF8000  }
.LBB2_24:
0x256: {  	v27 =	vmov s31;
	_ =	sdelay $0x3  }
0x257: {  	s5 =	simm.s32 $0x0  }
0x258: {  	v28 =	vld.idx.msk [tilespmem:v27+s5+$0x30 ss:$0x1], $0xffff  }
0x259: {  	v29 =	vld.idx.msk [tilespmem:v27+s5+$0xFFFFFFC0 ss:$0x1], $0xffff  }
0x25a: {  	v30 =	vld.idx.msk [tilespmem:v27+s5+$0xFFFFFFD0 ss:$0x1], $0xffff  }
0x25b: {  	v31 =	vld.idx.msk [tilespmem:v27+s5+$0xFFFFFFE0 ss:$0x1], $0xffff  }
0x25c: {  	v32 =	vld.idx.msk [tilespmem:v27+s5+$0xFFFFFFF0 ss:$0x1], $0xffff  }
0x25d: {  	v34 =	vimm.f32 $-Inf;
	v35 =	vimm.f32 $-Inf;
	v33 =	vld.idx.msk [tilespmem:v27+s5+$0x0 ss:$0x1], $0xffff  }
0x25e: {  	v36 =	vimm.f32 $-Inf;
	v38 =	vimm.f32 $-Inf;
	v39 =	vimm.f32 $-Inf;
	v37 =	vld.idx.msk [tilespmem:v27+s5+$0x10 ss:$0x1], $0xffff  }
0x25f: {  	s0 =	simm.s32 $0x80;
	s2 =	simm.s32 $0x400;
	v40 =	vimm.f32 $-Inf;
	v41 =	vld.idx.msk [tilespmem:v27+s5+$0x20 ss:$0x1], $0xffff;
	v28 =	vmax.f32 v26, v28;
	v29 =	vmax.f32 v26, v29  }
.LBB2_25:
0x260: {  	p1 =	sne.s32 s2, $0x1E00;
	v42 =	vld.idx.msk [tilespmem:v27+s0+$0x30 ss:$0x1], $0xffff;
	v34 =	vmax.f32 v34, v30  }
0x261: {  	v35 =	vmax.f32 v35, v31;
	v43 =	vld.idx.msk [tilespmem:v27+s0+$0xFFFFFFC0 ss:$0x1], $0xffff  }
0x262: {  	v36 =	vmax.f32 v36, v32;
	v30 =	vld.idx.msk [tilespmem:v27+s0+$0xFFFFFFD0 ss:$0x1], $0xffff  }
.Ltmp15:
0x263: {  	v38 =	vmax.f32 v38, v33;
	v31 =	vld.idx.msk [tilespmem:v27+s0+$0xFFFFFFE0 ss:$0x1], $0xffff;
	(pc) =	sbr.rel @p1 .LBB2_25-.Ltmp15, $4  }
0x264: {  	v39 =	vmax.f32 v39, v37;
	v32 =	vld.idx.msk [tilespmem:v27+s0+$0xFFFFFFF0 ss:$0x1], $0xffff  }
0x265: {  	v40 =	vmax.f32 v40, v41;
	v33 =	vld.idx.msk [tilespmem:v27+s0+$0x0 ss:$0x1], $0xffff  }
0x266: {  	v28 =	vmax.f32 v28, v42;
	v37 =	vld.idx.msk [tilespmem:v27+s0+$0x10 ss:$0x1], $0xffff  }
0x267: {  	v29 =	vmax.f32 v29, v43;
	v41 =	vld.idx.msk [tilespmem:v27+s0+$0x20 ss:$0x1], $0xffff;
	s0 =	sshra.s32 s2, $0x2;
	s2 =	sadd.s32 $0x200, s2  }
0x268: {  	_ =	sdelay $0x3  }
0x269: {  	v42 =	vld.idx.msk [tilespmem:v27+s0+$0x30 ss:$0x1], $0xffff  }
0x26a: {  	v43 =	vld.idx.msk [tilespmem:v27+s0+$0xFFFFFFC0 ss:$0x1], $0xffff  }
0x26b: {  	v44 =	vld.idx.msk [tilespmem:v27+s0+$0xFFFFFFD0 ss:$0x1], $0xffff  }
0x26c: {  	v45 =	vld.idx.msk [tilespmem:v27+s0+$0xFFFFFFE0 ss:$0x1], $0xffff  }
0x26d: {  	v46 =	vld.idx.msk [tilespmem:v27+s0+$0xFFFFFFF0 ss:$0x1], $0xffff  }
0x26e: {  	v47 =	vld.idx.msk [tilespmem:v27+s0+$0x0 ss:$0x1], $0xffff  }
0x26f: {  	v48 =	vld.idx.msk [tilespmem:v27+s0+$0x10 ss:$0x1], $0xffff  }
0x270: {  	v27 =	vld.idx.msk [tilespmem:v27+s0+$0x20 ss:$0x1], $0xffff  }
0x271: {  	v30 =	vmax.f32 v34, v30;
	v31 =	vmax.f32 v35, v31;
	v32 =	vmax.f32 v36, v32  }
0x272: {  	v33 =	vmax.f32 v38, v33;
	v58 =	vmax.f32 v39, v37;
	v59 =	vmax.f32 v40, v41  }
0x273: {  	v28 =	vmax.f32 v28, v42;
	v29 =	vmax.f32 v29, v43;
	v30 =	vmax.f32 v30, v44  }
0x274: {  	v31 =	vmax.f32 v31, v45;
	v32 =	vmax.f32 v32, v46;
	v33 =	vmax.f32 v33, v47  }
0x275: {  	v34 =	vmax.f32 v58, v48;
	v27 =	vmax.f32 v59, v27;
	v29 =	vmax.f32 v29, v30  }
0x276: {  	v60 =	vmax.f32 v31, v32;
	v61 =	vmax.f32 v33, v34;
	v27 =	vmax.f32 v27, v28  }
0x277: {  	v62 =	vmax.f32 v29, v60;
	v27 =	vmax.f32 v61, v27  }
0x278: {  	v27 =	vmax.f32 v62, v27  }
0x279: {  	v28 =	vperm.xlane v27, v1;
	_ =	sdelay $0x1  }
0x27a: {  	v27 =	vmax.f32 v27, v28  }
0x27b: {  	v28 =	vperm.xlane v27, v2;
	_ =	sdelay $0x1  }
0x27c: {  	v27 =	vmax.f32 v27, v28  }
0x27d: {  	v63 =	vmov s30;
	s30 =	sadd.s32 $0x1, s30;
	v28 =	vperm.xlane v27, v3  }
0x27e: {  	p1 =	sne.s32 s30, $0x10  }
.Ltmp16:
0x27f: {  	v27 =	vmax.f32 v27, v28;
	(pc) =	sbr.rel @p1 .LBB2_24-.Ltmp16, $3  }
0x280: {  	v28 =	vperm.xlane v27, v4;
	_ =	sdelay $0x1  }
0x281: {  	vm0 =	veq.s32 v63, v5;
	v27 =	vmax.f32 v27, v28  }
0x282: {  	s31 =	sadd.s32 $0x800, s31;
	v25 =	vsel vm0, v27, v25  }
0x283: {  	(xrf1) =	vsort.dscd.msk.f32 $0xffff, v25, v5;
	_ =	sdelay $0xd  }
0x284: {  	_, v26, _ =	vpop (xrf1)  }
0x285: {  	v27 =	vperm.xlane v26, v6;
	_ =	sdelay $0x1  }
0x286: {  	(v2sf) =	vpush v27, $0x0;
	_ =	sdelay $0xe  }
0x287: {  	s0 =	spop (v2sf)  }
0x288: {  	s0 =	sshll.u32 s0, $0xD  }
0x289: {  	s2 =	simm.s32 $0x0;
	s0 =	sshra.s32 s0, $0x2  }
0x28a: {  	s5 =	sand.u32 $0x780, s2;
	s0 =	sadd.s32 $0x8000, s0  }
0x28b: {  	s2 =	sand.u32 $0x60, s2;
	s5 =	sadd.s32 s5, s0  }
0x28c: {  	s2 =	sadd.s32 s2, s5  }
0x28d: {  	v32 =	vld [tilespmem:s2+$0x10]  }
0x28e: {  	v27 =	vld [tilespmem:s2+$0x0];
	_ =	sdelay $0x1  }
0x28f: {  	s30 =	simm.s32 $0x20  }
0x290: {  	s31 =	sand.u32 $0x780, s30  }
0x291: {  	v29 =	vimm.f32 $-Inf;
	s5 =	sadd.s32 s31, s0;
	s2 =	sand.u32 $0x60, s30  }
0x292: {  	s5 =	sadd.s32 s2, s5;
	v33 =	vmin.f32 v29, v32;
	v30 =	vmax.f32 v29, v27;
	v27 =	vmin.f32 v29, v27  }
0x293: {  	v28 =	vld [tilespmem:s5+$0x10];
	v34 =	vmin.f32 v29, v33;
	v31 =	vmax.f32 v29, v27;
	v27 =	vmin.f32 v29, v27  }
0x294: {  	v37 =	vimm.f32 $-Inf;
	s2 =	simm.s32 $0x40;
	v36 =	vld [tilespmem:s5+$0x0];
	v34 =	vmax.f32 v29, v34;
	v35 =	vmax.f32 v29, v27  }
.LBB2_28:
0x295: {  	s5 =	sand.u32 $0x780, s2  }
0x296: {  	p1 =	sne.s32 s2, $0x7E0;
	s6 =	smov.u32 s2;
	s2 =	sadd.s32 $0x20, s2  }
.Ltmp17:
0x297: {  	v29 =	vmax.f32 v29, v32;
	s6 =	sand.u32 $0x60, s6;
	s5 =	sadd.s32 s5, s0;
	(pc) =	sbr.rel @p1 .LBB2_28-.Ltmp17, $4  }
0x298: {  	v37 =	vmax.f32 v37, v33;
	s5 =	sadd.s32 s6, s5;
	v33 =	vmin.f32 v29, v28;
	v32 =	vmov v28  }
0x299: {  	v28 =	vld [tilespmem:s5+$0x10];
	v27 =	vmin.f32 v30, v36;
	v30 =	vmax.f32 v30, v36;
	v38 =	vmin.f32 v37, v33  }
0x29a: {  	v36 =	vld [tilespmem:s5+$0x0];
	v39 =	vmin.f32 v31, v27;
	v31 =	vmax.f32 v31, v27;
	v34 =	vmax.f32 v34, v38  }
0x29b: {  	v35 =	vmax.f32 v35, v39  }
0x29c: {  	v27 =	vperm.xlane v26, v7;
	_ =	sdelay $0x1  }
0x29d: {  	(v2sf) =	vpush v27, $0x0;
	_ =	sdelay $0xe  }
0x29e: {  	s0 =	spop (v2sf)  }
0x29f: {  	s0 =	sshll.u32 s0, $0xD  }
0x2a0: {  	s2 =	simm.s32 $0x0;
	s0 =	sshra.s32 s0, $0x2  }
0x2a1: {  	s5 =	sand.u32 $0x780, s2;
	s0 =	sadd.s32 $0x8000, s0  }
0x2a2: {  	s2 =	sand.u32 $0x60, s2;
	s5 =	sadd.s32 s5, s0  }
0x2a3: {  	s2 =	sadd.s32 s2, s5  }
0x2a4: {  	v27 =	vld [tilespmem:s2+$0x10]  }
0x2a5: {  	v38 =	vld [tilespmem:s2+$0x0]  }
0x2a6: {  	v29 =	vmax.f32 v29, v32;
	v33 =	vmax.f32 v37, v33  }
0x2a7: {  	s30 =	simm.s32 $0x20;
	v32 =	vmin.f32 v29, v28;
	v60 =	vmax.f32 v30, v36;
	v30 =	vmin.f32 v30, v36  }
0x2a8: {  	s31 =	sand.u32 $0x780, s30;
	v61 =	vmin.f32 v33, v32;
	v39 =	vmax.f32 v31, v30;
	v30 =	vmin.f32 v31, v30  }
0x2a9: {  	v29 =	vmax.f32 v29, v28;
	v31 =	vmax.f32 v34, v61;
	v35 =	vmax.f32 v35, v30;
	s5 =	sadd.s32 s31, s0;
	s2 =	sand.u32 $0x60, s30  }
0x2aa: {  	v30 =	vmax.f32 v33, v32;
	s5 =	sadd.s32 s2, s5;
	v32 =	vmin.f32 v29, v27;
	v62 =	vmin.f32 v60, v38  }
0x2ab: {  	v28 =	vld [tilespmem:s5+$0x10];
	v33 =	vmax.f32 v60, v38;
	v63 =	vmin.f32 v30, v32;
	v40 =	vmin.f32 v39, v62  }
0x2ac: {  	s2 =	simm.s32 $0x40;
	v37 =	vld [tilespmem:s5+$0x0];
	v36 =	vmax.f32 v39, v62;
	v34 =	vmax.f32 v31, v63;
	v35 =	vmax.f32 v35, v40  }
.LBB2_30:
0x2ad: {  	s5 =	sand.u32 $0x780, s2  }
0x2ae: {  	p1 =	sne.s32 s2, $0x7E0;
	s6 =	smov.u32 s2;
	s2 =	sadd.s32 $0x20, s2  }
.Ltmp18:
0x2af: {  	v29 =	vmax.f32 v29, v27;
	s6 =	sand.u32 $0x60, s6;
	s5 =	sadd.s32 s5, s0;
	(pc) =	sbr.rel @p1 .LBB2_30-.Ltmp18, $4  }
0x2b0: {  	v30 =	vmax.f32 v30, v32;
	s5 =	sadd.s32 s6, s5;
	v32 =	vmin.f32 v29, v28;
	v27 =	vmov v28  }
0x2b1: {  	v28 =	vld [tilespmem:s5+$0x10];
	v31 =	vmin.f32 v33, v37;
	v33 =	vmax.f32 v33, v37;
	v38 =	vmin.f32 v30, v32  }
0x2b2: {  	v37 =	vld [tilespmem:s5+$0x0];
	v39 =	vmin.f32 v36, v31;
	v36 =	vmax.f32 v36, v31;
	v34 =	vmax.f32 v34, v38  }
0x2b3: {  	v35 =	vmax.f32 v35, v39  }
0x2b4: {  	v31 =	vperm.xlane v26, v8;
	_ =	sdelay $0x1  }
0x2b5: {  	(v2sf) =	vpush v31, $0x0;
	_ =	sdelay $0xe  }
0x2b6: {  	s0 =	spop (v2sf)  }
0x2b7: {  	s0 =	sshll.u32 s0, $0xD  }
0x2b8: {  	s2 =	simm.s32 $0x0;
	s0 =	sshra.s32 s0, $0x2  }
0x2b9: {  	s5 =	sand.u32 $0x780, s2;
	s0 =	sadd.s32 $0x8000, s0  }
0x2ba: {  	s2 =	sand.u32 $0x60, s2;
	s5 =	sadd.s32 s5, s0  }
0x2bb: {  	s2 =	sadd.s32 s2, s5  }
0x2bc: {  	v31 =	vld [tilespmem:s2+$0x10]  }
0x2bd: {  	v27 =	vmax.f32 v29, v27;
	v29 =	vld [tilespmem:s2+$0x0]  }
0x2be: {  	v32 =	vmax.f32 v30, v32  }
0x2bf: {  	s30 =	simm.s32 $0x20;
	v38 =	vmin.f32 v27, v28;
	v39 =	vmax.f32 v33, v37;
	v30 =	vmin.f32 v33, v37  }
0x2c0: {  	s31 =	sand.u32 $0x780, s30;
	v61 =	vmin.f32 v32, v38;
	v37 =	vmax.f32 v36, v30;
	v30 =	vmin.f32 v36, v30  }
0x2c1: {  	v33 =	vmax.f32 v32, v38;
	v40 =	vmax.f32 v35, v30;
	v30 =	vmax.f32 v27, v28;
	s5 =	sadd.s32 s31, s0;
	s2 =	sand.u32 $0x60, s30  }
0x2c2: {  	v62 =	vmax.f32 v34, v61;
	s5 =	sadd.s32 s2, s5;
	v34 =	vmin.f32 v30, v31;
	v27 =	vmin.f32 v39, v29  }
0x2c3: {  	v35 =	vld [tilespmem:s5+$0x10];
	v28 =	vmax.f32 v39, v29;
	v38 =	vmin.f32 v33, v34;
	v63 =	vmin.f32 v37, v27  }
0x2c4: {  	s2 =	simm.s32 $0x40;
	v32 =	vld [tilespmem:s5+$0x0];
	v29 =	vmax.f32 v37, v27;
	v36 =	vmax.f32 v62, v38;
	v27 =	vmax.f32 v40, v63  }
.LBB2_32:
0x2c5: {  	s5 =	sand.u32 $0x780, s2  }
0x2c6: {  	p1 =	sne.s32 s2, $0x7E0;
	s6 =	smov.u32 s2;
	s2 =	sadd.s32 $0x20, s2  }
.Ltmp19:
0x2c7: {  	v30 =	vmax.f32 v30, v31;
	s6 =	sand.u32 $0x60, s6;
	s5 =	sadd.s32 s5, s0;
	(pc) =	sbr.rel @p1 .LBB2_32-.Ltmp19, $4  }
0x2c8: {  	v33 =	vmax.f32 v33, v34;
	s5 =	sadd.s32 s6, s5;
	v34 =	vmin.f32 v30, v35;
	v31 =	vmov v35  }
0x2c9: {  	v35 =	vld [tilespmem:s5+$0x10];
	v37 =	vmin.f32 v28, v32;
	v28 =	vmax.f32 v28, v32;
	v38 =	vmin.f32 v33, v34  }
0x2ca: {  	v32 =	vld [tilespmem:s5+$0x0];
	v39 =	vmin.f32 v29, v37;
	v29 =	vmax.f32 v29, v37;
	v36 =	vmax.f32 v36, v38  }
0x2cb: {  	v27 =	vmax.f32 v27, v39  }
0x2cc: {  	_ =	sdelay $0x1  }
0x2cd: {  	v30 =	vmax.f32 v30, v31;
	v33 =	vmax.f32 v33, v34  }
0x2ce: {  	v31 =	vmin.f32 v30, v35;
	v30 =	vmax.f32 v30, v35;
	v46 =	vmax.f32 v28, v32  }
0x2cf: {  	v47 =	vmin.f32 v33, v31;
	v31 =	vmax.f32 v33, v31;
	v48 =	vmax.f32 v46, v30  }
0x2d0: {  	v35 =	vmax.f32 v36, v47;
	v49 =	vmax.f32 v48, v31  }
0x2d1: {  	v37 =	vmax.f32 v49, v35  }
0x2d2: {  	v38 =	vperm.xlane v37, v9;
	_ =	sdelay $0x1  }
0x2d3: {  	v38 =	vmax.f32 v37, v38  }
0x2d4: {  	v39 =	vperm.xlane v38, v10;
	_ =	sdelay $0x1  }
0x2d5: {  	v38 =	vmax.f32 v38, v39  }
0x2d6: {  	v28 =	vmin.f32 v28, v32;
	v50 =	vperm.xlane v38, v11  }
0x2d7: {  	v51 =	vmax.f32 v29, v28  }
0x2d8: {  	v28 =	vmin.f32 v29, v28;
	v29 =	vmin.f32 v46, v30;
	v30 =	vmax.f32 v38, v50  }
0x2d9: {  	v52 =	vmax.f32 v51, v29;
	v31 =	vmin.f32 v48, v31;
	v53 =	vperm.xlane v30, v4  }
0x2da: {  	v27 =	vmax.f32 v27, v28;
	v28 =	vmax.f32 v52, v31;
	v54 =	vmin.f32 v49, v35  }
0x2db: {  	v29 =	vmin.f32 v51, v29;
	v35 =	vmax.f32 v28, v54;
	v30 =	vmax.f32 v30, v53  }
0x2dc: {  	v27 =	vmax.f32 v27, v29;
	v29 =	vmin.f32 v52, v31;
	vm0 =	vlt.f32 v35, v30  }
0x2dd: {  	v27 =	vmax.f32 v27, v29;
	v29 =	vnsel vm0, $0xFF800000, v35  }
0x2de: {  	v28 =	vmin.f32 v28, v54;
	vm15 =	vlt.f32 v37, v30;
	v31 =	vmax.f32 v37, v29  }
0x2df: {  	v27 =	vmax.f32 v27, v28;
	v28 =	vsel vm15, v31, v29  }
0x2e0: {  	vm4 =	vlt.f32 v27, v30;
	v29 =	vmax.f32 v28, v27  }
0x2e1: {  	v28 =	vsel vm4, v29, v28  }
0x2e2: {  	v29 =	vperm.xlane v28, v9;
	_ =	sdelay $0x1  }
0x2e3: {  	v28 =	vmax.f32 v28, v29  }
0x2e4: {  	v29 =	vperm.xlane v28, v10;
	_ =	sdelay $0x1  }
0x2e5: {  	v28 =	vmax.f32 v28, v29  }
0x2e6: {  	v29 =	vperm.xlane v28, v11;
	_ =	sdelay $0x1  }
0x2e7: {  	v28 =	vmax.f32 v28, v29  }
0x2e8: {  	v29 =	vperm.xlane v28, v4  }
0x2e9: {  	vm5 =	veq.f32 v37, v30  }
0x2ea: {  	vm6 =	veq.f32 v35, v30;
	v31 =	vsel vm5, $0x3F800000, v6;
	v28 =	vmax.f32 v28, v29  }
0x2eb: {  	v29 =	vsel vm6, $0x3F800000, v6;
	vm7 =	veq.f32 v37, v28;
	vm1 =	veq.f32 v35, v28  }
0x2ec: {  	v29 =	vadd.f32 v29, v31;
	v31 =	vsel vm7, $0x3F800000, v6;
	v55 =	vsel vm1, $0x3F800000, v6  }
0x2ed: {  	vm8 =	veq.f32 v27, v30;
	vm9 =	veq.f32 v27, v28;
	v31 =	vadd.f32 v55, v31  }
0x2ee: {  	v56 =	vsel vm8, $0x3F800000, v6;
	v57 =	vsel vm9, $0x3F800000, v6  }
0x2ef: {  	v29 =	vadd.f32 v56, v29;
	v31 =	vadd.f32 v57, v31;
	_ =	sdelay $0x1  }
0x2f0: {  	v32 =	vperm.xlane v29, v9;
	v33 =	vperm.xlane v31, v9  }
0x2f1: {  	vm10 =	vlt.f32 v35, v28  }
0x2f2: {  	v58 =	vnsel vm10, $0xFF800000, v35;
	v29 =	vadd.f32 v29, v32;
	v31 =	vadd.f32 v31, v33  }
0x2f3: {  	vm11 =	vlt.f32 v37, v28;
	v59 =	vmax.f32 v37, v58  }
0x2f4: {  	v32 =	vsel vm11, v59, v58;
	v60 =	vperm.xlane v29, v10;
	v61 =	vperm.xlane v31, v10  }
0x2f5: {  	vm12 =	vlt.f32 v27, v28;
	v27 =	vmax.f32 v32, v27  }
0x2f6: {  	v27 =	vsel vm12, v27, v32;
	v29 =	vadd.f32 v29, v60;
	v31 =	vadd.f32 v31, v61  }
0x2f7: {  	v32 =	vperm.xlane v27, v9  }
0x2f8: {  	v62 =	vperm.xlane v29, v11;
	v63 =	vperm.xlane v31, v11  }
0x2f9: {  	v27 =	vmax.f32 v27, v32  }
0x2fa: {  	v32 =	vperm.xlane v27, v10;
	v29 =	vadd.f32 v29, v62;
	v31 =	vadd.f32 v31, v63;
	_ =	sdelay $0x1  }
0x2fb: {  	v27 =	vmax.f32 v27, v32;
	v33 =	vperm.xlane v29, v4;
	v34 =	vperm.xlane v31, v4  }
0x2fc: {  	v32 =	vperm.xlane v27, v11  }
0x2fd: {  	v29 =	vadd.f32 v29, v33;
	v31 =	vadd.f32 v31, v34  }
0x2fe: {  	v27 =	vmax.f32 v27, v32  }
0x2ff: {  	v32 =	vperm.xlane v27, v4;
	v31 =	vadd.f32 v31, v29;
	_ =	sdelay $0x1  }
0x300: {  	v27 =	vmax.f32 v27, v32;
	vm13 =	vge.f32 v31, $3.000000000e+00  }
0x301: {  	vm14 =	vge.f32 v29, $3.000000000e+00;
	v27 =	vsel vm13, v28, v27  }
0x302: {  	v27 =	vsel vm14, v30, v27  }
0x303: {  	vm15 =	vge.f32 v25, v27  }
0x304: {  	v28 =	vsel vm15, $0x3F800000, v6  }
0x305: {  	v29 =	vperm.xlane v28, v9;
	_ =	sdelay $0x1  }
0x306: {  	v28 =	vadd.f32 v28, v29;
	_ =	sdelay $0x1  }
0x307: {  	v29 =	vperm.xlane v28, v10;
	_ =	sdelay $0x1  }
0x308: {  	v28 =	vadd.f32 v28, v29;
	_ =	sdelay $0x1  }
0x309: {  	v29 =	vperm.xlane v28, v11;
	_ =	sdelay $0x1  }
0x30a: {  	v28 =	vadd.f32 v28, v29;
	_ =	sdelay $0x1  }
0x30b: {  	v29 =	vperm.xlane v28, v4;
	_ =	sdelay $0x1  }
0x30c: {  	v28 =	vadd.f32 v28, v29;
	_ =	sdelay $0x1  }
0x30d: {  	(v2sf) =	vpush v28, $0x0;
	_ =	sdelay $0xe  }
0x30e: {  	s0 =	spop (v2sf)  }
0x30f: {  	s30 =	scvt.f32.s32 s0;
	_ =	sdelay $0x1  }
0x310: {  	p1 =	slt.s32 s30, $0x1  }
.Ltmp20:
0x311: {  	_ = 	snop;
	(pc) =	sbr.rel @p1 .LBB2_34-.Ltmp20, $2  }
0x312: {  	_ =	sdelay $0x2  }
0x313: {  	s31 =	simm.s32 $0x0;
	s2 =	simm.s32 $0x0;
	v31 =	vimm.f32 $0.0e+00;
	v28 =	vimm.f32 $0.0e+00  }
.LBB2_35:
0x314: {  	v29 =	vmov s2  }
0x315: {  	v29 =	vperm.xlane v26, v29;
	_ =	sdelay $0x1  }
0x316: {  	(v2sf) =	vpush v29, $0x0;
	_ =	sdelay $0xe  }
0x317: {  	s0 =	spop (v2sf)  }
0x318: {  	s0 =	sshll.u32 s0, $0xD  }
0x319: {  	s0 =	sshra.s32 s0, $0x2  }
0x31a: {  	s5 =	sand.u32 $0x780, s31;
	s0 =	sadd.s32 $0x8000, s0  }
0x31b: {  	s6 =	sand.u32 $0x40, s31;
	s5 =	sadd.s32 s5, s0  }
0x31c: {  	s5 =	sadd.s32 s6, s5  }
0x31d: {  	v32 =	vld [tilespmem:s5+$0x30]  }
0x31e: {  	v33 =	vld [tilespmem:s5+$0x0];
	_ =	sdelay $0x1  }
0x31f: {  	s22 =	simm.s32 $0x40;
	v34 =	vld [tilespmem:s5+$0x10]  }
0x320: {  	s7 =	sand.u32 $0x780, s22;
	v29 =	vld [tilespmem:s5+$0x20]  }
0x321: {  	s19 =	sand.u32 $0x40, s22;
	s22 =	sadd.s32 s7, s0  }
0x322: {  	s5 =	sadd.s32 s19, s22;
	vm0 =	vge.f32 v32, v27;
	vm1 =	vge.f32 v33, v27  }
0x323: {  	v36 =	vimm.f32 $0.0e+00;
	v30 =	vld [tilespmem:s5+$0x30];
	v32 =	vnsel vm0, $0x0, v32;
	v35 =	vnsel vm1, $0x0, v33  }
0x324: {  	vm0 =	vge.f32 v34, v27;
	v33 =	vld [tilespmem:s5+$0x0];
	v32 =	vadd.f32 v32, v28;
	v31 =	vadd.f32 v35, v31  }
0x325: {  	s6 =	simm.s32 $0x80;
	v37 =	vnsel vm0, $0x0, v34;
	v34 =	vld [tilespmem:s5+$0x10];
	vm0 =	vge.f32 v29, v27;
	v35 =	vimm.f32 $0.0e+00  }
.LBB2_36:
0x326: {  	s7 =	sand.u32 $0x780, s6  }
0x327: {  	p2 =	sne.s32 s6, $0x7C0;
	v36 =	vadd.f32 v37, v36;
	v37 =	vnsel vm0, $0x0, v29;
	v29 =	vld [tilespmem:s5+$0x20];
	s5 =	smov.u32 s6;
	s6 =	sadd.s32 $0x40, s6  }
.Ltmp21:
0x328: {  	s5 =	sand.u32 $0x40, s5;
	s7 =	sadd.s32 s7, s0;
	v35 =	vadd.f32 v37, v35;
	(pc) =	sbr.rel @p2 .LBB2_36-.Ltmp21, $4  }
0x329: {  	s5 =	sadd.s32 s5, s7;
	vm0 =	vge.f32 v30, v27  }
0x32a: {  	vm1 =	vge.f32 v33, v27;
	v37 =	vnsel vm0, $0x0, v30;
	v30 =	vld [tilespmem:s5+$0x30]  }
0x32b: {  	v38 =	vnsel vm1, $0x0, v33;
	v33 =	vld [tilespmem:s5+$0x0];
	vm0 =	vge.f32 v34, v27;
	v32 =	vadd.f32 v37, v32  }
0x32c: {  	v31 =	vadd.f32 v38, v31;
	v37 =	vnsel vm0, $0x0, v34;
	v34 =	vld [tilespmem:s5+$0x10];
	vm0 =	vge.f32 v29, v27  }
0x32d: {  	v38 =	vld [tilespmem:s5+$0x20];
	_ =	sdelay $0x1  }
0x32e: {  	v36 =	vadd.f32 v37, v36  }
0x32f: {  	v29 =	vnsel vm0, $0x0, v29;
	vm13 =	vge.f32 v30, v27;
	vm1 =	vge.f32 v33, v27  }
0x330: {  	v29 =	vadd.f32 v29, v35;
	v30 =	vnsel vm13, $0x0, v30;
	v33 =	vnsel vm1, $0x0, v33  }
0x331: {  	s2 =	sadd.s32 $0x1, s2;
	vm14 =	vge.f32 v34, v27;
	v30 =	vadd.f32 v30, v32;
	vm15 =	vge.f32 v38, v27  }
0x332: {  	p2 =	sne.s32 s2, s30;
	v31 =	vadd.f32 v33, v31;
	v62 =	vnsel vm14, $0x0, v34;
	v63 =	vnsel vm15, $0x0, v38  }
.Ltmp22:
0x333: {  	v32 =	vadd.f32 v62, v36;
	v29 =	vadd.f32 v63, v29;
	(pc) =	sbr.rel @p2 .LBB2_35-.Ltmp22, $4  }
.Ltmp23:
0x334: {  	_ = 	snop;
	(pc) =	sbr.rel @!p2 .LBB2_38-.Ltmp23, $4  }
0x335: {  	v31 =	vadd.f32 v32, v31;
	v29 =	vadd.f32 v30, v29  }
0x336: {  	_ = 	snop  }
0x337: {  	v31 =	vadd.f32 v29, v31  }
0x338: {  	_ = 	snop  }
.LBB2_34:
0x339: {  	v31 =	vimm.f32 $0.0e+00  }
.LBB2_38:
0x33a: {  	v28 =	vperm.xlane v31, v1;
	_ =	sdelay $0x1  }
0x33b: {  	v28 =	vadd.f32 v28, v31;
	_ =	sdelay $0x1  }
0x33c: {  	v29 =	vperm.xlane v28, v2;
	_ =	sdelay $0x1  }
0x33d: {  	v28 =	vadd.f32 v29, v28;
	_ =	sdelay $0x1  }
0x33e: {  	v29 =	vperm.xlane v28, v3;
	_ =	sdelay $0x1  }
0x33f: {  	v28 =	vadd.f32 v29, v28;
	_ =	sdelay $0x1  }
0x340: {  	v29 =	vperm.xlane v28, v4;
	_ =	sdelay $0x1  }
0x341: {  	v28 =	vadd.f32 v29, v28;
	_ =	sdelay $0x1  }
0x342: {  	(erf) = vrcp.f32 v28;
	_ =	sdelay $0x8  }
0x343: {  	v28 =	vpop (erf)  }
0x344: {  	_ =	swait.ge [sflag:s25], $0x800  }
0x345: {  	[sflag:s25] =	ssyncset.done $0x0  }
0x346: {  	[sflag:s25] =	ssyncadd.s32 $0xFFFFF800  }
0x347: {  	_ =	swait.ge [sflag:s25], $0x800  }
0x348: {  	[sflag:s25] =	ssyncset.done $0x0  }
0x349: {  	[sflag:s25] =	ssyncadd.s32 $0xFFFFF800  }
0x34a: {  	_ =	swait.ge [sflag:s25], $0x800  }
0x34b: {  	[sflag:s25] =	ssyncset.done $0x0  }
0x34c: {  	[sflag:s25] =	ssyncadd.s32 $0xFFFFF800  }
0x34d: {  	_ =	swait.ge [sflag:s25], $0x800  }
0x34e: {  	[sflag:s25] =	ssyncset.done $0x0  }
0x34f: {  	[sflag:s25] =	ssyncadd.s32 $0xFFFFF800  }
0x350: {  	_ =	swait.ge [sflag:s25], $0x800  }
0x351: {  	[sflag:s25] =	ssyncset.done $0x0  }
0x352: {  	[sflag:s25] =	ssyncadd.s32 $0xFFFFF800  }
0x353: {  	_ =	swait.ge [sflag:s25], $0x800  }
0x354: {  	[sflag:s25] =	ssyncset.done $0x0  }
0x355: {  	[sflag:s25] =	ssyncadd.s32 $0xFFFFF800  }
0x356: {  	_ =	swait.ge [sflag:s25], $0x800  }
0x357: {  	[sflag:s25] =	ssyncset.done $0x0  }
0x358: {  	[sflag:s25] =	ssyncadd.s32 $0xFFFFF800  }
0x359: {  	_ =	swait.ge [sflag:s25], $0x800  }
0x35a: {  	[sflag:s25] =	ssyncset.done $0x0  }
0x35b: {  	[sflag:s25] =	ssyncadd.s32 $0xFFFFF800  }
0x35c: {  	_ =	swait.ge [sflag:s25], $0x800  }
0x35d: {  	[sflag:s25] =	ssyncset.done $0x0  }
0x35e: {  	[sflag:s25] =	ssyncadd.s32 $0xFFFFF800  }
0x35f: {  	_ =	swait.ge [sflag:s25], $0x800  }
0x360: {  	[sflag:s25] =	ssyncset.done $0x0  }
0x361: {  	[sflag:s25] =	ssyncadd.s32 $0xFFFFF800  }
0x362: {  	_ =	swait.ge [sflag:s25], $0x800  }
0x363: {  	[sflag:s25] =	ssyncset.done $0x0  }
0x364: {  	[sflag:s25] =	ssyncadd.s32 $0xFFFFF800  }
0x365: {  	_ =	swait.ge [sflag:s25], $0x800  }
0x366: {  	[sflag:s25] =	ssyncset.done $0x0  }
0x367: {  	[sflag:s25] =	ssyncadd.s32 $0xFFFFF800  }
0x368: {  	_ =	swait.ge [sflag:s25], $0x800  }
0x369: {  	[sflag:s25] =	ssyncset.done $0x0  }
0x36a: {  	[sflag:s25] =	ssyncadd.s32 $0xFFFFF800  }
0x36b: {  	_ =	swait.ge [sflag:s25], $0x800  }
0x36c: {  	[sflag:s25] =	ssyncset.done $0x0  }
0x36d: {  	[sflag:s25] =	ssyncadd.s32 $0xFFFFF800  }
0x36e: {  	_ =	swait.ge [sflag:s25], $0x800  }
.Ltmp24:
0x36f: {  	[sflag:s25] =	ssyncset.done $0x0;
	(pc) =	sbr.rel @p1 .LBB2_42-.Ltmp24, $4  }
0x370: {  	[sflag:s25] =	ssyncadd.s32 $0xFFFFF800  }
0x371: {  	_ =	swait.ge [sflag:s25], $0x800  }
0x372: {  	[sflag:s25] =	ssyncset.done $0x0  }
0x373: {  	s31 =	simm.s32 $0x0;
	s2 =	simm.s32 $0x0;
	[sflag:s25] =	ssyncadd.s32 $0xFFFFF800  }
.LBB2_39:
0x374: {  	v29 =	vmov s2  }
0x375: {  	v29 =	vperm.xlane v26, v29;
	_ =	sdelay $0x1  }
0x376: {  	(v2sf) =	vpush v29, $0x0;
	_ =	sdelay $0xe  }
0x377: {  	s5 =	spop (v2sf)  }
0x378: {  	s0 =	sshll.u32 s5, $0xD  }
0x379: {  	s6 =	sshra.s32 s0, $0x2  }
0x37a: {  	s0 =	sadd.s32 $0x8000, s6  }
0x37b: {  	v29 =	vld [tilespmem:s0+$0x0];
	_ =	sdelay $0x4  }
0x37c: {  	vm0 =	vge.f32 v29, v27  }
0x37d: {  	s7 =	sshll.u32 s5, $0xB;
	v29 =	vnsel vm0, $0x0, v29  }
0x37e: {  	s5 =	sadd.s32 $0x0, s7;
	v29 =	vmul.f32 v29, v28  }
0x37f: {  	s22 =	sand.u32 $0x40, s31;
	s19 =	sadd.s32 $0x10000, s6;
	s5 =	sand.u32 $0xFFFFFF80, s5  }
0x380: {  	s5 =	sor.u32 s22, s5;
	[tilespmem:s19+$0x0] =	vst v29  }
0x381: {  	v29 =	vld [tilespmem:s5+$0x8030]  }
0x382: {  	v30 =	vld [tilespmem:s5+$0x8010]  }
0x383: {  	v31 =	vld [tilespmem:s5+$0x8020];
	_ =	sdelay $0x2  }
0x384: {  	vm14 =	vge.f32 v29, v27  }
0x385: {  	vm1 =	vge.f32 v30, v27;
	v29 =	vnsel vm14, $0x0, v29  }
0x386: {  	vm15 =	vge.f32 v31, v27;
	v32 =	vnsel vm1, $0x0, v30;
	v30 =	vmul.f32 v29, v28  }
0x387: {  	s6 =	simm.s32 $0x40;
	v31 =	vnsel vm15, $0x0, v31;
	v29 =	vmul.f32 v32, v28  }
.LBB2_40:
0x388: {  	p1 =	sne.s32 s6, $0x7C0;
	v31 =	vmul.f32 v31, v28;
	[tilespmem:s5+$0x10030] =	vst v30;
	s19 =	sadd.s32 $0x40, s19;
	s0 =	sadd.s32 $0x40, s0  }
0x389: {  	s22 =	smov.u32 s6;
	s6 =	sadd.s32 $0x40, s6;
	[tilespmem:s5+$0x10010] =	vst v29  }
0x38a: {  	[tilespmem:s5+$0x10020] =	vst v31  }
0x38b: {  	v29 =	vld [tilespmem:s0+$0x0];
	_ =	sdelay $0x4  }
0x38c: {  	vm0 =	vge.f32 v29, v27  }
0x38d: {  	v29 =	vnsel vm0, $0x0, v29  }
0x38e: {  	s5 =	sadd.s32 s22, s7;
	v29 =	vmul.f32 v29, v28  }
0x38f: {  	s22 =	sand.u32 $0x40, s22;
	s5 =	sand.u32 $0xFFFFFF80, s5  }
0x390: {  	s5 =	sor.u32 s22, s5;
	[tilespmem:s19+$0x0] =	vst v29  }
0x391: {  	v29 =	vld [tilespmem:s5+$0x8030]  }
0x392: {  	v30 =	vld [tilespmem:s5+$0x8010]  }
0x393: {  	v31 =	vld [tilespmem:s5+$0x8020];
	_ =	sdelay $0x1  }
.Ltmp25:
0x394: {  	(pc) =	sbr.rel @p1 .LBB2_40-.Ltmp25, $4  }
0x395: {  	vm0 =	vge.f32 v29, v27  }
0x396: {  	vm1 =	vge.f32 v30, v27;
	v29 =	vnsel vm0, $0x0, v29  }
0x397: {  	v32 =	vnsel vm1, $0x0, v30;
	vm0 =	vge.f32 v31, v27;
	v30 =	vmul.f32 v29, v28  }
0x398: {  	v29 =	vmul.f32 v32, v28;
	v31 =	vnsel vm0, $0x0, v31  }
0x399: {  	s2 =	sadd.s32 $0x1, s2  }
0x39a: {  	p1 =	sne.s32 s2, s30  }
.Ltmp26:
0x39b: {  	_ = 	snop;
	(pc) =	sbr.rel @p1 .LBB2_39-.Ltmp26, $4  }
0x39c: {  	_ = 	snop  }
0x39d: {  	v31 =	vmul.f32 v31, v28;
	[tilespmem:s5+$0x10030] =	vst v30  }
0x39e: {  	[tilespmem:s5+$0x10010] =	vst v29  }
0x39f: {  	[tilespmem:s5+$0x10020] =	vst v31  }
.LBB2_42:
0x3a0: {  	v26 =	vperm.xlane v25, v6  }
0x3a1: {  	(v2sf) =	vpush v27, $0x0  }
0x3a2: {  	(v2sf) =	vpush v26, $0x0;
	_ =	sdelay $0x5  }
0x3a3: {  	v26 =	vperm.xlane v25, v7;
	_ =	sdelay $0x1  }
0x3a4: {  	(v2sf) =	vpush v26, $0x0;
	_ =	sdelay $0x5  }
0x3a5: {  	s30 =	spop (v2sf)  }
0x3a6: {  	s0 =	spop (v2sf)  }
0x3a7: {  	v26 =	vperm.xlane v25, v8;
	p2 =	sge.f32 s0, s30;
	_ =	sdelay $0x1  }
0x3a8: {  	(v2sf) =	vpush v26, $0x0;
	p1 =	slt.f32 s0, s30;
	s2 =	sshll.u32 @p2 s28, $0xC;
	s5 =	sshll.u32 @p2 s29, $0x4  }
0x3a9: {  	s6 =	simm.s32 @p2 $0x400;
	s7 =	simm.s32 @p2 $0x10000;
	s2 =	sand.u32 @p2 $0x3F8000, s2  }
0x3aa: {  	s0 =	sshll.u32 @p1 s28, $0xC;
	s5 =	sand.u32 @p2 $0x70, s5;
	s2 =	sadd.s32 @p2 s3, s2  }
0x3ab: {  	s0 =	sand.u32 @p1 $0x3F8000, s0;
	s2 =	sadd.s32 @p2 s5, s2;
	s5 =	simm.s32 @p2 $0x80  }
0x3ac: {  	[hbm4b:s2+s5] =	stream.strided.scatter @p2 [tilespmem:s7], [sflag:$0x3], $0x800, s6, s5, $0x38;
	[tilespmem:$0x18800] =	vst v63  }
0x3ad: {  	s19 =	spop (v2sf);
	s0 =	sadd.s32 @p1 s3, s0;
	s2 =	sshll.u32 @p1 s29, $0x4  }
0x3ae: {  	s6 =	simm.s32 @p1 $0x400;
	s7 =	simm.s32 @p1 $0x18000;
	s2 =	sand.u32 @p1 $0x70, s2  }
0x3af: {  	p2 =	sge.f32 s19, s30;
	s0 =	sadd.s32 @p1 s2, s0;
	s2 =	simm.s32 @p1 $0x80  }
0x3b0: {  	v26 =	vperm.xlane v25, v12;
	[hbm4b:s0+s2] =	stream.strided.scatter @p1 [tilespmem:s7], [sflag:$0x3], $0x800, s6, s2, $0x38;
	[tilespmem:$0x18800] =	vst v63  }
0x3b1: {  	s0 =	sshll.u32 @p2 s28, $0xC;
	s2 =	sshll.u32 @p2 s29, $0x4  }
0x3b2: {  	(v2sf) =	vpush v26, $0x0;
	s0 =	sand.u32 @p2 $0x3F8000, s0;
	s2 =	sand.u32 @p2 $0x70, s2  }
0x3b3: {  	s6 =	simm.s32 @p2 $0x400;
	s7 =	simm.s32 @p2 $0x10800;
	s0 =	sor.u32 @p2 s2, s0  }
0x3b4: {  	p1 =	slt.f32 s19, s30;
	s2 =	simm.s32 @p2 $0x80;
	s0 =	sadd.s32 @p2 s0, s8  }
0x3b5: {  	[hbm4b:s0+s2] =	stream.strided.scatter @p2 [tilespmem:s7], [sflag:$0x3], $0x800, s6, s2, $0x38;
	[tilespmem:$0x18800] =	vst v63  }
0x3b6: {  	s0 =	sshll.u32 @p1 s28, $0xC;
	s2 =	sshll.u32 @p1 s29, $0x4  }
0x3b7: {  	s22 =	spop (v2sf);
	s0 =	sand.u32 @p1 $0x3F8000, s0;
	s2 =	sand.u32 @p1 $0x70, s2  }
0x3b8: {  	s6 =	simm.s32 @p1 $0x400;
	s7 =	simm.s32 @p1 $0x18000;
	s0 =	sor.u32 @p1 s2, s0  }
0x3b9: {  	p2 =	sge.f32 s22, s30;
	s2 =	simm.s32 @p1 $0x80;
	s0 =	sadd.s32 @p1 s0, s8  }
0x3ba: {  	v26 =	vperm.xlane v25, v13;
	[hbm4b:s0+s2] =	stream.strided.scatter @p1 [tilespmem:s7], [sflag:$0x3], $0x800, s6, s2, $0x38;
	[tilespmem:$0x18800] =	vst v63  }
0x3bb: {  	s0 =	sshll.u32 @p2 s28, $0xC;
	s2 =	sshll.u32 @p2 s29, $0x4  }
0x3bc: {  	(v2sf) =	vpush v26, $0x0;
	s0 =	sand.u32 @p2 $0x3F8000, s0;
	s2 =	sand.u32 @p2 $0x70, s2  }
0x3bd: {  	s6 =	simm.s32 @p2 $0x400;
	s7 =	simm.s32 @p2 $0x11000;
	s0 =	sor.u32 @p2 s2, s0  }
0x3be: {  	p1 =	slt.f32 s22, s30;
	s2 =	simm.s32 @p2 $0x80;
	s0 =	sadd.s32 @p2 s0, s9  }
0x3bf: {  	[hbm4b:s0+s2] =	stream.strided.scatter @p2 [tilespmem:s7], [sflag:$0x3], $0x800, s6, s2, $0x38;
	[tilespmem:$0x18800] =	vst v63  }
0x3c0: {  	s0 =	sshll.u32 @p1 s28, $0xC;
	s2 =	sshll.u32 @p1 s29, $0x4  }
0x3c1: {  	s31 =	spop (v2sf);
	s0 =	sand.u32 @p1 $0x3F8000, s0;
	s2 =	sand.u32 @p1 $0x70, s2  }
0x3c2: {  	s6 =	simm.s32 @p1 $0x400;
	s7 =	simm.s32 @p1 $0x18000;
	s0 =	sor.u32 @p1 s2, s0  }
0x3c3: {  	p2 =	sge.f32 s31, s30;
	s2 =	simm.s32 @p1 $0x80;
	s0 =	sadd.s32 @p1 s0, s9  }
0x3c4: {  	v26 =	vperm.xlane v25, v14;
	[hbm4b:s0+s2] =	stream.strided.scatter @p1 [tilespmem:s7], [sflag:$0x3], $0x800, s6, s2, $0x38;
	[tilespmem:$0x18800] =	vst v63  }
0x3c5: {  	s0 =	sshll.u32 @p2 s28, $0xC;
	s2 =	sshll.u32 @p2 s29, $0x4  }
0x3c6: {  	(v2sf) =	vpush v26, $0x0;
	s0 =	sand.u32 @p2 $0x3F8000, s0;
	s2 =	sand.u32 @p2 $0x70, s2  }
0x3c7: {  	s6 =	simm.s32 @p2 $0x400;
	s7 =	simm.s32 @p2 $0x11800;
	s0 =	sor.u32 @p2 s2, s0  }
0x3c8: {  	p1 =	slt.f32 s31, s30;
	s2 =	simm.s32 @p2 $0x80;
	s0 =	sadd.s32 @p2 s0, s10  }
0x3c9: {  	[hbm4b:s0+s2] =	stream.strided.scatter @p2 [tilespmem:s7], [sflag:$0x3], $0x800, s6, s2, $0x38;
	[tilespmem:$0x18800] =	vst v63  }
0x3ca: {  	s0 =	sshll.u32 @p1 s28, $0xC;
	s2 =	sshll.u32 @p1 s29, $0x4  }
0x3cb: {  	s19 =	spop (v2sf);
	s0 =	sand.u32 @p1 $0x3F8000, s0;
	s2 =	sand.u32 @p1 $0x70, s2  }
0x3cc: {  	s6 =	simm.s32 @p1 $0x400;
	s7 =	simm.s32 @p1 $0x18000;
	s0 =	sor.u32 @p1 s2, s0  }
0x3cd: {  	p2 =	sge.f32 s19, s30;
	s2 =	simm.s32 @p1 $0x80;
	s0 =	sadd.s32 @p1 s0, s10  }
0x3ce: {  	v26 =	vperm.xlane v25, v15;
	[hbm4b:s0+s2] =	stream.strided.scatter @p1 [tilespmem:s7], [sflag:$0x3], $0x800, s6, s2, $0x38;
	[tilespmem:$0x18800] =	vst v63  }
0x3cf: {  	s0 =	sshll.u32 @p2 s28, $0xC;
	s2 =	sshll.u32 @p2 s29, $0x4  }
0x3d0: {  	(v2sf) =	vpush v26, $0x0;
	s0 =	sand.u32 @p2 $0x3F8000, s0;
	s2 =	sand.u32 @p2 $0x70, s2  }
0x3d1: {  	s6 =	simm.s32 @p2 $0x400;
	s7 =	simm.s32 @p2 $0x12000;
	s0 =	sor.u32 @p2 s2, s0  }
0x3d2: {  	p1 =	slt.f32 s19, s30;
	s2 =	simm.s32 @p2 $0x80;
	s0 =	sadd.s32 @p2 s0, s11  }
0x3d3: {  	[hbm4b:s0+s2] =	stream.strided.scatter @p2 [tilespmem:s7], [sflag:$0x3], $0x800, s6, s2, $0x38;
	[tilespmem:$0x18800] =	vst v63  }
0x3d4: {  	s0 =	sshll.u32 @p1 s28, $0xC;
	s2 =	sshll.u32 @p1 s29, $0x4  }
0x3d5: {  	s22 =	spop (v2sf);
	s0 =	sand.u32 @p1 $0x3F8000, s0;
	s2 =	sand.u32 @p1 $0x70, s2  }
0x3d6: {  	s6 =	simm.s32 @p1 $0x400;
	s7 =	simm.s32 @p1 $0x18000;
	s0 =	sor.u32 @p1 s2, s0  }
0x3d7: {  	p2 =	sge.f32 s22, s30;
	s2 =	simm.s32 @p1 $0x80;
	s0 =	sadd.s32 @p1 s0, s11  }
0x3d8: {  	v26 =	vperm.xlane v25, v16;
	[hbm4b:s0+s2] =	stream.strided.scatter @p1 [tilespmem:s7], [sflag:$0x3], $0x800, s6, s2, $0x38;
	[tilespmem:$0x18800] =	vst v63  }
0x3d9: {  	s0 =	sshll.u32 @p2 s28, $0xC;
	s2 =	sshll.u32 @p2 s29, $0x4  }
0x3da: {  	(v2sf) =	vpush v26, $0x0;
	s0 =	sand.u32 @p2 $0x3F8000, s0;
	s2 =	sand.u32 @p2 $0x70, s2  }
0x3db: {  	s6 =	simm.s32 @p2 $0x400;
	s7 =	simm.s32 @p2 $0x12800;
	s0 =	sor.u32 @p2 s2, s0  }
0x3dc: {  	p1 =	slt.f32 s22, s30;
	s2 =	simm.s32 @p2 $0x80;
	s0 =	sadd.s32 @p2 s0, s12  }
0x3dd: {  	[hbm4b:s0+s2] =	stream.strided.scatter @p2 [tilespmem:s7], [sflag:$0x3], $0x800, s6, s2, $0x38;
	[tilespmem:$0x18800] =	vst v63  }
0x3de: {  	s0 =	sshll.u32 @p1 s28, $0xC;
	s2 =	sshll.u32 @p1 s29, $0x4  }
0x3df: {  	s31 =	spop (v2sf);
	s0 =	sand.u32 @p1 $0x3F8000, s0;
	s2 =	sand.u32 @p1 $0x70, s2  }
0x3e0: {  	s6 =	simm.s32 @p1 $0x400;
	s7 =	simm.s32 @p1 $0x18000;
	s0 =	sor.u32 @p1 s2, s0  }
0x3e1: {  	p2 =	sge.f32 s31, s30;
	s2 =	simm.s32 @p1 $0x80;
	s0 =	sadd.s32 @p1 s0, s12  }
0x3e2: {  	v26 =	vperm.xlane v25, v17;
	[hbm4b:s0+s2] =	stream.strided.scatter @p1 [tilespmem:s7], [sflag:$0x3], $0x800, s6, s2, $0x38;
	[tilespmem:$0x18800] =	vst v63  }
0x3e3: {  	s0 =	sshll.u32 @p2 s28, $0xC;
	s2 =	sshll.u32 @p2 s29, $0x4  }
0x3e4: {  	(v2sf) =	vpush v26, $0x0;
	s0 =	sand.u32 @p2 $0x3F8000, s0;
	s2 =	sand.u32 @p2 $0x70, s2  }
0x3e5: {  	s6 =	simm.s32 @p2 $0x400;
	s7 =	simm.s32 @p2 $0x13000;
	s0 =	sor.u32 @p2 s2, s0  }
0x3e6: {  	p1 =	slt.f32 s31, s30;
	s2 =	simm.s32 @p2 $0x80;
	s0 =	sadd.s32 @p2 s0, s13  }
0x3e7: {  	[hbm4b:s0+s2] =	stream.strided.scatter @p2 [tilespmem:s7], [sflag:$0x3], $0x800, s6, s2, $0x38;
	[tilespmem:$0x18800] =	vst v63  }
0x3e8: {  	s0 =	sshll.u32 @p1 s28, $0xC;
	s2 =	sshll.u32 @p1 s29, $0x4  }
0x3e9: {  	s19 =	spop (v2sf);
	s0 =	sand.u32 @p1 $0x3F8000, s0;
	s2 =	sand.u32 @p1 $0x70, s2  }
0x3ea: {  	s6 =	simm.s32 @p1 $0x400;
	s7 =	simm.s32 @p1 $0x18000;
	s0 =	sor.u32 @p1 s2, s0  }
0x3eb: {  	p2 =	sge.f32 s19, s30;
	s2 =	simm.s32 @p1 $0x80;
	s0 =	sadd.s32 @p1 s0, s13  }
0x3ec: {  	v26 =	vperm.xlane v25, v18;
	[hbm4b:s0+s2] =	stream.strided.scatter @p1 [tilespmem:s7], [sflag:$0x3], $0x800, s6, s2, $0x38;
	[tilespmem:$0x18800] =	vst v63  }
0x3ed: {  	s0 =	sshll.u32 @p2 s28, $0xC;
	s2 =	sshll.u32 @p2 s29, $0x4  }
0x3ee: {  	(v2sf) =	vpush v26, $0x0;
	s0 =	sand.u32 @p2 $0x3F8000, s0;
	s2 =	sand.u32 @p2 $0x70, s2  }
0x3ef: {  	s6 =	simm.s32 @p2 $0x400;
	s7 =	simm.s32 @p2 $0x13800;
	s0 =	sor.u32 @p2 s2, s0  }
0x3f0: {  	p1 =	slt.f32 s19, s30;
	s2 =	simm.s32 @p2 $0x80;
	s0 =	sadd.s32 @p2 s0, s14  }
0x3f1: {  	[hbm4b:s0+s2] =	stream.strided.scatter @p2 [tilespmem:s7], [sflag:$0x3], $0x800, s6, s2, $0x38;
	[tilespmem:$0x18800] =	vst v63  }
0x3f2: {  	s0 =	sshll.u32 @p1 s28, $0xC;
	s2 =	sshll.u32 @p1 s29, $0x4  }
0x3f3: {  	s22 =	spop (v2sf);
	s0 =	sand.u32 @p1 $0x3F8000, s0;
	s2 =	sand.u32 @p1 $0x70, s2  }
0x3f4: {  	s6 =	simm.s32 @p1 $0x400;
	s7 =	simm.s32 @p1 $0x18000;
	s0 =	sor.u32 @p1 s2, s0  }
0x3f5: {  	p2 =	sge.f32 s22, s30;
	s2 =	simm.s32 @p1 $0x80;
	s0 =	sadd.s32 @p1 s0, s14  }
0x3f6: {  	v26 =	vperm.xlane v25, v19;
	[hbm4b:s0+s2] =	stream.strided.scatter @p1 [tilespmem:s7], [sflag:$0x3], $0x800, s6, s2, $0x38;
	[tilespmem:$0x18800] =	vst v63  }
0x3f7: {  	s0 =	sshll.u32 @p2 s28, $0xC;
	s2 =	sshll.u32 @p2 s29, $0x4  }
0x3f8: {  	(v2sf) =	vpush v26, $0x0;
	s0 =	sand.u32 @p2 $0x3F8000, s0;
	s2 =	sand.u32 @p2 $0x70, s2  }
0x3f9: {  	s6 =	simm.s32 @p2 $0x400;
	s7 =	simm.s32 @p2 $0x14000;
	s0 =	sor.u32 @p2 s2, s0  }
0x3fa: {  	p1 =	slt.f32 s22, s30;
	s2 =	simm.s32 @p2 $0x80;
	s0 =	sadd.s32 @p2 s0, s15  }
0x3fb: {  	[hbm4b:s0+s2] =	stream.strided.scatter @p2 [tilespmem:s7], [sflag:$0x3], $0x800, s6, s2, $0x38;
	[tilespmem:$0x18800] =	vst v63  }
0x3fc: {  	s0 =	sshll.u32 @p1 s28, $0xC;
	s2 =	sshll.u32 @p1 s29, $0x4  }
0x3fd: {  	s31 =	spop (v2sf);
	s0 =	sand.u32 @p1 $0x3F8000, s0;
	s2 =	sand.u32 @p1 $0x70, s2  }
0x3fe: {  	s6 =	simm.s32 @p1 $0x400;
	s7 =	simm.s32 @p1 $0x18000;
	s0 =	sor.u32 @p1 s2, s0  }
0x3ff: {  	p2 =	sge.f32 s31, s30;
	s2 =	simm.s32 @p1 $0x80;
	s0 =	sadd.s32 @p1 s0, s15  }
0x400: {  	v26 =	vperm.xlane v25, v20;
	[hbm4b:s0+s2] =	stream.strided.scatter @p1 [tilespmem:s7], [sflag:$0x3], $0x800, s6, s2, $0x38;
	[tilespmem:$0x18800] =	vst v63  }
0x401: {  	s0 =	sshll.u32 @p2 s28, $0xC;
	s2 =	sshll.u32 @p2 s29, $0x4  }
0x402: {  	(v2sf) =	vpush v26, $0x0;
	s0 =	sand.u32 @p2 $0x3F8000, s0;
	s2 =	sand.u32 @p2 $0x70, s2  }
0x403: {  	s6 =	simm.s32 @p2 $0x400;
	s7 =	simm.s32 @p2 $0x14800;
	s0 =	sor.u32 @p2 s2, s0  }
0x404: {  	p1 =	slt.f32 s31, s30;
	s2 =	simm.s32 @p2 $0x80;
	s0 =	sadd.s32 @p2 s0, s16  }
0x405: {  	[hbm4b:s0+s2] =	stream.strided.scatter @p2 [tilespmem:s7], [sflag:$0x3], $0x800, s6, s2, $0x38;
	[tilespmem:$0x18800] =	vst v63  }
0x406: {  	s0 =	sshll.u32 @p1 s28, $0xC;
	s2 =	sshll.u32 @p1 s29, $0x4  }
0x407: {  	s19 =	spop (v2sf);
	s0 =	sand.u32 @p1 $0x3F8000, s0;
	s2 =	sand.u32 @p1 $0x70, s2  }
0x408: {  	s6 =	simm.s32 @p1 $0x400;
	s7 =	simm.s32 @p1 $0x18000;
	s0 =	sor.u32 @p1 s2, s0  }
0x409: {  	p2 =	sge.f32 s19, s30;
	s2 =	simm.s32 @p1 $0x80;
	s0 =	sadd.s32 @p1 s0, s16  }
0x40a: {  	v26 =	vperm.xlane v25, v21;
	[hbm4b:s0+s2] =	stream.strided.scatter @p1 [tilespmem:s7], [sflag:$0x3], $0x800, s6, s2, $0x38;
	[tilespmem:$0x18800] =	vst v63  }
0x40b: {  	s0 =	sshll.u32 @p2 s28, $0xC;
	s2 =	sshll.u32 @p2 s29, $0x4  }
0x40c: {  	(v2sf) =	vpush v26, $0x0;
	s0 =	sand.u32 @p2 $0x3F8000, s0;
	s2 =	sand.u32 @p2 $0x70, s2  }
0x40d: {  	s6 =	simm.s32 @p2 $0x400;
	s7 =	simm.s32 @p2 $0x15000;
	s0 =	sor.u32 @p2 s2, s0  }
0x40e: {  	p1 =	slt.f32 s19, s30;
	s2 =	simm.s32 @p2 $0x80;
	s0 =	sadd.s32 @p2 s0, s17  }
0x40f: {  	[hbm4b:s0+s2] =	stream.strided.scatter @p2 [tilespmem:s7], [sflag:$0x3], $0x800, s6, s2, $0x38;
	[tilespmem:$0x18800] =	vst v63  }
0x410: {  	s0 =	sshll.u32 @p1 s28, $0xC;
	s2 =	sshll.u32 @p1 s29, $0x4  }
0x411: {  	s22 =	spop (v2sf);
	s0 =	sand.u32 @p1 $0x3F8000, s0;
	s2 =	sand.u32 @p1 $0x70, s2  }
0x412: {  	s6 =	simm.s32 @p1 $0x400;
	s7 =	simm.s32 @p1 $0x18000;
	s0 =	sor.u32 @p1 s2, s0  }
0x413: {  	p2 =	sge.f32 s22, s30;
	s2 =	simm.s32 @p1 $0x80;
	s0 =	sadd.s32 @p1 s0, s17  }
0x414: {  	[hbm4b:s0+s2] =	stream.strided.scatter @p1 [tilespmem:s7], [sflag:$0x3], $0x800, s6, s2, $0x38;
	[tilespmem:$0x18800] =	vst v63  }
0x415: {  	s0 =	sshll.u32 @p2 s28, $0xC;
	s2 =	sshll.u32 @p2 s29, $0x4  }
0x416: {  	v26 =	vperm.xlane v25, v22;
	s0 =	sand.u32 @p2 $0x3F8000, s0;
	s2 =	sand.u32 @p2 $0x70, s2  }
0x417: {  	s6 =	simm.s32 @p2 $0x400;
	s7 =	simm.s32 @p2 $0x15800;
	s0 =	sor.u32 @p2 s2, s0  }
0x418: {  	(v2sf) =	vpush v26, $0x0;
	p1 =	slt.f32 s22, s30;
	s2 =	simm.s32 @p2 $0x80;
	s0 =	sadd.s32 @p2 s0, s18  }
0x419: {  	[hbm4b:s0+s2] =	stream.strided.scatter @p2 [tilespmem:s7], [sflag:$0x3], $0x800, s6, s2, $0x38;
	[tilespmem:$0x18800] =	vst v63  }
0x41a: {  	s0 =	sshll.u32 @p1 s28, $0xC;
	s2 =	sshll.u32 @p1 s29, $0x4  }
0x41b: {  	s31 =	spop (v2sf);
	s0 =	sand.u32 @p1 $0x3F8000, s0;
	s2 =	sand.u32 @p1 $0x70, s2  }
0x41c: {  	s6 =	simm.s32 @p1 $0x400;
	s7 =	simm.s32 @p1 $0x18000;
	s0 =	sor.u32 @p1 s2, s0  }
0x41d: {  	p2 =	sge.f32 s31, s30;
	s2 =	simm.s32 @p1 $0x80;
	s0 =	sadd.s32 @p1 s0, s18  }
0x41e: {  	[hbm4b:s0+s2] =	stream.strided.scatter @p1 [tilespmem:s7], [sflag:$0x3], $0x800, s6, s2, $0x38;
	[tilespmem:$0x18800] =	vst v63  }
0x41f: {  	s0 =	sshll.u32 @p2 s29, $0x4  }
0x420: {  	s2 =	sshll.u32 @p2 s28, $0xC;
	s0 =	sand.u32 @p2 $0x70, s0  }
0x421: {  	s0 =	sor.u32 @p2 s2, s0  }
0x422: {  	v26 =	vperm.xlane v25, v23;
	s6 =	simm.s32 @p2 $0x400;
	s7 =	simm.s32 @p2 $0x16000;
	s0 =	sor.u32 @p2 $0x6000, s0  }
0x423: {  	p1 =	slt.f32 s31, s30;
	s2 =	simm.s32 @p2 $0x80;
	s0 =	sadd.s32 @p2 s3, s0  }
0x424: {  	(v2sf) =	vpush v26, $0x0;
	[hbm4b:s0+s2] =	stream.strided.scatter @p2 [tilespmem:s7], [sflag:$0x3], $0x800, s6, s2, $0x38;
	[tilespmem:$0x18800] =	vst v63  }
0x425: {  	s0 =	sshll.u32 @p1 s29, $0x4  }
0x426: {  	s2 =	sshll.u32 @p1 s28, $0xC;
	s0 =	sand.u32 @p1 $0x70, s0  }
0x427: {  	s19 =	spop (v2sf);
	s0 =	sor.u32 @p1 s2, s0  }
0x428: {  	s6 =	simm.s32 @p1 $0x400;
	s7 =	simm.s32 @p1 $0x18000;
	s0 =	sor.u32 @p1 $0x6000, s0  }
0x429: {  	p2 =	sge.f32 s19, s30;
	s2 =	simm.s32 @p1 $0x80;
	s0 =	sadd.s32 @p1 s3, s0  }
0x42a: {  	[hbm4b:s0+s2] =	stream.strided.scatter @p1 [tilespmem:s7], [sflag:$0x3], $0x800, s6, s2, $0x38;
	[tilespmem:$0x18800] =	vst v63  }
0x42b: {  	s0 =	sshll.u32 @p2 s29, $0x4  }
0x42c: {  	s2 =	sshll.u32 @p2 s28, $0xC;
	s0 =	sand.u32 @p2 $0x70, s0  }
0x42d: {  	s0 =	sor.u32 @p2 s2, s0  }
0x42e: {  	v25 =	vperm.xlane v25, v24;
	s6 =	simm.s32 @p2 $0x400;
	s7 =	simm.s32 @p2 $0x16800;
	s0 =	sor.u32 @p2 $0x6800, s0  }
0x42f: {  	p1 =	slt.f32 s19, s30;
	s2 =	simm.s32 @p2 $0x80;
	s0 =	sadd.s32 @p2 s3, s0  }
0x430: {  	(v2sf) =	vpush v25, $0x0;
	[hbm4b:s0+s2] =	stream.strided.scatter @p2 [tilespmem:s7], [sflag:$0x3], $0x800, s6, s2, $0x38;
	[tilespmem:$0x18800] =	vst v63  }
0x431: {  	s0 =	sshll.u32 @p1 s29, $0x4  }
0x432: {  	s2 =	sshll.u32 @p1 s28, $0xC;
	s0 =	sand.u32 @p1 $0x70, s0  }
0x433: {  	s22 =	spop (v2sf);
	s0 =	sor.u32 @p1 s2, s0  }
0x434: {  	s5 =	simm.s32 @p1 $0x80;
	s6 =	simm.s32 @p1 $0x400;
	s0 =	sor.u32 @p1 $0x6800, s0  }
0x435: {  	s7 =	simm.s32 @p1 $0x18000;
	p2 =	sge.f32 s22, s30;
	s0 =	sadd.s32 @p1 s3, s0  }
0x436: {  	[hbm4b:s0+s5] =	stream.strided.scatter @p1 [tilespmem:s7], [sflag:$0x3], $0x800, s6, s5, $0x38;
	[tilespmem:$0x18800] =	vst v63  }
0x437: {  	s0 =	sshll.u32 @p2 s29, $0x4  }
0x438: {  	s5 =	sshll.u32 @p2 s28, $0xC;
	s0 =	sand.u32 @p2 $0x70, s0  }
0x439: {  	s0 =	sor.u32 @p2 s5, s0  }
0x43a: {  	s6 =	simm.s32 @p2 $0x400;
	s7 =	simm.s32 @p2 $0x17000;
	s0 =	sor.u32 @p2 $0x7000, s0  }
0x43b: {  	p1 =	slt.f32 s22, s30;
	s5 =	simm.s32 @p2 $0x80;
	s0 =	sadd.s32 @p2 s3, s0  }
0x43c: {  	[hbm4b:s0+s5] =	stream.strided.scatter @p2 [tilespmem:s7], [sflag:$0x3], $0x800, s6, s5, $0x38;
	[tilespmem:$0x18800] =	vst v63  }
0x43d: {  	s0 =	sshll.u32 @p1 s29, $0x4  }
0x43e: {  	s2 =	sshll.u32 @p1 s28, $0xC;
	s0 =	sand.u32 @p1 $0x70, s0  }
0x43f: {  	s31 =	spop (v2sf);
	s0 =	sor.u32 @p1 s2, s0  }
0x440: {  	s6 =	simm.s32 @p1 $0x400;
	s7 =	simm.s32 @p1 $0x18000;
	s0 =	sor.u32 @p1 $0x7000, s0  }
0x441: {  	p2 =	sge.f32 s31, s30;
	s2 =	simm.s32 @p1 $0x80;
	s0 =	sadd.s32 @p1 s3, s0  }
0x442: {  	[hbm4b:s0+s2] =	stream.strided.scatter @p1 [tilespmem:s7], [sflag:$0x3], $0x800, s6, s2, $0x38;
	[tilespmem:$0x18800] =	vst v63  }
0x443: {  	s0 =	sshll.u32 @p2 s29, $0x4  }
0x444: {  	s2 =	sshll.u32 @p2 s28, $0xC;
	s0 =	sand.u32 @p2 $0x70, s0  }
0x445: {  	s0 =	sor.u32 @p2 s2, s0  }
0x446: {  	s6 =	simm.s32 @p2 $0x400;
	s7 =	simm.s32 @p2 $0x17800;
	s0 =	sor.u32 @p2 $0x7800, s0  }
0x447: {  	p1 =	slt.f32 s31, s30;
	s2 =	simm.s32 @p2 $0x80;
	s0 =	sadd.s32 @p2 s3, s0  }
0x448: {  	[hbm4b:s0+s2] =	stream.strided.scatter @p2 [tilespmem:s7], [sflag:$0x3], $0x800, s6, s2, $0x38;
	[tilespmem:$0x18800] =	vst v63  }
0x449: {  	s0 =	sshll.u32 @p1 s29, $0x4  }
.Ltmp27:
0x44a: {  	s2 =	sshll.u32 @p1 s28, $0xC;
	s0 =	sand.u32 @p1 $0x70, s0;
	(pc) =	sbr.rel @p0 .LBB2_44-.Ltmp27, $4  }
0x44b: {  	s0 =	sor.u32 @p1 s2, s0  }
0x44c: {  	s5 =	simm.s32 @p1 $0x400;
	s0 =	sor.u32 @p1 $0x7800, s0  }
0x44d: {  	s6 =	simm.s32 @p1 $0x18000;
	s2 =	simm.s32 @p1 $0x80;
	s0 =	sadd.s32 @p1 s3, s0  }
0x44e: {  	[hbm4b:s0+s2] =	stream.strided.scatter @p1 [tilespmem:s6], [sflag:$0x3], $0x800, s5, s2, $0x38;
	[tilespmem:$0x18800] =	vst v63  }
0x44f: {  	s0 =	sadd.s32 $0x3, s28  }
.Ltmp28:
0x450: {  	s2 =	sshll.u32 s0, $0x4;
	(pc) =	sbr.rel .LBB2_4-.Ltmp28, $4  }
0x451: {  	s0 =	sshll.u32 s0, $0xC;
	s2 =	sand.u32 $0x70, s2  }
0x452: {  	s0 =	sand.u32 $0xFFF8000, s0;
	s2 =	sadd.s32 s1, s2  }
0x453: {  	s31 =	simm.s32 $0x8000;
	s26 =	sadd.s32 $0x1, s26;
	s0 =	sadd.s32 s0, s2  }
0x454: {  	[tilespmem:s31], [sflag:$0x2] =	stream.strided.gather [hbm4b:s0+s20], $0x8000, s21, s20, $0x38;
	[tilespmem:$0x18800] =	vst v63  }
.LBB2_45:
0x455: {  	_ =	sfence.sel $0x180000  }
0x456: {  	[bflag:$0x0] =	sbarrier.arrive $0xFFFF  }
0x457: {  	_ =	strace $0x90000047  }
0x458: {  	s0 =	stileid.u32;
	[bflag:$0x2] =	sbarrier.arrive $0xFFFF  }
0x459: {  	p0 =	sne.s32 s0, $0x0;
	s0 =	rddreg [dreg:$0x2]  }
0x45a: {  	s0 =	sadd.s32 @!p0 $0x100000, s0  }
0x45b: {  	[sflag:s0] =	ssyncadd.tile.s32 @!p0 $0x1;
	_ =	shalt  }
.Lfunc_end2:
_tile_overlayer_lowered:
.L_overlay_start_2:
0x45c: {  	(tag) =	ssettag $0x2  }
0x45d: {  	s0 =	rddreg [dreg:$0x0];
	s2 =	stileid.u32  }
0x45e: {  	s1 =	rddreg [dreg:$0x1];
	p0 =	sne.s32 s2, $0x0  }
0x45f: {  	s3 =	rddreg [dreg:$0x2];
	[bflag:$0x3] =	sbarrier.arrive $0xFFFF;
	s2 =	simm.s32 @!p0 $0x1C04  }
0x460: {  	[timem:s3], [sflag:s2] =	dma.local @!p0 [hbm:s0], s1  }
0x461: {  	s0 =	simm.s32 @!p0 $0x4  }
0x462: {  	_ =	swait.ge @!p0 [sflag:s0], s1  }
0x463: {  	s1 =	ssub.s32 @!p0 $0x0, s1;
	[sflag:s0] =	ssyncset.done @!p0 $0x0  }
0x464: {  	[sflag:s0] =	ssyncadd.s32 @!p0 s1  }
0x465: {  	[bflag:$0x3] =	sbarrier.arrive $0xFFFF  }
0x466: {  	_ =	shalt  }

</sc_bundles>
